<compile_context>
chip_gen: v7x
topology: tpu7x:2x2x1
jax: 0.10.2.dev20260603
libtpu: 0.0.44.dev20260713+nightly
codegen_flags: <defaults>
</compile_context>

<pallas_src>
import functools

import jax
import jax.numpy as jnp
from jax import lax
from jax.experimental import pallas as pl
from jax.experimental.pallas import tpu as pltpu
from jax.experimental.pallas import tpu_sc as plsc

BS, N, CIN, COUT = 4, 4096, 64, 64
K = 16
BR = 512
BR2 = 1024
VPAD = 8
INF = float("inf")



def _topk_body(c, with_linear, fa_ref, frT_ref, *rest):
    if with_linear:
        (fr_ref, vp_ref, w_ref, b_ref, ws_ref, idx_ref, fc_ref, tab_ref,
         fste_ref) = rest
    else:
        (idx_ref,) = rest
    b = pl.program_id(0)
    i = pl.program_id(1)
    fa = fa_ref[0]
    frT = frT_ref[0]
    inner = lax.dot_general(fa, frT * -2.0, (((1,), (0,)), ((), ())),
                            preferred_element_type=jnp.float32)
    qa = jnp.sum(fa * fa, axis=1, keepdims=True)
    qr = jnp.sum(frT * frT, axis=0, keepdims=True)
    d = inner + qa + qr
    lanerow = lax.broadcasted_iota(jnp.int32, (1, BR), 1)
    sub16 = lax.broadcasted_iota(jnp.int32, (K, BR), 0)
    acc0 = jnp.zeros((K, BR), jnp.int32)

    G, GW = N // 128, 128
    sub32 = lax.broadcasted_iota(jnp.int32, (G, BR), 0)
    rowg = lax.broadcasted_iota(jnp.int32, (GW, BR), 0)
    gm_l, gc_l = [], []
    for g in range(G):
        sub = d[g * GW:(g + 1) * GW, :]
        sub = jnp.where(rowg + g * GW == lanerow + i * BR, INF, sub)
        m = jnp.min(sub, axis=0, keepdims=True)
        cidx = jnp.min(jnp.where(sub == m, rowg + g * GW, N), axis=0,
                       keepdims=True)
        gm_l.append(m)
        gc_l.append(cidx)
    gmin0 = jnp.concatenate(gm_l, axis=0)
    gcol0 = jnp.concatenate(gc_l, axis=0)

    def step(t, carry):
        gmin, gcol, acc = carry
        mv = jnp.min(gmin, axis=0, keepdims=True)
        am = jnp.min(jnp.where(gmin == mv, gcol, N), axis=0, keepdims=True)
        acc = jnp.where(sub16 == t, am, acc)
        gsel = lax.shift_right_logical(am, 7)
        level = [d[g * GW:(g + 1) * GW, :] for g in range(G)]
        nbit = 0
        while len(level) > 1:
            bit = lax.shift_right_logical(gsel, nbit) & 1
            level = [jnp.where(bit == 1, level[2 * i + 1], level[2 * i])
                     for i in range(len(level) // 2)]
            nbit += 1
        sel = level[0]
        rowsel = rowg + lax.shift_left(gsel, 7)
        ok = (sel > mv) | ((sel == mv) & (rowsel > am))
        selm = jnp.where(ok, sel, INF)
        nm = jnp.min(selm, axis=0, keepdims=True)
        nc = jnp.min(jnp.where(selm == nm, rowsel, N), axis=0, keepdims=True)
        gmin = jnp.where(sub32 == gsel, nm, gmin)
        gcol = jnp.where(sub32 == gsel, nc, gcol)
        return (gmin, gcol, acc)

    _, _, acc = lax.fori_loop(0, K, step, (gmin0, gcol0, acc0))
    idx_ref[0] = acc + b * N

    if with_linear:
        fr = fr_ref[0]
        vp = vp_ref[0]
        fm2 = lax.dot_general(fr, w_ref[...], (((1,), (0,)), ((), ())),
                              preferred_element_type=jnp.float32) + b_ref[0][None, :]
        fc_ref[0] = fm2[:, :COUT]
        zpad = jnp.zeros((BR, 128 - COUT - VPAD), jnp.float32)
        tab_ref[0] = jnp.concatenate([fm2[:, COUT:], vp, zpad], axis=1)
        fste_ref[0] = lax.dot_general(fr, ws_ref[...], (((1,), (0,)), ((), ())),
                                      preferred_element_type=jnp.float32)


def _knn_feat_linear(feature_map, featT, vpad, weights, bias2, W_ste):
    grid = (BS, N // BR)
    body = functools.partial(_topk_body, CIN, True)
    return pl.pallas_call(
        body,
        grid=grid,
        compiler_params=pltpu.CompilerParams(
            dimension_semantics=("parallel", "parallel")),
        in_specs=[
            pl.BlockSpec((1, N, CIN), lambda b, i: (b, 0, 0)),
            pl.BlockSpec((1, CIN, BR), lambda b, i: (b, 0, i)),
            pl.BlockSpec((1, BR, CIN), lambda b, i: (b, i, 0)),
            pl.BlockSpec((1, BR, VPAD), lambda b, i: (b, i, 0)),
            pl.BlockSpec((CIN, 2 * COUT), lambda b, i: (0, 0)),
            pl.BlockSpec((1, 2 * COUT), lambda b, i: (0, 0)),
            pl.BlockSpec((CIN, COUT), lambda b, i: (0, 0)),
        ],
        out_specs=[
            pl.BlockSpec((1, K, BR), lambda b, i: (b, 0, i)),
            pl.BlockSpec((1, BR, COUT), lambda b, i: (b, i, 0)),
            pl.BlockSpec((1, BR, 128), lambda b, i: (b, i, 0)),
            pl.BlockSpec((1, BR, COUT), lambda b, i: (b, i, 0)),
        ],
        out_shape=[
            jax.ShapeDtypeStruct((BS, K, N), jnp.int32),
            jax.ShapeDtypeStruct((BS, N, COUT), jnp.float32),
            jax.ShapeDtypeStruct((BS, N, 128), jnp.float32),
            jax.ShapeDtypeStruct((BS, N, COUT), jnp.float32),
        ],
    )(feature_map, featT, feature_map, vpad, weights, bias2, W_ste)


def _knn_vert(vpad, vpadT):
    grid = (BS, N // BR)
    body = functools.partial(_topk_body, VPAD, False)
    return pl.pallas_call(
        body,
        grid=grid,
        compiler_params=pltpu.CompilerParams(
            dimension_semantics=("parallel", "parallel")),
        in_specs=[
            pl.BlockSpec((1, N, VPAD), lambda b, i: (b, 0, 0)),
            pl.BlockSpec((1, VPAD, BR), lambda b, i: (b, 0, i)),
        ],
        out_specs=pl.BlockSpec((1, K, BR), lambda b, i: (b, 0, i)),
        out_shape=jax.ShapeDtypeStruct((BS, K, N), jnp.int32),
    )(vpad, vpadT)



def _sc_gather128(table, idx):
    B = idx.shape[0]
    info = plsc.get_sparse_core_info()
    NC, NS = info.num_cores, info.num_subcores
    NW = NC * NS
    bpw = B // NW
    CH = 512
    mesh = plsc.VectorSubcoreMesh(core_axis_name="c", subcore_axis_name="s")

    @functools.partial(
        pl.kernel, mesh=mesh,
        out_type=jax.ShapeDtypeStruct((B, 128), jnp.float32),
        scratch_types=[
            pltpu.VMEM((CH,), jnp.int32),
            pltpu.VMEM((CH, 128), jnp.float32),
            pltpu.SemaphoreType.DMA,
        ],
    )
    def k(t_hbm, idx_hbm, o_hbm, idx_v, rows, sem):
        wid = lax.axis_index("s") * NC + lax.axis_index("c")
        base = wid * bpw

        def body(c, carry):
            off = base + c * CH
            pltpu.sync_copy(idx_hbm.at[pl.ds(off, CH)], idx_v)
            pltpu.async_copy(t_hbm.at[idx_v], rows, sem).wait()
            pltpu.sync_copy(rows, o_hbm.at[pl.ds(off, CH)])
            return carry

        lax.fori_loop(0, bpw // CH, body, 0)

    return k(table, idx)



def _combine_body(g_ref, vr_ref, fc_ref, dir_ref, out_ref):
    v = vr_ref[0]
    dirs = dir_ref[...]
    dn = jnp.sqrt(jnp.sum(dirs * dirs, axis=0, keepdims=True))
    sd = dirs / jnp.maximum(dn, 1e-12)
    acc = None
    for t in range(K):
        blk = g_ref[0, t]
        dv = blk[:, COUT:COUT + VPAD] - v
        nrm = jnp.sqrt(jnp.sum(dv * dv, axis=1, keepdims=True))
        rf = dv / jnp.maximum(nrm, 1e-12)
        theta = jnp.maximum(
            lax.dot_general(rf, sd, (((1,), (0,)), ((), ())),
                            preferred_element_type=jnp.float32), 0.0)
        a = theta * blk[:, :COUT]
        acc = a if acc is None else jnp.maximum(acc, a)
    feat = fc_ref[0] + acc
    zpad = jnp.zeros((BR2, 128 - COUT), jnp.float32)
    out_ref[0] = jnp.concatenate([feat, zpad], axis=1)


def _combine(g4, vpad, f_center, dirpad):
    grid = (BS, N // BR2)
    return pl.pallas_call(
        _combine_body,
        grid=grid,
        compiler_params=pltpu.CompilerParams(
            dimension_semantics=("parallel", "parallel")),
        in_specs=[
            pl.BlockSpec((1, K, BR2, 128), lambda b, i: (b, 0, i, 0)),
            pl.BlockSpec((1, BR2, VPAD), lambda b, i: (b, i, 0)),
            pl.BlockSpec((1, BR2, COUT), lambda b, i: (b, i, 0)),
            pl.BlockSpec((VPAD, COUT), lambda b, i: (0, 0)),
        ],
        out_specs=pl.BlockSpec((1, BR2, 128), lambda b, i: (b, i, 0)),
        out_shape=jax.ShapeDtypeStruct((BS, N, 128), jnp.float32),
    )(g4, vpad, f_center, dirpad)



BRF = 1024


def _pool_body(fg2_ref, sum_ref):
    i = pl.program_id(1)
    fg = fg2_ref[0, 0][:, :COUT]
    for t in range(1, K):
        fg = jnp.maximum(fg, fg2_ref[0, t][:, :COUT])
    psum = jnp.sum(fg, axis=0, keepdims=True)

    @pl.when(i == 0)
    def _():
        sum_ref[0] = psum

    @pl.when(i != 0)
    def _():
        sum_ref[0] = sum_ref[0] + psum


def _pool(fg2):
    return pl.pallas_call(
        _pool_body,
        grid=(BS, N // BRF),
        compiler_params=pltpu.CompilerParams(
            dimension_semantics=("parallel", "arbitrary")),
        in_specs=[pl.BlockSpec((1, K, BRF, 128), lambda b, i: (b, 0, i, 0))],
        out_specs=pl.BlockSpec((1, 1, COUT), lambda b, i: (b, 0, 0)),
        out_shape=jax.ShapeDtypeStruct((BS, 1, COUT), jnp.float32),
    )(fg2)


def _finish_body(sum_ref, f_ref, fste_ref, w2_ref, out_ref):
    gmean = sum_ref[0] * (1.0 / N)
    feat = f_ref[0][:, :COUT]
    w1 = w2_ref[:COUT, :]
    wg = w2_ref[COUT:, :]
    fuse = (lax.dot_general(feat, w1, (((1,), (0,)), ((), ())),
                            preferred_element_type=jnp.float32)
            + lax.dot_general(gmean, wg, (((1,), (0,)), ((), ())),
                              preferred_element_type=jnp.float32))
    out_ref[0] = fuse + feat + fste_ref[0]


def _finish(fg2, feature, fste, W_conv2):
    sums = _pool(fg2)
    return pl.pallas_call(
        _finish_body,
        grid=(BS,),
        compiler_params=pltpu.CompilerParams(
            dimension_semantics=("parallel",)),
        in_specs=[
            pl.BlockSpec((1, 1, COUT), lambda b: (b, 0, 0)),
            pl.BlockSpec((1, N, 128), lambda b: (b, 0, 0)),
            pl.BlockSpec((1, N, COUT), lambda b: (b, 0, 0)),
            pl.BlockSpec((2 * COUT, COUT), lambda b: (0, 0)),
        ],
        out_specs=pl.BlockSpec((1, N, COUT), lambda b: (b, 0, 0)),
        out_shape=jax.ShapeDtypeStruct((BS, N, COUT), jnp.float32),
    )(sums, feature, fste, W_conv2)



def kernel(vertices, feature_map, weights, bias, directions, W_ste, W_conv2,
           neighbor_num):
    bs, n, _ = vertices.shape
    vpad = jnp.pad(vertices, ((0, 0), (0, 0), (0, VPAD - 3)))
    vpadT = jnp.swapaxes(vpad, 1, 2)
    featT = jnp.swapaxes(feature_map, 1, 2)
    dirpad = jnp.pad(directions, ((0, VPAD - 3), (0, 0)))
    bias2 = bias.reshape(1, -1)

    idx, f_center, table, f_ste = _knn_feat_linear(
        feature_map, featT, vpad, weights, bias2, W_ste)
    idx2 = _knn_vert(vpad, vpadT)

    idx_t = idx.reshape(bs * n * K)
    g = _sc_gather128(table.reshape(bs * n, 128), idx_t)
    feature = _combine(g.reshape(bs, K, n, 128), vpad, f_center, dirpad)

    idx2_t = idx2.reshape(bs * n * K)
    fg2 = _sc_gather128(feature.reshape(bs * n, 128), idx2_t)
    out = _finish(fg2.reshape(bs, K, n, 128), feature, f_ste, W_conv2)

    delta = jnp.asarray(neighbor_num - K, out.dtype)
    return out + delta

# --- scband reference (transcript-rebuilt; emitter-appended) ---
"""Pipeline reference for scband-hs-layer-27178553049381 (READ-ONLY COPY).

The authoritative reference and input builder live on the scoring server;
editing this copy changes nothing except your own understanding.
"""

import jax, jax.numpy as jnp
import numpy as np


def get_neighbor_index(feat, neighbor_num):
    # feat: (bs, N, d) -> (bs, N, neighbor_num) smallest-distance neighbors (excluding self)
    inner = jnp.einsum('bnd,bmd->bnm', feat, feat)
    quad = jnp.sum(feat ** 2, axis=2)
    distance = inner * -2 + quad[:, None, :] + quad[:, :, None]
    _, idx = jax.lax.top_k(-distance, neighbor_num + 1)
    return idx[:, :, 1:]


def gather_neighbors(tensor, index):
    # tensor: (bs, N, dim), index: (bs, N, K) -> (bs, N, K, dim)
    return jax.vmap(lambda t, i: t[i])(tensor, index)


def setup_inputs(seed: int = 0):
    key = jax.random.key(seed)
    ks = jax.random.split(key, 8)
    bs, N, Cin, Cout, S = 4, 4096, 64, 64, 1
    stdv = 1.0 / np.sqrt(Cout * (S + 1))
    vertices = jax.random.normal(ks[0], (bs, N, 3), dtype=jnp.float32)
    feature_map = jax.random.normal(ks[1], (bs, N, Cin), dtype=jnp.float32)
    weights = jax.random.uniform(ks[2], (Cin, (S + 1) * Cout), dtype=jnp.float32, minval=-stdv, maxval=stdv)
    bias = jax.random.uniform(ks[3], ((S + 1) * Cout,), dtype=jnp.float32, minval=-stdv, maxval=stdv)
    directions = jax.random.uniform(ks[4], (3, S * Cout), dtype=jnp.float32, minval=-stdv, maxval=stdv)
    W_ste = jax.random.normal(ks[5], (Cin, Cout), dtype=jnp.float32) * 0.05
    W_conv2 = jax.random.normal(ks[6], (2 * Cout, Cout), dtype=jnp.float32) * 0.05
    return {
        'vertices': vertices,
        'feature_map': feature_map,
        'weights': weights,
        'bias': bias,
        'directions': directions,
        'W_ste': W_ste,
        'W_conv2': W_conv2,
        'neighbor_num': 16,
    }


def reference(vertices, feature_map, weights, bias, directions, W_ste, W_conv2, neighbor_num):
    bs, N, _ = vertices.shape
    Cout = W_ste.shape[1]
    S = directions.shape[1] // Cout
    k = 16
    # STE branch (Conv1d kernel_size=1, no bias)
    f_STE = feature_map @ W_ste
    # receptive fields: RF-F -> knn on feature_map, directions from vertices
    nb_idx = get_neighbor_index(feature_map, k)
    neighbors = gather_neighbors(vertices, nb_idx)
    direc = neighbors - vertices[:, :, None, :]
    norm = jnp.linalg.norm(direc, axis=-1, keepdims=True)
    rf_norm = direc / jnp.maximum(norm, 1e-12)
    # graph conv
    dnorm = jnp.linalg.norm(directions, axis=0, keepdims=True)
    sup_dir = directions / jnp.maximum(dnorm, 1e-12)
    theta = jax.nn.relu(rf_norm @ sup_dir)  # (bs, N, K, S*Cout)
    fm2 = feature_map @ weights + bias
    f_center = fm2[:, :, :Cout]
    f_support = fm2[:, :, Cout:]
    f_support_g = gather_neighbors(f_support, nb_idx)  # (bs, N, K, S*Cout)
    act = theta * f_support_g
    act = act.reshape(bs, N, k, S, Cout)
    act = jnp.max(act, axis=2)
    act = jnp.mean(act, axis=2)
    feature = f_center + act
    # ORL forward
    nb_idx2 = get_neighbor_index(vertices, k)
    fg = gather_neighbors(feature, nb_idx2)
    fg = jnp.max(fg, axis=2)
    f_global = jnp.mean(fg, axis=1, keepdims=True)
    f_global = jnp.broadcast_to(f_global, (bs, N, Cout))
    feat = jnp.concatenate([feature, f_global], axis=-1)
    feature_fuse = feat @ W_conv2 + feature
    return feature_fuse + f_STE + jnp.asarray(neighbor_num - k, dtype=feature_fuse.dtype)

if __name__ == "__main__":
    import jax
    _d = setup_inputs()
    print(jax.jit(kernel)(*tuple(_d.values())))

</pallas_src>

<mosaic_0001>
#map = affine_map<(d0, d1) -> (0, 0)>
#map1 = affine_map<(d0, d1) -> (0)>
module attributes {stable_mosaic.version = 14 : i64} {
  func.func @k(%arg0: i32, %arg1: i32, %arg2: memref<16384x128xf32, #tpu.memory_space<hbm>>, %arg3: memref<262144xi32, #tpu.memory_space<hbm>>, %arg4: memref<262144x128xf32, #tpu.memory_space<hbm>>, %arg5: memref<512xi32, #tpu.memory_space<vmem>>, %arg6: memref<512x128xf32, #tpu.memory_space<vmem>>, %arg7: memref<!tpu.dma_semaphore, #tpu.memory_space<semaphore_mem>>) attributes {dimension_semantics = [#tpu.dimension_semantics<core_parallel>, #tpu.dimension_semantics<subcore_parallel>], iteration_bounds = array<i64: 2, 16>, scalar_prefetch = 0 : i64, scratch_operands = 3 : i64, tpu.core_type = #tpu.core_type<sc_vector_subcore>, window_params = [{transform_indices = #map}, {transform_indices = #map1}, {transform_indices = #map}]} {
    %mul3A = arith.constant 2 : i32
    %mul3A_0 = arith.muli %arg1, %mul3A : i32
    %add3A = arith.addi %mul3A_0, %arg0 : i32
    %mul3A_1 = arith.constant 8192 : i32
    %mul3A_2 = arith.muli %add3A, %mul3A_1 : i32
    %scan3A = arith.constant 0 : i32
    %scan3A_3 = arith.constant 0 : i32
    %scan3A_4 = arith.constant 16 : i32
    %scan3A_5 = arith.addi %scan3A_3, %scan3A_4 : i32
    %scan3A_6 = arith.constant 1 : i32
    scf.for %scan3A_8 = %scan3A_3 to %scan3A_5 step %scan3A_6  : i32 {
      %mul3A_9 = arith.constant 512 : i32
      %mul3A_10 = arith.muli %scan3A_8, %mul3A_9 : i32
      %add3A_11 = arith.addi %mul3A_2, %mul3A_10 : i32
      "tpu.region"() ({
        %run_scoped3A = tpu.sem_alloc : memref<!tpu.dma_semaphore, #tpu.memory_space<semaphore_mem>>
        %dma_start3A_16 = tpu.memref_slice %arg3[%add3A_11] : memref<262144xi32, #tpu.memory_space<hbm>> -> memref<512xi32, #tpu.memory_space<hbm>>
        %dma_start3A_17 = tpu.memref_slice %arg3[%add3A_11] : memref<262144xi32, #tpu.memory_space<hbm>> -> memref<512xi32, #tpu.memory_space<hbm>>
        tpu.enqueue_dma source(%dma_start3A_17 : memref<512xi32, #tpu.memory_space<hbm>>) target(%arg5 : memref<512xi32, #tpu.memory_space<vmem>>) target_semaphore(%run_scoped3A : memref<!tpu.dma_semaphore, #tpu.memory_space<semaphore_mem>>)
        %dma_wait3A_18 = tpu.memref_slice %arg3[%add3A_11] : memref<262144xi32, #tpu.memory_space<hbm>> -> memref<512xi32, #tpu.memory_space<hbm>>
        %dma_wait3A_19 = tpu.memref_slice %arg3[%add3A_11] : memref<262144xi32, #tpu.memory_space<hbm>> -> memref<512xi32, #tpu.memory_space<hbm>>
        tpu.wait_dma2 semaphore(%run_scoped3A : memref<!tpu.dma_semaphore, #tpu.memory_space<semaphore_mem>>) src(%dma_wait3A_19 : memref<512xi32, #tpu.memory_space<hbm>>) dst(%arg5 : memref<512xi32, #tpu.memory_space<vmem>>)
        tpu.yield
      }) : () -> ()
      %dma_start3A = arith.constant 0 : i32
      %dma_start3A_12 = arith.constant 0 : i32
      %dma_start3A_13 = tpu.memref_slice %arg2[%dma_start3A, %dma_start3A_12] : memref<16384x128xf32, #tpu.memory_space<hbm>> -> memref<16384x128xf32, #tpu.memory_space<hbm>>
      tpu.enqueue_indirect_dma source(%dma_start3A_13 : memref<16384x128xf32, #tpu.memory_space<hbm>>) target(%arg6 : memref<512x128xf32, #tpu.memory_space<vmem>>) offsets(%arg5 : memref<512xi32, #tpu.memory_space<vmem>>) semaphore(%arg7 : memref<!tpu.dma_semaphore, #tpu.memory_space<semaphore_mem>>)
      %dma_wait3A = arith.constant 0 : i32
      %dma_wait3A_14 = arith.constant 0 : i32
      %dma_wait3A_15 = tpu.memref_slice %arg2[%dma_wait3A, %dma_wait3A_14] : memref<16384x128xf32, #tpu.memory_space<hbm>> -> memref<16384x128xf32, #tpu.memory_space<hbm>>
      tpu.wait_indirect_dma semaphore(%arg7 : memref<!tpu.dma_semaphore, #tpu.memory_space<semaphore_mem>>) src(%dma_wait3A_15 : memref<16384x128xf32, #tpu.memory_space<hbm>>) dst(%arg6 : memref<512x128xf32, #tpu.memory_space<vmem>>)
      "tpu.region"() ({
        %run_scoped3A = tpu.sem_alloc : memref<!tpu.dma_semaphore, #tpu.memory_space<semaphore_mem>>
        %dma_start3A_16 = arith.constant 0 : i32
        %dma_start3A_17 = tpu.memref_slice %arg4[%add3A_11, %dma_start3A_16] : memref<262144x128xf32, #tpu.memory_space<hbm>> -> memref<512x128xf32, #tpu.memory_space<hbm>>
        %dma_start3A_18 = arith.constant 0 : i32
        %dma_start3A_19 = tpu.memref_slice %arg4[%add3A_11, %dma_start3A_18] : memref<262144x128xf32, #tpu.memory_space<hbm>> -> memref<512x128xf32, #tpu.memory_space<hbm>>
        tpu.enqueue_dma source(%arg6 : memref<512x128xf32, #tpu.memory_space<vmem>>) target(%dma_start3A_19 : memref<512x128xf32, #tpu.memory_space<hbm>>) target_semaphore(%run_scoped3A : memref<!tpu.dma_semaphore, #tpu.memory_space<semaphore_mem>>)
        %dma_wait3A_20 = arith.constant 0 : i32
        %dma_wait3A_21 = tpu.memref_slice %arg4[%add3A_11, %dma_wait3A_20] : memref<262144x128xf32, #tpu.memory_space<hbm>> -> memref<512x128xf32, #tpu.memory_space<hbm>>
        %dma_wait3A_22 = arith.constant 0 : i32
        %dma_wait3A_23 = tpu.memref_slice %arg4[%add3A_11, %dma_wait3A_22] : memref<262144x128xf32, #tpu.memory_space<hbm>> -> memref<512x128xf32, #tpu.memory_space<hbm>>
        tpu.wait_dma2 semaphore(%run_scoped3A : memref<!tpu.dma_semaphore, #tpu.memory_space<semaphore_mem>>) src(%arg6 : memref<512x128xf32, #tpu.memory_space<vmem>>) dst(%dma_wait3A_23 : memref<512x128xf32, #tpu.memory_space<hbm>>)
        tpu.yield
      }) : () -> ()
    }
    %scan3A_7 = arith.constant 16 : i32
    return
  }
}

#map = affine_map<(d0, d1) -> (0, 0)>
#map1 = affine_map<(d0, d1) -> (0)>
module attributes {stable_mosaic.version = 14 : i64} {
  func.func @k(%arg0: i32, %arg1: i32, %arg2: memref<16384x128xf32, #tpu.memory_space<hbm>>, %arg3: memref<262144xi32, #tpu.memory_space<hbm>>, %arg4: memref<262144x128xf32, #tpu.memory_space<hbm>>, %arg5: memref<512xi32, #tpu.memory_space<vmem>>, %arg6: memref<512x128xf32, #tpu.memory_space<vmem>>, %arg7: memref<!tpu.dma_semaphore, #tpu.memory_space<semaphore_mem>>) attributes {dimension_semantics = [#tpu.dimension_semantics<core_parallel>, #tpu.dimension_semantics<subcore_parallel>], iteration_bounds = array<i64: 2, 16>, scalar_prefetch = 0 : i64, scratch_operands = 3 : i64, tpu.core_type = #tpu.core_type<sc_vector_subcore>, window_params = [{transform_indices = #map}, {transform_indices = #map1}, {transform_indices = #map}]} {
    %mul3A = arith.constant 2 : i32
    %mul3A_0 = arith.muli %arg1, %mul3A : i32
    %add3A = arith.addi %mul3A_0, %arg0 : i32
    %mul3A_1 = arith.constant 8192 : i32
    %mul3A_2 = arith.muli %add3A, %mul3A_1 : i32
    %scan3A = arith.constant 0 : i32
    %scan3A_3 = arith.constant 0 : i32
    %scan3A_4 = arith.constant 16 : i32
    %scan3A_5 = arith.addi %scan3A_3, %scan3A_4 : i32
    %scan3A_6 = arith.constant 1 : i32
    scf.for %scan3A_8 = %scan3A_3 to %scan3A_5 step %scan3A_6  : i32 {
      %mul3A_9 = arith.constant 512 : i32
      %mul3A_10 = arith.muli %scan3A_8, %mul3A_9 : i32
      %add3A_11 = arith.addi %mul3A_2, %mul3A_10 : i32
      "tpu.region"() ({
        %run_scoped3A = tpu.sem_alloc : memref<!tpu.dma_semaphore, #tpu.memory_space<semaphore_mem>>
        %dma_start3A_16 = tpu.memref_slice %arg3[%add3A_11] : memref<262144xi32, #tpu.memory_space<hbm>> -> memref<512xi32, #tpu.memory_space<hbm>>
        %dma_start3A_17 = tpu.memref_slice %arg3[%add3A_11] : memref<262144xi32, #tpu.memory_space<hbm>> -> memref<512xi32, #tpu.memory_space<hbm>>
        tpu.enqueue_dma source(%dma_start3A_17 : memref<512xi32, #tpu.memory_space<hbm>>) target(%arg5 : memref<512xi32, #tpu.memory_space<vmem>>) target_semaphore(%run_scoped3A : memref<!tpu.dma_semaphore, #tpu.memory_space<semaphore_mem>>)
        %dma_wait3A_18 = tpu.memref_slice %arg3[%add3A_11] : memref<262144xi32, #tpu.memory_space<hbm>> -> memref<512xi32, #tpu.memory_space<hbm>>
        %dma_wait3A_19 = tpu.memref_slice %arg3[%add3A_11] : memref<262144xi32, #tpu.memory_space<hbm>> -> memref<512xi32, #tpu.memory_space<hbm>>
        tpu.wait_dma2 semaphore(%run_scoped3A : memref<!tpu.dma_semaphore, #tpu.memory_space<semaphore_mem>>) src(%dma_wait3A_19 : memref<512xi32, #tpu.memory_space<hbm>>) dst(%arg5 : memref<512xi32, #tpu.memory_space<vmem>>)
        tpu.yield
      }) : () -> ()
      %dma_start3A = arith.constant 0 : i32
      %dma_start3A_12 = arith.constant 0 : i32
      %dma_start3A_13 = tpu.memref_slice %arg2[%dma_start3A, %dma_start3A_12] : memref<16384x128xf32, #tpu.memory_space<hbm>> -> memref<16384x128xf32, #tpu.memory_space<hbm>>
      tpu.enqueue_indirect_dma source(%dma_start3A_13 : memref<16384x128xf32, #tpu.memory_space<hbm>>) target(%arg6 : memref<512x128xf32, #tpu.memory_space<vmem>>) offsets(%arg5 : memref<512xi32, #tpu.memory_space<vmem>>) semaphore(%arg7 : memref<!tpu.dma_semaphore, #tpu.memory_space<semaphore_mem>>)
      %dma_wait3A = arith.constant 0 : i32
      %dma_wait3A_14 = arith.constant 0 : i32
      %dma_wait3A_15 = tpu.memref_slice %arg2[%dma_wait3A, %dma_wait3A_14] : memref<16384x128xf32, #tpu.memory_space<hbm>> -> memref<16384x128xf32, #tpu.memory_space<hbm>>
      tpu.wait_indirect_dma semaphore(%arg7 : memref<!tpu.dma_semaphore, #tpu.memory_space<semaphore_mem>>) src(%dma_wait3A_15 : memref<16384x128xf32, #tpu.memory_space<hbm>>) dst(%arg6 : memref<512x128xf32, #tpu.memory_space<vmem>>)
      "tpu.region"() ({
        %run_scoped3A = tpu.sem_alloc : memref<!tpu.dma_semaphore, #tpu.memory_space<semaphore_mem>>
        %dma_start3A_16 = arith.constant 0 : i32
        %dma_start3A_17 = tpu.memref_slice %arg4[%add3A_11, %dma_start3A_16] : memref<262144x128xf32, #tpu.memory_space<hbm>> -> memref<512x128xf32, #tpu.memory_space<hbm>>
        %dma_start3A_18 = arith.constant 0 : i32
        %dma_start3A_19 = tpu.memref_slice %arg4[%add3A_11, %dma_start3A_18] : memref<262144x128xf32, #tpu.memory_space<hbm>> -> memref<512x128xf32, #tpu.memory_space<hbm>>
        tpu.enqueue_dma source(%arg6 : memref<512x128xf32, #tpu.memory_space<vmem>>) target(%dma_start3A_19 : memref<512x128xf32, #tpu.memory_space<hbm>>) target_semaphore(%run_scoped3A : memref<!tpu.dma_semaphore, #tpu.memory_space<semaphore_mem>>)
        %dma_wait3A_20 = arith.constant 0 : i32
        %dma_wait3A_21 = tpu.memref_slice %arg4[%add3A_11, %dma_wait3A_20] : memref<262144x128xf32, #tpu.memory_space<hbm>> -> memref<512x128xf32, #tpu.memory_space<hbm>>
        %dma_wait3A_22 = arith.constant 0 : i32
        %dma_wait3A_23 = tpu.memref_slice %arg4[%add3A_11, %dma_wait3A_22] : memref<262144x128xf32, #tpu.memory_space<hbm>> -> memref<512x128xf32, #tpu.memory_space<hbm>>
        tpu.wait_dma2 semaphore(%run_scoped3A : memref<!tpu.dma_semaphore, #tpu.memory_space<semaphore_mem>>) src(%arg6 : memref<512x128xf32, #tpu.memory_space<vmem>>) dst(%dma_wait3A_23 : memref<512x128xf32, #tpu.memory_space<hbm>>)
        tpu.yield
      }) : () -> ()
    }
    %scan3A_7 = arith.constant 16 : i32
    return
  }
}

module attributes {stable_mosaic.version = 14 : i64} {
  func.func @_topk_body(%arg0: i32, %arg1: i32, %arg2: memref<1x4096x64xf32, #tpu.memory_space<vmem>>, %arg3: memref<1x64x512xf32, #tpu.memory_space<vmem>>, %arg4: memref<1x512x64xf32, #tpu.memory_space<vmem>>, %arg5: memref<1x512x8xf32, #tpu.memory_space<vmem>>, %arg6: memref<64x128xf32, #tpu.memory_space<vmem>>, %arg7: memref<1x128xf32, #tpu.memory_space<vmem>>, %arg8: memref<64x64xf32, #tpu.memory_space<vmem>>, %arg9: memref<1x16x512xi32, #tpu.memory_space<vmem>>, %arg10: memref<1x512x64xf32, #tpu.memory_space<vmem>>, %arg11: memref<1x512x128xf32, #tpu.memory_space<vmem>>, %arg12: memref<1x512x64xf32, #tpu.memory_space<vmem>>) attributes {dimension_semantics = [#tpu.dimension_semantics<parallel>, #tpu.dimension_semantics<parallel>], iteration_bounds = array<i64: 4, 8>, scalar_prefetch = 0 : i64, scratch_operands = 0 : i64, tpu.core_type = #tpu.core_type<tc>, window_params = [{transform_indices = @transform_0, window_bounds = array<i64: 1, 4096, 64>}, {transform_indices = @transform_1, window_bounds = array<i64: 1, 64, 512>}, {transform_indices = @transform_2, window_bounds = array<i64: 1, 512, 64>}, {transform_indices = @transform_3, window_bounds = array<i64: 1, 512, 8>}, {pipeline_mode = #tpu.pipeline_mode<synchronous>, transform_indices = @transform_4, window_bounds = array<i64: 64, 128>}, {pipeline_mode = #tpu.pipeline_mode<synchronous>, transform_indices = @transform_5, window_bounds = array<i64: 1, 128>}, {pipeline_mode = #tpu.pipeline_mode<synchronous>, transform_indices = @transform_6, window_bounds = array<i64: 64, 64>}, {transform_indices = @transform_7, window_bounds = array<i64: 1, 16, 512>}, {transform_indices = @transform_8, window_bounds = array<i64: 1, 512, 64>}, {transform_indices = @transform_9, window_bounds = array<i64: 1, 512, 128>}, {transform_indices = @transform_10, window_bounds = array<i64: 1, 512, 64>}]} {
    %get3A = arith.constant 0 : index
    %get3A_0 = arith.constant 0 : index
    %get3A_1 = arith.constant 0 : index
    %get3A_2 = vector.load %arg2[%get3A, %get3A_0, %get3A_1] : memref<1x4096x64xf32, #tpu.memory_space<vmem>>, vector<1x4096x64xf32>
    %get3A_3 = vector.shape_cast %get3A_2 : vector<1x4096x64xf32> to vector<4096x64xf32>
    %get3A_4 = arith.constant 0 : index
    %get3A_5 = arith.constant 0 : index
    %get3A_6 = arith.constant 0 : index
    %get3A_7 = vector.load %arg3[%get3A_4, %get3A_5, %get3A_6] : memref<1x64x512xf32, #tpu.memory_space<vmem>>, vector<1x64x512xf32>
    %get3A_8 = vector.shape_cast %get3A_7 : vector<1x64x512xf32> to vector<64x512xf32>
    %mul3A = arith.constant -2.000000e+00 : f32
    %mul3A_9 = vector.broadcast %mul3A : f32 to vector<64x512xf32>
    %mul3A_10 = arith.mulf %get3A_8, %mul3A_9 : vector<64x512xf32>
    %dot_general3A = arith.constant dense<0.000000e+00> : vector<4096x512xf32>
    %dot_general3A_11 = tpu.matmul %get3A_3, %mul3A_10, %dot_general3A {dimension_numbers = #tpu.dot_dimension_numbers<[1], [0], [0], [1], [0, 0, 1, 1], [], []>, transpose_lhs_hint = false} : vector<4096x64xf32>, vector<64x512xf32>, vector<4096x512xf32> -> vector<4096x512xf32>
    %mul3A_12 = arith.mulf %get3A_3, %get3A_3 : vector<4096x64xf32>
    %reduce_sum3A = arith.constant dense<0.000000e+00> : vector<4096xf32>
    %reduce_sum3A_13 = vector.multi_reduction <add>, %mul3A_12, %reduce_sum3A [1] : vector<4096x64xf32> to vector<4096xf32>
    %broadcast_in_dim3A = vector.shape_cast %reduce_sum3A_13 : vector<4096xf32> to vector<4096x1xf32>
    %mul3A_14 = arith.mulf %get3A_8, %get3A_8 : vector<64x512xf32>
    %reduce_sum3A_15 = arith.constant dense<0.000000e+00> : vector<512xf32>
    %reduce_sum3A_16 = vector.multi_reduction <add>, %mul3A_14, %reduce_sum3A_15 [0] : vector<64x512xf32> to vector<512xf32>
    %broadcast_in_dim3A_17 = vector.shape_cast %reduce_sum3A_16 : vector<512xf32> to vector<1x512xf32>
    %add3A = vector.broadcast %broadcast_in_dim3A : vector<4096x1xf32> to vector<4096x512xf32>
    %add3A_18 = arith.addf %dot_general3A_11, %add3A : vector<4096x512xf32>
    %add3A_19 = vector.broadcast %broadcast_in_dim3A_17 : vector<1x512xf32> to vector<4096x512xf32>
    %add3A_20 = arith.addf %add3A_18, %add3A_19 : vector<4096x512xf32>
    %iota3A = tpu.iota {dimensions = array<i32: 1>} : vector<1x512xi32>
    %iota3A_21 = tpu.iota {dimensions = array<i32: 0>} : vector<16x512xi32>
    %broadcast_in_dim3A_22 = arith.constant 0 : i32
    %broadcast_in_dim3A_23 = vector.broadcast %broadcast_in_dim3A_22 : i32 to vector<16x512xi32>
    %iota3A_24 = tpu.iota {dimensions = array<i32: 0>} : vector<32x512xi32>
    %iota3A_25 = tpu.iota {dimensions = array<i32: 0>} : vector<128x512xi32>
    %slice3A = vector.extract_strided_slice %add3A_20 {offsets = [0, 0], sizes = [128, 512], strides = [1, 1]} : vector<4096x512xf32> to vector<128x512xf32>
    %add3A_26 = arith.constant 0 : i32
    %add3A_27 = vector.broadcast %add3A_26 : i32 to vector<128x512xi32>
    %add3A_28 = arith.addi %iota3A_25, %add3A_27 : vector<128x512xi32>
    %mul3A_29 = arith.constant 512 : i32
    %mul3A_30 = arith.muli %arg1, %mul3A_29 : i32
    %add3A_31 = vector.broadcast %mul3A_30 : i32 to vector<1x512xi32>
    %add3A_32 = arith.addi %iota3A, %add3A_31 : vector<1x512xi32>
    %eq3A = vector.broadcast %add3A_32 : vector<1x512xi32> to vector<128x512xi32>
    %eq3A_33 = arith.cmpi eq, %add3A_28, %eq3A : vector<128x512xi32>
    %jit3A = arith.constant 0x7F800000 : f32
    %broadcast_in_dim3A_34 = vector.broadcast %jit3A : f32 to vector<128x512xf32>
    %select_n3A = arith.select %eq3A_33, %broadcast_in_dim3A_34, %slice3A : vector<128x512xi1>, vector<128x512xf32>
    %reduce_min3A = arith.constant dense<0x7F800000> : vector<512xf32>
    %reduce_min3A_35 = vector.multi_reduction <minimumf>, %select_n3A, %reduce_min3A [0] : vector<128x512xf32> to vector<512xf32>
    %broadcast_in_dim3A_36 = vector.shape_cast %reduce_min3A_35 : vector<512xf32> to vector<1x512xf32>
    %eq3A_37 = vector.broadcast %broadcast_in_dim3A_36 : vector<1x512xf32> to vector<128x512xf32>
    %eq3A_38 = arith.cmpf oeq, %select_n3A, %eq3A_37 : vector<128x512xf32>
    %add3A_39 = arith.constant 0 : i32
    %add3A_40 = vector.broadcast %add3A_39 : i32 to vector<128x512xi32>
    %add3A_41 = arith.addi %iota3A_25, %add3A_40 : vector<128x512xi32>
    %jit3A_42 = arith.constant 4096 : i32
    %broadcast_in_dim3A_43 = vector.broadcast %jit3A_42 : i32 to vector<128x512xi32>
    %select_n3A_44 = arith.select %eq3A_38, %add3A_41, %broadcast_in_dim3A_43 : vector<128x512xi1>, vector<128x512xi32>
    %reduce_min3A_45 = arith.constant dense<2147483647> : vector<512xi32>
    %reduce_min3A_46 = vector.multi_reduction <minsi>, %select_n3A_44, %reduce_min3A_45 [0] : vector<128x512xi32> to vector<512xi32>
    %broadcast_in_dim3A_47 = vector.shape_cast %reduce_min3A_46 : vector<512xi32> to vector<1x512xi32>
    %slice3A_48 = vector.extract_strided_slice %add3A_20 {offsets = [128, 0], sizes = [128, 512], strides = [1, 1]} : vector<4096x512xf32> to vector<128x512xf32>
    %add3A_49 = arith.constant 128 : i32
    %add3A_50 = vector.broadcast %add3A_49 : i32 to vector<128x512xi32>
    %add3A_51 = arith.addi %iota3A_25, %add3A_50 : vector<128x512xi32>
    %mul3A_52 = arith.constant 512 : i32
    %mul3A_53 = arith.muli %arg1, %mul3A_52 : i32
    %add3A_54 = vector.broadcast %mul3A_53 : i32 to vector<1x512xi32>
    %add3A_55 = arith.addi %iota3A, %add3A_54 : vector<1x512xi32>
    %eq3A_56 = vector.broadcast %add3A_55 : vector<1x512xi32> to vector<128x512xi32>
    %eq3A_57 = arith.cmpi eq, %add3A_51, %eq3A_56 : vector<128x512xi32>
    %jit3A_58 = arith.constant 0x7F800000 : f32
    %broadcast_in_dim3A_59 = vector.broadcast %jit3A_58 : f32 to vector<128x512xf32>
    %select_n3A_60 = arith.select %eq3A_57, %broadcast_in_dim3A_59, %slice3A_48 : vector<128x512xi1>, vector<128x512xf32>
    %reduce_min3A_61 = arith.constant dense<0x7F800000> : vector<512xf32>
    %reduce_min3A_62 = vector.multi_reduction <minimumf>, %select_n3A_60, %reduce_min3A_61 [0] : vector<128x512xf32> to vector<512xf32>
    %broadcast_in_dim3A_63 = vector.shape_cast %reduce_min3A_62 : vector<512xf32> to vector<1x512xf32>
    %eq3A_64 = vector.broadcast %broadcast_in_dim3A_63 : vector<1x512xf32> to vector<128x512xf32>
    %eq3A_65 = arith.cmpf oeq, %select_n3A_60, %eq3A_64 : vector<128x512xf32>
    %add3A_66 = arith.constant 128 : i32
    %add3A_67 = vector.broadcast %add3A_66 : i32 to vector<128x512xi32>
    %add3A_68 = arith.addi %iota3A_25, %add3A_67 : vector<128x512xi32>
    %jit3A_69 = arith.constant 4096 : i32
    %broadcast_in_dim3A_70 = vector.broadcast %jit3A_69 : i32 to vector<128x512xi32>
    %select_n3A_71 = arith.select %eq3A_65, %add3A_68, %broadcast_in_dim3A_70 : vector<128x512xi1>, vector<128x512xi32>
    %reduce_min3A_72 = arith.constant dense<2147483647> : vector<512xi32>
    %reduce_min3A_73 = vector.multi_reduction <minsi>, %select_n3A_71, %reduce_min3A_72 [0] : vector<128x512xi32> to vector<512xi32>
    %broadcast_in_dim3A_74 = vector.shape_cast %reduce_min3A_73 : vector<512xi32> to vector<1x512xi32>
    %slice3A_75 = vector.extract_strided_slice %add3A_20 {offsets = [256, 0], sizes = [128, 512], strides = [1, 1]} : vector<4096x512xf32> to vector<128x512xf32>
    %add3A_76 = arith.constant 256 : i32
    %add3A_77 = vector.broadcast %add3A_76 : i32 to vector<128x512xi32>
    %add3A_78 = arith.addi %iota3A_25, %add3A_77 : vector<128x512xi32>
    %mul3A_79 = arith.constant 512 : i32
    %mul3A_80 = arith.muli %arg1, %mul3A_79 : i32
    %add3A_81 = vector.broadcast %mul3A_80 : i32 to vector<1x512xi32>
    %add3A_82 = arith.addi %iota3A, %add3A_81 : vector<1x512xi32>
    %eq3A_83 = vector.broadcast %add3A_82 : vector<1x512xi32> to vector<128x512xi32>
    %eq3A_84 = arith.cmpi eq, %add3A_78, %eq3A_83 : vector<128x512xi32>
    %jit3A_85 = arith.constant 0x7F800000 : f32
    %broadcast_in_dim3A_86 = vector.broadcast %jit3A_85 : f32 to vector<128x512xf32>
    %select_n3A_87 = arith.select %eq3A_84, %broadcast_in_dim3A_86, %slice3A_75 : vector<128x512xi1>, vector<128x512xf32>
    %reduce_min3A_88 = arith.constant dense<0x7F800000> : vector<512xf32>
    %reduce_min3A_89 = vector.multi_reduction <minimumf>, %select_n3A_87, %reduce_min3A_88 [0] : vector<128x512xf32> to vector<512xf32>
    %broadcast_in_dim3A_90 = vector.shape_cast %reduce_min3A_89 : vector<512xf32> to vector<1x512xf32>
    %eq3A_91 = vector.broadcast %broadcast_in_dim3A_90 : vector<1x512xf32> to vector<128x512xf32>
    %eq3A_92 = arith.cmpf oeq, %select_n3A_87, %eq3A_91 : vector<128x512xf32>
    %add3A_93 = arith.constant 256 : i32
    %add3A_94 = vector.broadcast %add3A_93 : i32 to vector<128x512xi32>
    %add3A_95 = arith.addi %iota3A_25, %add3A_94 : vector<128x512xi32>
    %jit3A_96 = arith.constant 4096 : i32
    %broadcast_in_dim3A_97 = vector.broadcast %jit3A_96 : i32 to vector<128x512xi32>
    %select_n3A_98 = arith.select %eq3A_92, %add3A_95, %broadcast_in_dim3A_97 : vector<128x512xi1>, vector<128x512xi32>
    %reduce_min3A_99 = arith.constant dense<2147483647> : vector<512xi32>
    %reduce_min3A_100 = vector.multi_reduction <minsi>, %select_n3A_98, %reduce_min3A_99 [0] : vector<128x512xi32> to vector<512xi32>
    %broadcast_in_dim3A_101 = vector.shape_cast %reduce_min3A_100 : vector<512xi32> to vector<1x512xi32>
    %slice3A_102 = vector.extract_strided_slice %add3A_20 {offsets = [384, 0], sizes = [128, 512], strides = [1, 1]} : vector<4096x512xf32> to vector<128x512xf32>
    %add3A_103 = arith.constant 384 : i32
    %add3A_104 = vector.broadcast %add3A_103 : i32 to vector<128x512xi32>
    %add3A_105 = arith.addi %iota3A_25, %add3A_104 : vector<128x512xi32>
    %mul3A_106 = arith.constant 512 : i32
    %mul3A_107 = arith.muli %arg1, %mul3A_106 : i32
    %add3A_108 = vector.broadcast %mul3A_107 : i32 to vector<1x512xi32>
    %add3A_109 = arith.addi %iota3A, %add3A_108 : vector<1x512xi32>
    %eq3A_110 = vector.broadcast %add3A_109 : vector<1x512xi32> to vector<128x512xi32>
    %eq3A_111 = arith.cmpi eq, %add3A_105, %eq3A_110 : vector<128x512xi32>
    %jit3A_112 = arith.constant 0x7F800000 : f32
    %broadcast_in_dim3A_113 = vector.broadcast %jit3A_112 : f32 to vector<128x512xf32>
    %select_n3A_114 = arith.select %eq3A_111, %broadcast_in_dim3A_113, %slice3A_102 : vector<128x512xi1>, vector<128x512xf32>
    %reduce_min3A_115 = arith.constant dense<0x7F800000> : vector<512xf32>
    %reduce_min3A_116 = vector.multi_reduction <minimumf>, %select_n3A_114, %reduce_min3A_115 [0] : vector<128x512xf32> to vector<512xf32>
    %broadcast_in_dim3A_117 = vector.shape_cast %reduce_min3A_116 : vector<512xf32> to vector<1x512xf32>
    %eq3A_118 = vector.broadcast %broadcast_in_dim3A_117 : vector<1x512xf32> to vector<128x512xf32>
    %eq3A_119 = arith.cmpf oeq, %select_n3A_114, %eq3A_118 : vector<128x512xf32>
    %add3A_120 = arith.constant 384 : i32
    %add3A_121 = vector.broadcast %add3A_120 : i32 to vector<128x512xi32>
    %add3A_122 = arith.addi %iota3A_25, %add3A_121 : vector<128x512xi32>
    %jit3A_123 = arith.constant 4096 : i32
    %broadcast_in_dim3A_124 = vector.broadcast %jit3A_123 : i32 to vector<128x512xi32>
    %select_n3A_125 = arith.select %eq3A_119, %add3A_122, %broadcast_in_dim3A_124 : vector<128x512xi1>, vector<128x512xi32>
    %reduce_min3A_126 = arith.constant dense<2147483647> : vector<512xi32>
    %reduce_min3A_127 = vector.multi_reduction <minsi>, %select_n3A_125, %reduce_min3A_126 [0] : vector<128x512xi32> to vector<512xi32>
    %broadcast_in_dim3A_128 = vector.shape_cast %reduce_min3A_127 : vector<512xi32> to vector<1x512xi32>
    %slice3A_129 = vector.extract_strided_slice %add3A_20 {offsets = [512, 0], sizes = [128, 512], strides = [1, 1]} : vector<4096x512xf32> to vector<128x512xf32>
    %add3A_130 = arith.constant 512 : i32
    %add3A_131 = vector.broadcast %add3A_130 : i32 to vector<128x512xi32>
    %add3A_132 = arith.addi %iota3A_25, %add3A_131 : vector<128x512xi32>
    %mul3A_133 = arith.constant 512 : i32
    %mul3A_134 = arith.muli %arg1, %mul3A_133 : i32
    %add3A_135 = vector.broadcast %mul3A_134 : i32 to vector<1x512xi32>
    %add3A_136 = arith.addi %iota3A, %add3A_135 : vector<1x512xi32>
    %eq3A_137 = vector.broadcast %add3A_136 : vector<1x512xi32> to vector<128x512xi32>
    %eq3A_138 = arith.cmpi eq, %add3A_132, %eq3A_137 : vector<128x512xi32>
    %jit3A_139 = arith.constant 0x7F800000 : f32
    %broadcast_in_dim3A_140 = vector.broadcast %jit3A_139 : f32 to vector<128x512xf32>
    %select_n3A_141 = arith.select %eq3A_138, %broadcast_in_dim3A_140, %slice3A_129 : vector<128x512xi1>, vector<128x512xf32>
    %reduce_min3A_142 = arith.constant dense<0x7F800000> : vector<512xf32>
    %reduce_min3A_143 = vector.multi_reduction <minimumf>, %select_n3A_141, %reduce_min3A_142 [0] : vector<128x512xf32> to vector<512xf32>
    %broadcast_in_dim3A_144 = vector.shape_cast %reduce_min3A_143 : vector<512xf32> to vector<1x512xf32>
    %eq3A_145 = vector.broadcast %broadcast_in_dim3A_144 : vector<1x512xf32> to vector<128x512xf32>
    %eq3A_146 = arith.cmpf oeq, %select_n3A_141, %eq3A_145 : vector<128x512xf32>
    %add3A_147 = arith.constant 512 : i32
    %add3A_148 = vector.broadcast %add3A_147 : i32 to vector<128x512xi32>
    %add3A_149 = arith.addi %iota3A_25, %add3A_148 : vector<128x512xi32>
    %jit3A_150 = arith.constant 4096 : i32
    %broadcast_in_dim3A_151 = vector.broadcast %jit3A_150 : i32 to vector<128x512xi32>
    %select_n3A_152 = arith.select %eq3A_146, %add3A_149, %broadcast_in_dim3A_151 : vector<128x512xi1>, vector<128x512xi32>
    %reduce_min3A_153 = arith.constant dense<2147483647> : vector<512xi32>
    %reduce_min3A_154 = vector.multi_reduction <minsi>, %select_n3A_152, %reduce_min3A_153 [0] : vector<128x512xi32> to vector<512xi32>
    %broadcast_in_dim3A_155 = vector.shape_cast %reduce_min3A_154 : vector<512xi32> to vector<1x512xi32>
    %slice3A_156 = vector.extract_strided_slice %add3A_20 {offsets = [640, 0], sizes = [128, 512], strides = [1, 1]} : vector<4096x512xf32> to vector<128x512xf32>
    %add3A_157 = arith.constant 640 : i32
    %add3A_158 = vector.broadcast %add3A_157 : i32 to vector<128x512xi32>
    %add3A_159 = arith.addi %iota3A_25, %add3A_158 : vector<128x512xi32>
    %mul3A_160 = arith.constant 512 : i32
    %mul3A_161 = arith.muli %arg1, %mul3A_160 : i32
    %add3A_162 = vector.broadcast %mul3A_161 : i32 to vector<1x512xi32>
    %add3A_163 = arith.addi %iota3A, %add3A_162 : vector<1x512xi32>
    %eq3A_164 = vector.broadcast %add3A_163 : vector<1x512xi32> to vector<128x512xi32>
    %eq3A_165 = arith.cmpi eq, %add3A_159, %eq3A_164 : vector<128x512xi32>
    %jit3A_166 = arith.constant 0x7F800000 : f32
    %broadcast_in_dim3A_167 = vector.broadcast %jit3A_166 : f32 to vector<128x512xf32>
    %select_n3A_168 = arith.select %eq3A_165, %broadcast_in_dim3A_167, %slice3A_156 : vector<128x512xi1>, vector<128x512xf32>
    %reduce_min3A_169 = arith.constant dense<0x7F800000> : vector<512xf32>
    %reduce_min3A_170 = vector.multi_reduction <minimumf>, %select_n3A_168, %reduce_min3A_169 [0] : vector<128x512xf32> to vector<512xf32>
    %broadcast_in_dim3A_171 = vector.shape_cast %reduce_min3A_170 : vector<512xf32> to vector<1x512xf32>
    %eq3A_172 = vector.broadcast %broadcast_in_dim3A_171 : vector<1x512xf32> to vector<128x512xf32>
    %eq3A_173 = arith.cmpf oeq, %select_n3A_168, %eq3A_172 : vector<128x512xf32>
    %add3A_174 = arith.constant 640 : i32
    %add3A_175 = vector.broadcast %add3A_174 : i32 to vector<128x512xi32>
    %add3A_176 = arith.addi %iota3A_25, %add3A_175 : vector<128x512xi32>
    %jit3A_177 = arith.constant 4096 : i32
    %broadcast_in_dim3A_178 = vector.broadcast %jit3A_177 : i32 to vector<128x512xi32>
    %select_n3A_179 = arith.select %eq3A_173, %add3A_176, %broadcast_in_dim3A_178 : vector<128x512xi1>, vector<128x512xi32>
    %reduce_min3A_180 = arith.constant dense<2147483647> : vector<512xi32>
    %reduce_min3A_181 = vector.multi_reduction <minsi>, %select_n3A_179, %reduce_min3A_180 [0] : vector<128x512xi32> to vector<512xi32>
    %broadcast_in_dim3A_182 = vector.shape_cast %reduce_min3A_181 : vector<512xi32> to vector<1x512xi32>
    %slice3A_183 = vector.extract_strided_slice %add3A_20 {offsets = [768, 0], sizes = [128, 512], strides = [1, 1]} : vector<4096x512xf32> to vector<128x512xf32>
    %add3A_184 = arith.constant 768 : i32
    %add3A_185 = vector.broadcast %add3A_184 : i32 to vector<128x512xi32>
    %add3A_186 = arith.addi %iota3A_25, %add3A_185 : vector<128x512xi32>
    %mul3A_187 = arith.constant 512 : i32
    %mul3A_188 = arith.muli %arg1, %mul3A_187 : i32
    %add3A_189 = vector.broadcast %mul3A_188 : i32 to vector<1x512xi32>
    %add3A_190 = arith.addi %iota3A, %add3A_189 : vector<1x512xi32>
    %eq3A_191 = vector.broadcast %add3A_190 : vector<1x512xi32> to vector<128x512xi32>
    %eq3A_192 = arith.cmpi eq, %add3A_186, %eq3A_191 : vector<128x512xi32>
    %jit3A_193 = arith.constant 0x7F800000 : f32
    %broadcast_in_dim3A_194 = vector.broadcast %jit3A_193 : f32 to vector<128x512xf32>
    %select_n3A_195 = arith.select %eq3A_192, %broadcast_in_dim3A_194, %slice3A_183 : vector<128x512xi1>, vector<128x512xf32>
    %reduce_min3A_196 = arith.constant dense<0x7F800000> : vector<512xf32>
    %reduce_min3A_197 = vector.multi_reduction <minimumf>, %select_n3A_195, %reduce_min3A_196 [0] : vector<128x512xf32> to vector<512xf32>
    %broadcast_in_dim3A_198 = vector.shape_cast %reduce_min3A_197 : vector<512xf32> to vector<1x512xf32>
    %eq3A_199 = vector.broadcast %broadcast_in_dim3A_198 : vector<1x512xf32> to vector<128x512xf32>
    %eq3A_200 = arith.cmpf oeq, %select_n3A_195, %eq3A_199 : vector<128x512xf32>
    %add3A_201 = arith.constant 768 : i32
    %add3A_202 = vector.broadcast %add3A_201 : i32 to vector<128x512xi32>
    %add3A_203 = arith.addi %iota3A_25, %add3A_202 : vector<128x512xi32>
    %jit3A_204 = arith.constant 4096 : i32
    %broadcast_in_dim3A_205 = vector.broadcast %jit3A_204 : i32 to vector<128x512xi32>
    %select_n3A_206 = arith.select %eq3A_200, %add3A_203, %broadcast_in_dim3A_205 : vector<128x512xi1>, vector<128x512xi32>
    %reduce_min3A_207 = arith.constant dense<2147483647> : vector<512xi32>
    %reduce_min3A_208 = vector.multi_reduction <minsi>, %select_n3A_206, %reduce_min3A_207 [0] : vector<128x512xi32> to vector<512xi32>
    %broadcast_in_dim3A_209 = vector.shape_cast %reduce_min3A_208 : vector<512xi32> to vector<1x512xi32>
    %slice3A_210 = vector.extract_strided_slice %add3A_20 {offsets = [896, 0], sizes = [128, 512], strides = [1, 1]} : vector<4096x512xf32> to vector<128x512xf32>
    %add3A_211 = arith.constant 896 : i32
    %add3A_212 = vector.broadcast %add3A_211 : i32 to vector<128x512xi32>
    %add3A_213 = arith.addi %iota3A_25, %add3A_212 : vector<128x512xi32>
    %mul3A_214 = arith.constant 512 : i32
    %mul3A_215 = arith.muli %arg1, %mul3A_214 : i32
    %add3A_216 = vector.broadcast %mul3A_215 : i32 to vector<1x512xi32>
    %add3A_217 = arith.addi %iota3A, %add3A_216 : vector<1x512xi32>
    %eq3A_218 = vector.broadcast %add3A_217 : vector<1x512xi32> to vector<128x512xi32>
    %eq3A_219 = arith.cmpi eq, %add3A_213, %eq3A_218 : vector<128x512xi32>
    %jit3A_220 = arith.constant 0x7F800000 : f32
    %broadcast_in_dim3A_221 = vector.broadcast %jit3A_220 : f32 to vector<128x512xf32>
    %select_n3A_222 = arith.select %eq3A_219, %broadcast_in_dim3A_221, %slice3A_210 : vector<128x512xi1>, vector<128x512xf32>
    %reduce_min3A_223 = arith.constant dense<0x7F800000> : vector<512xf32>
    %reduce_min3A_224 = vector.multi_reduction <minimumf>, %select_n3A_222, %reduce_min3A_223 [0] : vector<128x512xf32> to vector<512xf32>
    %broadcast_in_dim3A_225 = vector.shape_cast %reduce_min3A_224 : vector<512xf32> to vector<1x512xf32>
    %eq3A_226 = vector.broadcast %broadcast_in_dim3A_225 : vector<1x512xf32> to vector<128x512xf32>
    %eq3A_227 = arith.cmpf oeq, %select_n3A_222, %eq3A_226 : vector<128x512xf32>
    %add3A_228 = arith.constant 896 : i32
    %add3A_229 = vector.broadcast %add3A_228 : i32 to vector<128x512xi32>
    %add3A_230 = arith.addi %iota3A_25, %add3A_229 : vector<128x512xi32>
    %jit3A_231 = arith.constant 4096 : i32
    %broadcast_in_dim3A_232 = vector.broadcast %jit3A_231 : i32 to vector<128x512xi32>
    %select_n3A_233 = arith.select %eq3A_227, %add3A_230, %broadcast_in_dim3A_232 : vector<128x512xi1>, vector<128x512xi32>
    %reduce_min3A_234 = arith.constant dense<2147483647> : vector<512xi32>
    %reduce_min3A_235 = vector.multi_reduction <minsi>, %select_n3A_233, %reduce_min3A_234 [0] : vector<128x512xi32> to vector<512xi32>
    %broadcast_in_dim3A_236 = vector.shape_cast %reduce_min3A_235 : vector<512xi32> to vector<1x512xi32>
    %slice3A_237 = vector.extract_strided_slice %add3A_20 {offsets = [1024, 0], sizes = [128, 512], strides = [1, 1]} : vector<4096x512xf32> to vector<128x512xf32>
    %add3A_238 = arith.constant 1024 : i32
    %add3A_239 = vector.broadcast %add3A_238 : i32 to vector<128x512xi32>
    %add3A_240 = arith.addi %iota3A_25, %add3A_239 : vector<128x512xi32>
    %mul3A_241 = arith.constant 512 : i32
    %mul3A_242 = arith.muli %arg1, %mul3A_241 : i32
    %add3A_243 = vector.broadcast %mul3A_242 : i32 to vector<1x512xi32>
    %add3A_244 = arith.addi %iota3A, %add3A_243 : vector<1x512xi32>
    %eq3A_245 = vector.broadcast %add3A_244 : vector<1x512xi32> to vector<128x512xi32>
    %eq3A_246 = arith.cmpi eq, %add3A_240, %eq3A_245 : vector<128x512xi32>
    %jit3A_247 = arith.constant 0x7F800000 : f32
    %broadcast_in_dim3A_248 = vector.broadcast %jit3A_247 : f32 to vector<128x512xf32>
    %select_n3A_249 = arith.select %eq3A_246, %broadcast_in_dim3A_248, %slice3A_237 : vector<128x512xi1>, vector<128x512xf32>
    %reduce_min3A_250 = arith.constant dense<0x7F800000> : vector<512xf32>
    %reduce_min3A_251 = vector.multi_reduction <minimumf>, %select_n3A_249, %reduce_min3A_250 [0] : vector<128x512xf32> to vector<512xf32>
    %broadcast_in_dim3A_252 = vector.shape_cast %reduce_min3A_251 : vector<512xf32> to vector<1x512xf32>
    %eq3A_253 = vector.broadcast %broadcast_in_dim3A_252 : vector<1x512xf32> to vector<128x512xf32>
    %eq3A_254 = arith.cmpf oeq, %select_n3A_249, %eq3A_253 : vector<128x512xf32>
    %add3A_255 = arith.constant 1024 : i32
    %add3A_256 = vector.broadcast %add3A_255 : i32 to vector<128x512xi32>
    %add3A_257 = arith.addi %iota3A_25, %add3A_256 : vector<128x512xi32>
    %jit3A_258 = arith.constant 4096 : i32
    %broadcast_in_dim3A_259 = vector.broadcast %jit3A_258 : i32 to vector<128x512xi32>
    %select_n3A_260 = arith.select %eq3A_254, %add3A_257, %broadcast_in_dim3A_259 : vector<128x512xi1>, vector<128x512xi32>
    %reduce_min3A_261 = arith.constant dense<2147483647> : vector<512xi32>
    %reduce_min3A_262 = vector.multi_reduction <minsi>, %select_n3A_260, %reduce_min3A_261 [0] : vector<128x512xi32> to vector<512xi32>
    %broadcast_in_dim3A_263 = vector.shape_cast %reduce_min3A_262 : vector<512xi32> to vector<1x512xi32>
    %slice3A_264 = vector.extract_strided_slice %add3A_20 {offsets = [1152, 0], sizes = [128, 512], strides = [1, 1]} : vector<4096x512xf32> to vector<128x512xf32>
    %add3A_265 = arith.constant 1152 : i32
    %add3A_266 = vector.broadcast %add3A_265 : i32 to vector<128x512xi32>
    %add3A_267 = arith.addi %iota3A_25, %add3A_266 : vector<128x512xi32>
    %mul3A_268 = arith.constant 512 : i32
    %mul3A_269 = arith.muli %arg1, %mul3A_268 : i32
    %add3A_270 = vector.broadcast %mul3A_269 : i32 to vector<1x512xi32>
    %add3A_271 = arith.addi %iota3A, %add3A_270 : vector<1x512xi32>
    %eq3A_272 = vector.broadcast %add3A_271 : vector<1x512xi32> to vector<128x512xi32>
    %eq3A_273 = arith.cmpi eq, %add3A_267, %eq3A_272 : vector<128x512xi32>
    %jit3A_274 = arith.constant 0x7F800000 : f32
    %broadcast_in_dim3A_275 = vector.broadcast %jit3A_274 : f32 to vector<128x512xf32>
    %select_n3A_276 = arith.select %eq3A_273, %broadcast_in_dim3A_275, %slice3A_264 : vector<128x512xi1>, vector<128x512xf32>
    %reduce_min3A_277 = arith.constant dense<0x7F800000> : vector<512xf32>
    %reduce_min3A_278 = vector.multi_reduction <minimumf>, %select_n3A_276, %reduce_min3A_277 [0] : vector<128x512xf32> to vector<512xf32>
    %broadcast_in_dim3A_279 = vector.shape_cast %reduce_min3A_278 : vector<512xf32> to vector<1x512xf32>
    %eq3A_280 = vector.broadcast %broadcast_in_dim3A_279 : vector<1x512xf32> to vector<128x512xf32>
    %eq3A_281 = arith.cmpf oeq, %select_n3A_276, %eq3A_280 : vector<128x512xf32>
    %add3A_282 = arith.constant 1152 : i32
    %add3A_283 = vector.broadcast %add3A_282 : i32 to vector<128x512xi32>
    %add3A_284 = arith.addi %iota3A_25, %add3A_283 : vector<128x512xi32>
    %jit3A_285 = arith.constant 4096 : i32
    %broadcast_in_dim3A_286 = vector.broadcast %jit3A_285 : i32 to vector<128x512xi32>
    %select_n3A_287 = arith.select %eq3A_281, %add3A_284, %broadcast_in_dim3A_286 : vector<128x512xi1>, vector<128x512xi32>
    %reduce_min3A_288 = arith.constant dense<2147483647> : vector<512xi32>
    %reduce_min3A_289 = vector.multi_reduction <minsi>, %select_n3A_287, %reduce_min3A_288 [0] : vector<128x512xi32> to vector<512xi32>
    %broadcast_in_dim3A_290 = vector.shape_cast %reduce_min3A_289 : vector<512xi32> to vector<1x512xi32>
    %slice3A_291 = vector.extract_strided_slice %add3A_20 {offsets = [1280, 0], sizes = [128, 512], strides = [1, 1]} : vector<4096x512xf32> to vector<128x512xf32>
    %add3A_292 = arith.constant 1280 : i32
    %add3A_293 = vector.broadcast %add3A_292 : i32 to vector<128x512xi32>
    %add3A_294 = arith.addi %iota3A_25, %add3A_293 : vector<128x512xi32>
    %mul3A_295 = arith.constant 512 : i32
    %mul3A_296 = arith.muli %arg1, %mul3A_295 : i32
    %add3A_297 = vector.broadcast %mul3A_296 : i32 to vector<1x512xi32>
    %add3A_298 = arith.addi %iota3A, %add3A_297 : vector<1x512xi32>
    %eq3A_299 = vector.broadcast %add3A_298 : vector<1x512xi32> to vector<128x512xi32>
    %eq3A_300 = arith.cmpi eq, %add3A_294, %eq3A_299 : vector<128x512xi32>
    %jit3A_301 = arith.constant 0x7F800000 : f32
    %broadcast_in_dim3A_302 = vector.broadcast %jit3A_301 : f32 to vector<128x512xf32>
    %select_n3A_303 = arith.select %eq3A_300, %broadcast_in_dim3A_302, %slice3A_291 : vector<128x512xi1>, vector<128x512xf32>
    %reduce_min3A_304 = arith.constant dense<0x7F800000> : vector<512xf32>
    %reduce_min3A_305 = vector.multi_reduction <minimumf>, %select_n3A_303, %reduce_min3A_304 [0] : vector<128x512xf32> to vector<512xf32>
    %broadcast_in_dim3A_306 = vector.shape_cast %reduce_min3A_305 : vector<512xf32> to vector<1x512xf32>
    %eq3A_307 = vector.broadcast %broadcast_in_dim3A_306 : vector<1x512xf32> to vector<128x512xf32>
    %eq3A_308 = arith.cmpf oeq, %select_n3A_303, %eq3A_307 : vector<128x512xf32>
    %add3A_309 = arith.constant 1280 : i32
    %add3A_310 = vector.broadcast %add3A_309 : i32 to vector<128x512xi32>
    %add3A_311 = arith.addi %iota3A_25, %add3A_310 : vector<128x512xi32>
    %jit3A_312 = arith.constant 4096 : i32
    %broadcast_in_dim3A_313 = vector.broadcast %jit3A_312 : i32 to vector<128x512xi32>
    %select_n3A_314 = arith.select %eq3A_308, %add3A_311, %broadcast_in_dim3A_313 : vector<128x512xi1>, vector<128x512xi32>
    %reduce_min3A_315 = arith.constant dense<2147483647> : vector<512xi32>
    %reduce_min3A_316 = vector.multi_reduction <minsi>, %select_n3A_314, %reduce_min3A_315 [0] : vector<128x512xi32> to vector<512xi32>
    %broadcast_in_dim3A_317 = vector.shape_cast %reduce_min3A_316 : vector<512xi32> to vector<1x512xi32>
    %slice3A_318 = vector.extract_strided_slice %add3A_20 {offsets = [1408, 0], sizes = [128, 512], strides = [1, 1]} : vector<4096x512xf32> to vector<128x512xf32>
    %add3A_319 = arith.constant 1408 : i32
    %add3A_320 = vector.broadcast %add3A_319 : i32 to vector<128x512xi32>
    %add3A_321 = arith.addi %iota3A_25, %add3A_320 : vector<128x512xi32>
    %mul3A_322 = arith.constant 512 : i32
    %mul3A_323 = arith.muli %arg1, %mul3A_322 : i32
    %add3A_324 = vector.broadcast %mul3A_323 : i32 to vector<1x512xi32>
    %add3A_325 = arith.addi %iota3A, %add3A_324 : vector<1x512xi32>
    %eq3A_326 = vector.broadcast %add3A_325 : vector<1x512xi32> to vector<128x512xi32>
    %eq3A_327 = arith.cmpi eq, %add3A_321, %eq3A_326 : vector<128x512xi32>
    %jit3A_328 = arith.constant 0x7F800000 : f32
    %broadcast_in_dim3A_329 = vector.broadcast %jit3A_328 : f32 to vector<128x512xf32>
    %select_n3A_330 = arith.select %eq3A_327, %broadcast_in_dim3A_329, %slice3A_318 : vector<128x512xi1>, vector<128x512xf32>
    %reduce_min3A_331 = arith.constant dense<0x7F800000> : vector<512xf32>
    %reduce_min3A_332 = vector.multi_reduction <minimumf>, %select_n3A_330, %reduce_min3A_331 [0] : vector<128x512xf32> to vector<512xf32>
    %broadcast_in_dim3A_333 = vector.shape_cast %reduce_min3A_332 : vector<512xf32> to vector<1x512xf32>
    %eq3A_334 = vector.broadcast %broadcast_in_dim3A_333 : vector<1x512xf32> to vector<128x512xf32>
    %eq3A_335 = arith.cmpf oeq, %select_n3A_330, %eq3A_334 : vector<128x512xf32>
    %add3A_336 = arith.constant 1408 : i32
    %add3A_337 = vector.broadcast %add3A_336 : i32 to vector<128x512xi32>
    %add3A_338 = arith.addi %iota3A_25, %add3A_337 : vector<128x512xi32>
    %jit3A_339 = arith.constant 4096 : i32
    %broadcast_in_dim3A_340 = vector.broadcast %jit3A_339 : i32 to vector<128x512xi32>
    %select_n3A_341 = arith.select %eq3A_335, %add3A_338, %broadcast_in_dim3A_340 : vector<128x512xi1>, vector<128x512xi32>
    %reduce_min3A_342 = arith.constant dense<2147483647> : vector<512xi32>
    %reduce_min3A_343 = vector.multi_reduction <minsi>, %select_n3A_341, %reduce_min3A_342 [0] : vector<128x512xi32> to vector<512xi32>
    %broadcast_in_dim3A_344 = vector.shape_cast %reduce_min3A_343 : vector<512xi32> to vector<1x512xi32>
    %slice3A_345 = vector.extract_strided_slice %add3A_20 {offsets = [1536, 0], sizes = [128, 512], strides = [1, 1]} : vector<4096x512xf32> to vector<128x512xf32>
    %add3A_346 = arith.constant 1536 : i32
    %add3A_347 = vector.broadcast %add3A_346 : i32 to vector<128x512xi32>
    %add3A_348 = arith.addi %iota3A_25, %add3A_347 : vector<128x512xi32>
    %mul3A_349 = arith.constant 512 : i32
    %mul3A_350 = arith.muli %arg1, %mul3A_349 : i32
    %add3A_351 = vector.broadcast %mul3A_350 : i32 to vector<1x512xi32>
    %add3A_352 = arith.addi %iota3A, %add3A_351 : vector<1x512xi32>
    %eq3A_353 = vector.broadcast %add3A_352 : vector<1x512xi32> to vector<128x512xi32>
    %eq3A_354 = arith.cmpi eq, %add3A_348, %eq3A_353 : vector<128x512xi32>
    %jit3A_355 = arith.constant 0x7F800000 : f32
    %broadcast_in_dim3A_356 = vector.broadcast %jit3A_355 : f32 to vector<128x512xf32>
    %select_n3A_357 = arith.select %eq3A_354, %broadcast_in_dim3A_356, %slice3A_345 : vector<128x512xi1>, vector<128x512xf32>
    %reduce_min3A_358 = arith.constant dense<0x7F800000> : vector<512xf32>
    %reduce_min3A_359 = vector.multi_reduction <minimumf>, %select_n3A_357, %reduce_min3A_358 [0] : vector<128x512xf32> to vector<512xf32>
    %broadcast_in_dim3A_360 = vector.shape_cast %reduce_min3A_359 : vector<512xf32> to vector<1x512xf32>
    %eq3A_361 = vector.broadcast %broadcast_in_dim3A_360 : vector<1x512xf32> to vector<128x512xf32>
    %eq3A_362 = arith.cmpf oeq, %select_n3A_357, %eq3A_361 : vector<128x512xf32>
    %add3A_363 = arith.constant 1536 : i32
    %add3A_364 = vector.broadcast %add3A_363 : i32 to vector<128x512xi32>
    %add3A_365 = arith.addi %iota3A_25, %add3A_364 : vector<128x512xi32>
    %jit3A_366 = arith.constant 4096 : i32
    %broadcast_in_dim3A_367 = vector.broadcast %jit3A_366 : i32 to vector<128x512xi32>
    %select_n3A_368 = arith.select %eq3A_362, %add3A_365, %broadcast_in_dim3A_367 : vector<128x512xi1>, vector<128x512xi32>
    %reduce_min3A_369 = arith.constant dense<2147483647> : vector<512xi32>
    %reduce_min3A_370 = vector.multi_reduction <minsi>, %select_n3A_368, %reduce_min3A_369 [0] : vector<128x512xi32> to vector<512xi32>
    %broadcast_in_dim3A_371 = vector.shape_cast %reduce_min3A_370 : vector<512xi32> to vector<1x512xi32>
    %slice3A_372 = vector.extract_strided_slice %add3A_20 {offsets = [1664, 0], sizes = [128, 512], strides = [1, 1]} : vector<4096x512xf32> to vector<128x512xf32>
    %add3A_373 = arith.constant 1664 : i32
    %add3A_374 = vector.broadcast %add3A_373 : i32 to vector<128x512xi32>
    %add3A_375 = arith.addi %iota3A_25, %add3A_374 : vector<128x512xi32>
    %mul3A_376 = arith.constant 512 : i32
    %mul3A_377 = arith.muli %arg1, %mul3A_376 : i32
    %add3A_378 = vector.broadcast %mul3A_377 : i32 to vector<1x512xi32>
    %add3A_379 = arith.addi %iota3A, %add3A_378 : vector<1x512xi32>
    %eq3A_380 = vector.broadcast %add3A_379 : vector<1x512xi32> to vector<128x512xi32>
    %eq3A_381 = arith.cmpi eq, %add3A_375, %eq3A_380 : vector<128x512xi32>
    %jit3A_382 = arith.constant 0x7F800000 : f32
    %broadcast_in_dim3A_383 = vector.broadcast %jit3A_382 : f32 to vector<128x512xf32>
    %select_n3A_384 = arith.select %eq3A_381, %broadcast_in_dim3A_383, %slice3A_372 : vector<128x512xi1>, vector<128x512xf32>
    %reduce_min3A_385 = arith.constant dense<0x7F800000> : vector<512xf32>
    %reduce_min3A_386 = vector.multi_reduction <minimumf>, %select_n3A_384, %reduce_min3A_385 [0] : vector<128x512xf32> to vector<512xf32>
    %broadcast_in_dim3A_387 = vector.shape_cast %reduce_min3A_386 : vector<512xf32> to vector<1x512xf32>
    %eq3A_388 = vector.broadcast %broadcast_in_dim3A_387 : vector<1x512xf32> to vector<128x512xf32>
    %eq3A_389 = arith.cmpf oeq, %select_n3A_384, %eq3A_388 : vector<128x512xf32>
    %add3A_390 = arith.constant 1664 : i32
    %add3A_391 = vector.broadcast %add3A_390 : i32 to vector<128x512xi32>
    %add3A_392 = arith.addi %iota3A_25, %add3A_391 : vector<128x512xi32>
    %jit3A_393 = arith.constant 4096 : i32
    %broadcast_in_dim3A_394 = vector.broadcast %jit3A_393 : i32 to vector<128x512xi32>
    %select_n3A_395 = arith.select %eq3A_389, %add3A_392, %broadcast_in_dim3A_394 : vector<128x512xi1>, vector<128x512xi32>
    %reduce_min3A_396 = arith.constant dense<2147483647> : vector<512xi32>
    %reduce_min3A_397 = vector.multi_reduction <minsi>, %select_n3A_395, %reduce_min3A_396 [0] : vector<128x512xi32> to vector<512xi32>
    %broadcast_in_dim3A_398 = vector.shape_cast %reduce_min3A_397 : vector<512xi32> to vector<1x512xi32>
    %slice3A_399 = vector.extract_strided_slice %add3A_20 {offsets = [1792, 0], sizes = [128, 512], strides = [1, 1]} : vector<4096x512xf32> to vector<128x512xf32>
    %add3A_400 = arith.constant 1792 : i32
    %add3A_401 = vector.broadcast %add3A_400 : i32 to vector<128x512xi32>
    %add3A_402 = arith.addi %iota3A_25, %add3A_401 : vector<128x512xi32>
    %mul3A_403 = arith.constant 512 : i32
    %mul3A_404 = arith.muli %arg1, %mul3A_403 : i32
    %add3A_405 = vector.broadcast %mul3A_404 : i32 to vector<1x512xi32>
    %add3A_406 = arith.addi %iota3A, %add3A_405 : vector<1x512xi32>
    %eq3A_407 = vector.broadcast %add3A_406 : vector<1x512xi32> to vector<128x512xi32>
    %eq3A_408 = arith.cmpi eq, %add3A_402, %eq3A_407 : vector<128x512xi32>
    %jit3A_409 = arith.constant 0x7F800000 : f32
    %broadcast_in_dim3A_410 = vector.broadcast %jit3A_409 : f32 to vector<128x512xf32>
    %select_n3A_411 = arith.select %eq3A_408, %broadcast_in_dim3A_410, %slice3A_399 : vector<128x512xi1>, vector<128x512xf32>
    %reduce_min3A_412 = arith.constant dense<0x7F800000> : vector<512xf32>
    %reduce_min3A_413 = vector.multi_reduction <minimumf>, %select_n3A_411, %reduce_min3A_412 [0] : vector<128x512xf32> to vector<512xf32>
    %broadcast_in_dim3A_414 = vector.shape_cast %reduce_min3A_413 : vector<512xf32> to vector<1x512xf32>
    %eq3A_415 = vector.broadcast %broadcast_in_dim3A_414 : vector<1x512xf32> to vector<128x512xf32>
    %eq3A_416 = arith.cmpf oeq, %select_n3A_411, %eq3A_415 : vector<128x512xf32>
    %add3A_417 = arith.constant 1792 : i32
    %add3A_418 = vector.broadcast %add3A_417 : i32 to vector<128x512xi32>
    %add3A_419 = arith.addi %iota3A_25, %add3A_418 : vector<128x512xi32>
    %jit3A_420 = arith.constant 4096 : i32
    %broadcast_in_dim3A_421 = vector.broadcast %jit3A_420 : i32 to vector<128x512xi32>
    %select_n3A_422 = arith.select %eq3A_416, %add3A_419, %broadcast_in_dim3A_421 : vector<128x512xi1>, vector<128x512xi32>
    %reduce_min3A_423 = arith.constant dense<2147483647> : vector<512xi32>
    %reduce_min3A_424 = vector.multi_reduction <minsi>, %select_n3A_422, %reduce_min3A_423 [0] : vector<128x512xi32> to vector<512xi32>
    %broadcast_in_dim3A_425 = vector.shape_cast %reduce_min3A_424 : vector<512xi32> to vector<1x512xi32>
    %slice3A_426 = vector.extract_strided_slice %add3A_20 {offsets = [1920, 0], sizes = [128, 512], strides = [1, 1]} : vector<4096x512xf32> to vector<128x512xf32>
    %add3A_427 = arith.constant 1920 : i32
    %add3A_428 = vector.broadcast %add3A_427 : i32 to vector<128x512xi32>
    %add3A_429 = arith.addi %iota3A_25, %add3A_428 : vector<128x512xi32>
    %mul3A_430 = arith.constant 512 : i32
    %mul3A_431 = arith.muli %arg1, %mul3A_430 : i32
    %add3A_432 = vector.broadcast %mul3A_431 : i32 to vector<1x512xi32>
    %add3A_433 = arith.addi %iota3A, %add3A_432 : vector<1x512xi32>
    %eq3A_434 = vector.broadcast %add3A_433 : vector<1x512xi32> to vector<128x512xi32>
    %eq3A_435 = arith.cmpi eq, %add3A_429, %eq3A_434 : vector<128x512xi32>
    %jit3A_436 = arith.constant 0x7F800000 : f32
    %broadcast_in_dim3A_437 = vector.broadcast %jit3A_436 : f32 to vector<128x512xf32>
    %select_n3A_438 = arith.select %eq3A_435, %broadcast_in_dim3A_437, %slice3A_426 : vector<128x512xi1>, vector<128x512xf32>
    %reduce_min3A_439 = arith.constant dense<0x7F800000> : vector<512xf32>
    %reduce_min3A_440 = vector.multi_reduction <minimumf>, %select_n3A_438, %reduce_min3A_439 [0] : vector<128x512xf32> to vector<512xf32>
    %broadcast_in_dim3A_441 = vector.shape_cast %reduce_min3A_440 : vector<512xf32> to vector<1x512xf32>
    %eq3A_442 = vector.broadcast %broadcast_in_dim3A_441 : vector<1x512xf32> to vector<128x512xf32>
    %eq3A_443 = arith.cmpf oeq, %select_n3A_438, %eq3A_442 : vector<128x512xf32>
    %add3A_444 = arith.constant 1920 : i32
    %add3A_445 = vector.broadcast %add3A_444 : i32 to vector<128x512xi32>
    %add3A_446 = arith.addi %iota3A_25, %add3A_445 : vector<128x512xi32>
    %jit3A_447 = arith.constant 4096 : i32
    %broadcast_in_dim3A_448 = vector.broadcast %jit3A_447 : i32 to vector<128x512xi32>
    %select_n3A_449 = arith.select %eq3A_443, %add3A_446, %broadcast_in_dim3A_448 : vector<128x512xi1>, vector<128x512xi32>
    %reduce_min3A_450 = arith.constant dense<2147483647> : vector<512xi32>
    %reduce_min3A_451 = vector.multi_reduction <minsi>, %select_n3A_449, %reduce_min3A_450 [0] : vector<128x512xi32> to vector<512xi32>
    %broadcast_in_dim3A_452 = vector.shape_cast %reduce_min3A_451 : vector<512xi32> to vector<1x512xi32>
    %slice3A_453 = vector.extract_strided_slice %add3A_20 {offsets = [2048, 0], sizes = [128, 512], strides = [1, 1]} : vector<4096x512xf32> to vector<128x512xf32>
    %add3A_454 = arith.constant 2048 : i32
    %add3A_455 = vector.broadcast %add3A_454 : i32 to vector<128x512xi32>
    %add3A_456 = arith.addi %iota3A_25, %add3A_455 : vector<128x512xi32>
    %mul3A_457 = arith.constant 512 : i32
    %mul3A_458 = arith.muli %arg1, %mul3A_457 : i32
    %add3A_459 = vector.broadcast %mul3A_458 : i32 to vector<1x512xi32>
    %add3A_460 = arith.addi %iota3A, %add3A_459 : vector<1x512xi32>
    %eq3A_461 = vector.broadcast %add3A_460 : vector<1x512xi32> to vector<128x512xi32>
    %eq3A_462 = arith.cmpi eq, %add3A_456, %eq3A_461 : vector<128x512xi32>
    %jit3A_463 = arith.constant 0x7F800000 : f32
    %broadcast_in_dim3A_464 = vector.broadcast %jit3A_463 : f32 to vector<128x512xf32>
    %select_n3A_465 = arith.select %eq3A_462, %broadcast_in_dim3A_464, %slice3A_453 : vector<128x512xi1>, vector<128x512xf32>
    %reduce_min3A_466 = arith.constant dense<0x7F800000> : vector<512xf32>
    %reduce_min3A_467 = vector.multi_reduction <minimumf>, %select_n3A_465, %reduce_min3A_466 [0] : vector<128x512xf32> to vector<512xf32>
    %broadcast_in_dim3A_468 = vector.shape_cast %reduce_min3A_467 : vector<512xf32> to vector<1x512xf32>
    %eq3A_469 = vector.broadcast %broadcast_in_dim3A_468 : vector<1x512xf32> to vector<128x512xf32>
    %eq3A_470 = arith.cmpf oeq, %select_n3A_465, %eq3A_469 : vector<128x512xf32>
    %add3A_471 = arith.constant 2048 : i32
    %add3A_472 = vector.broadcast %add3A_471 : i32 to vector<128x512xi32>
    %add3A_473 = arith.addi %iota3A_25, %add3A_472 : vector<128x512xi32>
    %jit3A_474 = arith.constant 4096 : i32
    %broadcast_in_dim3A_475 = vector.broadcast %jit3A_474 : i32 to vector<128x512xi32>
    %select_n3A_476 = arith.select %eq3A_470, %add3A_473, %broadcast_in_dim3A_475 : vector<128x512xi1>, vector<128x512xi32>
    %reduce_min3A_477 = arith.constant dense<2147483647> : vector<512xi32>
    %reduce_min3A_478 = vector.multi_reduction <minsi>, %select_n3A_476, %reduce_min3A_477 [0] : vector<128x512xi32> to vector<512xi32>
    %broadcast_in_dim3A_479 = vector.shape_cast %reduce_min3A_478 : vector<512xi32> to vector<1x512xi32>
    %slice3A_480 = vector.extract_strided_slice %add3A_20 {offsets = [2176, 0], sizes = [128, 512], strides = [1, 1]} : vector<4096x512xf32> to vector<128x512xf32>
    %add3A_481 = arith.constant 2176 : i32
    %add3A_482 = vector.broadcast %add3A_481 : i32 to vector<128x512xi32>
    %add3A_483 = arith.addi %iota3A_25, %add3A_482 : vector<128x512xi32>
    %mul3A_484 = arith.constant 512 : i32
    %mul3A_485 = arith.muli %arg1, %mul3A_484 : i32
    %add3A_486 = vector.broadcast %mul3A_485 : i32 to vector<1x512xi32>
    %add3A_487 = arith.addi %iota3A, %add3A_486 : vector<1x512xi32>
    %eq3A_488 = vector.broadcast %add3A_487 : vector<1x512xi32> to vector<128x512xi32>
    %eq3A_489 = arith.cmpi eq, %add3A_483, %eq3A_488 : vector<128x512xi32>
    %jit3A_490 = arith.constant 0x7F800000 : f32
    %broadcast_in_dim3A_491 = vector.broadcast %jit3A_490 : f32 to vector<128x512xf32>
    %select_n3A_492 = arith.select %eq3A_489, %broadcast_in_dim3A_491, %slice3A_480 : vector<128x512xi1>, vector<128x512xf32>
    %reduce_min3A_493 = arith.constant dense<0x7F800000> : vector<512xf32>
    %reduce_min3A_494 = vector.multi_reduction <minimumf>, %select_n3A_492, %reduce_min3A_493 [0] : vector<128x512xf32> to vector<512xf32>
    %broadcast_in_dim3A_495 = vector.shape_cast %reduce_min3A_494 : vector<512xf32> to vector<1x512xf32>
    %eq3A_496 = vector.broadcast %broadcast_in_dim3A_495 : vector<1x512xf32> to vector<128x512xf32>
    %eq3A_497 = arith.cmpf oeq, %select_n3A_492, %eq3A_496 : vector<128x512xf32>
    %add3A_498 = arith.constant 2176 : i32
    %add3A_499 = vector.broadcast %add3A_498 : i32 to vector<128x512xi32>
    %add3A_500 = arith.addi %iota3A_25, %add3A_499 : vector<128x512xi32>
    %jit3A_501 = arith.constant 4096 : i32
    %broadcast_in_dim3A_502 = vector.broadcast %jit3A_501 : i32 to vector<128x512xi32>
    %select_n3A_503 = arith.select %eq3A_497, %add3A_500, %broadcast_in_dim3A_502 : vector<128x512xi1>, vector<128x512xi32>
    %reduce_min3A_504 = arith.constant dense<2147483647> : vector<512xi32>
    %reduce_min3A_505 = vector.multi_reduction <minsi>, %select_n3A_503, %reduce_min3A_504 [0] : vector<128x512xi32> to vector<512xi32>
    %broadcast_in_dim3A_506 = vector.shape_cast %reduce_min3A_505 : vector<512xi32> to vector<1x512xi32>
    %slice3A_507 = vector.extract_strided_slice %add3A_20 {offsets = [2304, 0], sizes = [128, 512], strides = [1, 1]} : vector<4096x512xf32> to vector<128x512xf32>
    %add3A_508 = arith.constant 2304 : i32
    %add3A_509 = vector.broadcast %add3A_508 : i32 to vector<128x512xi32>
    %add3A_510 = arith.addi %iota3A_25, %add3A_509 : vector<128x512xi32>
    %mul3A_511 = arith.constant 512 : i32
    %mul3A_512 = arith.muli %arg1, %mul3A_511 : i32
    %add3A_513 = vector.broadcast %mul3A_512 : i32 to vector<1x512xi32>
    %add3A_514 = arith.addi %iota3A, %add3A_513 : vector<1x512xi32>
    %eq3A_515 = vector.broadcast %add3A_514 : vector<1x512xi32> to vector<128x512xi32>
    %eq3A_516 = arith.cmpi eq, %add3A_510, %eq3A_515 : vector<128x512xi32>
    %jit3A_517 = arith.constant 0x7F800000 : f32
    %broadcast_in_dim3A_518 = vector.broadcast %jit3A_517 : f32 to vector<128x512xf32>
    %select_n3A_519 = arith.select %eq3A_516, %broadcast_in_dim3A_518, %slice3A_507 : vector<128x512xi1>, vector<128x512xf32>
    %reduce_min3A_520 = arith.constant dense<0x7F800000> : vector<512xf32>
    %reduce_min3A_521 = vector.multi_reduction <minimumf>, %select_n3A_519, %reduce_min3A_520 [0] : vector<128x512xf32> to vector<512xf32>
    %broadcast_in_dim3A_522 = vector.shape_cast %reduce_min3A_521 : vector<512xf32> to vector<1x512xf32>
    %eq3A_523 = vector.broadcast %broadcast_in_dim3A_522 : vector<1x512xf32> to vector<128x512xf32>
    %eq3A_524 = arith.cmpf oeq, %select_n3A_519, %eq3A_523 : vector<128x512xf32>
    %add3A_525 = arith.constant 2304 : i32
    %add3A_526 = vector.broadcast %add3A_525 : i32 to vector<128x512xi32>
    %add3A_527 = arith.addi %iota3A_25, %add3A_526 : vector<128x512xi32>
    %jit3A_528 = arith.constant 4096 : i32
    %broadcast_in_dim3A_529 = vector.broadcast %jit3A_528 : i32 to vector<128x512xi32>
    %select_n3A_530 = arith.select %eq3A_524, %add3A_527, %broadcast_in_dim3A_529 : vector<128x512xi1>, vector<128x512xi32>
    %reduce_min3A_531 = arith.constant dense<2147483647> : vector<512xi32>
    %reduce_min3A_532 = vector.multi_reduction <minsi>, %select_n3A_530, %reduce_min3A_531 [0] : vector<128x512xi32> to vector<512xi32>
    %broadcast_in_dim3A_533 = vector.shape_cast %reduce_min3A_532 : vector<512xi32> to vector<1x512xi32>
    %slice3A_534 = vector.extract_strided_slice %add3A_20 {offsets = [2432, 0], sizes = [128, 512], strides = [1, 1]} : vector<4096x512xf32> to vector<128x512xf32>
    %add3A_535 = arith.constant 2432 : i32
    %add3A_536 = vector.broadcast %add3A_535 : i32 to vector<128x512xi32>
    %add3A_537 = arith.addi %iota3A_25, %add3A_536 : vector<128x512xi32>
    %mul3A_538 = arith.constant 512 : i32
    %mul3A_539 = arith.muli %arg1, %mul3A_538 : i32
    %add3A_540 = vector.broadcast %mul3A_539 : i32 to vector<1x512xi32>
    %add3A_541 = arith.addi %iota3A, %add3A_540 : vector<1x512xi32>
    %eq3A_542 = vector.broadcast %add3A_541 : vector<1x512xi32> to vector<128x512xi32>
    %eq3A_543 = arith.cmpi eq, %add3A_537, %eq3A_542 : vector<128x512xi32>
    %jit3A_544 = arith.constant 0x7F800000 : f32
    %broadcast_in_dim3A_545 = vector.broadcast %jit3A_544 : f32 to vector<128x512xf32>
    %select_n3A_546 = arith.select %eq3A_543, %broadcast_in_dim3A_545, %slice3A_534 : vector<128x512xi1>, vector<128x512xf32>
    %reduce_min3A_547 = arith.constant dense<0x7F800000> : vector<512xf32>
    %reduce_min3A_548 = vector.multi_reduction <minimumf>, %select_n3A_546, %reduce_min3A_547 [0] : vector<128x512xf32> to vector<512xf32>
    %broadcast_in_dim3A_549 = vector.shape_cast %reduce_min3A_548 : vector<512xf32> to vector<1x512xf32>
    %eq3A_550 = vector.broadcast %broadcast_in_dim3A_549 : vector<1x512xf32> to vector<128x512xf32>
    %eq3A_551 = arith.cmpf oeq, %select_n3A_546, %eq3A_550 : vector<128x512xf32>
    %add3A_552 = arith.constant 2432 : i32
    %add3A_553 = vector.broadcast %add3A_552 : i32 to vector<128x512xi32>
    %add3A_554 = arith.addi %iota3A_25, %add3A_553 : vector<128x512xi32>
    %jit3A_555 = arith.constant 4096 : i32
    %broadcast_in_dim3A_556 = vector.broadcast %jit3A_555 : i32 to vector<128x512xi32>
    %select_n3A_557 = arith.select %eq3A_551, %add3A_554, %broadcast_in_dim3A_556 : vector<128x512xi1>, vector<128x512xi32>
    %reduce_min3A_558 = arith.constant dense<2147483647> : vector<512xi32>
    %reduce_min3A_559 = vector.multi_reduction <minsi>, %select_n3A_557, %reduce_min3A_558 [0] : vector<128x512xi32> to vector<512xi32>
    %broadcast_in_dim3A_560 = vector.shape_cast %reduce_min3A_559 : vector<512xi32> to vector<1x512xi32>
    %slice3A_561 = vector.extract_strided_slice %add3A_20 {offsets = [2560, 0], sizes = [128, 512], strides = [1, 1]} : vector<4096x512xf32> to vector<128x512xf32>
    %add3A_562 = arith.constant 2560 : i32
    %add3A_563 = vector.broadcast %add3A_562 : i32 to vector<128x512xi32>
    %add3A_564 = arith.addi %iota3A_25, %add3A_563 : vector<128x512xi32>
    %mul3A_565 = arith.constant 512 : i32
    %mul3A_566 = arith.muli %arg1, %mul3A_565 : i32
    %add3A_567 = vector.broadcast %mul3A_566 : i32 to vector<1x512xi32>
    %add3A_568 = arith.addi %iota3A, %add3A_567 : vector<1x512xi32>
    %eq3A_569 = vector.broadcast %add3A_568 : vector<1x512xi32> to vector<128x512xi32>
    %eq3A_570 = arith.cmpi eq, %add3A_564, %eq3A_569 : vector<128x512xi32>
    %jit3A_571 = arith.constant 0x7F800000 : f32
    %broadcast_in_dim3A_572 = vector.broadcast %jit3A_571 : f32 to vector<128x512xf32>
    %select_n3A_573 = arith.select %eq3A_570, %broadcast_in_dim3A_572, %slice3A_561 : vector<128x512xi1>, vector<128x512xf32>
    %reduce_min3A_574 = arith.constant dense<0x7F800000> : vector<512xf32>
    %reduce_min3A_575 = vector.multi_reduction <minimumf>, %select_n3A_573, %reduce_min3A_574 [0] : vector<128x512xf32> to vector<512xf32>
    %broadcast_in_dim3A_576 = vector.shape_cast %reduce_min3A_575 : vector<512xf32> to vector<1x512xf32>
    %eq3A_577 = vector.broadcast %broadcast_in_dim3A_576 : vector<1x512xf32> to vector<128x512xf32>
    %eq3A_578 = arith.cmpf oeq, %select_n3A_573, %eq3A_577 : vector<128x512xf32>
    %add3A_579 = arith.constant 2560 : i32
    %add3A_580 = vector.broadcast %add3A_579 : i32 to vector<128x512xi32>
    %add3A_581 = arith.addi %iota3A_25, %add3A_580 : vector<128x512xi32>
    %jit3A_582 = arith.constant 4096 : i32
    %broadcast_in_dim3A_583 = vector.broadcast %jit3A_582 : i32 to vector<128x512xi32>
    %select_n3A_584 = arith.select %eq3A_578, %add3A_581, %broadcast_in_dim3A_583 : vector<128x512xi1>, vector<128x512xi32>
    %reduce_min3A_585 = arith.constant dense<2147483647> : vector<512xi32>
    %reduce_min3A_586 = vector.multi_reduction <minsi>, %select_n3A_584, %reduce_min3A_585 [0] : vector<128x512xi32> to vector<512xi32>
    %broadcast_in_dim3A_587 = vector.shape_cast %reduce_min3A_586 : vector<512xi32> to vector<1x512xi32>
    %slice3A_588 = vector.extract_strided_slice %add3A_20 {offsets = [2688, 0], sizes = [128, 512], strides = [1, 1]} : vector<4096x512xf32> to vector<128x512xf32>
    %add3A_589 = arith.constant 2688 : i32
    %add3A_590 = vector.broadcast %add3A_589 : i32 to vector<128x512xi32>
    %add3A_591 = arith.addi %iota3A_25, %add3A_590 : vector<128x512xi32>
    %mul3A_592 = arith.constant 512 : i32
    %mul3A_593 = arith.muli %arg1, %mul3A_592 : i32
    %add3A_594 = vector.broadcast %mul3A_593 : i32 to vector<1x512xi32>
    %add3A_595 = arith.addi %iota3A, %add3A_594 : vector<1x512xi32>
    %eq3A_596 = vector.broadcast %add3A_595 : vector<1x512xi32> to vector<128x512xi32>
    %eq3A_597 = arith.cmpi eq, %add3A_591, %eq3A_596 : vector<128x512xi32>
    %jit3A_598 = arith.constant 0x7F800000 : f32
    %broadcast_in_dim3A_599 = vector.broadcast %jit3A_598 : f32 to vector<128x512xf32>
    %select_n3A_600 = arith.select %eq3A_597, %broadcast_in_dim3A_599, %slice3A_588 : vector<128x512xi1>, vector<128x512xf32>
    %reduce_min3A_601 = arith.constant dense<0x7F800000> : vector<512xf32>
    %reduce_min3A_602 = vector.multi_reduction <minimumf>, %select_n3A_600, %reduce_min3A_601 [0] : vector<128x512xf32> to vector<512xf32>
    %broadcast_in_dim3A_603 = vector.shape_cast %reduce_min3A_602 : vector<512xf32> to vector<1x512xf32>
    %eq3A_604 = vector.broadcast %broadcast_in_dim3A_603 : vector<1x512xf32> to vector<128x512xf32>
    %eq3A_605 = arith.cmpf oeq, %select_n3A_600, %eq3A_604 : vector<128x512xf32>
    %add3A_606 = arith.constant 2688 : i32
    %add3A_607 = vector.broadcast %add3A_606 : i32 to vector<128x512xi32>
    %add3A_608 = arith.addi %iota3A_25, %add3A_607 : vector<128x512xi32>
    %jit3A_609 = arith.constant 4096 : i32
    %broadcast_in_dim3A_610 = vector.broadcast %jit3A_609 : i32 to vector<128x512xi32>
    %select_n3A_611 = arith.select %eq3A_605, %add3A_608, %broadcast_in_dim3A_610 : vector<128x512xi1>, vector<128x512xi32>
    %reduce_min3A_612 = arith.constant dense<2147483647> : vector<512xi32>
    %reduce_min3A_613 = vector.multi_reduction <minsi>, %select_n3A_611, %reduce_min3A_612 [0] : vector<128x512xi32> to vector<512xi32>
    %broadcast_in_dim3A_614 = vector.shape_cast %reduce_min3A_613 : vector<512xi32> to vector<1x512xi32>
    %slice3A_615 = vector.extract_strided_slice %add3A_20 {offsets = [2816, 0], sizes = [128, 512], strides = [1, 1]} : vector<4096x512xf32> to vector<128x512xf32>
    %add3A_616 = arith.constant 2816 : i32
    %add3A_617 = vector.broadcast %add3A_616 : i32 to vector<128x512xi32>
    %add3A_618 = arith.addi %iota3A_25, %add3A_617 : vector<128x512xi32>
    %mul3A_619 = arith.constant 512 : i32
    %mul3A_620 = arith.muli %arg1, %mul3A_619 : i32
    %add3A_621 = vector.broadcast %mul3A_620 : i32 to vector<1x512xi32>
    %add3A_622 = arith.addi %iota3A, %add3A_621 : vector<1x512xi32>
    %eq3A_623 = vector.broadcast %add3A_622 : vector<1x512xi32> to vector<128x512xi32>
    %eq3A_624 = arith.cmpi eq, %add3A_618, %eq3A_623 : vector<128x512xi32>
    %jit3A_625 = arith.constant 0x7F800000 : f32
    %broadcast_in_dim3A_626 = vector.broadcast %jit3A_625 : f32 to vector<128x512xf32>
    %select_n3A_627 = arith.select %eq3A_624, %broadcast_in_dim3A_626, %slice3A_615 : vector<128x512xi1>, vector<128x512xf32>
    %reduce_min3A_628 = arith.constant dense<0x7F800000> : vector<512xf32>
    %reduce_min3A_629 = vector.multi_reduction <minimumf>, %select_n3A_627, %reduce_min3A_628 [0] : vector<128x512xf32> to vector<512xf32>
    %broadcast_in_dim3A_630 = vector.shape_cast %reduce_min3A_629 : vector<512xf32> to vector<1x512xf32>
    %eq3A_631 = vector.broadcast %broadcast_in_dim3A_630 : vector<1x512xf32> to vector<128x512xf32>
    %eq3A_632 = arith.cmpf oeq, %select_n3A_627, %eq3A_631 : vector<128x512xf32>
    %add3A_633 = arith.constant 2816 : i32
    %add3A_634 = vector.broadcast %add3A_633 : i32 to vector<128x512xi32>
    %add3A_635 = arith.addi %iota3A_25, %add3A_634 : vector<128x512xi32>
    %jit3A_636 = arith.constant 4096 : i32
    %broadcast_in_dim3A_637 = vector.broadcast %jit3A_636 : i32 to vector<128x512xi32>
    %select_n3A_638 = arith.select %eq3A_632, %add3A_635, %broadcast_in_dim3A_637 : vector<128x512xi1>, vector<128x512xi32>
    %reduce_min3A_639 = arith.constant dense<2147483647> : vector<512xi32>
    %reduce_min3A_640 = vector.multi_reduction <minsi>, %select_n3A_638, %reduce_min3A_639 [0] : vector<128x512xi32> to vector<512xi32>
    %broadcast_in_dim3A_641 = vector.shape_cast %reduce_min3A_640 : vector<512xi32> to vector<1x512xi32>
    %slice3A_642 = vector.extract_strided_slice %add3A_20 {offsets = [2944, 0], sizes = [128, 512], strides = [1, 1]} : vector<4096x512xf32> to vector<128x512xf32>
    %add3A_643 = arith.constant 2944 : i32
    %add3A_644 = vector.broadcast %add3A_643 : i32 to vector<128x512xi32>
    %add3A_645 = arith.addi %iota3A_25, %add3A_644 : vector<128x512xi32>
    %mul3A_646 = arith.constant 512 : i32
    %mul3A_647 = arith.muli %arg1, %mul3A_646 : i32
    %add3A_648 = vector.broadcast %mul3A_647 : i32 to vector<1x512xi32>
    %add3A_649 = arith.addi %iota3A, %add3A_648 : vector<1x512xi32>
    %eq3A_650 = vector.broadcast %add3A_649 : vector<1x512xi32> to vector<128x512xi32>
    %eq3A_651 = arith.cmpi eq, %add3A_645, %eq3A_650 : vector<128x512xi32>
    %jit3A_652 = arith.constant 0x7F800000 : f32
    %broadcast_in_dim3A_653 = vector.broadcast %jit3A_652 : f32 to vector<128x512xf32>
    %select_n3A_654 = arith.select %eq3A_651, %broadcast_in_dim3A_653, %slice3A_642 : vector<128x512xi1>, vector<128x512xf32>
    %reduce_min3A_655 = arith.constant dense<0x7F800000> : vector<512xf32>
    %reduce_min3A_656 = vector.multi_reduction <minimumf>, %select_n3A_654, %reduce_min3A_655 [0] : vector<128x512xf32> to vector<512xf32>
    %broadcast_in_dim3A_657 = vector.shape_cast %reduce_min3A_656 : vector<512xf32> to vector<1x512xf32>
    %eq3A_658 = vector.broadcast %broadcast_in_dim3A_657 : vector<1x512xf32> to vector<128x512xf32>
    %eq3A_659 = arith.cmpf oeq, %select_n3A_654, %eq3A_658 : vector<128x512xf32>
    %add3A_660 = arith.constant 2944 : i32
    %add3A_661 = vector.broadcast %add3A_660 : i32 to vector<128x512xi32>
    %add3A_662 = arith.addi %iota3A_25, %add3A_661 : vector<128x512xi32>
    %jit3A_663 = arith.constant 4096 : i32
    %broadcast_in_dim3A_664 = vector.broadcast %jit3A_663 : i32 to vector<128x512xi32>
    %select_n3A_665 = arith.select %eq3A_659, %add3A_662, %broadcast_in_dim3A_664 : vector<128x512xi1>, vector<128x512xi32>
    %reduce_min3A_666 = arith.constant dense<2147483647> : vector<512xi32>
    %reduce_min3A_667 = vector.multi_reduction <minsi>, %select_n3A_665, %reduce_min3A_666 [0] : vector<128x512xi32> to vector<512xi32>
    %broadcast_in_dim3A_668 = vector.shape_cast %reduce_min3A_667 : vector<512xi32> to vector<1x512xi32>
    %slice3A_669 = vector.extract_strided_slice %add3A_20 {offsets = [3072, 0], sizes = [128, 512], strides = [1, 1]} : vector<4096x512xf32> to vector<128x512xf32>
    %add3A_670 = arith.constant 3072 : i32
    %add3A_671 = vector.broadcast %add3A_670 : i32 to vector<128x512xi32>
    %add3A_672 = arith.addi %iota3A_25, %add3A_671 : vector<128x512xi32>
    %mul3A_673 = arith.constant 512 : i32
    %mul3A_674 = arith.muli %arg1, %mul3A_673 : i32
    %add3A_675 = vector.broadcast %mul3A_674 : i32 to vector<1x512xi32>
    %add3A_676 = arith.addi %iota3A, %add3A_675 : vector<1x512xi32>
    %eq3A_677 = vector.broadcast %add3A_676 : vector<1x512xi32> to vector<128x512xi32>
    %eq3A_678 = arith.cmpi eq, %add3A_672, %eq3A_677 : vector<128x512xi32>
    %jit3A_679 = arith.constant 0x7F800000 : f32
    %broadcast_in_dim3A_680 = vector.broadcast %jit3A_679 : f32 to vector<128x512xf32>
    %select_n3A_681 = arith.select %eq3A_678, %broadcast_in_dim3A_680, %slice3A_669 : vector<128x512xi1>, vector<128x512xf32>
    %reduce_min3A_682 = arith.constant dense<0x7F800000> : vector<512xf32>
    %reduce_min3A_683 = vector.multi_reduction <minimumf>, %select_n3A_681, %reduce_min3A_682 [0] : vector<128x512xf32> to vector<512xf32>
    %broadcast_in_dim3A_684 = vector.shape_cast %reduce_min3A_683 : vector<512xf32> to vector<1x512xf32>
    %eq3A_685 = vector.broadcast %broadcast_in_dim3A_684 : vector<1x512xf32> to vector<128x512xf32>
    %eq3A_686 = arith.cmpf oeq, %select_n3A_681, %eq3A_685 : vector<128x512xf32>
    %add3A_687 = arith.constant 3072 : i32
    %add3A_688 = vector.broadcast %add3A_687 : i32 to vector<128x512xi32>
    %add3A_689 = arith.addi %iota3A_25, %add3A_688 : vector<128x512xi32>
    %jit3A_690 = arith.constant 4096 : i32
    %broadcast_in_dim3A_691 = vector.broadcast %jit3A_690 : i32 to vector<128x512xi32>
    %select_n3A_692 = arith.select %eq3A_686, %add3A_689, %broadcast_in_dim3A_691 : vector<128x512xi1>, vector<128x512xi32>
    %reduce_min3A_693 = arith.constant dense<2147483647> : vector<512xi32>
    %reduce_min3A_694 = vector.multi_reduction <minsi>, %select_n3A_692, %reduce_min3A_693 [0] : vector<128x512xi32> to vector<512xi32>
    %broadcast_in_dim3A_695 = vector.shape_cast %reduce_min3A_694 : vector<512xi32> to vector<1x512xi32>
    %slice3A_696 = vector.extract_strided_slice %add3A_20 {offsets = [3200, 0], sizes = [128, 512], strides = [1, 1]} : vector<4096x512xf32> to vector<128x512xf32>
    %add3A_697 = arith.constant 3200 : i32
    %add3A_698 = vector.broadcast %add3A_697 : i32 to vector<128x512xi32>
    %add3A_699 = arith.addi %iota3A_25, %add3A_698 : vector<128x512xi32>
    %mul3A_700 = arith.constant 512 : i32
    %mul3A_701 = arith.muli %arg1, %mul3A_700 : i32
    %add3A_702 = vector.broadcast %mul3A_701 : i32 to vector<1x512xi32>
    %add3A_703 = arith.addi %iota3A, %add3A_702 : vector<1x512xi32>
    %eq3A_704 = vector.broadcast %add3A_703 : vector<1x512xi32> to vector<128x512xi32>
    %eq3A_705 = arith.cmpi eq, %add3A_699, %eq3A_704 : vector<128x512xi32>
    %jit3A_706 = arith.constant 0x7F800000 : f32
    %broadcast_in_dim3A_707 = vector.broadcast %jit3A_706 : f32 to vector<128x512xf32>
    %select_n3A_708 = arith.select %eq3A_705, %broadcast_in_dim3A_707, %slice3A_696 : vector<128x512xi1>, vector<128x512xf32>
    %reduce_min3A_709 = arith.constant dense<0x7F800000> : vector<512xf32>
    %reduce_min3A_710 = vector.multi_reduction <minimumf>, %select_n3A_708, %reduce_min3A_709 [0] : vector<128x512xf32> to vector<512xf32>
    %broadcast_in_dim3A_711 = vector.shape_cast %reduce_min3A_710 : vector<512xf32> to vector<1x512xf32>
    %eq3A_712 = vector.broadcast %broadcast_in_dim3A_711 : vector<1x512xf32> to vector<128x512xf32>
    %eq3A_713 = arith.cmpf oeq, %select_n3A_708, %eq3A_712 : vector<128x512xf32>
    %add3A_714 = arith.constant 3200 : i32
    %add3A_715 = vector.broadcast %add3A_714 : i32 to vector<128x512xi32>
    %add3A_716 = arith.addi %iota3A_25, %add3A_715 : vector<128x512xi32>
    %jit3A_717 = arith.constant 4096 : i32
    %broadcast_in_dim3A_718 = vector.broadcast %jit3A_717 : i32 to vector<128x512xi32>
    %select_n3A_719 = arith.select %eq3A_713, %add3A_716, %broadcast_in_dim3A_718 : vector<128x512xi1>, vector<128x512xi32>
    %reduce_min3A_720 = arith.constant dense<2147483647> : vector<512xi32>
    %reduce_min3A_721 = vector.multi_reduction <minsi>, %select_n3A_719, %reduce_min3A_720 [0] : vector<128x512xi32> to vector<512xi32>
    %broadcast_in_dim3A_722 = vector.shape_cast %reduce_min3A_721 : vector<512xi32> to vector<1x512xi32>
    %slice3A_723 = vector.extract_strided_slice %add3A_20 {offsets = [3328, 0], sizes = [128, 512], strides = [1, 1]} : vector<4096x512xf32> to vector<128x512xf32>
    %add3A_724 = arith.constant 3328 : i32
    %add3A_725 = vector.broadcast %add3A_724 : i32 to vector<128x512xi32>
    %add3A_726 = arith.addi %iota3A_25, %add3A_725 : vector<128x512xi32>
    %mul3A_727 = arith.constant 512 : i32
    %mul3A_728 = arith.muli %arg1, %mul3A_727 : i32
    %add3A_729 = vector.broadcast %mul3A_728 : i32 to vector<1x512xi32>
    %add3A_730 = arith.addi %iota3A, %add3A_729 : vector<1x512xi32>
    %eq3A_731 = vector.broadcast %add3A_730 : vector<1x512xi32> to vector<128x512xi32>
    %eq3A_732 = arith.cmpi eq, %add3A_726, %eq3A_731 : vector<128x512xi32>
    %jit3A_733 = arith.constant 0x7F800000 : f32
    %broadcast_in_dim3A_734 = vector.broadcast %jit3A_733 : f32 to vector<128x512xf32>
    %select_n3A_735 = arith.select %eq3A_732, %broadcast_in_dim3A_734, %slice3A_723 : vector<128x512xi1>, vector<128x512xf32>
    %reduce_min3A_736 = arith.constant dense<0x7F800000> : vector<512xf32>
    %reduce_min3A_737 = vector.multi_reduction <minimumf>, %select_n3A_735, %reduce_min3A_736 [0] : vector<128x512xf32> to vector<512xf32>
    %broadcast_in_dim3A_738 = vector.shape_cast %reduce_min3A_737 : vector<512xf32> to vector<1x512xf32>
    %eq3A_739 = vector.broadcast %broadcast_in_dim3A_738 : vector<1x512xf32> to vector<128x512xf32>
    %eq3A_740 = arith.cmpf oeq, %select_n3A_735, %eq3A_739 : vector<128x512xf32>
    %add3A_741 = arith.constant 3328 : i32
    %add3A_742 = vector.broadcast %add3A_741 : i32 to vector<128x512xi32>
    %add3A_743 = arith.addi %iota3A_25, %add3A_742 : vector<128x512xi32>
    %jit3A_744 = arith.constant 4096 : i32
    %broadcast_in_dim3A_745 = vector.broadcast %jit3A_744 : i32 to vector<128x512xi32>
    %select_n3A_746 = arith.select %eq3A_740, %add3A_743, %broadcast_in_dim3A_745 : vector<128x512xi1>, vector<128x512xi32>
    %reduce_min3A_747 = arith.constant dense<2147483647> : vector<512xi32>
    %reduce_min3A_748 = vector.multi_reduction <minsi>, %select_n3A_746, %reduce_min3A_747 [0] : vector<128x512xi32> to vector<512xi32>
    %broadcast_in_dim3A_749 = vector.shape_cast %reduce_min3A_748 : vector<512xi32> to vector<1x512xi32>
    %slice3A_750 = vector.extract_strided_slice %add3A_20 {offsets = [3456, 0], sizes = [128, 512], strides = [1, 1]} : vector<4096x512xf32> to vector<128x512xf32>
    %add3A_751 = arith.constant 3456 : i32
    %add3A_752 = vector.broadcast %add3A_751 : i32 to vector<128x512xi32>
    %add3A_753 = arith.addi %iota3A_25, %add3A_752 : vector<128x512xi32>
    %mul3A_754 = arith.constant 512 : i32
    %mul3A_755 = arith.muli %arg1, %mul3A_754 : i32
    %add3A_756 = vector.broadcast %mul3A_755 : i32 to vector<1x512xi32>
    %add3A_757 = arith.addi %iota3A, %add3A_756 : vector<1x512xi32>
    %eq3A_758 = vector.broadcast %add3A_757 : vector<1x512xi32> to vector<128x512xi32>
    %eq3A_759 = arith.cmpi eq, %add3A_753, %eq3A_758 : vector<128x512xi32>
    %jit3A_760 = arith.constant 0x7F800000 : f32
    %broadcast_in_dim3A_761 = vector.broadcast %jit3A_760 : f32 to vector<128x512xf32>
    %select_n3A_762 = arith.select %eq3A_759, %broadcast_in_dim3A_761, %slice3A_750 : vector<128x512xi1>, vector<128x512xf32>
    %reduce_min3A_763 = arith.constant dense<0x7F800000> : vector<512xf32>
    %reduce_min3A_764 = vector.multi_reduction <minimumf>, %select_n3A_762, %reduce_min3A_763 [0] : vector<128x512xf32> to vector<512xf32>
    %broadcast_in_dim3A_765 = vector.shape_cast %reduce_min3A_764 : vector<512xf32> to vector<1x512xf32>
    %eq3A_766 = vector.broadcast %broadcast_in_dim3A_765 : vector<1x512xf32> to vector<128x512xf32>
    %eq3A_767 = arith.cmpf oeq, %select_n3A_762, %eq3A_766 : vector<128x512xf32>
    %add3A_768 = arith.constant 3456 : i32
    %add3A_769 = vector.broadcast %add3A_768 : i32 to vector<128x512xi32>
    %add3A_770 = arith.addi %iota3A_25, %add3A_769 : vector<128x512xi32>
    %jit3A_771 = arith.constant 4096 : i32
    %broadcast_in_dim3A_772 = vector.broadcast %jit3A_771 : i32 to vector<128x512xi32>
    %select_n3A_773 = arith.select %eq3A_767, %add3A_770, %broadcast_in_dim3A_772 : vector<128x512xi1>, vector<128x512xi32>
    %reduce_min3A_774 = arith.constant dense<2147483647> : vector<512xi32>
    %reduce_min3A_775 = vector.multi_reduction <minsi>, %select_n3A_773, %reduce_min3A_774 [0] : vector<128x512xi32> to vector<512xi32>
    %broadcast_in_dim3A_776 = vector.shape_cast %reduce_min3A_775 : vector<512xi32> to vector<1x512xi32>
    %slice3A_777 = vector.extract_strided_slice %add3A_20 {offsets = [3584, 0], sizes = [128, 512], strides = [1, 1]} : vector<4096x512xf32> to vector<128x512xf32>
    %add3A_778 = arith.constant 3584 : i32
    %add3A_779 = vector.broadcast %add3A_778 : i32 to vector<128x512xi32>
    %add3A_780 = arith.addi %iota3A_25, %add3A_779 : vector<128x512xi32>
    %mul3A_781 = arith.constant 512 : i32
    %mul3A_782 = arith.muli %arg1, %mul3A_781 : i32
    %add3A_783 = vector.broadcast %mul3A_782 : i32 to vector<1x512xi32>
    %add3A_784 = arith.addi %iota3A, %add3A_783 : vector<1x512xi32>
    %eq3A_785 = vector.broadcast %add3A_784 : vector<1x512xi32> to vector<128x512xi32>
    %eq3A_786 = arith.cmpi eq, %add3A_780, %eq3A_785 : vector<128x512xi32>
    %jit3A_787 = arith.constant 0x7F800000 : f32
    %broadcast_in_dim3A_788 = vector.broadcast %jit3A_787 : f32 to vector<128x512xf32>
    %select_n3A_789 = arith.select %eq3A_786, %broadcast_in_dim3A_788, %slice3A_777 : vector<128x512xi1>, vector<128x512xf32>
    %reduce_min3A_790 = arith.constant dense<0x7F800000> : vector<512xf32>
    %reduce_min3A_791 = vector.multi_reduction <minimumf>, %select_n3A_789, %reduce_min3A_790 [0] : vector<128x512xf32> to vector<512xf32>
    %broadcast_in_dim3A_792 = vector.shape_cast %reduce_min3A_791 : vector<512xf32> to vector<1x512xf32>
    %eq3A_793 = vector.broadcast %broadcast_in_dim3A_792 : vector<1x512xf32> to vector<128x512xf32>
    %eq3A_794 = arith.cmpf oeq, %select_n3A_789, %eq3A_793 : vector<128x512xf32>
    %add3A_795 = arith.constant 3584 : i32
    %add3A_796 = vector.broadcast %add3A_795 : i32 to vector<128x512xi32>
    %add3A_797 = arith.addi %iota3A_25, %add3A_796 : vector<128x512xi32>
    %jit3A_798 = arith.constant 4096 : i32
    %broadcast_in_dim3A_799 = vector.broadcast %jit3A_798 : i32 to vector<128x512xi32>
    %select_n3A_800 = arith.select %eq3A_794, %add3A_797, %broadcast_in_dim3A_799 : vector<128x512xi1>, vector<128x512xi32>
    %reduce_min3A_801 = arith.constant dense<2147483647> : vector<512xi32>
    %reduce_min3A_802 = vector.multi_reduction <minsi>, %select_n3A_800, %reduce_min3A_801 [0] : vector<128x512xi32> to vector<512xi32>
    %broadcast_in_dim3A_803 = vector.shape_cast %reduce_min3A_802 : vector<512xi32> to vector<1x512xi32>
    %slice3A_804 = vector.extract_strided_slice %add3A_20 {offsets = [3712, 0], sizes = [128, 512], strides = [1, 1]} : vector<4096x512xf32> to vector<128x512xf32>
    %add3A_805 = arith.constant 3712 : i32
    %add3A_806 = vector.broadcast %add3A_805 : i32 to vector<128x512xi32>
    %add3A_807 = arith.addi %iota3A_25, %add3A_806 : vector<128x512xi32>
    %mul3A_808 = arith.constant 512 : i32
    %mul3A_809 = arith.muli %arg1, %mul3A_808 : i32
    %add3A_810 = vector.broadcast %mul3A_809 : i32 to vector<1x512xi32>
    %add3A_811 = arith.addi %iota3A, %add3A_810 : vector<1x512xi32>
    %eq3A_812 = vector.broadcast %add3A_811 : vector<1x512xi32> to vector<128x512xi32>
    %eq3A_813 = arith.cmpi eq, %add3A_807, %eq3A_812 : vector<128x512xi32>
    %jit3A_814 = arith.constant 0x7F800000 : f32
    %broadcast_in_dim3A_815 = vector.broadcast %jit3A_814 : f32 to vector<128x512xf32>
    %select_n3A_816 = arith.select %eq3A_813, %broadcast_in_dim3A_815, %slice3A_804 : vector<128x512xi1>, vector<128x512xf32>
    %reduce_min3A_817 = arith.constant dense<0x7F800000> : vector<512xf32>
    %reduce_min3A_818 = vector.multi_reduction <minimumf>, %select_n3A_816, %reduce_min3A_817 [0] : vector<128x512xf32> to vector<512xf32>
    %broadcast_in_dim3A_819 = vector.shape_cast %reduce_min3A_818 : vector<512xf32> to vector<1x512xf32>
    %eq3A_820 = vector.broadcast %broadcast_in_dim3A_819 : vector<1x512xf32> to vector<128x512xf32>
    %eq3A_821 = arith.cmpf oeq, %select_n3A_816, %eq3A_820 : vector<128x512xf32>
    %add3A_822 = arith.constant 3712 : i32
    %add3A_823 = vector.broadcast %add3A_822 : i32 to vector<128x512xi32>
    %add3A_824 = arith.addi %iota3A_25, %add3A_823 : vector<128x512xi32>
    %jit3A_825 = arith.constant 4096 : i32
    %broadcast_in_dim3A_826 = vector.broadcast %jit3A_825 : i32 to vector<128x512xi32>
    %select_n3A_827 = arith.select %eq3A_821, %add3A_824, %broadcast_in_dim3A_826 : vector<128x512xi1>, vector<128x512xi32>
    %reduce_min3A_828 = arith.constant dense<2147483647> : vector<512xi32>
    %reduce_min3A_829 = vector.multi_reduction <minsi>, %select_n3A_827, %reduce_min3A_828 [0] : vector<128x512xi32> to vector<512xi32>
    %broadcast_in_dim3A_830 = vector.shape_cast %reduce_min3A_829 : vector<512xi32> to vector<1x512xi32>
    %slice3A_831 = vector.extract_strided_slice %add3A_20 {offsets = [3840, 0], sizes = [128, 512], strides = [1, 1]} : vector<4096x512xf32> to vector<128x512xf32>
    %add3A_832 = arith.constant 3840 : i32
    %add3A_833 = vector.broadcast %add3A_832 : i32 to vector<128x512xi32>
    %add3A_834 = arith.addi %iota3A_25, %add3A_833 : vector<128x512xi32>
    %mul3A_835 = arith.constant 512 : i32
    %mul3A_836 = arith.muli %arg1, %mul3A_835 : i32
    %add3A_837 = vector.broadcast %mul3A_836 : i32 to vector<1x512xi32>
    %add3A_838 = arith.addi %iota3A, %add3A_837 : vector<1x512xi32>
    %eq3A_839 = vector.broadcast %add3A_838 : vector<1x512xi32> to vector<128x512xi32>
    %eq3A_840 = arith.cmpi eq, %add3A_834, %eq3A_839 : vector<128x512xi32>
    %jit3A_841 = arith.constant 0x7F800000 : f32
    %broadcast_in_dim3A_842 = vector.broadcast %jit3A_841 : f32 to vector<128x512xf32>
    %select_n3A_843 = arith.select %eq3A_840, %broadcast_in_dim3A_842, %slice3A_831 : vector<128x512xi1>, vector<128x512xf32>
    %reduce_min3A_844 = arith.constant dense<0x7F800000> : vector<512xf32>
    %reduce_min3A_845 = vector.multi_reduction <minimumf>, %select_n3A_843, %reduce_min3A_844 [0] : vector<128x512xf32> to vector<512xf32>
    %broadcast_in_dim3A_846 = vector.shape_cast %reduce_min3A_845 : vector<512xf32> to vector<1x512xf32>
    %eq3A_847 = vector.broadcast %broadcast_in_dim3A_846 : vector<1x512xf32> to vector<128x512xf32>
    %eq3A_848 = arith.cmpf oeq, %select_n3A_843, %eq3A_847 : vector<128x512xf32>
    %add3A_849 = arith.constant 3840 : i32
    %add3A_850 = vector.broadcast %add3A_849 : i32 to vector<128x512xi32>
    %add3A_851 = arith.addi %iota3A_25, %add3A_850 : vector<128x512xi32>
    %jit3A_852 = arith.constant 4096 : i32
    %broadcast_in_dim3A_853 = vector.broadcast %jit3A_852 : i32 to vector<128x512xi32>
    %select_n3A_854 = arith.select %eq3A_848, %add3A_851, %broadcast_in_dim3A_853 : vector<128x512xi1>, vector<128x512xi32>
    %reduce_min3A_855 = arith.constant dense<2147483647> : vector<512xi32>
    %reduce_min3A_856 = vector.multi_reduction <minsi>, %select_n3A_854, %reduce_min3A_855 [0] : vector<128x512xi32> to vector<512xi32>
    %broadcast_in_dim3A_857 = vector.shape_cast %reduce_min3A_856 : vector<512xi32> to vector<1x512xi32>
    %slice3A_858 = vector.extract_strided_slice %add3A_20 {offsets = [3968, 0], sizes = [128, 512], strides = [1, 1]} : vector<4096x512xf32> to vector<128x512xf32>
    %add3A_859 = arith.constant 3968 : i32
    %add3A_860 = vector.broadcast %add3A_859 : i32 to vector<128x512xi32>
    %add3A_861 = arith.addi %iota3A_25, %add3A_860 : vector<128x512xi32>
    %mul3A_862 = arith.constant 512 : i32
    %mul3A_863 = arith.muli %arg1, %mul3A_862 : i32
    %add3A_864 = vector.broadcast %mul3A_863 : i32 to vector<1x512xi32>
    %add3A_865 = arith.addi %iota3A, %add3A_864 : vector<1x512xi32>
    %eq3A_866 = vector.broadcast %add3A_865 : vector<1x512xi32> to vector<128x512xi32>
    %eq3A_867 = arith.cmpi eq, %add3A_861, %eq3A_866 : vector<128x512xi32>
    %jit3A_868 = arith.constant 0x7F800000 : f32
    %broadcast_in_dim3A_869 = vector.broadcast %jit3A_868 : f32 to vector<128x512xf32>
    %select_n3A_870 = arith.select %eq3A_867, %broadcast_in_dim3A_869, %slice3A_858 : vector<128x512xi1>, vector<128x512xf32>
    %reduce_min3A_871 = arith.constant dense<0x7F800000> : vector<512xf32>
    %reduce_min3A_872 = vector.multi_reduction <minimumf>, %select_n3A_870, %reduce_min3A_871 [0] : vector<128x512xf32> to vector<512xf32>
    %broadcast_in_dim3A_873 = vector.shape_cast %reduce_min3A_872 : vector<512xf32> to vector<1x512xf32>
    %eq3A_874 = vector.broadcast %broadcast_in_dim3A_873 : vector<1x512xf32> to vector<128x512xf32>
    %eq3A_875 = arith.cmpf oeq, %select_n3A_870, %eq3A_874 : vector<128x512xf32>
    %add3A_876 = arith.constant 3968 : i32
    %add3A_877 = vector.broadcast %add3A_876 : i32 to vector<128x512xi32>
    %add3A_878 = arith.addi %iota3A_25, %add3A_877 : vector<128x512xi32>
    %jit3A_879 = arith.constant 4096 : i32
    %broadcast_in_dim3A_880 = vector.broadcast %jit3A_879 : i32 to vector<128x512xi32>
    %select_n3A_881 = arith.select %eq3A_875, %add3A_878, %broadcast_in_dim3A_880 : vector<128x512xi1>, vector<128x512xi32>
    %reduce_min3A_882 = arith.constant dense<2147483647> : vector<512xi32>
    %reduce_min3A_883 = vector.multi_reduction <minsi>, %select_n3A_881, %reduce_min3A_882 [0] : vector<128x512xi32> to vector<512xi32>
    %broadcast_in_dim3A_884 = vector.shape_cast %reduce_min3A_883 : vector<512xi32> to vector<1x512xi32>
    %concatenate3A = tpu.concatenate %broadcast_in_dim3A_36, %broadcast_in_dim3A_63, %broadcast_in_dim3A_90, %broadcast_in_dim3A_117, %broadcast_in_dim3A_144, %broadcast_in_dim3A_171, %broadcast_in_dim3A_198, %broadcast_in_dim3A_225, %broadcast_in_dim3A_252, %broadcast_in_dim3A_279, %broadcast_in_dim3A_306, %broadcast_in_dim3A_333, %broadcast_in_dim3A_360, %broadcast_in_dim3A_387, %broadcast_in_dim3A_414, %broadcast_in_dim3A_441, %broadcast_in_dim3A_468, %broadcast_in_dim3A_495, %broadcast_in_dim3A_522, %broadcast_in_dim3A_549, %broadcast_in_dim3A_576, %broadcast_in_dim3A_603, %broadcast_in_dim3A_630, %broadcast_in_dim3A_657, %broadcast_in_dim3A_684, %broadcast_in_dim3A_711, %broadcast_in_dim3A_738, %broadcast_in_dim3A_765, %broadcast_in_dim3A_792, %broadcast_in_dim3A_819, %broadcast_in_dim3A_846, %broadcast_in_dim3A_873 in 0 : vector<1x512xf32>, vector<1x512xf32>, vector<1x512xf32>, vector<1x512xf32>, vector<1x512xf32>, vector<1x512xf32>, vector<1x512xf32>, vector<1x512xf32>, vector<1x512xf32>, vector<1x512xf32>, vector<1x512xf32>, vector<1x512xf32>, vector<1x512xf32>, vector<1x512xf32>, vector<1x512xf32>, vector<1x512xf32>, vector<1x512xf32>, vector<1x512xf32>, vector<1x512xf32>, vector<1x512xf32>, vector<1x512xf32>, vector<1x512xf32>, vector<1x512xf32>, vector<1x512xf32>, vector<1x512xf32>, vector<1x512xf32>, vector<1x512xf32>, vector<1x512xf32>, vector<1x512xf32>, vector<1x512xf32>, vector<1x512xf32>, vector<1x512xf32> -> vector<32x512xf32>
    %concatenate3A_885 = tpu.concatenate %broadcast_in_dim3A_47, %broadcast_in_dim3A_74, %broadcast_in_dim3A_101, %broadcast_in_dim3A_128, %broadcast_in_dim3A_155, %broadcast_in_dim3A_182, %broadcast_in_dim3A_209, %broadcast_in_dim3A_236, %broadcast_in_dim3A_263, %broadcast_in_dim3A_290, %broadcast_in_dim3A_317, %broadcast_in_dim3A_344, %broadcast_in_dim3A_371, %broadcast_in_dim3A_398, %broadcast_in_dim3A_425, %broadcast_in_dim3A_452, %broadcast_in_dim3A_479, %broadcast_in_dim3A_506, %broadcast_in_dim3A_533, %broadcast_in_dim3A_560, %broadcast_in_dim3A_587, %broadcast_in_dim3A_614, %broadcast_in_dim3A_641, %broadcast_in_dim3A_668, %broadcast_in_dim3A_695, %broadcast_in_dim3A_722, %broadcast_in_dim3A_749, %broadcast_in_dim3A_776, %broadcast_in_dim3A_803, %broadcast_in_dim3A_830, %broadcast_in_dim3A_857, %broadcast_in_dim3A_884 in 0 : vector<1x512xi32>, vector<1x512xi32>, vector<1x512xi32>, vector<1x512xi32>, vector<1x512xi32>, vector<1x512xi32>, vector<1x512xi32>, vector<1x512xi32>, vector<1x512xi32>, vector<1x512xi32>, vector<1x512xi32>, vector<1x512xi32>, vector<1x512xi32>, vector<1x512xi32>, vector<1x512xi32>, vector<1x512xi32>, vector<1x512xi32>, vector<1x512xi32>, vector<1x512xi32>, vector<1x512xi32>, vector<1x512xi32>, vector<1x512xi32>, vector<1x512xi32>, vector<1x512xi32>, vector<1x512xi32>, vector<1x512xi32>, vector<1x512xi32>, vector<1x512xi32>, vector<1x512xi32>, vector<1x512xi32>, vector<1x512xi32>, vector<1x512xi32> -> vector<32x512xi32>
    %scan3A = arith.constant 0 : i32
    %scan3A_886 = arith.constant 16 : i32
    %scan3A_887 = arith.addi %scan3A, %scan3A_886 : i32
    %scan3A_888 = arith.constant 1 : i32
    %scan3A_889:3 = scf.for %scan3A_950 = %scan3A to %scan3A_887 step %scan3A_888 iter_args(%scan3A_951 = %concatenate3A, %scan3A_952 = %concatenate3A_885, %scan3A_953 = %broadcast_in_dim3A_23) -> (vector<32x512xf32>, vector<32x512xi32>, vector<16x512xi32>)  : i32 {
      %reduce_min3A_954 = arith.constant dense<0x7F800000> : vector<512xf32>
      %reduce_min3A_955 = vector.multi_reduction <minimumf>, %scan3A_951, %reduce_min3A_954 [0] : vector<32x512xf32> to vector<512xf32>
      %broadcast_in_dim3A_956 = vector.shape_cast %reduce_min3A_955 : vector<512xf32> to vector<1x512xf32>
      %eq3A_957 = vector.broadcast %broadcast_in_dim3A_956 : vector<1x512xf32> to vector<32x512xf32>
      %eq3A_958 = arith.cmpf oeq, %scan3A_951, %eq3A_957 : vector<32x512xf32>
      %jit3A_959 = arith.constant 4096 : i32
      %broadcast_in_dim3A_960 = vector.broadcast %jit3A_959 : i32 to vector<32x512xi32>
      %select_n3A_961 = arith.select %eq3A_958, %scan3A_952, %broadcast_in_dim3A_960 : vector<32x512xi1>, vector<32x512xi32>
      %reduce_min3A_962 = arith.constant dense<2147483647> : vector<512xi32>
      %reduce_min3A_963 = vector.multi_reduction <minsi>, %select_n3A_961, %reduce_min3A_962 [0] : vector<32x512xi32> to vector<512xi32>
      %broadcast_in_dim3A_964 = vector.shape_cast %reduce_min3A_963 : vector<512xi32> to vector<1x512xi32>
      %eq3A_965 = vector.broadcast %scan3A_950 : i32 to vector<16x512xi32>
      %eq3A_966 = arith.cmpi eq, %iota3A_21, %eq3A_965 : vector<16x512xi32>
      %broadcast_in_dim3A_967 = vector.shape_cast %broadcast_in_dim3A_964 : vector<1x512xi32> to vector<1x512xi32>
      %broadcast_in_dim3A_968 = vector.broadcast %broadcast_in_dim3A_967 : vector<1x512xi32> to vector<16x512xi32>
      %select_n3A_969 = arith.select %eq3A_966, %broadcast_in_dim3A_968, %scan3A_953 : vector<16x512xi1>, vector<16x512xi32>
      %shift_right_logical3A = arith.constant 7 : i32
      %shift_right_logical3A_970 = vector.broadcast %shift_right_logical3A : i32 to vector<1x512xi32>
      %shift_right_logical3A_971 = arith.shrui %broadcast_in_dim3A_964, %shift_right_logical3A_970 : vector<1x512xi32>
      %slice3A_972 = vector.extract_strided_slice %add3A_20 {offsets = [0, 0], sizes = [128, 512], strides = [1, 1]} : vector<4096x512xf32> to vector<128x512xf32>
      %slice3A_973 = vector.extract_strided_slice %add3A_20 {offsets = [128, 0], sizes = [128, 512], strides = [1, 1]} : vector<4096x512xf32> to vector<128x512xf32>
      %slice3A_974 = vector.extract_strided_slice %add3A_20 {offsets = [256, 0], sizes = [128, 512], strides = [1, 1]} : vector<4096x512xf32> to vector<128x512xf32>
      %slice3A_975 = vector.extract_strided_slice %add3A_20 {offsets = [384, 0], sizes = [128, 512], strides = [1, 1]} : vector<4096x512xf32> to vector<128x512xf32>
      %slice3A_976 = vector.extract_strided_slice %add3A_20 {offsets = [512, 0], sizes = [128, 512], strides = [1, 1]} : vector<4096x512xf32> to vector<128x512xf32>
      %slice3A_977 = vector.extract_strided_slice %add3A_20 {offsets = [640, 0], sizes = [128, 512], strides = [1, 1]} : vector<4096x512xf32> to vector<128x512xf32>
      %slice3A_978 = vector.extract_strided_slice %add3A_20 {offsets = [768, 0], sizes = [128, 512], strides = [1, 1]} : vector<4096x512xf32> to vector<128x512xf32>
      %slice3A_979 = vector.extract_strided_slice %add3A_20 {offsets = [896, 0], sizes = [128, 512], strides = [1, 1]} : vector<4096x512xf32> to vector<128x512xf32>
      %slice3A_980 = vector.extract_strided_slice %add3A_20 {offsets = [1024, 0], sizes = [128, 512], strides = [1, 1]} : vector<4096x512xf32> to vector<128x512xf32>
      %slice3A_981 = vector.extract_strided_slice %add3A_20 {offsets = [1152, 0], sizes = [128, 512], strides = [1, 1]} : vector<4096x512xf32> to vector<128x512xf32>
      %slice3A_982 = vector.extract_strided_slice %add3A_20 {offsets = [1280, 0], sizes = [128, 512], strides = [1, 1]} : vector<4096x512xf32> to vector<128x512xf32>
      %slice3A_983 = vector.extract_strided_slice %add3A_20 {offsets = [1408, 0], sizes = [128, 512], strides = [1, 1]} : vector<4096x512xf32> to vector<128x512xf32>
      %slice3A_984 = vector.extract_strided_slice %add3A_20 {offsets = [1536, 0], sizes = [128, 512], strides = [1, 1]} : vector<4096x512xf32> to vector<128x512xf32>
      %slice3A_985 = vector.extract_strided_slice %add3A_20 {offsets = [1664, 0], sizes = [128, 512], strides = [1, 1]} : vector<4096x512xf32> to vector<128x512xf32>
      %slice3A_986 = vector.extract_strided_slice %add3A_20 {offsets = [1792, 0], sizes = [128, 512], strides = [1, 1]} : vector<4096x512xf32> to vector<128x512xf32>
      %slice3A_987 = vector.extract_strided_slice %add3A_20 {offsets = [1920, 0], sizes = [128, 512], strides = [1, 1]} : vector<4096x512xf32> to vector<128x512xf32>
      %slice3A_988 = vector.extract_strided_slice %add3A_20 {offsets = [2048, 0], sizes = [128, 512], strides = [1, 1]} : vector<4096x512xf32> to vector<128x512xf32>
      %slice3A_989 = vector.extract_strided_slice %add3A_20 {offsets = [2176, 0], sizes = [128, 512], strides = [1, 1]} : vector<4096x512xf32> to vector<128x512xf32>
      %slice3A_990 = vector.extract_strided_slice %add3A_20 {offsets = [2304, 0], sizes = [128, 512], strides = [1, 1]} : vector<4096x512xf32> to vector<128x512xf32>
      %slice3A_991 = vector.extract_strided_slice %add3A_20 {offsets = [2432, 0], sizes = [128, 512], strides = [1, 1]} : vector<4096x512xf32> to vector<128x512xf32>
      %slice3A_992 = vector.extract_strided_slice %add3A_20 {offsets = [2560, 0], sizes = [128, 512], strides = [1, 1]} : vector<4096x512xf32> to vector<128x512xf32>
      %slice3A_993 = vector.extract_strided_slice %add3A_20 {offsets = [2688, 0], sizes = [128, 512], strides = [1, 1]} : vector<4096x512xf32> to vector<128x512xf32>
      %slice3A_994 = vector.extract_strided_slice %add3A_20 {offsets = [2816, 0], sizes = [128, 512], strides = [1, 1]} : vector<4096x512xf32> to vector<128x512xf32>
      %slice3A_995 = vector.extract_strided_slice %add3A_20 {offsets = [2944, 0], sizes = [128, 512], strides = [1, 1]} : vector<4096x512xf32> to vector<128x512xf32>
      %slice3A_996 = vector.extract_strided_slice %add3A_20 {offsets = [3072, 0], sizes = [128, 512], strides = [1, 1]} : vector<4096x512xf32> to vector<128x512xf32>
      %slice3A_997 = vector.extract_strided_slice %add3A_20 {offsets = [3200, 0], sizes = [128, 512], strides = [1, 1]} : vector<4096x512xf32> to vector<128x512xf32>
      %slice3A_998 = vector.extract_strided_slice %add3A_20 {offsets = [3328, 0], sizes = [128, 512], strides = [1, 1]} : vector<4096x512xf32> to vector<128x512xf32>
      %slice3A_999 = vector.extract_strided_slice %add3A_20 {offsets = [3456, 0], sizes = [128, 512], strides = [1, 1]} : vector<4096x512xf32> to vector<128x512xf32>
      %slice3A_1000 = vector.extract_strided_slice %add3A_20 {offsets = [3584, 0], sizes = [128, 512], strides = [1, 1]} : vector<4096x512xf32> to vector<128x512xf32>
      %slice3A_1001 = vector.extract_strided_slice %add3A_20 {offsets = [3712, 0], sizes = [128, 512], strides = [1, 1]} : vector<4096x512xf32> to vector<128x512xf32>
      %slice3A_1002 = vector.extract_strided_slice %add3A_20 {offsets = [3840, 0], sizes = [128, 512], strides = [1, 1]} : vector<4096x512xf32> to vector<128x512xf32>
      %slice3A_1003 = vector.extract_strided_slice %add3A_20 {offsets = [3968, 0], sizes = [128, 512], strides = [1, 1]} : vector<4096x512xf32> to vector<128x512xf32>
      %shift_right_logical3A_1004 = arith.constant 0 : i32
      %shift_right_logical3A_1005 = vector.broadcast %shift_right_logical3A_1004 : i32 to vector<1x512xi32>
      %shift_right_logical3A_1006 = arith.shrui %shift_right_logical3A_971, %shift_right_logical3A_1005 : vector<1x512xi32>
      %and3A = arith.constant 1 : i32
      %and3A_1007 = vector.broadcast %and3A : i32 to vector<1x512xi32>
      %and3A_1008 = arith.andi %shift_right_logical3A_1006, %and3A_1007 : vector<1x512xi32>
      %eq3A_1009 = arith.constant 1 : i32
      %eq3A_1010 = vector.broadcast %eq3A_1009 : i32 to vector<1x512xi32>
      %eq3A_1011 = arith.cmpi eq, %and3A_1008, %eq3A_1010 : vector<1x512xi32>
      %broadcast_in_dim3A_1012 = vector.shape_cast %eq3A_1011 : vector<1x512xi1> to vector<1x512xi1>
      %broadcast_in_dim3A_1013 = vector.broadcast %broadcast_in_dim3A_1012 : vector<1x512xi1> to vector<128x512xi1>
      %select_n3A_1014 = arith.select %broadcast_in_dim3A_1013, %slice3A_973, %slice3A_972 : vector<128x512xi1>, vector<128x512xf32>
      %eq3A_1015 = arith.constant 1 : i32
      %eq3A_1016 = vector.broadcast %eq3A_1015 : i32 to vector<1x512xi32>
      %eq3A_1017 = arith.cmpi eq, %and3A_1008, %eq3A_1016 : vector<1x512xi32>
      %broadcast_in_dim3A_1018 = vector.shape_cast %eq3A_1017 : vector<1x512xi1> to vector<1x512xi1>
      %broadcast_in_dim3A_1019 = vector.broadcast %broadcast_in_dim3A_1018 : vector<1x512xi1> to vector<128x512xi1>
      %select_n3A_1020 = arith.select %broadcast_in_dim3A_1019, %slice3A_975, %slice3A_974 : vector<128x512xi1>, vector<128x512xf32>
      %eq3A_1021 = arith.constant 1 : i32
      %eq3A_1022 = vector.broadcast %eq3A_1021 : i32 to vector<1x512xi32>
      %eq3A_1023 = arith.cmpi eq, %and3A_1008, %eq3A_1022 : vector<1x512xi32>
      %broadcast_in_dim3A_1024 = vector.shape_cast %eq3A_1023 : vector<1x512xi1> to vector<1x512xi1>
      %broadcast_in_dim3A_1025 = vector.broadcast %broadcast_in_dim3A_1024 : vector<1x512xi1> to vector<128x512xi1>
      %select_n3A_1026 = arith.select %broadcast_in_dim3A_1025, %slice3A_977, %slice3A_976 : vector<128x512xi1>, vector<128x512xf32>
      %eq3A_1027 = arith.constant 1 : i32
      %eq3A_1028 = vector.broadcast %eq3A_1027 : i32 to vector<1x512xi32>
      %eq3A_1029 = arith.cmpi eq, %and3A_1008, %eq3A_1028 : vector<1x512xi32>
      %broadcast_in_dim3A_1030 = vector.shape_cast %eq3A_1029 : vector<1x512xi1> to vector<1x512xi1>
      %broadcast_in_dim3A_1031 = vector.broadcast %broadcast_in_dim3A_1030 : vector<1x512xi1> to vector<128x512xi1>
      %select_n3A_1032 = arith.select %broadcast_in_dim3A_1031, %slice3A_979, %slice3A_978 : vector<128x512xi1>, vector<128x512xf32>
      %eq3A_1033 = arith.constant 1 : i32
      %eq3A_1034 = vector.broadcast %eq3A_1033 : i32 to vector<1x512xi32>
      %eq3A_1035 = arith.cmpi eq, %and3A_1008, %eq3A_1034 : vector<1x512xi32>
      %broadcast_in_dim3A_1036 = vector.shape_cast %eq3A_1035 : vector<1x512xi1> to vector<1x512xi1>
      %broadcast_in_dim3A_1037 = vector.broadcast %broadcast_in_dim3A_1036 : vector<1x512xi1> to vector<128x512xi1>
      %select_n3A_1038 = arith.select %broadcast_in_dim3A_1037, %slice3A_981, %slice3A_980 : vector<128x512xi1>, vector<128x512xf32>
      %eq3A_1039 = arith.constant 1 : i32
      %eq3A_1040 = vector.broadcast %eq3A_1039 : i32 to vector<1x512xi32>
      %eq3A_1041 = arith.cmpi eq, %and3A_1008, %eq3A_1040 : vector<1x512xi32>
      %broadcast_in_dim3A_1042 = vector.shape_cast %eq3A_1041 : vector<1x512xi1> to vector<1x512xi1>
      %broadcast_in_dim3A_1043 = vector.broadcast %broadcast_in_dim3A_1042 : vector<1x512xi1> to vector<128x512xi1>
      %select_n3A_1044 = arith.select %broadcast_in_dim3A_1043, %slice3A_983, %slice3A_982 : vector<128x512xi1>, vector<128x512xf32>
      %eq3A_1045 = arith.constant 1 : i32
      %eq3A_1046 = vector.broadcast %eq3A_1045 : i32 to vector<1x512xi32>
      %eq3A_1047 = arith.cmpi eq, %and3A_1008, %eq3A_1046 : vector<1x512xi32>
      %broadcast_in_dim3A_1048 = vector.shape_cast %eq3A_1047 : vector<1x512xi1> to vector<1x512xi1>
      %broadcast_in_dim3A_1049 = vector.broadcast %broadcast_in_dim3A_1048 : vector<1x512xi1> to vector<128x512xi1>
      %select_n3A_1050 = arith.select %broadcast_in_dim3A_1049, %slice3A_985, %slice3A_984 : vector<128x512xi1>, vector<128x512xf32>
      %eq3A_1051 = arith.constant 1 : i32
      %eq3A_1052 = vector.broadcast %eq3A_1051 : i32 to vector<1x512xi32>
      %eq3A_1053 = arith.cmpi eq, %and3A_1008, %eq3A_1052 : vector<1x512xi32>
      %broadcast_in_dim3A_1054 = vector.shape_cast %eq3A_1053 : vector<1x512xi1> to vector<1x512xi1>
      %broadcast_in_dim3A_1055 = vector.broadcast %broadcast_in_dim3A_1054 : vector<1x512xi1> to vector<128x512xi1>
      %select_n3A_1056 = arith.select %broadcast_in_dim3A_1055, %slice3A_987, %slice3A_986 : vector<128x512xi1>, vector<128x512xf32>
      %eq3A_1057 = arith.constant 1 : i32
      %eq3A_1058 = vector.broadcast %eq3A_1057 : i32 to vector<1x512xi32>
      %eq3A_1059 = arith.cmpi eq, %and3A_1008, %eq3A_1058 : vector<1x512xi32>
      %broadcast_in_dim3A_1060 = vector.shape_cast %eq3A_1059 : vector<1x512xi1> to vector<1x512xi1>
      %broadcast_in_dim3A_1061 = vector.broadcast %broadcast_in_dim3A_1060 : vector<1x512xi1> to vector<128x512xi1>
      %select_n3A_1062 = arith.select %broadcast_in_dim3A_1061, %slice3A_989, %slice3A_988 : vector<128x512xi1>, vector<128x512xf32>
      %eq3A_1063 = arith.constant 1 : i32
      %eq3A_1064 = vector.broadcast %eq3A_1063 : i32 to vector<1x512xi32>
      %eq3A_1065 = arith.cmpi eq, %and3A_1008, %eq3A_1064 : vector<1x512xi32>
      %broadcast_in_dim3A_1066 = vector.shape_cast %eq3A_1065 : vector<1x512xi1> to vector<1x512xi1>
      %broadcast_in_dim3A_1067 = vector.broadcast %broadcast_in_dim3A_1066 : vector<1x512xi1> to vector<128x512xi1>
      %select_n3A_1068 = arith.select %broadcast_in_dim3A_1067, %slice3A_991, %slice3A_990 : vector<128x512xi1>, vector<128x512xf32>
      %eq3A_1069 = arith.constant 1 : i32
      %eq3A_1070 = vector.broadcast %eq3A_1069 : i32 to vector<1x512xi32>
      %eq3A_1071 = arith.cmpi eq, %and3A_1008, %eq3A_1070 : vector<1x512xi32>
      %broadcast_in_dim3A_1072 = vector.shape_cast %eq3A_1071 : vector<1x512xi1> to vector<1x512xi1>
      %broadcast_in_dim3A_1073 = vector.broadcast %broadcast_in_dim3A_1072 : vector<1x512xi1> to vector<128x512xi1>
      %select_n3A_1074 = arith.select %broadcast_in_dim3A_1073, %slice3A_993, %slice3A_992 : vector<128x512xi1>, vector<128x512xf32>
      %eq3A_1075 = arith.constant 1 : i32
      %eq3A_1076 = vector.broadcast %eq3A_1075 : i32 to vector<1x512xi32>
      %eq3A_1077 = arith.cmpi eq, %and3A_1008, %eq3A_1076 : vector<1x512xi32>
      %broadcast_in_dim3A_1078 = vector.shape_cast %eq3A_1077 : vector<1x512xi1> to vector<1x512xi1>
      %broadcast_in_dim3A_1079 = vector.broadcast %broadcast_in_dim3A_1078 : vector<1x512xi1> to vector<128x512xi1>
      %select_n3A_1080 = arith.select %broadcast_in_dim3A_1079, %slice3A_995, %slice3A_994 : vector<128x512xi1>, vector<128x512xf32>
      %eq3A_1081 = arith.constant 1 : i32
      %eq3A_1082 = vector.broadcast %eq3A_1081 : i32 to vector<1x512xi32>
      %eq3A_1083 = arith.cmpi eq, %and3A_1008, %eq3A_1082 : vector<1x512xi32>
      %broadcast_in_dim3A_1084 = vector.shape_cast %eq3A_1083 : vector<1x512xi1> to vector<1x512xi1>
      %broadcast_in_dim3A_1085 = vector.broadcast %broadcast_in_dim3A_1084 : vector<1x512xi1> to vector<128x512xi1>
      %select_n3A_1086 = arith.select %broadcast_in_dim3A_1085, %slice3A_997, %slice3A_996 : vector<128x512xi1>, vector<128x512xf32>
      %eq3A_1087 = arith.constant 1 : i32
      %eq3A_1088 = vector.broadcast %eq3A_1087 : i32 to vector<1x512xi32>
      %eq3A_1089 = arith.cmpi eq, %and3A_1008, %eq3A_1088 : vector<1x512xi32>
      %broadcast_in_dim3A_1090 = vector.shape_cast %eq3A_1089 : vector<1x512xi1> to vector<1x512xi1>
      %broadcast_in_dim3A_1091 = vector.broadcast %broadcast_in_dim3A_1090 : vector<1x512xi1> to vector<128x512xi1>
      %select_n3A_1092 = arith.select %broadcast_in_dim3A_1091, %slice3A_999, %slice3A_998 : vector<128x512xi1>, vector<128x512xf32>
      %eq3A_1093 = arith.constant 1 : i32
      %eq3A_1094 = vector.broadcast %eq3A_1093 : i32 to vector<1x512xi32>
      %eq3A_1095 = arith.cmpi eq, %and3A_1008, %eq3A_1094 : vector<1x512xi32>
      %broadcast_in_dim3A_1096 = vector.shape_cast %eq3A_1095 : vector<1x512xi1> to vector<1x512xi1>
      %broadcast_in_dim3A_1097 = vector.broadcast %broadcast_in_dim3A_1096 : vector<1x512xi1> to vector<128x512xi1>
      %select_n3A_1098 = arith.select %broadcast_in_dim3A_1097, %slice3A_1001, %slice3A_1000 : vector<128x512xi1>, vector<128x512xf32>
      %eq3A_1099 = arith.constant 1 : i32
      %eq3A_1100 = vector.broadcast %eq3A_1099 : i32 to vector<1x512xi32>
      %eq3A_1101 = arith.cmpi eq, %and3A_1008, %eq3A_1100 : vector<1x512xi32>
      %broadcast_in_dim3A_1102 = vector.shape_cast %eq3A_1101 : vector<1x512xi1> to vector<1x512xi1>
      %broadcast_in_dim3A_1103 = vector.broadcast %broadcast_in_dim3A_1102 : vector<1x512xi1> to vector<128x512xi1>
      %select_n3A_1104 = arith.select %broadcast_in_dim3A_1103, %slice3A_1003, %slice3A_1002 : vector<128x512xi1>, vector<128x512xf32>
      %shift_right_logical3A_1105 = arith.constant 1 : i32
      %shift_right_logical3A_1106 = vector.broadcast %shift_right_logical3A_1105 : i32 to vector<1x512xi32>
      %shift_right_logical3A_1107 = arith.shrui %shift_right_logical3A_971, %shift_right_logical3A_1106 : vector<1x512xi32>
      %and3A_1108 = arith.constant 1 : i32
      %and3A_1109 = vector.broadcast %and3A_1108 : i32 to vector<1x512xi32>
      %and3A_1110 = arith.andi %shift_right_logical3A_1107, %and3A_1109 : vector<1x512xi32>
      %eq3A_1111 = arith.constant 1 : i32
      %eq3A_1112 = vector.broadcast %eq3A_1111 : i32 to vector<1x512xi32>
      %eq3A_1113 = arith.cmpi eq, %and3A_1110, %eq3A_1112 : vector<1x512xi32>
      %broadcast_in_dim3A_1114 = vector.shape_cast %eq3A_1113 : vector<1x512xi1> to vector<1x512xi1>
      %broadcast_in_dim3A_1115 = vector.broadcast %broadcast_in_dim3A_1114 : vector<1x512xi1> to vector<128x512xi1>
      %select_n3A_1116 = arith.select %broadcast_in_dim3A_1115, %select_n3A_1020, %select_n3A_1014 : vector<128x512xi1>, vector<128x512xf32>
      %eq3A_1117 = arith.constant 1 : i32
      %eq3A_1118 = vector.broadcast %eq3A_1117 : i32 to vector<1x512xi32>
      %eq3A_1119 = arith.cmpi eq, %and3A_1110, %eq3A_1118 : vector<1x512xi32>
      %broadcast_in_dim3A_1120 = vector.shape_cast %eq3A_1119 : vector<1x512xi1> to vector<1x512xi1>
      %broadcast_in_dim3A_1121 = vector.broadcast %broadcast_in_dim3A_1120 : vector<1x512xi1> to vector<128x512xi1>
      %select_n3A_1122 = arith.select %broadcast_in_dim3A_1121, %select_n3A_1032, %select_n3A_1026 : vector<128x512xi1>, vector<128x512xf32>
      %eq3A_1123 = arith.constant 1 : i32
      %eq3A_1124 = vector.broadcast %eq3A_1123 : i32 to vector<1x512xi32>
      %eq3A_1125 = arith.cmpi eq, %and3A_1110, %eq3A_1124 : vector<1x512xi32>
      %broadcast_in_dim3A_1126 = vector.shape_cast %eq3A_1125 : vector<1x512xi1> to vector<1x512xi1>
      %broadcast_in_dim3A_1127 = vector.broadcast %broadcast_in_dim3A_1126 : vector<1x512xi1> to vector<128x512xi1>
      %select_n3A_1128 = arith.select %broadcast_in_dim3A_1127, %select_n3A_1044, %select_n3A_1038 : vector<128x512xi1>, vector<128x512xf32>
      %eq3A_1129 = arith.constant 1 : i32
      %eq3A_1130 = vector.broadcast %eq3A_1129 : i32 to vector<1x512xi32>
      %eq3A_1131 = arith.cmpi eq, %and3A_1110, %eq3A_1130 : vector<1x512xi32>
      %broadcast_in_dim3A_1132 = vector.shape_cast %eq3A_1131 : vector<1x512xi1> to vector<1x512xi1>
      %broadcast_in_dim3A_1133 = vector.broadcast %broadcast_in_dim3A_1132 : vector<1x512xi1> to vector<128x512xi1>
      %select_n3A_1134 = arith.select %broadcast_in_dim3A_1133, %select_n3A_1056, %select_n3A_1050 : vector<128x512xi1>, vector<128x512xf32>
      %eq3A_1135 = arith.constant 1 : i32
      %eq3A_1136 = vector.broadcast %eq3A_1135 : i32 to vector<1x512xi32>
      %eq3A_1137 = arith.cmpi eq, %and3A_1110, %eq3A_1136 : vector<1x512xi32>
      %broadcast_in_dim3A_1138 = vector.shape_cast %eq3A_1137 : vector<1x512xi1> to vector<1x512xi1>
      %broadcast_in_dim3A_1139 = vector.broadcast %broadcast_in_dim3A_1138 : vector<1x512xi1> to vector<128x512xi1>
      %select_n3A_1140 = arith.select %broadcast_in_dim3A_1139, %select_n3A_1068, %select_n3A_1062 : vector<128x512xi1>, vector<128x512xf32>
      %eq3A_1141 = arith.constant 1 : i32
      %eq3A_1142 = vector.broadcast %eq3A_1141 : i32 to vector<1x512xi32>
      %eq3A_1143 = arith.cmpi eq, %and3A_1110, %eq3A_1142 : vector<1x512xi32>
      %broadcast_in_dim3A_1144 = vector.shape_cast %eq3A_1143 : vector<1x512xi1> to vector<1x512xi1>
      %broadcast_in_dim3A_1145 = vector.broadcast %broadcast_in_dim3A_1144 : vector<1x512xi1> to vector<128x512xi1>
      %select_n3A_1146 = arith.select %broadcast_in_dim3A_1145, %select_n3A_1080, %select_n3A_1074 : vector<128x512xi1>, vector<128x512xf32>
      %eq3A_1147 = arith.constant 1 : i32
      %eq3A_1148 = vector.broadcast %eq3A_1147 : i32 to vector<1x512xi32>
      %eq3A_1149 = arith.cmpi eq, %and3A_1110, %eq3A_1148 : vector<1x512xi32>
      %broadcast_in_dim3A_1150 = vector.shape_cast %eq3A_1149 : vector<1x512xi1> to vector<1x512xi1>
      %broadcast_in_dim3A_1151 = vector.broadcast %broadcast_in_dim3A_1150 : vector<1x512xi1> to vector<128x512xi1>
      %select_n3A_1152 = arith.select %broadcast_in_dim3A_1151, %select_n3A_1092, %select_n3A_1086 : vector<128x512xi1>, vector<128x512xf32>
      %eq3A_1153 = arith.constant 1 : i32
      %eq3A_1154 = vector.broadcast %eq3A_1153 : i32 to vector<1x512xi32>
      %eq3A_1155 = arith.cmpi eq, %and3A_1110, %eq3A_1154 : vector<1x512xi32>
      %broadcast_in_dim3A_1156 = vector.shape_cast %eq3A_1155 : vector<1x512xi1> to vector<1x512xi1>
      %broadcast_in_dim3A_1157 = vector.broadcast %broadcast_in_dim3A_1156 : vector<1x512xi1> to vector<128x512xi1>
      %select_n3A_1158 = arith.select %broadcast_in_dim3A_1157, %select_n3A_1104, %select_n3A_1098 : vector<128x512xi1>, vector<128x512xf32>
      %shift_right_logical3A_1159 = arith.constant 2 : i32
      %shift_right_logical3A_1160 = vector.broadcast %shift_right_logical3A_1159 : i32 to vector<1x512xi32>
      %shift_right_logical3A_1161 = arith.shrui %shift_right_logical3A_971, %shift_right_logical3A_1160 : vector<1x512xi32>
      %and3A_1162 = arith.constant 1 : i32
      %and3A_1163 = vector.broadcast %and3A_1162 : i32 to vector<1x512xi32>
      %and3A_1164 = arith.andi %shift_right_logical3A_1161, %and3A_1163 : vector<1x512xi32>
      %eq3A_1165 = arith.constant 1 : i32
      %eq3A_1166 = vector.broadcast %eq3A_1165 : i32 to vector<1x512xi32>
      %eq3A_1167 = arith.cmpi eq, %and3A_1164, %eq3A_1166 : vector<1x512xi32>
      %broadcast_in_dim3A_1168 = vector.shape_cast %eq3A_1167 : vector<1x512xi1> to vector<1x512xi1>
      %broadcast_in_dim3A_1169 = vector.broadcast %broadcast_in_dim3A_1168 : vector<1x512xi1> to vector<128x512xi1>
      %select_n3A_1170 = arith.select %broadcast_in_dim3A_1169, %select_n3A_1122, %select_n3A_1116 : vector<128x512xi1>, vector<128x512xf32>
      %eq3A_1171 = arith.constant 1 : i32
      %eq3A_1172 = vector.broadcast %eq3A_1171 : i32 to vector<1x512xi32>
      %eq3A_1173 = arith.cmpi eq, %and3A_1164, %eq3A_1172 : vector<1x512xi32>
      %broadcast_in_dim3A_1174 = vector.shape_cast %eq3A_1173 : vector<1x512xi1> to vector<1x512xi1>
      %broadcast_in_dim3A_1175 = vector.broadcast %broadcast_in_dim3A_1174 : vector<1x512xi1> to vector<128x512xi1>
      %select_n3A_1176 = arith.select %broadcast_in_dim3A_1175, %select_n3A_1134, %select_n3A_1128 : vector<128x512xi1>, vector<128x512xf32>
      %eq3A_1177 = arith.constant 1 : i32
      %eq3A_1178 = vector.broadcast %eq3A_1177 : i32 to vector<1x512xi32>
      %eq3A_1179 = arith.cmpi eq, %and3A_1164, %eq3A_1178 : vector<1x512xi32>
      %broadcast_in_dim3A_1180 = vector.shape_cast %eq3A_1179 : vector<1x512xi1> to vector<1x512xi1>
      %broadcast_in_dim3A_1181 = vector.broadcast %broadcast_in_dim3A_1180 : vector<1x512xi1> to vector<128x512xi1>
      %select_n3A_1182 = arith.select %broadcast_in_dim3A_1181, %select_n3A_1146, %select_n3A_1140 : vector<128x512xi1>, vector<128x512xf32>
      %eq3A_1183 = arith.constant 1 : i32
      %eq3A_1184 = vector.broadcast %eq3A_1183 : i32 to vector<1x512xi32>
      %eq3A_1185 = arith.cmpi eq, %and3A_1164, %eq3A_1184 : vector<1x512xi32>
      %broadcast_in_dim3A_1186 = vector.shape_cast %eq3A_1185 : vector<1x512xi1> to vector<1x512xi1>
      %broadcast_in_dim3A_1187 = vector.broadcast %broadcast_in_dim3A_1186 : vector<1x512xi1> to vector<128x512xi1>
      %select_n3A_1188 = arith.select %broadcast_in_dim3A_1187, %select_n3A_1158, %select_n3A_1152 : vector<128x512xi1>, vector<128x512xf32>
      %shift_right_logical3A_1189 = arith.constant 3 : i32
      %shift_right_logical3A_1190 = vector.broadcast %shift_right_logical3A_1189 : i32 to vector<1x512xi32>
      %shift_right_logical3A_1191 = arith.shrui %shift_right_logical3A_971, %shift_right_logical3A_1190 : vector<1x512xi32>
      %and3A_1192 = arith.constant 1 : i32
      %and3A_1193 = vector.broadcast %and3A_1192 : i32 to vector<1x512xi32>
      %and3A_1194 = arith.andi %shift_right_logical3A_1191, %and3A_1193 : vector<1x512xi32>
      %eq3A_1195 = arith.constant 1 : i32
      %eq3A_1196 = vector.broadcast %eq3A_1195 : i32 to vector<1x512xi32>
      %eq3A_1197 = arith.cmpi eq, %and3A_1194, %eq3A_1196 : vector<1x512xi32>
      %broadcast_in_dim3A_1198 = vector.shape_cast %eq3A_1197 : vector<1x512xi1> to vector<1x512xi1>
      %broadcast_in_dim3A_1199 = vector.broadcast %broadcast_in_dim3A_1198 : vector<1x512xi1> to vector<128x512xi1>
      %select_n3A_1200 = arith.select %broadcast_in_dim3A_1199, %select_n3A_1176, %select_n3A_1170 : vector<128x512xi1>, vector<128x512xf32>
      %eq3A_1201 = arith.constant 1 : i32
      %eq3A_1202 = vector.broadcast %eq3A_1201 : i32 to vector<1x512xi32>
      %eq3A_1203 = arith.cmpi eq, %and3A_1194, %eq3A_1202 : vector<1x512xi32>
      %broadcast_in_dim3A_1204 = vector.shape_cast %eq3A_1203 : vector<1x512xi1> to vector<1x512xi1>
      %broadcast_in_dim3A_1205 = vector.broadcast %broadcast_in_dim3A_1204 : vector<1x512xi1> to vector<128x512xi1>
      %select_n3A_1206 = arith.select %broadcast_in_dim3A_1205, %select_n3A_1188, %select_n3A_1182 : vector<128x512xi1>, vector<128x512xf32>
      %shift_right_logical3A_1207 = arith.constant 4 : i32
      %shift_right_logical3A_1208 = vector.broadcast %shift_right_logical3A_1207 : i32 to vector<1x512xi32>
      %shift_right_logical3A_1209 = arith.shrui %shift_right_logical3A_971, %shift_right_logical3A_1208 : vector<1x512xi32>
      %and3A_1210 = arith.constant 1 : i32
      %and3A_1211 = vector.broadcast %and3A_1210 : i32 to vector<1x512xi32>
      %and3A_1212 = arith.andi %shift_right_logical3A_1209, %and3A_1211 : vector<1x512xi32>
      %eq3A_1213 = arith.constant 1 : i32
      %eq3A_1214 = vector.broadcast %eq3A_1213 : i32 to vector<1x512xi32>
      %eq3A_1215 = arith.cmpi eq, %and3A_1212, %eq3A_1214 : vector<1x512xi32>
      %broadcast_in_dim3A_1216 = vector.shape_cast %eq3A_1215 : vector<1x512xi1> to vector<1x512xi1>
      %broadcast_in_dim3A_1217 = vector.broadcast %broadcast_in_dim3A_1216 : vector<1x512xi1> to vector<128x512xi1>
      %select_n3A_1218 = arith.select %broadcast_in_dim3A_1217, %select_n3A_1206, %select_n3A_1200 : vector<128x512xi1>, vector<128x512xf32>
      %shift_left3A = arith.constant 7 : i32
      %shift_left3A_1219 = vector.broadcast %shift_left3A : i32 to vector<1x512xi32>
      %shift_left3A_1220 = arith.shli %shift_right_logical3A_971, %shift_left3A_1219 : vector<1x512xi32>
      %add3A_1221 = vector.broadcast %shift_left3A_1220 : vector<1x512xi32> to vector<128x512xi32>
      %add3A_1222 = arith.addi %iota3A_25, %add3A_1221 : vector<128x512xi32>
      %gt3A = vector.broadcast %broadcast_in_dim3A_956 : vector<1x512xf32> to vector<128x512xf32>
      %gt3A_1223 = arith.cmpf ogt, %select_n3A_1218, %gt3A : vector<128x512xf32>
      %eq3A_1224 = vector.broadcast %broadcast_in_dim3A_956 : vector<1x512xf32> to vector<128x512xf32>
      %eq3A_1225 = arith.cmpf oeq, %select_n3A_1218, %eq3A_1224 : vector<128x512xf32>
      %gt3A_1226 = vector.broadcast %broadcast_in_dim3A_964 : vector<1x512xi32> to vector<128x512xi32>
      %gt3A_1227 = arith.cmpi sgt, %add3A_1222, %gt3A_1226 : vector<128x512xi32>
      %and3A_1228 = arith.andi %eq3A_1225, %gt3A_1227 : vector<128x512xi1>
      %or3A = arith.ori %gt3A_1223, %and3A_1228 : vector<128x512xi1>
      %jit3A_1229 = arith.constant 0x7F800000 : f32
      %broadcast_in_dim3A_1230 = vector.broadcast %jit3A_1229 : f32 to vector<128x512xf32>
      %select_n3A_1231 = arith.select %or3A, %select_n3A_1218, %broadcast_in_dim3A_1230 : vector<128x512xi1>, vector<128x512xf32>
      %reduce_min3A_1232 = arith.constant dense<0x7F800000> : vector<512xf32>
      %reduce_min3A_1233 = vector.multi_reduction <minimumf>, %select_n3A_1231, %reduce_min3A_1232 [0] : vector<128x512xf32> to vector<512xf32>
      %broadcast_in_dim3A_1234 = vector.shape_cast %reduce_min3A_1233 : vector<512xf32> to vector<1x512xf32>
      %eq3A_1235 = vector.broadcast %broadcast_in_dim3A_1234 : vector<1x512xf32> to vector<128x512xf32>
      %eq3A_1236 = arith.cmpf oeq, %select_n3A_1231, %eq3A_1235 : vector<128x512xf32>
      %jit3A_1237 = arith.constant 4096 : i32
      %broadcast_in_dim3A_1238 = vector.broadcast %jit3A_1237 : i32 to vector<128x512xi32>
      %select_n3A_1239 = arith.select %eq3A_1236, %add3A_1222, %broadcast_in_dim3A_1238 : vector<128x512xi1>, vector<128x512xi32>
      %reduce_min3A_1240 = arith.constant dense<2147483647> : vector<512xi32>
      %reduce_min3A_1241 = vector.multi_reduction <minsi>, %select_n3A_1239, %reduce_min3A_1240 [0] : vector<128x512xi32> to vector<512xi32>
      %broadcast_in_dim3A_1242 = vector.shape_cast %reduce_min3A_1241 : vector<512xi32> to vector<1x512xi32>
      %eq3A_1243 = vector.broadcast %shift_right_logical3A_971 : vector<1x512xi32> to vector<32x512xi32>
      %eq3A_1244 = arith.cmpi eq, %iota3A_24, %eq3A_1243 : vector<32x512xi32>
      %broadcast_in_dim3A_1245 = vector.shape_cast %broadcast_in_dim3A_1234 : vector<1x512xf32> to vector<1x512xf32>
      %broadcast_in_dim3A_1246 = vector.broadcast %broadcast_in_dim3A_1245 : vector<1x512xf32> to vector<32x512xf32>
      %select_n3A_1247 = arith.select %eq3A_1244, %broadcast_in_dim3A_1246, %scan3A_951 : vector<32x512xi1>, vector<32x512xf32>
      %eq3A_1248 = vector.broadcast %shift_right_logical3A_971 : vector<1x512xi32> to vector<32x512xi32>
      %eq3A_1249 = arith.cmpi eq, %iota3A_24, %eq3A_1248 : vector<32x512xi32>
      %broadcast_in_dim3A_1250 = vector.shape_cast %broadcast_in_dim3A_1242 : vector<1x512xi32> to vector<1x512xi32>
      %broadcast_in_dim3A_1251 = vector.broadcast %broadcast_in_dim3A_1250 : vector<1x512xi32> to vector<32x512xi32>
      %select_n3A_1252 = arith.select %eq3A_1249, %broadcast_in_dim3A_1251, %scan3A_952 : vector<32x512xi1>, vector<32x512xi32>
      scf.yield %select_n3A_1247, %select_n3A_1252, %select_n3A_969 : vector<32x512xf32>, vector<32x512xi32>, vector<16x512xi32>
    }
    %scan3A_890 = arith.constant 16 : i32
    %mul3A_891 = arith.constant 4096 : i32
    %mul3A_892 = arith.muli %arg0, %mul3A_891 : i32
    %add3A_893 = vector.broadcast %mul3A_892 : i32 to vector<16x512xi32>
    %add3A_894 = arith.addi %scan3A_889#2, %add3A_893 : vector<16x512xi32>
    %swap3A = arith.constant 0 : index
    %swap3A_895 = arith.constant 0 : index
    %swap3A_896 = arith.constant 0 : index
    %swap3A_897 = vector.load %arg9[%swap3A, %swap3A_895, %swap3A_896] : memref<1x16x512xi32, #tpu.memory_space<vmem>>, vector<1x16x512xi32>
    %swap3A_898 = vector.shape_cast %swap3A_897 : vector<1x16x512xi32> to vector<16x512xi32>
    %swap3A_899 = vector.shape_cast %add3A_894 : vector<16x512xi32> to vector<1x16x512xi32>
    tpu.vector_store %arg9[%swap3A, %swap3A_895, %swap3A_896], %swap3A_899 {strides = array<i32>} : memref<1x16x512xi32, #tpu.memory_space<vmem>>, vector<1x16x512xi32>,
    %get3A_900 = arith.constant 0 : index
    %get3A_901 = arith.constant 0 : index
    %get3A_902 = arith.constant 0 : index
    %get3A_903 = vector.load %arg4[%get3A_900, %get3A_901, %get3A_902] : memref<1x512x64xf32, #tpu.memory_space<vmem>>, vector<1x512x64xf32>
    %get3A_904 = vector.shape_cast %get3A_903 : vector<1x512x64xf32> to vector<512x64xf32>
    %get3A_905 = arith.constant 0 : index
    %get3A_906 = arith.constant 0 : index
    %get3A_907 = arith.constant 0 : index
    %get3A_908 = vector.load %arg5[%get3A_905, %get3A_906, %get3A_907] : memref<1x512x8xf32, #tpu.memory_space<vmem>>, vector<1x512x8xf32>
    %get3A_909 = vector.shape_cast %get3A_908 : vector<1x512x8xf32> to vector<512x8xf32>
    %get3A_910 = arith.constant 0 : index
    %get3A_911 = arith.constant 0 : index
    %get3A_912 = vector.load %arg6[%get3A_910, %get3A_911] : memref<64x128xf32, #tpu.memory_space<vmem>>, vector<64x128xf32>
    %dot_general3A_913 = arith.constant dense<0.000000e+00> : vector<512x128xf32>
    %dot_general3A_914 = tpu.matmul %get3A_904, %get3A_912, %dot_general3A_913 {dimension_numbers = #tpu.dot_dimension_numbers<[1], [0], [0], [1], [0, 0, 1, 1], [], []>, transpose_lhs_hint = false} : vector<512x64xf32>, vector<64x128xf32>, vector<512x128xf32> -> vector<512x128xf32>
    %get3A_915 = arith.constant 0 : index
    %get3A_916 = arith.constant 0 : index
    %get3A_917 = vector.load %arg7[%get3A_915, %get3A_916] : memref<1x128xf32, #tpu.memory_space<vmem>>, vector<1x128xf32>
    %get3A_918 = vector.shape_cast %get3A_917 : vector<1x128xf32> to vector<128xf32>
    %broadcast_in_dim3A_919 = vector.shape_cast %get3A_918 : vector<128xf32> to vector<1x128xf32>
    %add3A_920 = vector.broadcast %broadcast_in_dim3A_919 : vector<1x128xf32> to vector<512x128xf32>
    %add3A_921 = arith.addf %dot_general3A_914, %add3A_920 : vector<512x128xf32>
    %slice3A_922 = vector.extract_strided_slice %add3A_921 {offsets = [0, 0], sizes = [512, 64], strides = [1, 1]} : vector<512x128xf32> to vector<512x64xf32>
    %swap3A_923 = arith.constant 0 : index
    %swap3A_924 = arith.constant 0 : index
    %swap3A_925 = arith.constant 0 : index
    %swap3A_926 = vector.load %arg10[%swap3A_923, %swap3A_924, %swap3A_925] : memref<1x512x64xf32, #tpu.memory_space<vmem>>, vector<1x512x64xf32>
    %swap3A_927 = vector.shape_cast %swap3A_926 : vector<1x512x64xf32> to vector<512x64xf32>
    %swap3A_928 = vector.shape_cast %slice3A_922 : vector<512x64xf32> to vector<1x512x64xf32>
    tpu.vector_store %arg10[%swap3A_923, %swap3A_924, %swap3A_925], %swap3A_928 {strides = array<i32>} : memref<1x512x64xf32, #tpu.memory_space<vmem>>, vector<1x512x64xf32>,
    %broadcast_in_dim3A_929 = arith.constant 0.000000e+00 : f32
    %broadcast_in_dim3A_930 = vector.broadcast %broadcast_in_dim3A_929 : f32 to vector<512x56xf32>
    %slice3A_931 = vector.extract_strided_slice %add3A_921 {offsets = [0, 64], sizes = [512, 64], strides = [1, 1]} : vector<512x128xf32> to vector<512x64xf32>
    %concatenate3A_932 = tpu.concatenate %slice3A_931, %get3A_909, %broadcast_in_dim3A_930 in 1 : vector<512x64xf32>, vector<512x8xf32>, vector<512x56xf32> -> vector<512x128xf32>
    %swap3A_933 = arith.constant 0 : index
    %swap3A_934 = arith.constant 0 : index
    %swap3A_935 = arith.constant 0 : index
    %swap3A_936 = vector.load %arg11[%swap3A_933, %swap3A_934, %swap3A_935] : memref<1x512x128xf32, #tpu.memory_space<vmem>>, vector<1x512x128xf32>
    %swap3A_937 = vector.shape_cast %swap3A_936 : vector<1x512x128xf32> to vector<512x128xf32>
    %swap3A_938 = vector.shape_cast %concatenate3A_932 : vector<512x128xf32> to vector<1x512x128xf32>
    tpu.vector_store %arg11[%swap3A_933, %swap3A_934, %swap3A_935], %swap3A_938 {strides = array<i32>} : memref<1x512x128xf32, #tpu.memory_space<vmem>>, vector<1x512x128xf32>,
    %get3A_939 = arith.constant 0 : index
    %get3A_940 = arith.constant 0 : index
    %get3A_941 = vector.load %arg8[%get3A_939, %get3A_940] : memref<64x64xf32, #tpu.memory_space<vmem>>, vector<64x64xf32>
    %dot_general3A_942 = arith.constant dense<0.000000e+00> : vector<512x64xf32>
    %dot_general3A_943 = tpu.matmul %get3A_904, %get3A_941, %dot_general3A_942 {dimension_numbers = #tpu.dot_dimension_numbers<[1], [0], [0], [1], [0, 0, 1, 1], [], []>, transpose_lhs_hint = false} : vector<512x64xf32>, vector<64x64xf32>, vector<512x64xf32> -> vector<512x64xf32>
    %swap3A_944 = arith.constant 0 : index
    %swap3A_945 = arith.constant 0 : index
    %swap3A_946 = arith.constant 0 : index
    %swap3A_947 = vector.load %arg12[%swap3A_944, %swap3A_945, %swap3A_946] : memref<1x512x64xf32, #tpu.memory_space<vmem>>, vector<1x512x64xf32>
    %swap3A_948 = vector.shape_cast %swap3A_947 : vector<1x512x64xf32> to vector<512x64xf32>
    %swap3A_949 = vector.shape_cast %dot_general3A_943 : vector<512x64xf32> to vector<1x512x64xf32>
    tpu.vector_store %arg12[%swap3A_944, %swap3A_945, %swap3A_946], %swap3A_949 {strides = array<i32>} : memref<1x512x64xf32, #tpu.memory_space<vmem>>, vector<1x512x64xf32>,
    return
  }
  func.func @transform_0(%arg0: i32, %arg1: i32) -> (i32, i32, i32) {
    %c0_i32 = arith.constant 0 : i32
    %c0_i32_0 = arith.constant 0 : i32
    %c0_i32_1 = arith.constant 0 : i32
    return %arg0, %c0_i32, %c0_i32_0 : i32, i32, i32
  }
  func.func @transform_1(%arg0: i32, %arg1: i32) -> (i32, i32, i32) {
    %c0_i32 = arith.constant 0 : i32
    %c0_i32_0 = arith.constant 0 : i32
    return %arg0, %c0_i32, %arg1 : i32, i32, i32
  }
  func.func @transform_2(%arg0: i32, %arg1: i32) -> (i32, i32, i32) {
    %c0_i32 = arith.constant 0 : i32
    %c0_i32_0 = arith.constant 0 : i32
    return %arg0, %arg1, %c0_i32 : i32, i32, i32
  }
  func.func @transform_3(%arg0: i32, %arg1: i32) -> (i32, i32, i32) {
    %c0_i32 = arith.constant 0 : i32
    %c0_i32_0 = arith.constant 0 : i32
    return %arg0, %arg1, %c0_i32 : i32, i32, i32
  }
  func.func @transform_4(%arg0: i32, %arg1: i32) -> (i32, i32) {
    %c0_i32 = arith.constant 0 : i32
    %c0_i32_0 = arith.constant 0 : i32
    %c0_i32_1 = arith.constant 0 : i32
    return %c0_i32, %c0_i32_0 : i32, i32
  }
  func.func @transform_5(%arg0: i32, %arg1: i32) -> (i32, i32) {
    %c0_i32 = arith.constant 0 : i32
    %c0_i32_0 = arith.constant 0 : i32
    %c0_i32_1 = arith.constant 0 : i32
    return %c0_i32, %c0_i32_0 : i32, i32
  }
  func.func @transform_6(%arg0: i32, %arg1: i32) -> (i32, i32) {
    %c0_i32 = arith.constant 0 : i32
    %c0_i32_0 = arith.constant 0 : i32
    %c0_i32_1 = arith.constant 0 : i32
    return %c0_i32, %c0_i32_0 : i32, i32
  }
  func.func @transform_7(%arg0: i32, %arg1: i32) -> (i32, i32, i32) {
    %c0_i32 = arith.constant 0 : i32
    %c0_i32_0 = arith.constant 0 : i32
    return %arg0, %c0_i32, %arg1 : i32, i32, i32
  }
  func.func @transform_8(%arg0: i32, %arg1: i32) -> (i32, i32, i32) {
    %c0_i32 = arith.constant 0 : i32
    %c0_i32_0 = arith.constant 0 : i32
    return %arg0, %arg1, %c0_i32 : i32, i32, i32
  }
  func.func @transform_9(%arg0: i32, %arg1: i32) -> (i32, i32, i32) {
    %c0_i32 = arith.constant 0 : i32
    %c0_i32_0 = arith.constant 0 : i32
    return %arg0, %arg1, %c0_i32 : i32, i32, i32
  }
  func.func @transform_10(%arg0: i32, %arg1: i32) -> (i32, i32, i32) {
    %c0_i32 = arith.constant 0 : i32
    %c0_i32_0 = arith.constant 0 : i32
    return %arg0, %arg1, %c0_i32 : i32, i32, i32
  }
}

module attributes {stable_mosaic.version = 14 : i64} {
  func.func @_combine_body(%arg0: i32, %arg1: i32, %arg2: memref<1x16x1024x128xf32, #tpu.memory_space<vmem>>, %arg3: memref<1x1024x8xf32, #tpu.memory_space<vmem>>, %arg4: memref<1x1024x64xf32, #tpu.memory_space<vmem>>, %arg5: memref<8x64xf32, #tpu.memory_space<vmem>>, %arg6: memref<1x1024x128xf32, #tpu.memory_space<vmem>>) attributes {dimension_semantics = [#tpu.dimension_semantics<parallel>, #tpu.dimension_semantics<parallel>], iteration_bounds = array<i64: 4, 4>, scalar_prefetch = 0 : i64, scratch_operands = 0 : i64, tpu.core_type = #tpu.core_type<tc>, window_params = [{transform_indices = @transform_0, window_bounds = array<i64: 1, 16, 1024, 128>}, {transform_indices = @transform_1, window_bounds = array<i64: 1, 1024, 8>}, {transform_indices = @transform_2, window_bounds = array<i64: 1, 1024, 64>}, {pipeline_mode = #tpu.pipeline_mode<synchronous>, transform_indices = @transform_3, window_bounds = array<i64: 8, 64>}, {transform_indices = @transform_4, window_bounds = array<i64: 1, 1024, 128>}]} {
    %get3A = arith.constant 0 : index
    %get3A_0 = arith.constant 0 : index
    %get3A_1 = arith.constant 0 : index
    %get3A_2 = vector.load %arg3[%get3A, %get3A_0, %get3A_1] : memref<1x1024x8xf32, #tpu.memory_space<vmem>>, vector<1x1024x8xf32>
    %get3A_3 = vector.shape_cast %get3A_2 : vector<1x1024x8xf32> to vector<1024x8xf32>
    %get3A_4 = arith.constant 0 : index
    %get3A_5 = arith.constant 0 : index
    %get3A_6 = vector.load %arg5[%get3A_4, %get3A_5] : memref<8x64xf32, #tpu.memory_space<vmem>>, vector<8x64xf32>
    %mul3A = arith.mulf %get3A_6, %get3A_6 : vector<8x64xf32>
    %reduce_sum3A = arith.constant dense<0.000000e+00> : vector<64xf32>
    %reduce_sum3A_7 = vector.multi_reduction <add>, %mul3A, %reduce_sum3A [0] : vector<8x64xf32> to vector<64xf32>
    %broadcast_in_dim3A = vector.shape_cast %reduce_sum3A_7 : vector<64xf32> to vector<1x64xf32>
    %sqrt3A = math.sqrt %broadcast_in_dim3A : vector<1x64xf32>
    %max3A = arith.constant 9.99999996E-13 : f32
    %max3A_8 = vector.broadcast %max3A : f32 to vector<1x64xf32>
    %max3A_9 = arith.maximumf %sqrt3A, %max3A_8 : vector<1x64xf32>
    %div3A = vector.broadcast %max3A_9 : vector<1x64xf32> to vector<8x64xf32>
    %div3A_10 = arith.divf %get3A_6, %div3A : vector<8x64xf32>
    %get3A_11 = arith.constant 0 : index
    %get3A_12 = arith.constant 0 : index
    %get3A_13 = arith.constant 0 : index
    %get3A_14 = arith.constant 0 : index
    %get3A_15 = vector.load %arg2[%get3A_11, %get3A_12, %get3A_13, %get3A_14] : memref<1x16x1024x128xf32, #tpu.memory_space<vmem>>, vector<1x1x1024x128xf32>
    %get3A_16 = vector.shape_cast %get3A_15 : vector<1x1x1024x128xf32> to vector<1024x128xf32>
    %slice3A = vector.extract_strided_slice %get3A_16 {offsets = [0, 64], sizes = [1024, 8], strides = [1, 1]} : vector<1024x128xf32> to vector<1024x8xf32>
    %sub3A = arith.subf %slice3A, %get3A_3 : vector<1024x8xf32>
    %mul3A_17 = arith.mulf %sub3A, %sub3A : vector<1024x8xf32>
    %reduce_sum3A_18 = arith.constant dense<0.000000e+00> : vector<1024xf32>
    %reduce_sum3A_19 = vector.multi_reduction <add>, %mul3A_17, %reduce_sum3A_18 [1] : vector<1024x8xf32> to vector<1024xf32>
    %broadcast_in_dim3A_20 = vector.shape_cast %reduce_sum3A_19 : vector<1024xf32> to vector<1024x1xf32>
    %sqrt3A_21 = math.sqrt %broadcast_in_dim3A_20 : vector<1024x1xf32>
    %max3A_22 = arith.constant 9.99999996E-13 : f32
    %max3A_23 = vector.broadcast %max3A_22 : f32 to vector<1024x1xf32>
    %max3A_24 = arith.maximumf %sqrt3A_21, %max3A_23 : vector<1024x1xf32>
    %div3A_25 = vector.broadcast %max3A_24 : vector<1024x1xf32> to vector<1024x8xf32>
    %div3A_26 = arith.divf %sub3A, %div3A_25 : vector<1024x8xf32>
    %dot_general3A = arith.constant dense<0.000000e+00> : vector<1024x64xf32>
    %dot_general3A_27 = tpu.matmul %div3A_26, %div3A_10, %dot_general3A {dimension_numbers = #tpu.dot_dimension_numbers<[1], [0], [0], [1], [0, 0, 1, 1], [], []>, transpose_lhs_hint = false} : vector<1024x8xf32>, vector<8x64xf32>, vector<1024x64xf32> -> vector<1024x64xf32>
    %max3A_28 = arith.constant 0.000000e+00 : f32
    %max3A_29 = vector.broadcast %max3A_28 : f32 to vector<1024x64xf32>
    %max3A_30 = arith.maximumf %dot_general3A_27, %max3A_29 : vector<1024x64xf32>
    %slice3A_31 = vector.extract_strided_slice %get3A_16 {offsets = [0, 0], sizes = [1024, 64], strides = [1, 1]} : vector<1024x128xf32> to vector<1024x64xf32>
    %mul3A_32 = arith.mulf %max3A_30, %slice3A_31 : vector<1024x64xf32>
    %get3A_33 = arith.constant 0 : index
    %get3A_34 = arith.constant 1 : index
    %get3A_35 = arith.constant 0 : index
    %get3A_36 = arith.constant 0 : index
    %get3A_37 = vector.load %arg2[%get3A_33, %get3A_34, %get3A_35, %get3A_36] : memref<1x16x1024x128xf32, #tpu.memory_space<vmem>>, vector<1x1x1024x128xf32>
    %get3A_38 = vector.shape_cast %get3A_37 : vector<1x1x1024x128xf32> to vector<1024x128xf32>
    %slice3A_39 = vector.extract_strided_slice %get3A_38 {offsets = [0, 64], sizes = [1024, 8], strides = [1, 1]} : vector<1024x128xf32> to vector<1024x8xf32>
    %sub3A_40 = arith.subf %slice3A_39, %get3A_3 : vector<1024x8xf32>
    %mul3A_41 = arith.mulf %sub3A_40, %sub3A_40 : vector<1024x8xf32>
    %reduce_sum3A_42 = arith.constant dense<0.000000e+00> : vector<1024xf32>
    %reduce_sum3A_43 = vector.multi_reduction <add>, %mul3A_41, %reduce_sum3A_42 [1] : vector<1024x8xf32> to vector<1024xf32>
    %broadcast_in_dim3A_44 = vector.shape_cast %reduce_sum3A_43 : vector<1024xf32> to vector<1024x1xf32>
    %sqrt3A_45 = math.sqrt %broadcast_in_dim3A_44 : vector<1024x1xf32>
    %max3A_46 = arith.constant 9.99999996E-13 : f32
    %max3A_47 = vector.broadcast %max3A_46 : f32 to vector<1024x1xf32>
    %max3A_48 = arith.maximumf %sqrt3A_45, %max3A_47 : vector<1024x1xf32>
    %div3A_49 = vector.broadcast %max3A_48 : vector<1024x1xf32> to vector<1024x8xf32>
    %div3A_50 = arith.divf %sub3A_40, %div3A_49 : vector<1024x8xf32>
    %dot_general3A_51 = arith.constant dense<0.000000e+00> : vector<1024x64xf32>
    %dot_general3A_52 = tpu.matmul %div3A_50, %div3A_10, %dot_general3A_51 {dimension_numbers = #tpu.dot_dimension_numbers<[1], [0], [0], [1], [0, 0, 1, 1], [], []>, transpose_lhs_hint = false} : vector<1024x8xf32>, vector<8x64xf32>, vector<1024x64xf32> -> vector<1024x64xf32>
    %max3A_53 = arith.constant 0.000000e+00 : f32
    %max3A_54 = vector.broadcast %max3A_53 : f32 to vector<1024x64xf32>
    %max3A_55 = arith.maximumf %dot_general3A_52, %max3A_54 : vector<1024x64xf32>
    %slice3A_56 = vector.extract_strided_slice %get3A_38 {offsets = [0, 0], sizes = [1024, 64], strides = [1, 1]} : vector<1024x128xf32> to vector<1024x64xf32>
    %mul3A_57 = arith.mulf %max3A_55, %slice3A_56 : vector<1024x64xf32>
    %max3A_58 = arith.maximumf %mul3A_32, %mul3A_57 : vector<1024x64xf32>
    %get3A_59 = arith.constant 0 : index
    %get3A_60 = arith.constant 2 : index
    %get3A_61 = arith.constant 0 : index
    %get3A_62 = arith.constant 0 : index
    %get3A_63 = vector.load %arg2[%get3A_59, %get3A_60, %get3A_61, %get3A_62] : memref<1x16x1024x128xf32, #tpu.memory_space<vmem>>, vector<1x1x1024x128xf32>
    %get3A_64 = vector.shape_cast %get3A_63 : vector<1x1x1024x128xf32> to vector<1024x128xf32>
    %slice3A_65 = vector.extract_strided_slice %get3A_64 {offsets = [0, 64], sizes = [1024, 8], strides = [1, 1]} : vector<1024x128xf32> to vector<1024x8xf32>
    %sub3A_66 = arith.subf %slice3A_65, %get3A_3 : vector<1024x8xf32>
    %mul3A_67 = arith.mulf %sub3A_66, %sub3A_66 : vector<1024x8xf32>
    %reduce_sum3A_68 = arith.constant dense<0.000000e+00> : vector<1024xf32>
    %reduce_sum3A_69 = vector.multi_reduction <add>, %mul3A_67, %reduce_sum3A_68 [1] : vector<1024x8xf32> to vector<1024xf32>
    %broadcast_in_dim3A_70 = vector.shape_cast %reduce_sum3A_69 : vector<1024xf32> to vector<1024x1xf32>
    %sqrt3A_71 = math.sqrt %broadcast_in_dim3A_70 : vector<1024x1xf32>
    %max3A_72 = arith.constant 9.99999996E-13 : f32
    %max3A_73 = vector.broadcast %max3A_72 : f32 to vector<1024x1xf32>
    %max3A_74 = arith.maximumf %sqrt3A_71, %max3A_73 : vector<1024x1xf32>
    %div3A_75 = vector.broadcast %max3A_74 : vector<1024x1xf32> to vector<1024x8xf32>
    %div3A_76 = arith.divf %sub3A_66, %div3A_75 : vector<1024x8xf32>
    %dot_general3A_77 = arith.constant dense<0.000000e+00> : vector<1024x64xf32>
    %dot_general3A_78 = tpu.matmul %div3A_76, %div3A_10, %dot_general3A_77 {dimension_numbers = #tpu.dot_dimension_numbers<[1], [0], [0], [1], [0, 0, 1, 1], [], []>, transpose_lhs_hint = false} : vector<1024x8xf32>, vector<8x64xf32>, vector<1024x64xf32> -> vector<1024x64xf32>
    %max3A_79 = arith.constant 0.000000e+00 : f32
    %max3A_80 = vector.broadcast %max3A_79 : f32 to vector<1024x64xf32>
    %max3A_81 = arith.maximumf %dot_general3A_78, %max3A_80 : vector<1024x64xf32>
    %slice3A_82 = vector.extract_strided_slice %get3A_64 {offsets = [0, 0], sizes = [1024, 64], strides = [1, 1]} : vector<1024x128xf32> to vector<1024x64xf32>
    %mul3A_83 = arith.mulf %max3A_81, %slice3A_82 : vector<1024x64xf32>
    %max3A_84 = arith.maximumf %max3A_58, %mul3A_83 : vector<1024x64xf32>
    %get3A_85 = arith.constant 0 : index
    %get3A_86 = arith.constant 3 : index
    %get3A_87 = arith.constant 0 : index
    %get3A_88 = arith.constant 0 : index
    %get3A_89 = vector.load %arg2[%get3A_85, %get3A_86, %get3A_87, %get3A_88] : memref<1x16x1024x128xf32, #tpu.memory_space<vmem>>, vector<1x1x1024x128xf32>
    %get3A_90 = vector.shape_cast %get3A_89 : vector<1x1x1024x128xf32> to vector<1024x128xf32>
    %slice3A_91 = vector.extract_strided_slice %get3A_90 {offsets = [0, 64], sizes = [1024, 8], strides = [1, 1]} : vector<1024x128xf32> to vector<1024x8xf32>
    %sub3A_92 = arith.subf %slice3A_91, %get3A_3 : vector<1024x8xf32>
    %mul3A_93 = arith.mulf %sub3A_92, %sub3A_92 : vector<1024x8xf32>
    %reduce_sum3A_94 = arith.constant dense<0.000000e+00> : vector<1024xf32>
    %reduce_sum3A_95 = vector.multi_reduction <add>, %mul3A_93, %reduce_sum3A_94 [1] : vector<1024x8xf32> to vector<1024xf32>
    %broadcast_in_dim3A_96 = vector.shape_cast %reduce_sum3A_95 : vector<1024xf32> to vector<1024x1xf32>
    %sqrt3A_97 = math.sqrt %broadcast_in_dim3A_96 : vector<1024x1xf32>
    %max3A_98 = arith.constant 9.99999996E-13 : f32
    %max3A_99 = vector.broadcast %max3A_98 : f32 to vector<1024x1xf32>
    %max3A_100 = arith.maximumf %sqrt3A_97, %max3A_99 : vector<1024x1xf32>
    %div3A_101 = vector.broadcast %max3A_100 : vector<1024x1xf32> to vector<1024x8xf32>
    %div3A_102 = arith.divf %sub3A_92, %div3A_101 : vector<1024x8xf32>
    %dot_general3A_103 = arith.constant dense<0.000000e+00> : vector<1024x64xf32>
    %dot_general3A_104 = tpu.matmul %div3A_102, %div3A_10, %dot_general3A_103 {dimension_numbers = #tpu.dot_dimension_numbers<[1], [0], [0], [1], [0, 0, 1, 1], [], []>, transpose_lhs_hint = false} : vector<1024x8xf32>, vector<8x64xf32>, vector<1024x64xf32> -> vector<1024x64xf32>
    %max3A_105 = arith.constant 0.000000e+00 : f32
    %max3A_106 = vector.broadcast %max3A_105 : f32 to vector<1024x64xf32>
    %max3A_107 = arith.maximumf %dot_general3A_104, %max3A_106 : vector<1024x64xf32>
    %slice3A_108 = vector.extract_strided_slice %get3A_90 {offsets = [0, 0], sizes = [1024, 64], strides = [1, 1]} : vector<1024x128xf32> to vector<1024x64xf32>
    %mul3A_109 = arith.mulf %max3A_107, %slice3A_108 : vector<1024x64xf32>
    %max3A_110 = arith.maximumf %max3A_84, %mul3A_109 : vector<1024x64xf32>
    %get3A_111 = arith.constant 0 : index
    %get3A_112 = arith.constant 4 : index
    %get3A_113 = arith.constant 0 : index
    %get3A_114 = arith.constant 0 : index
    %get3A_115 = vector.load %arg2[%get3A_111, %get3A_112, %get3A_113, %get3A_114] : memref<1x16x1024x128xf32, #tpu.memory_space<vmem>>, vector<1x1x1024x128xf32>
    %get3A_116 = vector.shape_cast %get3A_115 : vector<1x1x1024x128xf32> to vector<1024x128xf32>
    %slice3A_117 = vector.extract_strided_slice %get3A_116 {offsets = [0, 64], sizes = [1024, 8], strides = [1, 1]} : vector<1024x128xf32> to vector<1024x8xf32>
    %sub3A_118 = arith.subf %slice3A_117, %get3A_3 : vector<1024x8xf32>
    %mul3A_119 = arith.mulf %sub3A_118, %sub3A_118 : vector<1024x8xf32>
    %reduce_sum3A_120 = arith.constant dense<0.000000e+00> : vector<1024xf32>
    %reduce_sum3A_121 = vector.multi_reduction <add>, %mul3A_119, %reduce_sum3A_120 [1] : vector<1024x8xf32> to vector<1024xf32>
    %broadcast_in_dim3A_122 = vector.shape_cast %reduce_sum3A_121 : vector<1024xf32> to vector<1024x1xf32>
    %sqrt3A_123 = math.sqrt %broadcast_in_dim3A_122 : vector<1024x1xf32>
    %max3A_124 = arith.constant 9.99999996E-13 : f32
    %max3A_125 = vector.broadcast %max3A_124 : f32 to vector<1024x1xf32>
    %max3A_126 = arith.maximumf %sqrt3A_123, %max3A_125 : vector<1024x1xf32>
    %div3A_127 = vector.broadcast %max3A_126 : vector<1024x1xf32> to vector<1024x8xf32>
    %div3A_128 = arith.divf %sub3A_118, %div3A_127 : vector<1024x8xf32>
    %dot_general3A_129 = arith.constant dense<0.000000e+00> : vector<1024x64xf32>
    %dot_general3A_130 = tpu.matmul %div3A_128, %div3A_10, %dot_general3A_129 {dimension_numbers = #tpu.dot_dimension_numbers<[1], [0], [0], [1], [0, 0, 1, 1], [], []>, transpose_lhs_hint = false} : vector<1024x8xf32>, vector<8x64xf32>, vector<1024x64xf32> -> vector<1024x64xf32>
    %max3A_131 = arith.constant 0.000000e+00 : f32
    %max3A_132 = vector.broadcast %max3A_131 : f32 to vector<1024x64xf32>
    %max3A_133 = arith.maximumf %dot_general3A_130, %max3A_132 : vector<1024x64xf32>
    %slice3A_134 = vector.extract_strided_slice %get3A_116 {offsets = [0, 0], sizes = [1024, 64], strides = [1, 1]} : vector<1024x128xf32> to vector<1024x64xf32>
    %mul3A_135 = arith.mulf %max3A_133, %slice3A_134 : vector<1024x64xf32>
    %max3A_136 = arith.maximumf %max3A_110, %mul3A_135 : vector<1024x64xf32>
    %get3A_137 = arith.constant 0 : index
    %get3A_138 = arith.constant 5 : index
    %get3A_139 = arith.constant 0 : index
    %get3A_140 = arith.constant 0 : index
    %get3A_141 = vector.load %arg2[%get3A_137, %get3A_138, %get3A_139, %get3A_140] : memref<1x16x1024x128xf32, #tpu.memory_space<vmem>>, vector<1x1x1024x128xf32>
    %get3A_142 = vector.shape_cast %get3A_141 : vector<1x1x1024x128xf32> to vector<1024x128xf32>
    %slice3A_143 = vector.extract_strided_slice %get3A_142 {offsets = [0, 64], sizes = [1024, 8], strides = [1, 1]} : vector<1024x128xf32> to vector<1024x8xf32>
    %sub3A_144 = arith.subf %slice3A_143, %get3A_3 : vector<1024x8xf32>
    %mul3A_145 = arith.mulf %sub3A_144, %sub3A_144 : vector<1024x8xf32>
    %reduce_sum3A_146 = arith.constant dense<0.000000e+00> : vector<1024xf32>
    %reduce_sum3A_147 = vector.multi_reduction <add>, %mul3A_145, %reduce_sum3A_146 [1] : vector<1024x8xf32> to vector<1024xf32>
    %broadcast_in_dim3A_148 = vector.shape_cast %reduce_sum3A_147 : vector<1024xf32> to vector<1024x1xf32>
    %sqrt3A_149 = math.sqrt %broadcast_in_dim3A_148 : vector<1024x1xf32>
    %max3A_150 = arith.constant 9.99999996E-13 : f32
    %max3A_151 = vector.broadcast %max3A_150 : f32 to vector<1024x1xf32>
    %max3A_152 = arith.maximumf %sqrt3A_149, %max3A_151 : vector<1024x1xf32>
    %div3A_153 = vector.broadcast %max3A_152 : vector<1024x1xf32> to vector<1024x8xf32>
    %div3A_154 = arith.divf %sub3A_144, %div3A_153 : vector<1024x8xf32>
    %dot_general3A_155 = arith.constant dense<0.000000e+00> : vector<1024x64xf32>
    %dot_general3A_156 = tpu.matmul %div3A_154, %div3A_10, %dot_general3A_155 {dimension_numbers = #tpu.dot_dimension_numbers<[1], [0], [0], [1], [0, 0, 1, 1], [], []>, transpose_lhs_hint = false} : vector<1024x8xf32>, vector<8x64xf32>, vector<1024x64xf32> -> vector<1024x64xf32>
    %max3A_157 = arith.constant 0.000000e+00 : f32
    %max3A_158 = vector.broadcast %max3A_157 : f32 to vector<1024x64xf32>
    %max3A_159 = arith.maximumf %dot_general3A_156, %max3A_158 : vector<1024x64xf32>
    %slice3A_160 = vector.extract_strided_slice %get3A_142 {offsets = [0, 0], sizes = [1024, 64], strides = [1, 1]} : vector<1024x128xf32> to vector<1024x64xf32>
    %mul3A_161 = arith.mulf %max3A_159, %slice3A_160 : vector<1024x64xf32>
    %max3A_162 = arith.maximumf %max3A_136, %mul3A_161 : vector<1024x64xf32>
    %get3A_163 = arith.constant 0 : index
    %get3A_164 = arith.constant 6 : index
    %get3A_165 = arith.constant 0 : index
    %get3A_166 = arith.constant 0 : index
    %get3A_167 = vector.load %arg2[%get3A_163, %get3A_164, %get3A_165, %get3A_166] : memref<1x16x1024x128xf32, #tpu.memory_space<vmem>>, vector<1x1x1024x128xf32>
    %get3A_168 = vector.shape_cast %get3A_167 : vector<1x1x1024x128xf32> to vector<1024x128xf32>
    %slice3A_169 = vector.extract_strided_slice %get3A_168 {offsets = [0, 64], sizes = [1024, 8], strides = [1, 1]} : vector<1024x128xf32> to vector<1024x8xf32>
    %sub3A_170 = arith.subf %slice3A_169, %get3A_3 : vector<1024x8xf32>
    %mul3A_171 = arith.mulf %sub3A_170, %sub3A_170 : vector<1024x8xf32>
    %reduce_sum3A_172 = arith.constant dense<0.000000e+00> : vector<1024xf32>
    %reduce_sum3A_173 = vector.multi_reduction <add>, %mul3A_171, %reduce_sum3A_172 [1] : vector<1024x8xf32> to vector<1024xf32>
    %broadcast_in_dim3A_174 = vector.shape_cast %reduce_sum3A_173 : vector<1024xf32> to vector<1024x1xf32>
    %sqrt3A_175 = math.sqrt %broadcast_in_dim3A_174 : vector<1024x1xf32>
    %max3A_176 = arith.constant 9.99999996E-13 : f32
    %max3A_177 = vector.broadcast %max3A_176 : f32 to vector<1024x1xf32>
    %max3A_178 = arith.maximumf %sqrt3A_175, %max3A_177 : vector<1024x1xf32>
    %div3A_179 = vector.broadcast %max3A_178 : vector<1024x1xf32> to vector<1024x8xf32>
    %div3A_180 = arith.divf %sub3A_170, %div3A_179 : vector<1024x8xf32>
    %dot_general3A_181 = arith.constant dense<0.000000e+00> : vector<1024x64xf32>
    %dot_general3A_182 = tpu.matmul %div3A_180, %div3A_10, %dot_general3A_181 {dimension_numbers = #tpu.dot_dimension_numbers<[1], [0], [0], [1], [0, 0, 1, 1], [], []>, transpose_lhs_hint = false} : vector<1024x8xf32>, vector<8x64xf32>, vector<1024x64xf32> -> vector<1024x64xf32>
    %max3A_183 = arith.constant 0.000000e+00 : f32
    %max3A_184 = vector.broadcast %max3A_183 : f32 to vector<1024x64xf32>
    %max3A_185 = arith.maximumf %dot_general3A_182, %max3A_184 : vector<1024x64xf32>
    %slice3A_186 = vector.extract_strided_slice %get3A_168 {offsets = [0, 0], sizes = [1024, 64], strides = [1, 1]} : vector<1024x128xf32> to vector<1024x64xf32>
    %mul3A_187 = arith.mulf %max3A_185, %slice3A_186 : vector<1024x64xf32>
    %max3A_188 = arith.maximumf %max3A_162, %mul3A_187 : vector<1024x64xf32>
    %get3A_189 = arith.constant 0 : index
    %get3A_190 = arith.constant 7 : index
    %get3A_191 = arith.constant 0 : index
    %get3A_192 = arith.constant 0 : index
    %get3A_193 = vector.load %arg2[%get3A_189, %get3A_190, %get3A_191, %get3A_192] : memref<1x16x1024x128xf32, #tpu.memory_space<vmem>>, vector<1x1x1024x128xf32>
    %get3A_194 = vector.shape_cast %get3A_193 : vector<1x1x1024x128xf32> to vector<1024x128xf32>
    %slice3A_195 = vector.extract_strided_slice %get3A_194 {offsets = [0, 64], sizes = [1024, 8], strides = [1, 1]} : vector<1024x128xf32> to vector<1024x8xf32>
    %sub3A_196 = arith.subf %slice3A_195, %get3A_3 : vector<1024x8xf32>
    %mul3A_197 = arith.mulf %sub3A_196, %sub3A_196 : vector<1024x8xf32>
    %reduce_sum3A_198 = arith.constant dense<0.000000e+00> : vector<1024xf32>
    %reduce_sum3A_199 = vector.multi_reduction <add>, %mul3A_197, %reduce_sum3A_198 [1] : vector<1024x8xf32> to vector<1024xf32>
    %broadcast_in_dim3A_200 = vector.shape_cast %reduce_sum3A_199 : vector<1024xf32> to vector<1024x1xf32>
    %sqrt3A_201 = math.sqrt %broadcast_in_dim3A_200 : vector<1024x1xf32>
    %max3A_202 = arith.constant 9.99999996E-13 : f32
    %max3A_203 = vector.broadcast %max3A_202 : f32 to vector<1024x1xf32>
    %max3A_204 = arith.maximumf %sqrt3A_201, %max3A_203 : vector<1024x1xf32>
    %div3A_205 = vector.broadcast %max3A_204 : vector<1024x1xf32> to vector<1024x8xf32>
    %div3A_206 = arith.divf %sub3A_196, %div3A_205 : vector<1024x8xf32>
    %dot_general3A_207 = arith.constant dense<0.000000e+00> : vector<1024x64xf32>
    %dot_general3A_208 = tpu.matmul %div3A_206, %div3A_10, %dot_general3A_207 {dimension_numbers = #tpu.dot_dimension_numbers<[1], [0], [0], [1], [0, 0, 1, 1], [], []>, transpose_lhs_hint = false} : vector<1024x8xf32>, vector<8x64xf32>, vector<1024x64xf32> -> vector<1024x64xf32>
    %max3A_209 = arith.constant 0.000000e+00 : f32
    %max3A_210 = vector.broadcast %max3A_209 : f32 to vector<1024x64xf32>
    %max3A_211 = arith.maximumf %dot_general3A_208, %max3A_210 : vector<1024x64xf32>
    %slice3A_212 = vector.extract_strided_slice %get3A_194 {offsets = [0, 0], sizes = [1024, 64], strides = [1, 1]} : vector<1024x128xf32> to vector<1024x64xf32>
    %mul3A_213 = arith.mulf %max3A_211, %slice3A_212 : vector<1024x64xf32>
    %max3A_214 = arith.maximumf %max3A_188, %mul3A_213 : vector<1024x64xf32>
    %get3A_215 = arith.constant 0 : index
    %get3A_216 = arith.constant 8 : index
    %get3A_217 = arith.constant 0 : index
    %get3A_218 = arith.constant 0 : index
    %get3A_219 = vector.load %arg2[%get3A_215, %get3A_216, %get3A_217, %get3A_218] : memref<1x16x1024x128xf32, #tpu.memory_space<vmem>>, vector<1x1x1024x128xf32>
    %get3A_220 = vector.shape_cast %get3A_219 : vector<1x1x1024x128xf32> to vector<1024x128xf32>
    %slice3A_221 = vector.extract_strided_slice %get3A_220 {offsets = [0, 64], sizes = [1024, 8], strides = [1, 1]} : vector<1024x128xf32> to vector<1024x8xf32>
    %sub3A_222 = arith.subf %slice3A_221, %get3A_3 : vector<1024x8xf32>
    %mul3A_223 = arith.mulf %sub3A_222, %sub3A_222 : vector<1024x8xf32>
    %reduce_sum3A_224 = arith.constant dense<0.000000e+00> : vector<1024xf32>
    %reduce_sum3A_225 = vector.multi_reduction <add>, %mul3A_223, %reduce_sum3A_224 [1] : vector<1024x8xf32> to vector<1024xf32>
    %broadcast_in_dim3A_226 = vector.shape_cast %reduce_sum3A_225 : vector<1024xf32> to vector<1024x1xf32>
    %sqrt3A_227 = math.sqrt %broadcast_in_dim3A_226 : vector<1024x1xf32>
    %max3A_228 = arith.constant 9.99999996E-13 : f32
    %max3A_229 = vector.broadcast %max3A_228 : f32 to vector<1024x1xf32>
    %max3A_230 = arith.maximumf %sqrt3A_227, %max3A_229 : vector<1024x1xf32>
    %div3A_231 = vector.broadcast %max3A_230 : vector<1024x1xf32> to vector<1024x8xf32>
    %div3A_232 = arith.divf %sub3A_222, %div3A_231 : vector<1024x8xf32>
    %dot_general3A_233 = arith.constant dense<0.000000e+00> : vector<1024x64xf32>
    %dot_general3A_234 = tpu.matmul %div3A_232, %div3A_10, %dot_general3A_233 {dimension_numbers = #tpu.dot_dimension_numbers<[1], [0], [0], [1], [0, 0, 1, 1], [], []>, transpose_lhs_hint = false} : vector<1024x8xf32>, vector<8x64xf32>, vector<1024x64xf32> -> vector<1024x64xf32>
    %max3A_235 = arith.constant 0.000000e+00 : f32
    %max3A_236 = vector.broadcast %max3A_235 : f32 to vector<1024x64xf32>
    %max3A_237 = arith.maximumf %dot_general3A_234, %max3A_236 : vector<1024x64xf32>
    %slice3A_238 = vector.extract_strided_slice %get3A_220 {offsets = [0, 0], sizes = [1024, 64], strides = [1, 1]} : vector<1024x128xf32> to vector<1024x64xf32>
    %mul3A_239 = arith.mulf %max3A_237, %slice3A_238 : vector<1024x64xf32>
    %max3A_240 = arith.maximumf %max3A_214, %mul3A_239 : vector<1024x64xf32>
    %get3A_241 = arith.constant 0 : index
    %get3A_242 = arith.constant 9 : index
    %get3A_243 = arith.constant 0 : index
    %get3A_244 = arith.constant 0 : index
    %get3A_245 = vector.load %arg2[%get3A_241, %get3A_242, %get3A_243, %get3A_244] : memref<1x16x1024x128xf32, #tpu.memory_space<vmem>>, vector<1x1x1024x128xf32>
    %get3A_246 = vector.shape_cast %get3A_245 : vector<1x1x1024x128xf32> to vector<1024x128xf32>
    %slice3A_247 = vector.extract_strided_slice %get3A_246 {offsets = [0, 64], sizes = [1024, 8], strides = [1, 1]} : vector<1024x128xf32> to vector<1024x8xf32>
    %sub3A_248 = arith.subf %slice3A_247, %get3A_3 : vector<1024x8xf32>
    %mul3A_249 = arith.mulf %sub3A_248, %sub3A_248 : vector<1024x8xf32>
    %reduce_sum3A_250 = arith.constant dense<0.000000e+00> : vector<1024xf32>
    %reduce_sum3A_251 = vector.multi_reduction <add>, %mul3A_249, %reduce_sum3A_250 [1] : vector<1024x8xf32> to vector<1024xf32>
    %broadcast_in_dim3A_252 = vector.shape_cast %reduce_sum3A_251 : vector<1024xf32> to vector<1024x1xf32>
    %sqrt3A_253 = math.sqrt %broadcast_in_dim3A_252 : vector<1024x1xf32>
    %max3A_254 = arith.constant 9.99999996E-13 : f32
    %max3A_255 = vector.broadcast %max3A_254 : f32 to vector<1024x1xf32>
    %max3A_256 = arith.maximumf %sqrt3A_253, %max3A_255 : vector<1024x1xf32>
    %div3A_257 = vector.broadcast %max3A_256 : vector<1024x1xf32> to vector<1024x8xf32>
    %div3A_258 = arith.divf %sub3A_248, %div3A_257 : vector<1024x8xf32>
    %dot_general3A_259 = arith.constant dense<0.000000e+00> : vector<1024x64xf32>
    %dot_general3A_260 = tpu.matmul %div3A_258, %div3A_10, %dot_general3A_259 {dimension_numbers = #tpu.dot_dimension_numbers<[1], [0], [0], [1], [0, 0, 1, 1], [], []>, transpose_lhs_hint = false} : vector<1024x8xf32>, vector<8x64xf32>, vector<1024x64xf32> -> vector<1024x64xf32>
    %max3A_261 = arith.constant 0.000000e+00 : f32
    %max3A_262 = vector.broadcast %max3A_261 : f32 to vector<1024x64xf32>
    %max3A_263 = arith.maximumf %dot_general3A_260, %max3A_262 : vector<1024x64xf32>
    %slice3A_264 = vector.extract_strided_slice %get3A_246 {offsets = [0, 0], sizes = [1024, 64], strides = [1, 1]} : vector<1024x128xf32> to vector<1024x64xf32>
    %mul3A_265 = arith.mulf %max3A_263, %slice3A_264 : vector<1024x64xf32>
    %max3A_266 = arith.maximumf %max3A_240, %mul3A_265 : vector<1024x64xf32>
    %get3A_267 = arith.constant 0 : index
    %get3A_268 = arith.constant 10 : index
    %get3A_269 = arith.constant 0 : index
    %get3A_270 = arith.constant 0 : index
    %get3A_271 = vector.load %arg2[%get3A_267, %get3A_268, %get3A_269, %get3A_270] : memref<1x16x1024x128xf32, #tpu.memory_space<vmem>>, vector<1x1x1024x128xf32>
    %get3A_272 = vector.shape_cast %get3A_271 : vector<1x1x1024x128xf32> to vector<1024x128xf32>
    %slice3A_273 = vector.extract_strided_slice %get3A_272 {offsets = [0, 64], sizes = [1024, 8], strides = [1, 1]} : vector<1024x128xf32> to vector<1024x8xf32>
    %sub3A_274 = arith.subf %slice3A_273, %get3A_3 : vector<1024x8xf32>
    %mul3A_275 = arith.mulf %sub3A_274, %sub3A_274 : vector<1024x8xf32>
    %reduce_sum3A_276 = arith.constant dense<0.000000e+00> : vector<1024xf32>
    %reduce_sum3A_277 = vector.multi_reduction <add>, %mul3A_275, %reduce_sum3A_276 [1] : vector<1024x8xf32> to vector<1024xf32>
    %broadcast_in_dim3A_278 = vector.shape_cast %reduce_sum3A_277 : vector<1024xf32> to vector<1024x1xf32>
    %sqrt3A_279 = math.sqrt %broadcast_in_dim3A_278 : vector<1024x1xf32>
    %max3A_280 = arith.constant 9.99999996E-13 : f32
    %max3A_281 = vector.broadcast %max3A_280 : f32 to vector<1024x1xf32>
    %max3A_282 = arith.maximumf %sqrt3A_279, %max3A_281 : vector<1024x1xf32>
    %div3A_283 = vector.broadcast %max3A_282 : vector<1024x1xf32> to vector<1024x8xf32>
    %div3A_284 = arith.divf %sub3A_274, %div3A_283 : vector<1024x8xf32>
    %dot_general3A_285 = arith.constant dense<0.000000e+00> : vector<1024x64xf32>
    %dot_general3A_286 = tpu.matmul %div3A_284, %div3A_10, %dot_general3A_285 {dimension_numbers = #tpu.dot_dimension_numbers<[1], [0], [0], [1], [0, 0, 1, 1], [], []>, transpose_lhs_hint = false} : vector<1024x8xf32>, vector<8x64xf32>, vector<1024x64xf32> -> vector<1024x64xf32>
    %max3A_287 = arith.constant 0.000000e+00 : f32
    %max3A_288 = vector.broadcast %max3A_287 : f32 to vector<1024x64xf32>
    %max3A_289 = arith.maximumf %dot_general3A_286, %max3A_288 : vector<1024x64xf32>
    %slice3A_290 = vector.extract_strided_slice %get3A_272 {offsets = [0, 0], sizes = [1024, 64], strides = [1, 1]} : vector<1024x128xf32> to vector<1024x64xf32>
    %mul3A_291 = arith.mulf %max3A_289, %slice3A_290 : vector<1024x64xf32>
    %max3A_292 = arith.maximumf %max3A_266, %mul3A_291 : vector<1024x64xf32>
    %get3A_293 = arith.constant 0 : index
    %get3A_294 = arith.constant 11 : index
    %get3A_295 = arith.constant 0 : index
    %get3A_296 = arith.constant 0 : index
    %get3A_297 = vector.load %arg2[%get3A_293, %get3A_294, %get3A_295, %get3A_296] : memref<1x16x1024x128xf32, #tpu.memory_space<vmem>>, vector<1x1x1024x128xf32>
    %get3A_298 = vector.shape_cast %get3A_297 : vector<1x1x1024x128xf32> to vector<1024x128xf32>
    %slice3A_299 = vector.extract_strided_slice %get3A_298 {offsets = [0, 64], sizes = [1024, 8], strides = [1, 1]} : vector<1024x128xf32> to vector<1024x8xf32>
    %sub3A_300 = arith.subf %slice3A_299, %get3A_3 : vector<1024x8xf32>
    %mul3A_301 = arith.mulf %sub3A_300, %sub3A_300 : vector<1024x8xf32>
    %reduce_sum3A_302 = arith.constant dense<0.000000e+00> : vector<1024xf32>
    %reduce_sum3A_303 = vector.multi_reduction <add>, %mul3A_301, %reduce_sum3A_302 [1] : vector<1024x8xf32> to vector<1024xf32>
    %broadcast_in_dim3A_304 = vector.shape_cast %reduce_sum3A_303 : vector<1024xf32> to vector<1024x1xf32>
    %sqrt3A_305 = math.sqrt %broadcast_in_dim3A_304 : vector<1024x1xf32>
    %max3A_306 = arith.constant 9.99999996E-13 : f32
    %max3A_307 = vector.broadcast %max3A_306 : f32 to vector<1024x1xf32>
    %max3A_308 = arith.maximumf %sqrt3A_305, %max3A_307 : vector<1024x1xf32>
    %div3A_309 = vector.broadcast %max3A_308 : vector<1024x1xf32> to vector<1024x8xf32>
    %div3A_310 = arith.divf %sub3A_300, %div3A_309 : vector<1024x8xf32>
    %dot_general3A_311 = arith.constant dense<0.000000e+00> : vector<1024x64xf32>
    %dot_general3A_312 = tpu.matmul %div3A_310, %div3A_10, %dot_general3A_311 {dimension_numbers = #tpu.dot_dimension_numbers<[1], [0], [0], [1], [0, 0, 1, 1], [], []>, transpose_lhs_hint = false} : vector<1024x8xf32>, vector<8x64xf32>, vector<1024x64xf32> -> vector<1024x64xf32>
    %max3A_313 = arith.constant 0.000000e+00 : f32
    %max3A_314 = vector.broadcast %max3A_313 : f32 to vector<1024x64xf32>
    %max3A_315 = arith.maximumf %dot_general3A_312, %max3A_314 : vector<1024x64xf32>
    %slice3A_316 = vector.extract_strided_slice %get3A_298 {offsets = [0, 0], sizes = [1024, 64], strides = [1, 1]} : vector<1024x128xf32> to vector<1024x64xf32>
    %mul3A_317 = arith.mulf %max3A_315, %slice3A_316 : vector<1024x64xf32>
    %max3A_318 = arith.maximumf %max3A_292, %mul3A_317 : vector<1024x64xf32>
    %get3A_319 = arith.constant 0 : index
    %get3A_320 = arith.constant 12 : index
    %get3A_321 = arith.constant 0 : index
    %get3A_322 = arith.constant 0 : index
    %get3A_323 = vector.load %arg2[%get3A_319, %get3A_320, %get3A_321, %get3A_322] : memref<1x16x1024x128xf32, #tpu.memory_space<vmem>>, vector<1x1x1024x128xf32>
    %get3A_324 = vector.shape_cast %get3A_323 : vector<1x1x1024x128xf32> to vector<1024x128xf32>
    %slice3A_325 = vector.extract_strided_slice %get3A_324 {offsets = [0, 64], sizes = [1024, 8], strides = [1, 1]} : vector<1024x128xf32> to vector<1024x8xf32>
    %sub3A_326 = arith.subf %slice3A_325, %get3A_3 : vector<1024x8xf32>
    %mul3A_327 = arith.mulf %sub3A_326, %sub3A_326 : vector<1024x8xf32>
    %reduce_sum3A_328 = arith.constant dense<0.000000e+00> : vector<1024xf32>
    %reduce_sum3A_329 = vector.multi_reduction <add>, %mul3A_327, %reduce_sum3A_328 [1] : vector<1024x8xf32> to vector<1024xf32>
    %broadcast_in_dim3A_330 = vector.shape_cast %reduce_sum3A_329 : vector<1024xf32> to vector<1024x1xf32>
    %sqrt3A_331 = math.sqrt %broadcast_in_dim3A_330 : vector<1024x1xf32>
    %max3A_332 = arith.constant 9.99999996E-13 : f32
    %max3A_333 = vector.broadcast %max3A_332 : f32 to vector<1024x1xf32>
    %max3A_334 = arith.maximumf %sqrt3A_331, %max3A_333 : vector<1024x1xf32>
    %div3A_335 = vector.broadcast %max3A_334 : vector<1024x1xf32> to vector<1024x8xf32>
    %div3A_336 = arith.divf %sub3A_326, %div3A_335 : vector<1024x8xf32>
    %dot_general3A_337 = arith.constant dense<0.000000e+00> : vector<1024x64xf32>
    %dot_general3A_338 = tpu.matmul %div3A_336, %div3A_10, %dot_general3A_337 {dimension_numbers = #tpu.dot_dimension_numbers<[1], [0], [0], [1], [0, 0, 1, 1], [], []>, transpose_lhs_hint = false} : vector<1024x8xf32>, vector<8x64xf32>, vector<1024x64xf32> -> vector<1024x64xf32>
    %max3A_339 = arith.constant 0.000000e+00 : f32
    %max3A_340 = vector.broadcast %max3A_339 : f32 to vector<1024x64xf32>
    %max3A_341 = arith.maximumf %dot_general3A_338, %max3A_340 : vector<1024x64xf32>
    %slice3A_342 = vector.extract_strided_slice %get3A_324 {offsets = [0, 0], sizes = [1024, 64], strides = [1, 1]} : vector<1024x128xf32> to vector<1024x64xf32>
    %mul3A_343 = arith.mulf %max3A_341, %slice3A_342 : vector<1024x64xf32>
    %max3A_344 = arith.maximumf %max3A_318, %mul3A_343 : vector<1024x64xf32>
    %get3A_345 = arith.constant 0 : index
    %get3A_346 = arith.constant 13 : index
    %get3A_347 = arith.constant 0 : index
    %get3A_348 = arith.constant 0 : index
    %get3A_349 = vector.load %arg2[%get3A_345, %get3A_346, %get3A_347, %get3A_348] : memref<1x16x1024x128xf32, #tpu.memory_space<vmem>>, vector<1x1x1024x128xf32>
    %get3A_350 = vector.shape_cast %get3A_349 : vector<1x1x1024x128xf32> to vector<1024x128xf32>
    %slice3A_351 = vector.extract_strided_slice %get3A_350 {offsets = [0, 64], sizes = [1024, 8], strides = [1, 1]} : vector<1024x128xf32> to vector<1024x8xf32>
    %sub3A_352 = arith.subf %slice3A_351, %get3A_3 : vector<1024x8xf32>
    %mul3A_353 = arith.mulf %sub3A_352, %sub3A_352 : vector<1024x8xf32>
    %reduce_sum3A_354 = arith.constant dense<0.000000e+00> : vector<1024xf32>
    %reduce_sum3A_355 = vector.multi_reduction <add>, %mul3A_353, %reduce_sum3A_354 [1] : vector<1024x8xf32> to vector<1024xf32>
    %broadcast_in_dim3A_356 = vector.shape_cast %reduce_sum3A_355 : vector<1024xf32> to vector<1024x1xf32>
    %sqrt3A_357 = math.sqrt %broadcast_in_dim3A_356 : vector<1024x1xf32>
    %max3A_358 = arith.constant 9.99999996E-13 : f32
    %max3A_359 = vector.broadcast %max3A_358 : f32 to vector<1024x1xf32>
    %max3A_360 = arith.maximumf %sqrt3A_357, %max3A_359 : vector<1024x1xf32>
    %div3A_361 = vector.broadcast %max3A_360 : vector<1024x1xf32> to vector<1024x8xf32>
    %div3A_362 = arith.divf %sub3A_352, %div3A_361 : vector<1024x8xf32>
    %dot_general3A_363 = arith.constant dense<0.000000e+00> : vector<1024x64xf32>
    %dot_general3A_364 = tpu.matmul %div3A_362, %div3A_10, %dot_general3A_363 {dimension_numbers = #tpu.dot_dimension_numbers<[1], [0], [0], [1], [0, 0, 1, 1], [], []>, transpose_lhs_hint = false} : vector<1024x8xf32>, vector<8x64xf32>, vector<1024x64xf32> -> vector<1024x64xf32>
    %max3A_365 = arith.constant 0.000000e+00 : f32
    %max3A_366 = vector.broadcast %max3A_365 : f32 to vector<1024x64xf32>
    %max3A_367 = arith.maximumf %dot_general3A_364, %max3A_366 : vector<1024x64xf32>
    %slice3A_368 = vector.extract_strided_slice %get3A_350 {offsets = [0, 0], sizes = [1024, 64], strides = [1, 1]} : vector<1024x128xf32> to vector<1024x64xf32>
    %mul3A_369 = arith.mulf %max3A_367, %slice3A_368 : vector<1024x64xf32>
    %max3A_370 = arith.maximumf %max3A_344, %mul3A_369 : vector<1024x64xf32>
    %get3A_371 = arith.constant 0 : index
    %get3A_372 = arith.constant 14 : index
    %get3A_373 = arith.constant 0 : index
    %get3A_374 = arith.constant 0 : index
    %get3A_375 = vector.load %arg2[%get3A_371, %get3A_372, %get3A_373, %get3A_374] : memref<1x16x1024x128xf32, #tpu.memory_space<vmem>>, vector<1x1x1024x128xf32>
    %get3A_376 = vector.shape_cast %get3A_375 : vector<1x1x1024x128xf32> to vector<1024x128xf32>
    %slice3A_377 = vector.extract_strided_slice %get3A_376 {offsets = [0, 64], sizes = [1024, 8], strides = [1, 1]} : vector<1024x128xf32> to vector<1024x8xf32>
    %sub3A_378 = arith.subf %slice3A_377, %get3A_3 : vector<1024x8xf32>
    %mul3A_379 = arith.mulf %sub3A_378, %sub3A_378 : vector<1024x8xf32>
    %reduce_sum3A_380 = arith.constant dense<0.000000e+00> : vector<1024xf32>
    %reduce_sum3A_381 = vector.multi_reduction <add>, %mul3A_379, %reduce_sum3A_380 [1] : vector<1024x8xf32> to vector<1024xf32>
    %broadcast_in_dim3A_382 = vector.shape_cast %reduce_sum3A_381 : vector<1024xf32> to vector<1024x1xf32>
    %sqrt3A_383 = math.sqrt %broadcast_in_dim3A_382 : vector<1024x1xf32>
    %max3A_384 = arith.constant 9.99999996E-13 : f32
    %max3A_385 = vector.broadcast %max3A_384 : f32 to vector<1024x1xf32>
    %max3A_386 = arith.maximumf %sqrt3A_383, %max3A_385 : vector<1024x1xf32>
    %div3A_387 = vector.broadcast %max3A_386 : vector<1024x1xf32> to vector<1024x8xf32>
    %div3A_388 = arith.divf %sub3A_378, %div3A_387 : vector<1024x8xf32>
    %dot_general3A_389 = arith.constant dense<0.000000e+00> : vector<1024x64xf32>
    %dot_general3A_390 = tpu.matmul %div3A_388, %div3A_10, %dot_general3A_389 {dimension_numbers = #tpu.dot_dimension_numbers<[1], [0], [0], [1], [0, 0, 1, 1], [], []>, transpose_lhs_hint = false} : vector<1024x8xf32>, vector<8x64xf32>, vector<1024x64xf32> -> vector<1024x64xf32>
    %max3A_391 = arith.constant 0.000000e+00 : f32
    %max3A_392 = vector.broadcast %max3A_391 : f32 to vector<1024x64xf32>
    %max3A_393 = arith.maximumf %dot_general3A_390, %max3A_392 : vector<1024x64xf32>
    %slice3A_394 = vector.extract_strided_slice %get3A_376 {offsets = [0, 0], sizes = [1024, 64], strides = [1, 1]} : vector<1024x128xf32> to vector<1024x64xf32>
    %mul3A_395 = arith.mulf %max3A_393, %slice3A_394 : vector<1024x64xf32>
    %max3A_396 = arith.maximumf %max3A_370, %mul3A_395 : vector<1024x64xf32>
    %get3A_397 = arith.constant 0 : index
    %get3A_398 = arith.constant 15 : index
    %get3A_399 = arith.constant 0 : index
    %get3A_400 = arith.constant 0 : index
    %get3A_401 = vector.load %arg2[%get3A_397, %get3A_398, %get3A_399, %get3A_400] : memref<1x16x1024x128xf32, #tpu.memory_space<vmem>>, vector<1x1x1024x128xf32>
    %get3A_402 = vector.shape_cast %get3A_401 : vector<1x1x1024x128xf32> to vector<1024x128xf32>
    %slice3A_403 = vector.extract_strided_slice %get3A_402 {offsets = [0, 64], sizes = [1024, 8], strides = [1, 1]} : vector<1024x128xf32> to vector<1024x8xf32>
    %sub3A_404 = arith.subf %slice3A_403, %get3A_3 : vector<1024x8xf32>
    %mul3A_405 = arith.mulf %sub3A_404, %sub3A_404 : vector<1024x8xf32>
    %reduce_sum3A_406 = arith.constant dense<0.000000e+00> : vector<1024xf32>
    %reduce_sum3A_407 = vector.multi_reduction <add>, %mul3A_405, %reduce_sum3A_406 [1] : vector<1024x8xf32> to vector<1024xf32>
    %broadcast_in_dim3A_408 = vector.shape_cast %reduce_sum3A_407 : vector<1024xf32> to vector<1024x1xf32>
    %sqrt3A_409 = math.sqrt %broadcast_in_dim3A_408 : vector<1024x1xf32>
    %max3A_410 = arith.constant 9.99999996E-13 : f32
    %max3A_411 = vector.broadcast %max3A_410 : f32 to vector<1024x1xf32>
    %max3A_412 = arith.maximumf %sqrt3A_409, %max3A_411 : vector<1024x1xf32>
    %div3A_413 = vector.broadcast %max3A_412 : vector<1024x1xf32> to vector<1024x8xf32>
    %div3A_414 = arith.divf %sub3A_404, %div3A_413 : vector<1024x8xf32>
    %dot_general3A_415 = arith.constant dense<0.000000e+00> : vector<1024x64xf32>
    %dot_general3A_416 = tpu.matmul %div3A_414, %div3A_10, %dot_general3A_415 {dimension_numbers = #tpu.dot_dimension_numbers<[1], [0], [0], [1], [0, 0, 1, 1], [], []>, transpose_lhs_hint = false} : vector<1024x8xf32>, vector<8x64xf32>, vector<1024x64xf32> -> vector<1024x64xf32>
    %max3A_417 = arith.constant 0.000000e+00 : f32
    %max3A_418 = vector.broadcast %max3A_417 : f32 to vector<1024x64xf32>
    %max3A_419 = arith.maximumf %dot_general3A_416, %max3A_418 : vector<1024x64xf32>
    %slice3A_420 = vector.extract_strided_slice %get3A_402 {offsets = [0, 0], sizes = [1024, 64], strides = [1, 1]} : vector<1024x128xf32> to vector<1024x64xf32>
    %mul3A_421 = arith.mulf %max3A_419, %slice3A_420 : vector<1024x64xf32>
    %max3A_422 = arith.maximumf %max3A_396, %mul3A_421 : vector<1024x64xf32>
    %get3A_423 = arith.constant 0 : index
    %get3A_424 = arith.constant 0 : index
    %get3A_425 = arith.constant 0 : index
    %get3A_426 = vector.load %arg4[%get3A_423, %get3A_424, %get3A_425] : memref<1x1024x64xf32, #tpu.memory_space<vmem>>, vector<1x1024x64xf32>
    %get3A_427 = vector.shape_cast %get3A_426 : vector<1x1024x64xf32> to vector<1024x64xf32>
    %add3A = arith.addf %get3A_427, %max3A_422 : vector<1024x64xf32>
    %broadcast_in_dim3A_428 = arith.constant 0.000000e+00 : f32
    %broadcast_in_dim3A_429 = vector.broadcast %broadcast_in_dim3A_428 : f32 to vector<1024x64xf32>
    %concatenate3A = tpu.concatenate %add3A, %broadcast_in_dim3A_429 in 1 : vector<1024x64xf32>, vector<1024x64xf32> -> vector<1024x128xf32>
    %swap3A = arith.constant 0 : index
    %swap3A_430 = arith.constant 0 : index
    %swap3A_431 = arith.constant 0 : index
    %swap3A_432 = vector.load %arg6[%swap3A, %swap3A_430, %swap3A_431] : memref<1x1024x128xf32, #tpu.memory_space<vmem>>, vector<1x1024x128xf32>
    %swap3A_433 = vector.shape_cast %swap3A_432 : vector<1x1024x128xf32> to vector<1024x128xf32>
    %swap3A_434 = vector.shape_cast %concatenate3A : vector<1024x128xf32> to vector<1x1024x128xf32>
    tpu.vector_store %arg6[%swap3A, %swap3A_430, %swap3A_431], %swap3A_434 {strides = array<i32>} : memref<1x1024x128xf32, #tpu.memory_space<vmem>>, vector<1x1024x128xf32>,
    return
  }
  func.func @transform_0(%arg0: i32, %arg1: i32) -> (i32, i32, i32, i32) {
    %c0_i32 = arith.constant 0 : i32
    %c0_i32_0 = arith.constant 0 : i32
    %c0_i32_1 = arith.constant 0 : i32
    return %arg0, %c0_i32, %arg1, %c0_i32_0 : i32, i32, i32, i32
  }
  func.func @transform_1(%arg0: i32, %arg1: i32) -> (i32, i32, i32) {
    %c0_i32 = arith.constant 0 : i32
    %c0_i32_0 = arith.constant 0 : i32
    return %arg0, %arg1, %c0_i32 : i32, i32, i32
  }
  func.func @transform_2(%arg0: i32, %arg1: i32) -> (i32, i32, i32) {
    %c0_i32 = arith.constant 0 : i32
    %c0_i32_0 = arith.constant 0 : i32
    return %arg0, %arg1, %c0_i32 : i32, i32, i32
  }
  func.func @transform_3(%arg0: i32, %arg1: i32) -> (i32, i32) {
    %c0_i32 = arith.constant 0 : i32
    %c0_i32_0 = arith.constant 0 : i32
    %c0_i32_1 = arith.constant 0 : i32
    return %c0_i32, %c0_i32_0 : i32, i32
  }
  func.func @transform_4(%arg0: i32, %arg1: i32) -> (i32, i32, i32) {
    %c0_i32 = arith.constant 0 : i32
    %c0_i32_0 = arith.constant 0 : i32
    return %arg0, %arg1, %c0_i32 : i32, i32, i32
  }
}

module attributes {stable_mosaic.version = 14 : i64} {
  func.func @_topk_body(%arg0: i32, %arg1: i32, %arg2: memref<1x4096x8xf32, #tpu.memory_space<vmem>>, %arg3: memref<1x8x512xf32, #tpu.memory_space<vmem>>, %arg4: memref<1x16x512xi32, #tpu.memory_space<vmem>>) attributes {dimension_semantics = [#tpu.dimension_semantics<parallel>, #tpu.dimension_semantics<parallel>], iteration_bounds = array<i64: 4, 8>, scalar_prefetch = 0 : i64, scratch_operands = 0 : i64, tpu.core_type = #tpu.core_type<tc>, window_params = [{transform_indices = @transform_0, window_bounds = array<i64: 1, 4096, 8>}, {transform_indices = @transform_1, window_bounds = array<i64: 1, 8, 512>}, {transform_indices = @transform_2, window_bounds = array<i64: 1, 16, 512>}]} {
    %get3A = arith.constant 0 : index
    %get3A_0 = arith.constant 0 : index
    %get3A_1 = arith.constant 0 : index
    %get3A_2 = vector.load %arg2[%get3A, %get3A_0, %get3A_1] : memref<1x4096x8xf32, #tpu.memory_space<vmem>>, vector<1x4096x8xf32>
    %get3A_3 = vector.shape_cast %get3A_2 : vector<1x4096x8xf32> to vector<4096x8xf32>
    %get3A_4 = arith.constant 0 : index
    %get3A_5 = arith.constant 0 : index
    %get3A_6 = arith.constant 0 : index
    %get3A_7 = vector.load %arg3[%get3A_4, %get3A_5, %get3A_6] : memref<1x8x512xf32, #tpu.memory_space<vmem>>, vector<1x8x512xf32>
    %get3A_8 = vector.shape_cast %get3A_7 : vector<1x8x512xf32> to vector<8x512xf32>
    %mul3A = arith.constant -2.000000e+00 : f32
    %mul3A_9 = vector.broadcast %mul3A : f32 to vector<8x512xf32>
    %mul3A_10 = arith.mulf %get3A_8, %mul3A_9 : vector<8x512xf32>
    %dot_general3A = arith.constant dense<0.000000e+00> : vector<4096x512xf32>
    %dot_general3A_11 = tpu.matmul %get3A_3, %mul3A_10, %dot_general3A {dimension_numbers = #tpu.dot_dimension_numbers<[1], [0], [0], [1], [0, 0, 1, 1], [], []>, transpose_lhs_hint = false} : vector<4096x8xf32>, vector<8x512xf32>, vector<4096x512xf32> -> vector<4096x512xf32>
    %mul3A_12 = arith.mulf %get3A_3, %get3A_3 : vector<4096x8xf32>
    %reduce_sum3A = arith.constant dense<0.000000e+00> : vector<4096xf32>
    %reduce_sum3A_13 = vector.multi_reduction <add>, %mul3A_12, %reduce_sum3A [1] : vector<4096x8xf32> to vector<4096xf32>
    %broadcast_in_dim3A = vector.shape_cast %reduce_sum3A_13 : vector<4096xf32> to vector<4096x1xf32>
    %mul3A_14 = arith.mulf %get3A_8, %get3A_8 : vector<8x512xf32>
    %reduce_sum3A_15 = arith.constant dense<0.000000e+00> : vector<512xf32>
    %reduce_sum3A_16 = vector.multi_reduction <add>, %mul3A_14, %reduce_sum3A_15 [0] : vector<8x512xf32> to vector<512xf32>
    %broadcast_in_dim3A_17 = vector.shape_cast %reduce_sum3A_16 : vector<512xf32> to vector<1x512xf32>
    %add3A = vector.broadcast %broadcast_in_dim3A : vector<4096x1xf32> to vector<4096x512xf32>
    %add3A_18 = arith.addf %dot_general3A_11, %add3A : vector<4096x512xf32>
    %add3A_19 = vector.broadcast %broadcast_in_dim3A_17 : vector<1x512xf32> to vector<4096x512xf32>
    %add3A_20 = arith.addf %add3A_18, %add3A_19 : vector<4096x512xf32>
    %iota3A = tpu.iota {dimensions = array<i32: 1>} : vector<1x512xi32>
    %iota3A_21 = tpu.iota {dimensions = array<i32: 0>} : vector<16x512xi32>
    %broadcast_in_dim3A_22 = arith.constant 0 : i32
    %broadcast_in_dim3A_23 = vector.broadcast %broadcast_in_dim3A_22 : i32 to vector<16x512xi32>
    %iota3A_24 = tpu.iota {dimensions = array<i32: 0>} : vector<32x512xi32>
    %iota3A_25 = tpu.iota {dimensions = array<i32: 0>} : vector<128x512xi32>
    %slice3A = vector.extract_strided_slice %add3A_20 {offsets = [0, 0], sizes = [128, 512], strides = [1, 1]} : vector<4096x512xf32> to vector<128x512xf32>
    %add3A_26 = arith.constant 0 : i32
    %add3A_27 = vector.broadcast %add3A_26 : i32 to vector<128x512xi32>
    %add3A_28 = arith.addi %iota3A_25, %add3A_27 : vector<128x512xi32>
    %mul3A_29 = arith.constant 512 : i32
    %mul3A_30 = arith.muli %arg1, %mul3A_29 : i32
    %add3A_31 = vector.broadcast %mul3A_30 : i32 to vector<1x512xi32>
    %add3A_32 = arith.addi %iota3A, %add3A_31 : vector<1x512xi32>
    %eq3A = vector.broadcast %add3A_32 : vector<1x512xi32> to vector<128x512xi32>
    %eq3A_33 = arith.cmpi eq, %add3A_28, %eq3A : vector<128x512xi32>
    %jit3A = arith.constant 0x7F800000 : f32
    %broadcast_in_dim3A_34 = vector.broadcast %jit3A : f32 to vector<128x512xf32>
    %select_n3A = arith.select %eq3A_33, %broadcast_in_dim3A_34, %slice3A : vector<128x512xi1>, vector<128x512xf32>
    %reduce_min3A = arith.constant dense<0x7F800000> : vector<512xf32>
    %reduce_min3A_35 = vector.multi_reduction <minimumf>, %select_n3A, %reduce_min3A [0] : vector<128x512xf32> to vector<512xf32>
    %broadcast_in_dim3A_36 = vector.shape_cast %reduce_min3A_35 : vector<512xf32> to vector<1x512xf32>
    %eq3A_37 = vector.broadcast %broadcast_in_dim3A_36 : vector<1x512xf32> to vector<128x512xf32>
    %eq3A_38 = arith.cmpf oeq, %select_n3A, %eq3A_37 : vector<128x512xf32>
    %add3A_39 = arith.constant 0 : i32
    %add3A_40 = vector.broadcast %add3A_39 : i32 to vector<128x512xi32>
    %add3A_41 = arith.addi %iota3A_25, %add3A_40 : vector<128x512xi32>
    %jit3A_42 = arith.constant 4096 : i32
    %broadcast_in_dim3A_43 = vector.broadcast %jit3A_42 : i32 to vector<128x512xi32>
    %select_n3A_44 = arith.select %eq3A_38, %add3A_41, %broadcast_in_dim3A_43 : vector<128x512xi1>, vector<128x512xi32>
    %reduce_min3A_45 = arith.constant dense<2147483647> : vector<512xi32>
    %reduce_min3A_46 = vector.multi_reduction <minsi>, %select_n3A_44, %reduce_min3A_45 [0] : vector<128x512xi32> to vector<512xi32>
    %broadcast_in_dim3A_47 = vector.shape_cast %reduce_min3A_46 : vector<512xi32> to vector<1x512xi32>
    %slice3A_48 = vector.extract_strided_slice %add3A_20 {offsets = [128, 0], sizes = [128, 512], strides = [1, 1]} : vector<4096x512xf32> to vector<128x512xf32>
    %add3A_49 = arith.constant 128 : i32
    %add3A_50 = vector.broadcast %add3A_49 : i32 to vector<128x512xi32>
    %add3A_51 = arith.addi %iota3A_25, %add3A_50 : vector<128x512xi32>
    %mul3A_52 = arith.constant 512 : i32
    %mul3A_53 = arith.muli %arg1, %mul3A_52 : i32
    %add3A_54 = vector.broadcast %mul3A_53 : i32 to vector<1x512xi32>
    %add3A_55 = arith.addi %iota3A, %add3A_54 : vector<1x512xi32>
    %eq3A_56 = vector.broadcast %add3A_55 : vector<1x512xi32> to vector<128x512xi32>
    %eq3A_57 = arith.cmpi eq, %add3A_51, %eq3A_56 : vector<128x512xi32>
    %jit3A_58 = arith.constant 0x7F800000 : f32
    %broadcast_in_dim3A_59 = vector.broadcast %jit3A_58 : f32 to vector<128x512xf32>
    %select_n3A_60 = arith.select %eq3A_57, %broadcast_in_dim3A_59, %slice3A_48 : vector<128x512xi1>, vector<128x512xf32>
    %reduce_min3A_61 = arith.constant dense<0x7F800000> : vector<512xf32>
    %reduce_min3A_62 = vector.multi_reduction <minimumf>, %select_n3A_60, %reduce_min3A_61 [0] : vector<128x512xf32> to vector<512xf32>
    %broadcast_in_dim3A_63 = vector.shape_cast %reduce_min3A_62 : vector<512xf32> to vector<1x512xf32>
    %eq3A_64 = vector.broadcast %broadcast_in_dim3A_63 : vector<1x512xf32> to vector<128x512xf32>
    %eq3A_65 = arith.cmpf oeq, %select_n3A_60, %eq3A_64 : vector<128x512xf32>
    %add3A_66 = arith.constant 128 : i32
    %add3A_67 = vector.broadcast %add3A_66 : i32 to vector<128x512xi32>
    %add3A_68 = arith.addi %iota3A_25, %add3A_67 : vector<128x512xi32>
    %jit3A_69 = arith.constant 4096 : i32
    %broadcast_in_dim3A_70 = vector.broadcast %jit3A_69 : i32 to vector<128x512xi32>
    %select_n3A_71 = arith.select %eq3A_65, %add3A_68, %broadcast_in_dim3A_70 : vector<128x512xi1>, vector<128x512xi32>
    %reduce_min3A_72 = arith.constant dense<2147483647> : vector<512xi32>
    %reduce_min3A_73 = vector.multi_reduction <minsi>, %select_n3A_71, %reduce_min3A_72 [0] : vector<128x512xi32> to vector<512xi32>
    %broadcast_in_dim3A_74 = vector.shape_cast %reduce_min3A_73 : vector<512xi32> to vector<1x512xi32>
    %slice3A_75 = vector.extract_strided_slice %add3A_20 {offsets = [256, 0], sizes = [128, 512], strides = [1, 1]} : vector<4096x512xf32> to vector<128x512xf32>
    %add3A_76 = arith.constant 256 : i32
    %add3A_77 = vector.broadcast %add3A_76 : i32 to vector<128x512xi32>
    %add3A_78 = arith.addi %iota3A_25, %add3A_77 : vector<128x512xi32>
    %mul3A_79 = arith.constant 512 : i32
    %mul3A_80 = arith.muli %arg1, %mul3A_79 : i32
    %add3A_81 = vector.broadcast %mul3A_80 : i32 to vector<1x512xi32>
    %add3A_82 = arith.addi %iota3A, %add3A_81 : vector<1x512xi32>
    %eq3A_83 = vector.broadcast %add3A_82 : vector<1x512xi32> to vector<128x512xi32>
    %eq3A_84 = arith.cmpi eq, %add3A_78, %eq3A_83 : vector<128x512xi32>
    %jit3A_85 = arith.constant 0x7F800000 : f32
    %broadcast_in_dim3A_86 = vector.broadcast %jit3A_85 : f32 to vector<128x512xf32>
    %select_n3A_87 = arith.select %eq3A_84, %broadcast_in_dim3A_86, %slice3A_75 : vector<128x512xi1>, vector<128x512xf32>
    %reduce_min3A_88 = arith.constant dense<0x7F800000> : vector<512xf32>
    %reduce_min3A_89 = vector.multi_reduction <minimumf>, %select_n3A_87, %reduce_min3A_88 [0] : vector<128x512xf32> to vector<512xf32>
    %broadcast_in_dim3A_90 = vector.shape_cast %reduce_min3A_89 : vector<512xf32> to vector<1x512xf32>
    %eq3A_91 = vector.broadcast %broadcast_in_dim3A_90 : vector<1x512xf32> to vector<128x512xf32>
    %eq3A_92 = arith.cmpf oeq, %select_n3A_87, %eq3A_91 : vector<128x512xf32>
    %add3A_93 = arith.constant 256 : i32
    %add3A_94 = vector.broadcast %add3A_93 : i32 to vector<128x512xi32>
    %add3A_95 = arith.addi %iota3A_25, %add3A_94 : vector<128x512xi32>
    %jit3A_96 = arith.constant 4096 : i32
    %broadcast_in_dim3A_97 = vector.broadcast %jit3A_96 : i32 to vector<128x512xi32>
    %select_n3A_98 = arith.select %eq3A_92, %add3A_95, %broadcast_in_dim3A_97 : vector<128x512xi1>, vector<128x512xi32>
    %reduce_min3A_99 = arith.constant dense<2147483647> : vector<512xi32>
    %reduce_min3A_100 = vector.multi_reduction <minsi>, %select_n3A_98, %reduce_min3A_99 [0] : vector<128x512xi32> to vector<512xi32>
    %broadcast_in_dim3A_101 = vector.shape_cast %reduce_min3A_100 : vector<512xi32> to vector<1x512xi32>
    %slice3A_102 = vector.extract_strided_slice %add3A_20 {offsets = [384, 0], sizes = [128, 512], strides = [1, 1]} : vector<4096x512xf32> to vector<128x512xf32>
    %add3A_103 = arith.constant 384 : i32
    %add3A_104 = vector.broadcast %add3A_103 : i32 to vector<128x512xi32>
    %add3A_105 = arith.addi %iota3A_25, %add3A_104 : vector<128x512xi32>
    %mul3A_106 = arith.constant 512 : i32
    %mul3A_107 = arith.muli %arg1, %mul3A_106 : i32
    %add3A_108 = vector.broadcast %mul3A_107 : i32 to vector<1x512xi32>
    %add3A_109 = arith.addi %iota3A, %add3A_108 : vector<1x512xi32>
    %eq3A_110 = vector.broadcast %add3A_109 : vector<1x512xi32> to vector<128x512xi32>
    %eq3A_111 = arith.cmpi eq, %add3A_105, %eq3A_110 : vector<128x512xi32>
    %jit3A_112 = arith.constant 0x7F800000 : f32
    %broadcast_in_dim3A_113 = vector.broadcast %jit3A_112 : f32 to vector<128x512xf32>
    %select_n3A_114 = arith.select %eq3A_111, %broadcast_in_dim3A_113, %slice3A_102 : vector<128x512xi1>, vector<128x512xf32>
    %reduce_min3A_115 = arith.constant dense<0x7F800000> : vector<512xf32>
    %reduce_min3A_116 = vector.multi_reduction <minimumf>, %select_n3A_114, %reduce_min3A_115 [0] : vector<128x512xf32> to vector<512xf32>
    %broadcast_in_dim3A_117 = vector.shape_cast %reduce_min3A_116 : vector<512xf32> to vector<1x512xf32>
    %eq3A_118 = vector.broadcast %broadcast_in_dim3A_117 : vector<1x512xf32> to vector<128x512xf32>
    %eq3A_119 = arith.cmpf oeq, %select_n3A_114, %eq3A_118 : vector<128x512xf32>
    %add3A_120 = arith.constant 384 : i32
    %add3A_121 = vector.broadcast %add3A_120 : i32 to vector<128x512xi32>
    %add3A_122 = arith.addi %iota3A_25, %add3A_121 : vector<128x512xi32>
    %jit3A_123 = arith.constant 4096 : i32
    %broadcast_in_dim3A_124 = vector.broadcast %jit3A_123 : i32 to vector<128x512xi32>
    %select_n3A_125 = arith.select %eq3A_119, %add3A_122, %broadcast_in_dim3A_124 : vector<128x512xi1>, vector<128x512xi32>
    %reduce_min3A_126 = arith.constant dense<2147483647> : vector<512xi32>
    %reduce_min3A_127 = vector.multi_reduction <minsi>, %select_n3A_125, %reduce_min3A_126 [0] : vector<128x512xi32> to vector<512xi32>
    %broadcast_in_dim3A_128 = vector.shape_cast %reduce_min3A_127 : vector<512xi32> to vector<1x512xi32>
    %slice3A_129 = vector.extract_strided_slice %add3A_20 {offsets = [512, 0], sizes = [128, 512], strides = [1, 1]} : vector<4096x512xf32> to vector<128x512xf32>
    %add3A_130 = arith.constant 512 : i32
    %add3A_131 = vector.broadcast %add3A_130 : i32 to vector<128x512xi32>
    %add3A_132 = arith.addi %iota3A_25, %add3A_131 : vector<128x512xi32>
    %mul3A_133 = arith.constant 512 : i32
    %mul3A_134 = arith.muli %arg1, %mul3A_133 : i32
    %add3A_135 = vector.broadcast %mul3A_134 : i32 to vector<1x512xi32>
    %add3A_136 = arith.addi %iota3A, %add3A_135 : vector<1x512xi32>
    %eq3A_137 = vector.broadcast %add3A_136 : vector<1x512xi32> to vector<128x512xi32>
    %eq3A_138 = arith.cmpi eq, %add3A_132, %eq3A_137 : vector<128x512xi32>
    %jit3A_139 = arith.constant 0x7F800000 : f32
    %broadcast_in_dim3A_140 = vector.broadcast %jit3A_139 : f32 to vector<128x512xf32>
    %select_n3A_141 = arith.select %eq3A_138, %broadcast_in_dim3A_140, %slice3A_129 : vector<128x512xi1>, vector<128x512xf32>
    %reduce_min3A_142 = arith.constant dense<0x7F800000> : vector<512xf32>
    %reduce_min3A_143 = vector.multi_reduction <minimumf>, %select_n3A_141, %reduce_min3A_142 [0] : vector<128x512xf32> to vector<512xf32>
    %broadcast_in_dim3A_144 = vector.shape_cast %reduce_min3A_143 : vector<512xf32> to vector<1x512xf32>
    %eq3A_145 = vector.broadcast %broadcast_in_dim3A_144 : vector<1x512xf32> to vector<128x512xf32>
    %eq3A_146 = arith.cmpf oeq, %select_n3A_141, %eq3A_145 : vector<128x512xf32>
    %add3A_147 = arith.constant 512 : i32
    %add3A_148 = vector.broadcast %add3A_147 : i32 to vector<128x512xi32>
    %add3A_149 = arith.addi %iota3A_25, %add3A_148 : vector<128x512xi32>
    %jit3A_150 = arith.constant 4096 : i32
    %broadcast_in_dim3A_151 = vector.broadcast %jit3A_150 : i32 to vector<128x512xi32>
    %select_n3A_152 = arith.select %eq3A_146, %add3A_149, %broadcast_in_dim3A_151 : vector<128x512xi1>, vector<128x512xi32>
    %reduce_min3A_153 = arith.constant dense<2147483647> : vector<512xi32>
    %reduce_min3A_154 = vector.multi_reduction <minsi>, %select_n3A_152, %reduce_min3A_153 [0] : vector<128x512xi32> to vector<512xi32>
    %broadcast_in_dim3A_155 = vector.shape_cast %reduce_min3A_154 : vector<512xi32> to vector<1x512xi32>
    %slice3A_156 = vector.extract_strided_slice %add3A_20 {offsets = [640, 0], sizes = [128, 512], strides = [1, 1]} : vector<4096x512xf32> to vector<128x512xf32>
    %add3A_157 = arith.constant 640 : i32
    %add3A_158 = vector.broadcast %add3A_157 : i32 to vector<128x512xi32>
    %add3A_159 = arith.addi %iota3A_25, %add3A_158 : vector<128x512xi32>
    %mul3A_160 = arith.constant 512 : i32
    %mul3A_161 = arith.muli %arg1, %mul3A_160 : i32
    %add3A_162 = vector.broadcast %mul3A_161 : i32 to vector<1x512xi32>
    %add3A_163 = arith.addi %iota3A, %add3A_162 : vector<1x512xi32>
    %eq3A_164 = vector.broadcast %add3A_163 : vector<1x512xi32> to vector<128x512xi32>
    %eq3A_165 = arith.cmpi eq, %add3A_159, %eq3A_164 : vector<128x512xi32>
    %jit3A_166 = arith.constant 0x7F800000 : f32
    %broadcast_in_dim3A_167 = vector.broadcast %jit3A_166 : f32 to vector<128x512xf32>
    %select_n3A_168 = arith.select %eq3A_165, %broadcast_in_dim3A_167, %slice3A_156 : vector<128x512xi1>, vector<128x512xf32>
    %reduce_min3A_169 = arith.constant dense<0x7F800000> : vector<512xf32>
    %reduce_min3A_170 = vector.multi_reduction <minimumf>, %select_n3A_168, %reduce_min3A_169 [0] : vector<128x512xf32> to vector<512xf32>
    %broadcast_in_dim3A_171 = vector.shape_cast %reduce_min3A_170 : vector<512xf32> to vector<1x512xf32>
    %eq3A_172 = vector.broadcast %broadcast_in_dim3A_171 : vector<1x512xf32> to vector<128x512xf32>
    %eq3A_173 = arith.cmpf oeq, %select_n3A_168, %eq3A_172 : vector<128x512xf32>
    %add3A_174 = arith.constant 640 : i32
    %add3A_175 = vector.broadcast %add3A_174 : i32 to vector<128x512xi32>
    %add3A_176 = arith.addi %iota3A_25, %add3A_175 : vector<128x512xi32>
    %jit3A_177 = arith.constant 4096 : i32
    %broadcast_in_dim3A_178 = vector.broadcast %jit3A_177 : i32 to vector<128x512xi32>
    %select_n3A_179 = arith.select %eq3A_173, %add3A_176, %broadcast_in_dim3A_178 : vector<128x512xi1>, vector<128x512xi32>
    %reduce_min3A_180 = arith.constant dense<2147483647> : vector<512xi32>
    %reduce_min3A_181 = vector.multi_reduction <minsi>, %select_n3A_179, %reduce_min3A_180 [0] : vector<128x512xi32> to vector<512xi32>
    %broadcast_in_dim3A_182 = vector.shape_cast %reduce_min3A_181 : vector<512xi32> to vector<1x512xi32>
    %slice3A_183 = vector.extract_strided_slice %add3A_20 {offsets = [768, 0], sizes = [128, 512], strides = [1, 1]} : vector<4096x512xf32> to vector<128x512xf32>
    %add3A_184 = arith.constant 768 : i32
    %add3A_185 = vector.broadcast %add3A_184 : i32 to vector<128x512xi32>
    %add3A_186 = arith.addi %iota3A_25, %add3A_185 : vector<128x512xi32>
    %mul3A_187 = arith.constant 512 : i32
    %mul3A_188 = arith.muli %arg1, %mul3A_187 : i32
    %add3A_189 = vector.broadcast %mul3A_188 : i32 to vector<1x512xi32>
    %add3A_190 = arith.addi %iota3A, %add3A_189 : vector<1x512xi32>
    %eq3A_191 = vector.broadcast %add3A_190 : vector<1x512xi32> to vector<128x512xi32>
    %eq3A_192 = arith.cmpi eq, %add3A_186, %eq3A_191 : vector<128x512xi32>
    %jit3A_193 = arith.constant 0x7F800000 : f32
    %broadcast_in_dim3A_194 = vector.broadcast %jit3A_193 : f32 to vector<128x512xf32>
    %select_n3A_195 = arith.select %eq3A_192, %broadcast_in_dim3A_194, %slice3A_183 : vector<128x512xi1>, vector<128x512xf32>
    %reduce_min3A_196 = arith.constant dense<0x7F800000> : vector<512xf32>
    %reduce_min3A_197 = vector.multi_reduction <minimumf>, %select_n3A_195, %reduce_min3A_196 [0] : vector<128x512xf32> to vector<512xf32>
    %broadcast_in_dim3A_198 = vector.shape_cast %reduce_min3A_197 : vector<512xf32> to vector<1x512xf32>
    %eq3A_199 = vector.broadcast %broadcast_in_dim3A_198 : vector<1x512xf32> to vector<128x512xf32>
    %eq3A_200 = arith.cmpf oeq, %select_n3A_195, %eq3A_199 : vector<128x512xf32>
    %add3A_201 = arith.constant 768 : i32
    %add3A_202 = vector.broadcast %add3A_201 : i32 to vector<128x512xi32>
    %add3A_203 = arith.addi %iota3A_25, %add3A_202 : vector<128x512xi32>
    %jit3A_204 = arith.constant 4096 : i32
    %broadcast_in_dim3A_205 = vector.broadcast %jit3A_204 : i32 to vector<128x512xi32>
    %select_n3A_206 = arith.select %eq3A_200, %add3A_203, %broadcast_in_dim3A_205 : vector<128x512xi1>, vector<128x512xi32>
    %reduce_min3A_207 = arith.constant dense<2147483647> : vector<512xi32>
    %reduce_min3A_208 = vector.multi_reduction <minsi>, %select_n3A_206, %reduce_min3A_207 [0] : vector<128x512xi32> to vector<512xi32>
    %broadcast_in_dim3A_209 = vector.shape_cast %reduce_min3A_208 : vector<512xi32> to vector<1x512xi32>
    %slice3A_210 = vector.extract_strided_slice %add3A_20 {offsets = [896, 0], sizes = [128, 512], strides = [1, 1]} : vector<4096x512xf32> to vector<128x512xf32>
    %add3A_211 = arith.constant 896 : i32
    %add3A_212 = vector.broadcast %add3A_211 : i32 to vector<128x512xi32>
    %add3A_213 = arith.addi %iota3A_25, %add3A_212 : vector<128x512xi32>
    %mul3A_214 = arith.constant 512 : i32
    %mul3A_215 = arith.muli %arg1, %mul3A_214 : i32
    %add3A_216 = vector.broadcast %mul3A_215 : i32 to vector<1x512xi32>
    %add3A_217 = arith.addi %iota3A, %add3A_216 : vector<1x512xi32>
    %eq3A_218 = vector.broadcast %add3A_217 : vector<1x512xi32> to vector<128x512xi32>
    %eq3A_219 = arith.cmpi eq, %add3A_213, %eq3A_218 : vector<128x512xi32>
    %jit3A_220 = arith.constant 0x7F800000 : f32
    %broadcast_in_dim3A_221 = vector.broadcast %jit3A_220 : f32 to vector<128x512xf32>
    %select_n3A_222 = arith.select %eq3A_219, %broadcast_in_dim3A_221, %slice3A_210 : vector<128x512xi1>, vector<128x512xf32>
    %reduce_min3A_223 = arith.constant dense<0x7F800000> : vector<512xf32>
    %reduce_min3A_224 = vector.multi_reduction <minimumf>, %select_n3A_222, %reduce_min3A_223 [0] : vector<128x512xf32> to vector<512xf32>
    %broadcast_in_dim3A_225 = vector.shape_cast %reduce_min3A_224 : vector<512xf32> to vector<1x512xf32>
    %eq3A_226 = vector.broadcast %broadcast_in_dim3A_225 : vector<1x512xf32> to vector<128x512xf32>
    %eq3A_227 = arith.cmpf oeq, %select_n3A_222, %eq3A_226 : vector<128x512xf32>
    %add3A_228 = arith.constant 896 : i32
    %add3A_229 = vector.broadcast %add3A_228 : i32 to vector<128x512xi32>
    %add3A_230 = arith.addi %iota3A_25, %add3A_229 : vector<128x512xi32>
    %jit3A_231 = arith.constant 4096 : i32
    %broadcast_in_dim3A_232 = vector.broadcast %jit3A_231 : i32 to vector<128x512xi32>
    %select_n3A_233 = arith.select %eq3A_227, %add3A_230, %broadcast_in_dim3A_232 : vector<128x512xi1>, vector<128x512xi32>
    %reduce_min3A_234 = arith.constant dense<2147483647> : vector<512xi32>
    %reduce_min3A_235 = vector.multi_reduction <minsi>, %select_n3A_233, %reduce_min3A_234 [0] : vector<128x512xi32> to vector<512xi32>
    %broadcast_in_dim3A_236 = vector.shape_cast %reduce_min3A_235 : vector<512xi32> to vector<1x512xi32>
    %slice3A_237 = vector.extract_strided_slice %add3A_20 {offsets = [1024, 0], sizes = [128, 512], strides = [1, 1]} : vector<4096x512xf32> to vector<128x512xf32>
    %add3A_238 = arith.constant 1024 : i32
    %add3A_239 = vector.broadcast %add3A_238 : i32 to vector<128x512xi32>
    %add3A_240 = arith.addi %iota3A_25, %add3A_239 : vector<128x512xi32>
    %mul3A_241 = arith.constant 512 : i32
    %mul3A_242 = arith.muli %arg1, %mul3A_241 : i32
    %add3A_243 = vector.broadcast %mul3A_242 : i32 to vector<1x512xi32>
    %add3A_244 = arith.addi %iota3A, %add3A_243 : vector<1x512xi32>
    %eq3A_245 = vector.broadcast %add3A_244 : vector<1x512xi32> to vector<128x512xi32>
    %eq3A_246 = arith.cmpi eq, %add3A_240, %eq3A_245 : vector<128x512xi32>
    %jit3A_247 = arith.constant 0x7F800000 : f32
    %broadcast_in_dim3A_248 = vector.broadcast %jit3A_247 : f32 to vector<128x512xf32>
    %select_n3A_249 = arith.select %eq3A_246, %broadcast_in_dim3A_248, %slice3A_237 : vector<128x512xi1>, vector<128x512xf32>
    %reduce_min3A_250 = arith.constant dense<0x7F800000> : vector<512xf32>
    %reduce_min3A_251 = vector.multi_reduction <minimumf>, %select_n3A_249, %reduce_min3A_250 [0] : vector<128x512xf32> to vector<512xf32>
    %broadcast_in_dim3A_252 = vector.shape_cast %reduce_min3A_251 : vector<512xf32> to vector<1x512xf32>
    %eq3A_253 = vector.broadcast %broadcast_in_dim3A_252 : vector<1x512xf32> to vector<128x512xf32>
    %eq3A_254 = arith.cmpf oeq, %select_n3A_249, %eq3A_253 : vector<128x512xf32>
    %add3A_255 = arith.constant 1024 : i32
    %add3A_256 = vector.broadcast %add3A_255 : i32 to vector<128x512xi32>
    %add3A_257 = arith.addi %iota3A_25, %add3A_256 : vector<128x512xi32>
    %jit3A_258 = arith.constant 4096 : i32
    %broadcast_in_dim3A_259 = vector.broadcast %jit3A_258 : i32 to vector<128x512xi32>
    %select_n3A_260 = arith.select %eq3A_254, %add3A_257, %broadcast_in_dim3A_259 : vector<128x512xi1>, vector<128x512xi32>
    %reduce_min3A_261 = arith.constant dense<2147483647> : vector<512xi32>
    %reduce_min3A_262 = vector.multi_reduction <minsi>, %select_n3A_260, %reduce_min3A_261 [0] : vector<128x512xi32> to vector<512xi32>
    %broadcast_in_dim3A_263 = vector.shape_cast %reduce_min3A_262 : vector<512xi32> to vector<1x512xi32>
    %slice3A_264 = vector.extract_strided_slice %add3A_20 {offsets = [1152, 0], sizes = [128, 512], strides = [1, 1]} : vector<4096x512xf32> to vector<128x512xf32>
    %add3A_265 = arith.constant 1152 : i32
    %add3A_266 = vector.broadcast %add3A_265 : i32 to vector<128x512xi32>
    %add3A_267 = arith.addi %iota3A_25, %add3A_266 : vector<128x512xi32>
    %mul3A_268 = arith.constant 512 : i32
    %mul3A_269 = arith.muli %arg1, %mul3A_268 : i32
    %add3A_270 = vector.broadcast %mul3A_269 : i32 to vector<1x512xi32>
    %add3A_271 = arith.addi %iota3A, %add3A_270 : vector<1x512xi32>
    %eq3A_272 = vector.broadcast %add3A_271 : vector<1x512xi32> to vector<128x512xi32>
    %eq3A_273 = arith.cmpi eq, %add3A_267, %eq3A_272 : vector<128x512xi32>
    %jit3A_274 = arith.constant 0x7F800000 : f32
    %broadcast_in_dim3A_275 = vector.broadcast %jit3A_274 : f32 to vector<128x512xf32>
    %select_n3A_276 = arith.select %eq3A_273, %broadcast_in_dim3A_275, %slice3A_264 : vector<128x512xi1>, vector<128x512xf32>
    %reduce_min3A_277 = arith.constant dense<0x7F800000> : vector<512xf32>
    %reduce_min3A_278 = vector.multi_reduction <minimumf>, %select_n3A_276, %reduce_min3A_277 [0] : vector<128x512xf32> to vector<512xf32>
    %broadcast_in_dim3A_279 = vector.shape_cast %reduce_min3A_278 : vector<512xf32> to vector<1x512xf32>
    %eq3A_280 = vector.broadcast %broadcast_in_dim3A_279 : vector<1x512xf32> to vector<128x512xf32>
    %eq3A_281 = arith.cmpf oeq, %select_n3A_276, %eq3A_280 : vector<128x512xf32>
    %add3A_282 = arith.constant 1152 : i32
    %add3A_283 = vector.broadcast %add3A_282 : i32 to vector<128x512xi32>
    %add3A_284 = arith.addi %iota3A_25, %add3A_283 : vector<128x512xi32>
    %jit3A_285 = arith.constant 4096 : i32
    %broadcast_in_dim3A_286 = vector.broadcast %jit3A_285 : i32 to vector<128x512xi32>
    %select_n3A_287 = arith.select %eq3A_281, %add3A_284, %broadcast_in_dim3A_286 : vector<128x512xi1>, vector<128x512xi32>
    %reduce_min3A_288 = arith.constant dense<2147483647> : vector<512xi32>
    %reduce_min3A_289 = vector.multi_reduction <minsi>, %select_n3A_287, %reduce_min3A_288 [0] : vector<128x512xi32> to vector<512xi32>
    %broadcast_in_dim3A_290 = vector.shape_cast %reduce_min3A_289 : vector<512xi32> to vector<1x512xi32>
    %slice3A_291 = vector.extract_strided_slice %add3A_20 {offsets = [1280, 0], sizes = [128, 512], strides = [1, 1]} : vector<4096x512xf32> to vector<128x512xf32>
    %add3A_292 = arith.constant 1280 : i32
    %add3A_293 = vector.broadcast %add3A_292 : i32 to vector<128x512xi32>
    %add3A_294 = arith.addi %iota3A_25, %add3A_293 : vector<128x512xi32>
    %mul3A_295 = arith.constant 512 : i32
    %mul3A_296 = arith.muli %arg1, %mul3A_295 : i32
    %add3A_297 = vector.broadcast %mul3A_296 : i32 to vector<1x512xi32>
    %add3A_298 = arith.addi %iota3A, %add3A_297 : vector<1x512xi32>
    %eq3A_299 = vector.broadcast %add3A_298 : vector<1x512xi32> to vector<128x512xi32>
    %eq3A_300 = arith.cmpi eq, %add3A_294, %eq3A_299 : vector<128x512xi32>
    %jit3A_301 = arith.constant 0x7F800000 : f32
    %broadcast_in_dim3A_302 = vector.broadcast %jit3A_301 : f32 to vector<128x512xf32>
    %select_n3A_303 = arith.select %eq3A_300, %broadcast_in_dim3A_302, %slice3A_291 : vector<128x512xi1>, vector<128x512xf32>
    %reduce_min3A_304 = arith.constant dense<0x7F800000> : vector<512xf32>
    %reduce_min3A_305 = vector.multi_reduction <minimumf>, %select_n3A_303, %reduce_min3A_304 [0] : vector<128x512xf32> to vector<512xf32>
    %broadcast_in_dim3A_306 = vector.shape_cast %reduce_min3A_305 : vector<512xf32> to vector<1x512xf32>
    %eq3A_307 = vector.broadcast %broadcast_in_dim3A_306 : vector<1x512xf32> to vector<128x512xf32>
    %eq3A_308 = arith.cmpf oeq, %select_n3A_303, %eq3A_307 : vector<128x512xf32>
    %add3A_309 = arith.constant 1280 : i32
    %add3A_310 = vector.broadcast %add3A_309 : i32 to vector<128x512xi32>
    %add3A_311 = arith.addi %iota3A_25, %add3A_310 : vector<128x512xi32>
    %jit3A_312 = arith.constant 4096 : i32
    %broadcast_in_dim3A_313 = vector.broadcast %jit3A_312 : i32 to vector<128x512xi32>
    %select_n3A_314 = arith.select %eq3A_308, %add3A_311, %broadcast_in_dim3A_313 : vector<128x512xi1>, vector<128x512xi32>
    %reduce_min3A_315 = arith.constant dense<2147483647> : vector<512xi32>
    %reduce_min3A_316 = vector.multi_reduction <minsi>, %select_n3A_314, %reduce_min3A_315 [0] : vector<128x512xi32> to vector<512xi32>
    %broadcast_in_dim3A_317 = vector.shape_cast %reduce_min3A_316 : vector<512xi32> to vector<1x512xi32>
    %slice3A_318 = vector.extract_strided_slice %add3A_20 {offsets = [1408, 0], sizes = [128, 512], strides = [1, 1]} : vector<4096x512xf32> to vector<128x512xf32>
    %add3A_319 = arith.constant 1408 : i32
    %add3A_320 = vector.broadcast %add3A_319 : i32 to vector<128x512xi32>
    %add3A_321 = arith.addi %iota3A_25, %add3A_320 : vector<128x512xi32>
    %mul3A_322 = arith.constant 512 : i32
    %mul3A_323 = arith.muli %arg1, %mul3A_322 : i32
    %add3A_324 = vector.broadcast %mul3A_323 : i32 to vector<1x512xi32>
    %add3A_325 = arith.addi %iota3A, %add3A_324 : vector<1x512xi32>
    %eq3A_326 = vector.broadcast %add3A_325 : vector<1x512xi32> to vector<128x512xi32>
    %eq3A_327 = arith.cmpi eq, %add3A_321, %eq3A_326 : vector<128x512xi32>
    %jit3A_328 = arith.constant 0x7F800000 : f32
    %broadcast_in_dim3A_329 = vector.broadcast %jit3A_328 : f32 to vector<128x512xf32>
    %select_n3A_330 = arith.select %eq3A_327, %broadcast_in_dim3A_329, %slice3A_318 : vector<128x512xi1>, vector<128x512xf32>
    %reduce_min3A_331 = arith.constant dense<0x7F800000> : vector<512xf32>
    %reduce_min3A_332 = vector.multi_reduction <minimumf>, %select_n3A_330, %reduce_min3A_331 [0] : vector<128x512xf32> to vector<512xf32>
    %broadcast_in_dim3A_333 = vector.shape_cast %reduce_min3A_332 : vector<512xf32> to vector<1x512xf32>
    %eq3A_334 = vector.broadcast %broadcast_in_dim3A_333 : vector<1x512xf32> to vector<128x512xf32>
    %eq3A_335 = arith.cmpf oeq, %select_n3A_330, %eq3A_334 : vector<128x512xf32>
    %add3A_336 = arith.constant 1408 : i32
    %add3A_337 = vector.broadcast %add3A_336 : i32 to vector<128x512xi32>
    %add3A_338 = arith.addi %iota3A_25, %add3A_337 : vector<128x512xi32>
    %jit3A_339 = arith.constant 4096 : i32
    %broadcast_in_dim3A_340 = vector.broadcast %jit3A_339 : i32 to vector<128x512xi32>
    %select_n3A_341 = arith.select %eq3A_335, %add3A_338, %broadcast_in_dim3A_340 : vector<128x512xi1>, vector<128x512xi32>
    %reduce_min3A_342 = arith.constant dense<2147483647> : vector<512xi32>
    %reduce_min3A_343 = vector.multi_reduction <minsi>, %select_n3A_341, %reduce_min3A_342 [0] : vector<128x512xi32> to vector<512xi32>
    %broadcast_in_dim3A_344 = vector.shape_cast %reduce_min3A_343 : vector<512xi32> to vector<1x512xi32>
    %slice3A_345 = vector.extract_strided_slice %add3A_20 {offsets = [1536, 0], sizes = [128, 512], strides = [1, 1]} : vector<4096x512xf32> to vector<128x512xf32>
    %add3A_346 = arith.constant 1536 : i32
    %add3A_347 = vector.broadcast %add3A_346 : i32 to vector<128x512xi32>
    %add3A_348 = arith.addi %iota3A_25, %add3A_347 : vector<128x512xi32>
    %mul3A_349 = arith.constant 512 : i32
    %mul3A_350 = arith.muli %arg1, %mul3A_349 : i32
    %add3A_351 = vector.broadcast %mul3A_350 : i32 to vector<1x512xi32>
    %add3A_352 = arith.addi %iota3A, %add3A_351 : vector<1x512xi32>
    %eq3A_353 = vector.broadcast %add3A_352 : vector<1x512xi32> to vector<128x512xi32>
    %eq3A_354 = arith.cmpi eq, %add3A_348, %eq3A_353 : vector<128x512xi32>
    %jit3A_355 = arith.constant 0x7F800000 : f32
    %broadcast_in_dim3A_356 = vector.broadcast %jit3A_355 : f32 to vector<128x512xf32>
    %select_n3A_357 = arith.select %eq3A_354, %broadcast_in_dim3A_356, %slice3A_345 : vector<128x512xi1>, vector<128x512xf32>
    %reduce_min3A_358 = arith.constant dense<0x7F800000> : vector<512xf32>
    %reduce_min3A_359 = vector.multi_reduction <minimumf>, %select_n3A_357, %reduce_min3A_358 [0] : vector<128x512xf32> to vector<512xf32>
    %broadcast_in_dim3A_360 = vector.shape_cast %reduce_min3A_359 : vector<512xf32> to vector<1x512xf32>
    %eq3A_361 = vector.broadcast %broadcast_in_dim3A_360 : vector<1x512xf32> to vector<128x512xf32>
    %eq3A_362 = arith.cmpf oeq, %select_n3A_357, %eq3A_361 : vector<128x512xf32>
    %add3A_363 = arith.constant 1536 : i32
    %add3A_364 = vector.broadcast %add3A_363 : i32 to vector<128x512xi32>
    %add3A_365 = arith.addi %iota3A_25, %add3A_364 : vector<128x512xi32>
    %jit3A_366 = arith.constant 4096 : i32
    %broadcast_in_dim3A_367 = vector.broadcast %jit3A_366 : i32 to vector<128x512xi32>
    %select_n3A_368 = arith.select %eq3A_362, %add3A_365, %broadcast_in_dim3A_367 : vector<128x512xi1>, vector<128x512xi32>
    %reduce_min3A_369 = arith.constant dense<2147483647> : vector<512xi32>
    %reduce_min3A_370 = vector.multi_reduction <minsi>, %select_n3A_368, %reduce_min3A_369 [0] : vector<128x512xi32> to vector<512xi32>
    %broadcast_in_dim3A_371 = vector.shape_cast %reduce_min3A_370 : vector<512xi32> to vector<1x512xi32>
    %slice3A_372 = vector.extract_strided_slice %add3A_20 {offsets = [1664, 0], sizes = [128, 512], strides = [1, 1]} : vector<4096x512xf32> to vector<128x512xf32>
    %add3A_373 = arith.constant 1664 : i32
    %add3A_374 = vector.broadcast %add3A_373 : i32 to vector<128x512xi32>
    %add3A_375 = arith.addi %iota3A_25, %add3A_374 : vector<128x512xi32>
    %mul3A_376 = arith.constant 512 : i32
    %mul3A_377 = arith.muli %arg1, %mul3A_376 : i32
    %add3A_378 = vector.broadcast %mul3A_377 : i32 to vector<1x512xi32>
    %add3A_379 = arith.addi %iota3A, %add3A_378 : vector<1x512xi32>
    %eq3A_380 = vector.broadcast %add3A_379 : vector<1x512xi32> to vector<128x512xi32>
    %eq3A_381 = arith.cmpi eq, %add3A_375, %eq3A_380 : vector<128x512xi32>
    %jit3A_382 = arith.constant 0x7F800000 : f32
    %broadcast_in_dim3A_383 = vector.broadcast %jit3A_382 : f32 to vector<128x512xf32>
    %select_n3A_384 = arith.select %eq3A_381, %broadcast_in_dim3A_383, %slice3A_372 : vector<128x512xi1>, vector<128x512xf32>
    %reduce_min3A_385 = arith.constant dense<0x7F800000> : vector<512xf32>
    %reduce_min3A_386 = vector.multi_reduction <minimumf>, %select_n3A_384, %reduce_min3A_385 [0] : vector<128x512xf32> to vector<512xf32>
    %broadcast_in_dim3A_387 = vector.shape_cast %reduce_min3A_386 : vector<512xf32> to vector<1x512xf32>
    %eq3A_388 = vector.broadcast %broadcast_in_dim3A_387 : vector<1x512xf32> to vector<128x512xf32>
    %eq3A_389 = arith.cmpf oeq, %select_n3A_384, %eq3A_388 : vector<128x512xf32>
    %add3A_390 = arith.constant 1664 : i32
    %add3A_391 = vector.broadcast %add3A_390 : i32 to vector<128x512xi32>
    %add3A_392 = arith.addi %iota3A_25, %add3A_391 : vector<128x512xi32>
    %jit3A_393 = arith.constant 4096 : i32
    %broadcast_in_dim3A_394 = vector.broadcast %jit3A_393 : i32 to vector<128x512xi32>
    %select_n3A_395 = arith.select %eq3A_389, %add3A_392, %broadcast_in_dim3A_394 : vector<128x512xi1>, vector<128x512xi32>
    %reduce_min3A_396 = arith.constant dense<2147483647> : vector<512xi32>
    %reduce_min3A_397 = vector.multi_reduction <minsi>, %select_n3A_395, %reduce_min3A_396 [0] : vector<128x512xi32> to vector<512xi32>
    %broadcast_in_dim3A_398 = vector.shape_cast %reduce_min3A_397 : vector<512xi32> to vector<1x512xi32>
    %slice3A_399 = vector.extract_strided_slice %add3A_20 {offsets = [1792, 0], sizes = [128, 512], strides = [1, 1]} : vector<4096x512xf32> to vector<128x512xf32>
    %add3A_400 = arith.constant 1792 : i32
    %add3A_401 = vector.broadcast %add3A_400 : i32 to vector<128x512xi32>
    %add3A_402 = arith.addi %iota3A_25, %add3A_401 : vector<128x512xi32>
    %mul3A_403 = arith.constant 512 : i32
    %mul3A_404 = arith.muli %arg1, %mul3A_403 : i32
    %add3A_405 = vector.broadcast %mul3A_404 : i32 to vector<1x512xi32>
    %add3A_406 = arith.addi %iota3A, %add3A_405 : vector<1x512xi32>
    %eq3A_407 = vector.broadcast %add3A_406 : vector<1x512xi32> to vector<128x512xi32>
    %eq3A_408 = arith.cmpi eq, %add3A_402, %eq3A_407 : vector<128x512xi32>
    %jit3A_409 = arith.constant 0x7F800000 : f32
    %broadcast_in_dim3A_410 = vector.broadcast %jit3A_409 : f32 to vector<128x512xf32>
    %select_n3A_411 = arith.select %eq3A_408, %broadcast_in_dim3A_410, %slice3A_399 : vector<128x512xi1>, vector<128x512xf32>
    %reduce_min3A_412 = arith.constant dense<0x7F800000> : vector<512xf32>
    %reduce_min3A_413 = vector.multi_reduction <minimumf>, %select_n3A_411, %reduce_min3A_412 [0] : vector<128x512xf32> to vector<512xf32>
    %broadcast_in_dim3A_414 = vector.shape_cast %reduce_min3A_413 : vector<512xf32> to vector<1x512xf32>
    %eq3A_415 = vector.broadcast %broadcast_in_dim3A_414 : vector<1x512xf32> to vector<128x512xf32>
    %eq3A_416 = arith.cmpf oeq, %select_n3A_411, %eq3A_415 : vector<128x512xf32>
    %add3A_417 = arith.constant 1792 : i32
    %add3A_418 = vector.broadcast %add3A_417 : i32 to vector<128x512xi32>
    %add3A_419 = arith.addi %iota3A_25, %add3A_418 : vector<128x512xi32>
    %jit3A_420 = arith.constant 4096 : i32
    %broadcast_in_dim3A_421 = vector.broadcast %jit3A_420 : i32 to vector<128x512xi32>
    %select_n3A_422 = arith.select %eq3A_416, %add3A_419, %broadcast_in_dim3A_421 : vector<128x512xi1>, vector<128x512xi32>
    %reduce_min3A_423 = arith.constant dense<2147483647> : vector<512xi32>
    %reduce_min3A_424 = vector.multi_reduction <minsi>, %select_n3A_422, %reduce_min3A_423 [0] : vector<128x512xi32> to vector<512xi32>
    %broadcast_in_dim3A_425 = vector.shape_cast %reduce_min3A_424 : vector<512xi32> to vector<1x512xi32>
    %slice3A_426 = vector.extract_strided_slice %add3A_20 {offsets = [1920, 0], sizes = [128, 512], strides = [1, 1]} : vector<4096x512xf32> to vector<128x512xf32>
    %add3A_427 = arith.constant 1920 : i32
    %add3A_428 = vector.broadcast %add3A_427 : i32 to vector<128x512xi32>
    %add3A_429 = arith.addi %iota3A_25, %add3A_428 : vector<128x512xi32>
    %mul3A_430 = arith.constant 512 : i32
    %mul3A_431 = arith.muli %arg1, %mul3A_430 : i32
    %add3A_432 = vector.broadcast %mul3A_431 : i32 to vector<1x512xi32>
    %add3A_433 = arith.addi %iota3A, %add3A_432 : vector<1x512xi32>
    %eq3A_434 = vector.broadcast %add3A_433 : vector<1x512xi32> to vector<128x512xi32>
    %eq3A_435 = arith.cmpi eq, %add3A_429, %eq3A_434 : vector<128x512xi32>
    %jit3A_436 = arith.constant 0x7F800000 : f32
    %broadcast_in_dim3A_437 = vector.broadcast %jit3A_436 : f32 to vector<128x512xf32>
    %select_n3A_438 = arith.select %eq3A_435, %broadcast_in_dim3A_437, %slice3A_426 : vector<128x512xi1>, vector<128x512xf32>
    %reduce_min3A_439 = arith.constant dense<0x7F800000> : vector<512xf32>
    %reduce_min3A_440 = vector.multi_reduction <minimumf>, %select_n3A_438, %reduce_min3A_439 [0] : vector<128x512xf32> to vector<512xf32>
    %broadcast_in_dim3A_441 = vector.shape_cast %reduce_min3A_440 : vector<512xf32> to vector<1x512xf32>
    %eq3A_442 = vector.broadcast %broadcast_in_dim3A_441 : vector<1x512xf32> to vector<128x512xf32>
    %eq3A_443 = arith.cmpf oeq, %select_n3A_438, %eq3A_442 : vector<128x512xf32>
    %add3A_444 = arith.constant 1920 : i32
    %add3A_445 = vector.broadcast %add3A_444 : i32 to vector<128x512xi32>
    %add3A_446 = arith.addi %iota3A_25, %add3A_445 : vector<128x512xi32>
    %jit3A_447 = arith.constant 4096 : i32
    %broadcast_in_dim3A_448 = vector.broadcast %jit3A_447 : i32 to vector<128x512xi32>
    %select_n3A_449 = arith.select %eq3A_443, %add3A_446, %broadcast_in_dim3A_448 : vector<128x512xi1>, vector<128x512xi32>
    %reduce_min3A_450 = arith.constant dense<2147483647> : vector<512xi32>
    %reduce_min3A_451 = vector.multi_reduction <minsi>, %select_n3A_449, %reduce_min3A_450 [0] : vector<128x512xi32> to vector<512xi32>
    %broadcast_in_dim3A_452 = vector.shape_cast %reduce_min3A_451 : vector<512xi32> to vector<1x512xi32>
    %slice3A_453 = vector.extract_strided_slice %add3A_20 {offsets = [2048, 0], sizes = [128, 512], strides = [1, 1]} : vector<4096x512xf32> to vector<128x512xf32>
    %add3A_454 = arith.constant 2048 : i32
    %add3A_455 = vector.broadcast %add3A_454 : i32 to vector<128x512xi32>
    %add3A_456 = arith.addi %iota3A_25, %add3A_455 : vector<128x512xi32>
    %mul3A_457 = arith.constant 512 : i32
    %mul3A_458 = arith.muli %arg1, %mul3A_457 : i32
    %add3A_459 = vector.broadcast %mul3A_458 : i32 to vector<1x512xi32>
    %add3A_460 = arith.addi %iota3A, %add3A_459 : vector<1x512xi32>
    %eq3A_461 = vector.broadcast %add3A_460 : vector<1x512xi32> to vector<128x512xi32>
    %eq3A_462 = arith.cmpi eq, %add3A_456, %eq3A_461 : vector<128x512xi32>
    %jit3A_463 = arith.constant 0x7F800000 : f32
    %broadcast_in_dim3A_464 = vector.broadcast %jit3A_463 : f32 to vector<128x512xf32>
    %select_n3A_465 = arith.select %eq3A_462, %broadcast_in_dim3A_464, %slice3A_453 : vector<128x512xi1>, vector<128x512xf32>
    %reduce_min3A_466 = arith.constant dense<0x7F800000> : vector<512xf32>
    %reduce_min3A_467 = vector.multi_reduction <minimumf>, %select_n3A_465, %reduce_min3A_466 [0] : vector<128x512xf32> to vector<512xf32>
    %broadcast_in_dim3A_468 = vector.shape_cast %reduce_min3A_467 : vector<512xf32> to vector<1x512xf32>
    %eq3A_469 = vector.broadcast %broadcast_in_dim3A_468 : vector<1x512xf32> to vector<128x512xf32>
    %eq3A_470 = arith.cmpf oeq, %select_n3A_465, %eq3A_469 : vector<128x512xf32>
    %add3A_471 = arith.constant 2048 : i32
    %add3A_472 = vector.broadcast %add3A_471 : i32 to vector<128x512xi32>
    %add3A_473 = arith.addi %iota3A_25, %add3A_472 : vector<128x512xi32>
    %jit3A_474 = arith.constant 4096 : i32
    %broadcast_in_dim3A_475 = vector.broadcast %jit3A_474 : i32 to vector<128x512xi32>
    %select_n3A_476 = arith.select %eq3A_470, %add3A_473, %broadcast_in_dim3A_475 : vector<128x512xi1>, vector<128x512xi32>
    %reduce_min3A_477 = arith.constant dense<2147483647> : vector<512xi32>
    %reduce_min3A_478 = vector.multi_reduction <minsi>, %select_n3A_476, %reduce_min3A_477 [0] : vector<128x512xi32> to vector<512xi32>
    %broadcast_in_dim3A_479 = vector.shape_cast %reduce_min3A_478 : vector<512xi32> to vector<1x512xi32>
    %slice3A_480 = vector.extract_strided_slice %add3A_20 {offsets = [2176, 0], sizes = [128, 512], strides = [1, 1]} : vector<4096x512xf32> to vector<128x512xf32>
    %add3A_481 = arith.constant 2176 : i32
    %add3A_482 = vector.broadcast %add3A_481 : i32 to vector<128x512xi32>
    %add3A_483 = arith.addi %iota3A_25, %add3A_482 : vector<128x512xi32>
    %mul3A_484 = arith.constant 512 : i32
    %mul3A_485 = arith.muli %arg1, %mul3A_484 : i32
    %add3A_486 = vector.broadcast %mul3A_485 : i32 to vector<1x512xi32>
    %add3A_487 = arith.addi %iota3A, %add3A_486 : vector<1x512xi32>
    %eq3A_488 = vector.broadcast %add3A_487 : vector<1x512xi32> to vector<128x512xi32>
    %eq3A_489 = arith.cmpi eq, %add3A_483, %eq3A_488 : vector<128x512xi32>
    %jit3A_490 = arith.constant 0x7F800000 : f32
    %broadcast_in_dim3A_491 = vector.broadcast %jit3A_490 : f32 to vector<128x512xf32>
    %select_n3A_492 = arith.select %eq3A_489, %broadcast_in_dim3A_491, %slice3A_480 : vector<128x512xi1>, vector<128x512xf32>
    %reduce_min3A_493 = arith.constant dense<0x7F800000> : vector<512xf32>
    %reduce_min3A_494 = vector.multi_reduction <minimumf>, %select_n3A_492, %reduce_min3A_493 [0] : vector<128x512xf32> to vector<512xf32>
    %broadcast_in_dim3A_495 = vector.shape_cast %reduce_min3A_494 : vector<512xf32> to vector<1x512xf32>
    %eq3A_496 = vector.broadcast %broadcast_in_dim3A_495 : vector<1x512xf32> to vector<128x512xf32>
    %eq3A_497 = arith.cmpf oeq, %select_n3A_492, %eq3A_496 : vector<128x512xf32>
    %add3A_498 = arith.constant 2176 : i32
    %add3A_499 = vector.broadcast %add3A_498 : i32 to vector<128x512xi32>
    %add3A_500 = arith.addi %iota3A_25, %add3A_499 : vector<128x512xi32>
    %jit3A_501 = arith.constant 4096 : i32
    %broadcast_in_dim3A_502 = vector.broadcast %jit3A_501 : i32 to vector<128x512xi32>
    %select_n3A_503 = arith.select %eq3A_497, %add3A_500, %broadcast_in_dim3A_502 : vector<128x512xi1>, vector<128x512xi32>
    %reduce_min3A_504 = arith.constant dense<2147483647> : vector<512xi32>
    %reduce_min3A_505 = vector.multi_reduction <minsi>, %select_n3A_503, %reduce_min3A_504 [0] : vector<128x512xi32> to vector<512xi32>
    %broadcast_in_dim3A_506 = vector.shape_cast %reduce_min3A_505 : vector<512xi32> to vector<1x512xi32>
    %slice3A_507 = vector.extract_strided_slice %add3A_20 {offsets = [2304, 0], sizes = [128, 512], strides = [1, 1]} : vector<4096x512xf32> to vector<128x512xf32>
    %add3A_508 = arith.constant 2304 : i32
    %add3A_509 = vector.broadcast %add3A_508 : i32 to vector<128x512xi32>
    %add3A_510 = arith.addi %iota3A_25, %add3A_509 : vector<128x512xi32>
    %mul3A_511 = arith.constant 512 : i32
    %mul3A_512 = arith.muli %arg1, %mul3A_511 : i32
    %add3A_513 = vector.broadcast %mul3A_512 : i32 to vector<1x512xi32>
    %add3A_514 = arith.addi %iota3A, %add3A_513 : vector<1x512xi32>
    %eq3A_515 = vector.broadcast %add3A_514 : vector<1x512xi32> to vector<128x512xi32>
    %eq3A_516 = arith.cmpi eq, %add3A_510, %eq3A_515 : vector<128x512xi32>
    %jit3A_517 = arith.constant 0x7F800000 : f32
    %broadcast_in_dim3A_518 = vector.broadcast %jit3A_517 : f32 to vector<128x512xf32>
    %select_n3A_519 = arith.select %eq3A_516, %broadcast_in_dim3A_518, %slice3A_507 : vector<128x512xi1>, vector<128x512xf32>
    %reduce_min3A_520 = arith.constant dense<0x7F800000> : vector<512xf32>
    %reduce_min3A_521 = vector.multi_reduction <minimumf>, %select_n3A_519, %reduce_min3A_520 [0] : vector<128x512xf32> to vector<512xf32>
    %broadcast_in_dim3A_522 = vector.shape_cast %reduce_min3A_521 : vector<512xf32> to vector<1x512xf32>
    %eq3A_523 = vector.broadcast %broadcast_in_dim3A_522 : vector<1x512xf32> to vector<128x512xf32>
    %eq3A_524 = arith.cmpf oeq, %select_n3A_519, %eq3A_523 : vector<128x512xf32>
    %add3A_525 = arith.constant 2304 : i32
    %add3A_526 = vector.broadcast %add3A_525 : i32 to vector<128x512xi32>
    %add3A_527 = arith.addi %iota3A_25, %add3A_526 : vector<128x512xi32>
    %jit3A_528 = arith.constant 4096 : i32
    %broadcast_in_dim3A_529 = vector.broadcast %jit3A_528 : i32 to vector<128x512xi32>
    %select_n3A_530 = arith.select %eq3A_524, %add3A_527, %broadcast_in_dim3A_529 : vector<128x512xi1>, vector<128x512xi32>
    %reduce_min3A_531 = arith.constant dense<2147483647> : vector<512xi32>
    %reduce_min3A_532 = vector.multi_reduction <minsi>, %select_n3A_530, %reduce_min3A_531 [0] : vector<128x512xi32> to vector<512xi32>
    %broadcast_in_dim3A_533 = vector.shape_cast %reduce_min3A_532 : vector<512xi32> to vector<1x512xi32>
    %slice3A_534 = vector.extract_strided_slice %add3A_20 {offsets = [2432, 0], sizes = [128, 512], strides = [1, 1]} : vector<4096x512xf32> to vector<128x512xf32>
    %add3A_535 = arith.constant 2432 : i32
    %add3A_536 = vector.broadcast %add3A_535 : i32 to vector<128x512xi32>
    %add3A_537 = arith.addi %iota3A_25, %add3A_536 : vector<128x512xi32>
    %mul3A_538 = arith.constant 512 : i32
    %mul3A_539 = arith.muli %arg1, %mul3A_538 : i32
    %add3A_540 = vector.broadcast %mul3A_539 : i32 to vector<1x512xi32>
    %add3A_541 = arith.addi %iota3A, %add3A_540 : vector<1x512xi32>
    %eq3A_542 = vector.broadcast %add3A_541 : vector<1x512xi32> to vector<128x512xi32>
    %eq3A_543 = arith.cmpi eq, %add3A_537, %eq3A_542 : vector<128x512xi32>
    %jit3A_544 = arith.constant 0x7F800000 : f32
    %broadcast_in_dim3A_545 = vector.broadcast %jit3A_544 : f32 to vector<128x512xf32>
    %select_n3A_546 = arith.select %eq3A_543, %broadcast_in_dim3A_545, %slice3A_534 : vector<128x512xi1>, vector<128x512xf32>
    %reduce_min3A_547 = arith.constant dense<0x7F800000> : vector<512xf32>
    %reduce_min3A_548 = vector.multi_reduction <minimumf>, %select_n3A_546, %reduce_min3A_547 [0] : vector<128x512xf32> to vector<512xf32>
    %broadcast_in_dim3A_549 = vector.shape_cast %reduce_min3A_548 : vector<512xf32> to vector<1x512xf32>
    %eq3A_550 = vector.broadcast %broadcast_in_dim3A_549 : vector<1x512xf32> to vector<128x512xf32>
    %eq3A_551 = arith.cmpf oeq, %select_n3A_546, %eq3A_550 : vector<128x512xf32>
    %add3A_552 = arith.constant 2432 : i32
    %add3A_553 = vector.broadcast %add3A_552 : i32 to vector<128x512xi32>
    %add3A_554 = arith.addi %iota3A_25, %add3A_553 : vector<128x512xi32>
    %jit3A_555 = arith.constant 4096 : i32
    %broadcast_in_dim3A_556 = vector.broadcast %jit3A_555 : i32 to vector<128x512xi32>
    %select_n3A_557 = arith.select %eq3A_551, %add3A_554, %broadcast_in_dim3A_556 : vector<128x512xi1>, vector<128x512xi32>
    %reduce_min3A_558 = arith.constant dense<2147483647> : vector<512xi32>
    %reduce_min3A_559 = vector.multi_reduction <minsi>, %select_n3A_557, %reduce_min3A_558 [0] : vector<128x512xi32> to vector<512xi32>
    %broadcast_in_dim3A_560 = vector.shape_cast %reduce_min3A_559 : vector<512xi32> to vector<1x512xi32>
    %slice3A_561 = vector.extract_strided_slice %add3A_20 {offsets = [2560, 0], sizes = [128, 512], strides = [1, 1]} : vector<4096x512xf32> to vector<128x512xf32>
    %add3A_562 = arith.constant 2560 : i32
    %add3A_563 = vector.broadcast %add3A_562 : i32 to vector<128x512xi32>
    %add3A_564 = arith.addi %iota3A_25, %add3A_563 : vector<128x512xi32>
    %mul3A_565 = arith.constant 512 : i32
    %mul3A_566 = arith.muli %arg1, %mul3A_565 : i32
    %add3A_567 = vector.broadcast %mul3A_566 : i32 to vector<1x512xi32>
    %add3A_568 = arith.addi %iota3A, %add3A_567 : vector<1x512xi32>
    %eq3A_569 = vector.broadcast %add3A_568 : vector<1x512xi32> to vector<128x512xi32>
    %eq3A_570 = arith.cmpi eq, %add3A_564, %eq3A_569 : vector<128x512xi32>
    %jit3A_571 = arith.constant 0x7F800000 : f32
    %broadcast_in_dim3A_572 = vector.broadcast %jit3A_571 : f32 to vector<128x512xf32>
    %select_n3A_573 = arith.select %eq3A_570, %broadcast_in_dim3A_572, %slice3A_561 : vector<128x512xi1>, vector<128x512xf32>
    %reduce_min3A_574 = arith.constant dense<0x7F800000> : vector<512xf32>
    %reduce_min3A_575 = vector.multi_reduction <minimumf>, %select_n3A_573, %reduce_min3A_574 [0] : vector<128x512xf32> to vector<512xf32>
    %broadcast_in_dim3A_576 = vector.shape_cast %reduce_min3A_575 : vector<512xf32> to vector<1x512xf32>
    %eq3A_577 = vector.broadcast %broadcast_in_dim3A_576 : vector<1x512xf32> to vector<128x512xf32>
    %eq3A_578 = arith.cmpf oeq, %select_n3A_573, %eq3A_577 : vector<128x512xf32>
    %add3A_579 = arith.constant 2560 : i32
    %add3A_580 = vector.broadcast %add3A_579 : i32 to vector<128x512xi32>
    %add3A_581 = arith.addi %iota3A_25, %add3A_580 : vector<128x512xi32>
    %jit3A_582 = arith.constant 4096 : i32
    %broadcast_in_dim3A_583 = vector.broadcast %jit3A_582 : i32 to vector<128x512xi32>
    %select_n3A_584 = arith.select %eq3A_578, %add3A_581, %broadcast_in_dim3A_583 : vector<128x512xi1>, vector<128x512xi32>
    %reduce_min3A_585 = arith.constant dense<2147483647> : vector<512xi32>
    %reduce_min3A_586 = vector.multi_reduction <minsi>, %select_n3A_584, %reduce_min3A_585 [0] : vector<128x512xi32> to vector<512xi32>
    %broadcast_in_dim3A_587 = vector.shape_cast %reduce_min3A_586 : vector<512xi32> to vector<1x512xi32>
    %slice3A_588 = vector.extract_strided_slice %add3A_20 {offsets = [2688, 0], sizes = [128, 512], strides = [1, 1]} : vector<4096x512xf32> to vector<128x512xf32>
    %add3A_589 = arith.constant 2688 : i32
    %add3A_590 = vector.broadcast %add3A_589 : i32 to vector<128x512xi32>
    %add3A_591 = arith.addi %iota3A_25, %add3A_590 : vector<128x512xi32>
    %mul3A_592 = arith.constant 512 : i32
    %mul3A_593 = arith.muli %arg1, %mul3A_592 : i32
    %add3A_594 = vector.broadcast %mul3A_593 : i32 to vector<1x512xi32>
    %add3A_595 = arith.addi %iota3A, %add3A_594 : vector<1x512xi32>
    %eq3A_596 = vector.broadcast %add3A_595 : vector<1x512xi32> to vector<128x512xi32>
    %eq3A_597 = arith.cmpi eq, %add3A_591, %eq3A_596 : vector<128x512xi32>
    %jit3A_598 = arith.constant 0x7F800000 : f32
    %broadcast_in_dim3A_599 = vector.broadcast %jit3A_598 : f32 to vector<128x512xf32>
    %select_n3A_600 = arith.select %eq3A_597, %broadcast_in_dim3A_599, %slice3A_588 : vector<128x512xi1>, vector<128x512xf32>
    %reduce_min3A_601 = arith.constant dense<0x7F800000> : vector<512xf32>
    %reduce_min3A_602 = vector.multi_reduction <minimumf>, %select_n3A_600, %reduce_min3A_601 [0] : vector<128x512xf32> to vector<512xf32>
    %broadcast_in_dim3A_603 = vector.shape_cast %reduce_min3A_602 : vector<512xf32> to vector<1x512xf32>
    %eq3A_604 = vector.broadcast %broadcast_in_dim3A_603 : vector<1x512xf32> to vector<128x512xf32>
    %eq3A_605 = arith.cmpf oeq, %select_n3A_600, %eq3A_604 : vector<128x512xf32>
    %add3A_606 = arith.constant 2688 : i32
    %add3A_607 = vector.broadcast %add3A_606 : i32 to vector<128x512xi32>
    %add3A_608 = arith.addi %iota3A_25, %add3A_607 : vector<128x512xi32>
    %jit3A_609 = arith.constant 4096 : i32
    %broadcast_in_dim3A_610 = vector.broadcast %jit3A_609 : i32 to vector<128x512xi32>
    %select_n3A_611 = arith.select %eq3A_605, %add3A_608, %broadcast_in_dim3A_610 : vector<128x512xi1>, vector<128x512xi32>
    %reduce_min3A_612 = arith.constant dense<2147483647> : vector<512xi32>
    %reduce_min3A_613 = vector.multi_reduction <minsi>, %select_n3A_611, %reduce_min3A_612 [0] : vector<128x512xi32> to vector<512xi32>
    %broadcast_in_dim3A_614 = vector.shape_cast %reduce_min3A_613 : vector<512xi32> to vector<1x512xi32>
    %slice3A_615 = vector.extract_strided_slice %add3A_20 {offsets = [2816, 0], sizes = [128, 512], strides = [1, 1]} : vector<4096x512xf32> to vector<128x512xf32>
    %add3A_616 = arith.constant 2816 : i32
    %add3A_617 = vector.broadcast %add3A_616 : i32 to vector<128x512xi32>
    %add3A_618 = arith.addi %iota3A_25, %add3A_617 : vector<128x512xi32>
    %mul3A_619 = arith.constant 512 : i32
    %mul3A_620 = arith.muli %arg1, %mul3A_619 : i32
    %add3A_621 = vector.broadcast %mul3A_620 : i32 to vector<1x512xi32>
    %add3A_622 = arith.addi %iota3A, %add3A_621 : vector<1x512xi32>
    %eq3A_623 = vector.broadcast %add3A_622 : vector<1x512xi32> to vector<128x512xi32>
    %eq3A_624 = arith.cmpi eq, %add3A_618, %eq3A_623 : vector<128x512xi32>
    %jit3A_625 = arith.constant 0x7F800000 : f32
    %broadcast_in_dim3A_626 = vector.broadcast %jit3A_625 : f32 to vector<128x512xf32>
    %select_n3A_627 = arith.select %eq3A_624, %broadcast_in_dim3A_626, %slice3A_615 : vector<128x512xi1>, vector<128x512xf32>
    %reduce_min3A_628 = arith.constant dense<0x7F800000> : vector<512xf32>
    %reduce_min3A_629 = vector.multi_reduction <minimumf>, %select_n3A_627, %reduce_min3A_628 [0] : vector<128x512xf32> to vector<512xf32>
    %broadcast_in_dim3A_630 = vector.shape_cast %reduce_min3A_629 : vector<512xf32> to vector<1x512xf32>
    %eq3A_631 = vector.broadcast %broadcast_in_dim3A_630 : vector<1x512xf32> to vector<128x512xf32>
    %eq3A_632 = arith.cmpf oeq, %select_n3A_627, %eq3A_631 : vector<128x512xf32>
    %add3A_633 = arith.constant 2816 : i32
    %add3A_634 = vector.broadcast %add3A_633 : i32 to vector<128x512xi32>
    %add3A_635 = arith.addi %iota3A_25, %add3A_634 : vector<128x512xi32>
    %jit3A_636 = arith.constant 4096 : i32
    %broadcast_in_dim3A_637 = vector.broadcast %jit3A_636 : i32 to vector<128x512xi32>
    %select_n3A_638 = arith.select %eq3A_632, %add3A_635, %broadcast_in_dim3A_637 : vector<128x512xi1>, vector<128x512xi32>
    %reduce_min3A_639 = arith.constant dense<2147483647> : vector<512xi32>
    %reduce_min3A_640 = vector.multi_reduction <minsi>, %select_n3A_638, %reduce_min3A_639 [0] : vector<128x512xi32> to vector<512xi32>
    %broadcast_in_dim3A_641 = vector.shape_cast %reduce_min3A_640 : vector<512xi32> to vector<1x512xi32>
    %slice3A_642 = vector.extract_strided_slice %add3A_20 {offsets = [2944, 0], sizes = [128, 512], strides = [1, 1]} : vector<4096x512xf32> to vector<128x512xf32>
    %add3A_643 = arith.constant 2944 : i32
    %add3A_644 = vector.broadcast %add3A_643 : i32 to vector<128x512xi32>
    %add3A_645 = arith.addi %iota3A_25, %add3A_644 : vector<128x512xi32>
    %mul3A_646 = arith.constant 512 : i32
    %mul3A_647 = arith.muli %arg1, %mul3A_646 : i32
    %add3A_648 = vector.broadcast %mul3A_647 : i32 to vector<1x512xi32>
    %add3A_649 = arith.addi %iota3A, %add3A_648 : vector<1x512xi32>
    %eq3A_650 = vector.broadcast %add3A_649 : vector<1x512xi32> to vector<128x512xi32>
    %eq3A_651 = arith.cmpi eq, %add3A_645, %eq3A_650 : vector<128x512xi32>
    %jit3A_652 = arith.constant 0x7F800000 : f32
    %broadcast_in_dim3A_653 = vector.broadcast %jit3A_652 : f32 to vector<128x512xf32>
    %select_n3A_654 = arith.select %eq3A_651, %broadcast_in_dim3A_653, %slice3A_642 : vector<128x512xi1>, vector<128x512xf32>
    %reduce_min3A_655 = arith.constant dense<0x7F800000> : vector<512xf32>
    %reduce_min3A_656 = vector.multi_reduction <minimumf>, %select_n3A_654, %reduce_min3A_655 [0] : vector<128x512xf32> to vector<512xf32>
    %broadcast_in_dim3A_657 = vector.shape_cast %reduce_min3A_656 : vector<512xf32> to vector<1x512xf32>
    %eq3A_658 = vector.broadcast %broadcast_in_dim3A_657 : vector<1x512xf32> to vector<128x512xf32>
    %eq3A_659 = arith.cmpf oeq, %select_n3A_654, %eq3A_658 : vector<128x512xf32>
    %add3A_660 = arith.constant 2944 : i32
    %add3A_661 = vector.broadcast %add3A_660 : i32 to vector<128x512xi32>
    %add3A_662 = arith.addi %iota3A_25, %add3A_661 : vector<128x512xi32>
    %jit3A_663 = arith.constant 4096 : i32
    %broadcast_in_dim3A_664 = vector.broadcast %jit3A_663 : i32 to vector<128x512xi32>
    %select_n3A_665 = arith.select %eq3A_659, %add3A_662, %broadcast_in_dim3A_664 : vector<128x512xi1>, vector<128x512xi32>
    %reduce_min3A_666 = arith.constant dense<2147483647> : vector<512xi32>
    %reduce_min3A_667 = vector.multi_reduction <minsi>, %select_n3A_665, %reduce_min3A_666 [0] : vector<128x512xi32> to vector<512xi32>
    %broadcast_in_dim3A_668 = vector.shape_cast %reduce_min3A_667 : vector<512xi32> to vector<1x512xi32>
    %slice3A_669 = vector.extract_strided_slice %add3A_20 {offsets = [3072, 0], sizes = [128, 512], strides = [1, 1]} : vector<4096x512xf32> to vector<128x512xf32>
    %add3A_670 = arith.constant 3072 : i32
    %add3A_671 = vector.broadcast %add3A_670 : i32 to vector<128x512xi32>
    %add3A_672 = arith.addi %iota3A_25, %add3A_671 : vector<128x512xi32>
    %mul3A_673 = arith.constant 512 : i32
    %mul3A_674 = arith.muli %arg1, %mul3A_673 : i32
    %add3A_675 = vector.broadcast %mul3A_674 : i32 to vector<1x512xi32>
    %add3A_676 = arith.addi %iota3A, %add3A_675 : vector<1x512xi32>
    %eq3A_677 = vector.broadcast %add3A_676 : vector<1x512xi32> to vector<128x512xi32>
    %eq3A_678 = arith.cmpi eq, %add3A_672, %eq3A_677 : vector<128x512xi32>
    %jit3A_679 = arith.constant 0x7F800000 : f32
    %broadcast_in_dim3A_680 = vector.broadcast %jit3A_679 : f32 to vector<128x512xf32>
    %select_n3A_681 = arith.select %eq3A_678, %broadcast_in_dim3A_680, %slice3A_669 : vector<128x512xi1>, vector<128x512xf32>
    %reduce_min3A_682 = arith.constant dense<0x7F800000> : vector<512xf32>
    %reduce_min3A_683 = vector.multi_reduction <minimumf>, %select_n3A_681, %reduce_min3A_682 [0] : vector<128x512xf32> to vector<512xf32>
    %broadcast_in_dim3A_684 = vector.shape_cast %reduce_min3A_683 : vector<512xf32> to vector<1x512xf32>
    %eq3A_685 = vector.broadcast %broadcast_in_dim3A_684 : vector<1x512xf32> to vector<128x512xf32>
    %eq3A_686 = arith.cmpf oeq, %select_n3A_681, %eq3A_685 : vector<128x512xf32>
    %add3A_687 = arith.constant 3072 : i32
    %add3A_688 = vector.broadcast %add3A_687 : i32 to vector<128x512xi32>
    %add3A_689 = arith.addi %iota3A_25, %add3A_688 : vector<128x512xi32>
    %jit3A_690 = arith.constant 4096 : i32
    %broadcast_in_dim3A_691 = vector.broadcast %jit3A_690 : i32 to vector<128x512xi32>
    %select_n3A_692 = arith.select %eq3A_686, %add3A_689, %broadcast_in_dim3A_691 : vector<128x512xi1>, vector<128x512xi32>
    %reduce_min3A_693 = arith.constant dense<2147483647> : vector<512xi32>
    %reduce_min3A_694 = vector.multi_reduction <minsi>, %select_n3A_692, %reduce_min3A_693 [0] : vector<128x512xi32> to vector<512xi32>
    %broadcast_in_dim3A_695 = vector.shape_cast %reduce_min3A_694 : vector<512xi32> to vector<1x512xi32>
    %slice3A_696 = vector.extract_strided_slice %add3A_20 {offsets = [3200, 0], sizes = [128, 512], strides = [1, 1]} : vector<4096x512xf32> to vector<128x512xf32>
    %add3A_697 = arith.constant 3200 : i32
    %add3A_698 = vector.broadcast %add3A_697 : i32 to vector<128x512xi32>
    %add3A_699 = arith.addi %iota3A_25, %add3A_698 : vector<128x512xi32>
    %mul3A_700 = arith.constant 512 : i32
    %mul3A_701 = arith.muli %arg1, %mul3A_700 : i32
    %add3A_702 = vector.broadcast %mul3A_701 : i32 to vector<1x512xi32>
    %add3A_703 = arith.addi %iota3A, %add3A_702 : vector<1x512xi32>
    %eq3A_704 = vector.broadcast %add3A_703 : vector<1x512xi32> to vector<128x512xi32>
    %eq3A_705 = arith.cmpi eq, %add3A_699, %eq3A_704 : vector<128x512xi32>
    %jit3A_706 = arith.constant 0x7F800000 : f32
    %broadcast_in_dim3A_707 = vector.broadcast %jit3A_706 : f32 to vector<128x512xf32>
    %select_n3A_708 = arith.select %eq3A_705, %broadcast_in_dim3A_707, %slice3A_696 : vector<128x512xi1>, vector<128x512xf32>
    %reduce_min3A_709 = arith.constant dense<0x7F800000> : vector<512xf32>
    %reduce_min3A_710 = vector.multi_reduction <minimumf>, %select_n3A_708, %reduce_min3A_709 [0] : vector<128x512xf32> to vector<512xf32>
    %broadcast_in_dim3A_711 = vector.shape_cast %reduce_min3A_710 : vector<512xf32> to vector<1x512xf32>
    %eq3A_712 = vector.broadcast %broadcast_in_dim3A_711 : vector<1x512xf32> to vector<128x512xf32>
    %eq3A_713 = arith.cmpf oeq, %select_n3A_708, %eq3A_712 : vector<128x512xf32>
    %add3A_714 = arith.constant 3200 : i32
    %add3A_715 = vector.broadcast %add3A_714 : i32 to vector<128x512xi32>
    %add3A_716 = arith.addi %iota3A_25, %add3A_715 : vector<128x512xi32>
    %jit3A_717 = arith.constant 4096 : i32
    %broadcast_in_dim3A_718 = vector.broadcast %jit3A_717 : i32 to vector<128x512xi32>
    %select_n3A_719 = arith.select %eq3A_713, %add3A_716, %broadcast_in_dim3A_718 : vector<128x512xi1>, vector<128x512xi32>
    %reduce_min3A_720 = arith.constant dense<2147483647> : vector<512xi32>
    %reduce_min3A_721 = vector.multi_reduction <minsi>, %select_n3A_719, %reduce_min3A_720 [0] : vector<128x512xi32> to vector<512xi32>
    %broadcast_in_dim3A_722 = vector.shape_cast %reduce_min3A_721 : vector<512xi32> to vector<1x512xi32>
    %slice3A_723 = vector.extract_strided_slice %add3A_20 {offsets = [3328, 0], sizes = [128, 512], strides = [1, 1]} : vector<4096x512xf32> to vector<128x512xf32>
    %add3A_724 = arith.constant 3328 : i32
    %add3A_725 = vector.broadcast %add3A_724 : i32 to vector<128x512xi32>
    %add3A_726 = arith.addi %iota3A_25, %add3A_725 : vector<128x512xi32>
    %mul3A_727 = arith.constant 512 : i32
    %mul3A_728 = arith.muli %arg1, %mul3A_727 : i32
    %add3A_729 = vector.broadcast %mul3A_728 : i32 to vector<1x512xi32>
    %add3A_730 = arith.addi %iota3A, %add3A_729 : vector<1x512xi32>
    %eq3A_731 = vector.broadcast %add3A_730 : vector<1x512xi32> to vector<128x512xi32>
    %eq3A_732 = arith.cmpi eq, %add3A_726, %eq3A_731 : vector<128x512xi32>
    %jit3A_733 = arith.constant 0x7F800000 : f32
    %broadcast_in_dim3A_734 = vector.broadcast %jit3A_733 : f32 to vector<128x512xf32>
    %select_n3A_735 = arith.select %eq3A_732, %broadcast_in_dim3A_734, %slice3A_723 : vector<128x512xi1>, vector<128x512xf32>
    %reduce_min3A_736 = arith.constant dense<0x7F800000> : vector<512xf32>
    %reduce_min3A_737 = vector.multi_reduction <minimumf>, %select_n3A_735, %reduce_min3A_736 [0] : vector<128x512xf32> to vector<512xf32>
    %broadcast_in_dim3A_738 = vector.shape_cast %reduce_min3A_737 : vector<512xf32> to vector<1x512xf32>
    %eq3A_739 = vector.broadcast %broadcast_in_dim3A_738 : vector<1x512xf32> to vector<128x512xf32>
    %eq3A_740 = arith.cmpf oeq, %select_n3A_735, %eq3A_739 : vector<128x512xf32>
    %add3A_741 = arith.constant 3328 : i32
    %add3A_742 = vector.broadcast %add3A_741 : i32 to vector<128x512xi32>
    %add3A_743 = arith.addi %iota3A_25, %add3A_742 : vector<128x512xi32>
    %jit3A_744 = arith.constant 4096 : i32
    %broadcast_in_dim3A_745 = vector.broadcast %jit3A_744 : i32 to vector<128x512xi32>
    %select_n3A_746 = arith.select %eq3A_740, %add3A_743, %broadcast_in_dim3A_745 : vector<128x512xi1>, vector<128x512xi32>
    %reduce_min3A_747 = arith.constant dense<2147483647> : vector<512xi32>
    %reduce_min3A_748 = vector.multi_reduction <minsi>, %select_n3A_746, %reduce_min3A_747 [0] : vector<128x512xi32> to vector<512xi32>
    %broadcast_in_dim3A_749 = vector.shape_cast %reduce_min3A_748 : vector<512xi32> to vector<1x512xi32>
    %slice3A_750 = vector.extract_strided_slice %add3A_20 {offsets = [3456, 0], sizes = [128, 512], strides = [1, 1]} : vector<4096x512xf32> to vector<128x512xf32>
    %add3A_751 = arith.constant 3456 : i32
    %add3A_752 = vector.broadcast %add3A_751 : i32 to vector<128x512xi32>
    %add3A_753 = arith.addi %iota3A_25, %add3A_752 : vector<128x512xi32>
    %mul3A_754 = arith.constant 512 : i32
    %mul3A_755 = arith.muli %arg1, %mul3A_754 : i32
    %add3A_756 = vector.broadcast %mul3A_755 : i32 to vector<1x512xi32>
    %add3A_757 = arith.addi %iota3A, %add3A_756 : vector<1x512xi32>
    %eq3A_758 = vector.broadcast %add3A_757 : vector<1x512xi32> to vector<128x512xi32>
    %eq3A_759 = arith.cmpi eq, %add3A_753, %eq3A_758 : vector<128x512xi32>
    %jit3A_760 = arith.constant 0x7F800000 : f32
    %broadcast_in_dim3A_761 = vector.broadcast %jit3A_760 : f32 to vector<128x512xf32>
    %select_n3A_762 = arith.select %eq3A_759, %broadcast_in_dim3A_761, %slice3A_750 : vector<128x512xi1>, vector<128x512xf32>
    %reduce_min3A_763 = arith.constant dense<0x7F800000> : vector<512xf32>
    %reduce_min3A_764 = vector.multi_reduction <minimumf>, %select_n3A_762, %reduce_min3A_763 [0] : vector<128x512xf32> to vector<512xf32>
    %broadcast_in_dim3A_765 = vector.shape_cast %reduce_min3A_764 : vector<512xf32> to vector<1x512xf32>
    %eq3A_766 = vector.broadcast %broadcast_in_dim3A_765 : vector<1x512xf32> to vector<128x512xf32>
    %eq3A_767 = arith.cmpf oeq, %select_n3A_762, %eq3A_766 : vector<128x512xf32>
    %add3A_768 = arith.constant 3456 : i32
    %add3A_769 = vector.broadcast %add3A_768 : i32 to vector<128x512xi32>
    %add3A_770 = arith.addi %iota3A_25, %add3A_769 : vector<128x512xi32>
    %jit3A_771 = arith.constant 4096 : i32
    %broadcast_in_dim3A_772 = vector.broadcast %jit3A_771 : i32 to vector<128x512xi32>
    %select_n3A_773 = arith.select %eq3A_767, %add3A_770, %broadcast_in_dim3A_772 : vector<128x512xi1>, vector<128x512xi32>
    %reduce_min3A_774 = arith.constant dense<2147483647> : vector<512xi32>
    %reduce_min3A_775 = vector.multi_reduction <minsi>, %select_n3A_773, %reduce_min3A_774 [0] : vector<128x512xi32> to vector<512xi32>
    %broadcast_in_dim3A_776 = vector.shape_cast %reduce_min3A_775 : vector<512xi32> to vector<1x512xi32>
    %slice3A_777 = vector.extract_strided_slice %add3A_20 {offsets = [3584, 0], sizes = [128, 512], strides = [1, 1]} : vector<4096x512xf32> to vector<128x512xf32>
    %add3A_778 = arith.constant 3584 : i32
    %add3A_779 = vector.broadcast %add3A_778 : i32 to vector<128x512xi32>
    %add3A_780 = arith.addi %iota3A_25, %add3A_779 : vector<128x512xi32>
    %mul3A_781 = arith.constant 512 : i32
    %mul3A_782 = arith.muli %arg1, %mul3A_781 : i32
    %add3A_783 = vector.broadcast %mul3A_782 : i32 to vector<1x512xi32>
    %add3A_784 = arith.addi %iota3A, %add3A_783 : vector<1x512xi32>
    %eq3A_785 = vector.broadcast %add3A_784 : vector<1x512xi32> to vector<128x512xi32>
    %eq3A_786 = arith.cmpi eq, %add3A_780, %eq3A_785 : vector<128x512xi32>
    %jit3A_787 = arith.constant 0x7F800000 : f32
    %broadcast_in_dim3A_788 = vector.broadcast %jit3A_787 : f32 to vector<128x512xf32>
    %select_n3A_789 = arith.select %eq3A_786, %broadcast_in_dim3A_788, %slice3A_777 : vector<128x512xi1>, vector<128x512xf32>
    %reduce_min3A_790 = arith.constant dense<0x7F800000> : vector<512xf32>
    %reduce_min3A_791 = vector.multi_reduction <minimumf>, %select_n3A_789, %reduce_min3A_790 [0] : vector<128x512xf32> to vector<512xf32>
    %broadcast_in_dim3A_792 = vector.shape_cast %reduce_min3A_791 : vector<512xf32> to vector<1x512xf32>
    %eq3A_793 = vector.broadcast %broadcast_in_dim3A_792 : vector<1x512xf32> to vector<128x512xf32>
    %eq3A_794 = arith.cmpf oeq, %select_n3A_789, %eq3A_793 : vector<128x512xf32>
    %add3A_795 = arith.constant 3584 : i32
    %add3A_796 = vector.broadcast %add3A_795 : i32 to vector<128x512xi32>
    %add3A_797 = arith.addi %iota3A_25, %add3A_796 : vector<128x512xi32>
    %jit3A_798 = arith.constant 4096 : i32
    %broadcast_in_dim3A_799 = vector.broadcast %jit3A_798 : i32 to vector<128x512xi32>
    %select_n3A_800 = arith.select %eq3A_794, %add3A_797, %broadcast_in_dim3A_799 : vector<128x512xi1>, vector<128x512xi32>
    %reduce_min3A_801 = arith.constant dense<2147483647> : vector<512xi32>
    %reduce_min3A_802 = vector.multi_reduction <minsi>, %select_n3A_800, %reduce_min3A_801 [0] : vector<128x512xi32> to vector<512xi32>
    %broadcast_in_dim3A_803 = vector.shape_cast %reduce_min3A_802 : vector<512xi32> to vector<1x512xi32>
    %slice3A_804 = vector.extract_strided_slice %add3A_20 {offsets = [3712, 0], sizes = [128, 512], strides = [1, 1]} : vector<4096x512xf32> to vector<128x512xf32>
    %add3A_805 = arith.constant 3712 : i32
    %add3A_806 = vector.broadcast %add3A_805 : i32 to vector<128x512xi32>
    %add3A_807 = arith.addi %iota3A_25, %add3A_806 : vector<128x512xi32>
    %mul3A_808 = arith.constant 512 : i32
    %mul3A_809 = arith.muli %arg1, %mul3A_808 : i32
    %add3A_810 = vector.broadcast %mul3A_809 : i32 to vector<1x512xi32>
    %add3A_811 = arith.addi %iota3A, %add3A_810 : vector<1x512xi32>
    %eq3A_812 = vector.broadcast %add3A_811 : vector<1x512xi32> to vector<128x512xi32>
    %eq3A_813 = arith.cmpi eq, %add3A_807, %eq3A_812 : vector<128x512xi32>
    %jit3A_814 = arith.constant 0x7F800000 : f32
    %broadcast_in_dim3A_815 = vector.broadcast %jit3A_814 : f32 to vector<128x512xf32>
    %select_n3A_816 = arith.select %eq3A_813, %broadcast_in_dim3A_815, %slice3A_804 : vector<128x512xi1>, vector<128x512xf32>
    %reduce_min3A_817 = arith.constant dense<0x7F800000> : vector<512xf32>
    %reduce_min3A_818 = vector.multi_reduction <minimumf>, %select_n3A_816, %reduce_min3A_817 [0] : vector<128x512xf32> to vector<512xf32>
    %broadcast_in_dim3A_819 = vector.shape_cast %reduce_min3A_818 : vector<512xf32> to vector<1x512xf32>
    %eq3A_820 = vector.broadcast %broadcast_in_dim3A_819 : vector<1x512xf32> to vector<128x512xf32>
    %eq3A_821 = arith.cmpf oeq, %select_n3A_816, %eq3A_820 : vector<128x512xf32>
    %add3A_822 = arith.constant 3712 : i32
    %add3A_823 = vector.broadcast %add3A_822 : i32 to vector<128x512xi32>
    %add3A_824 = arith.addi %iota3A_25, %add3A_823 : vector<128x512xi32>
    %jit3A_825 = arith.constant 4096 : i32
    %broadcast_in_dim3A_826 = vector.broadcast %jit3A_825 : i32 to vector<128x512xi32>
    %select_n3A_827 = arith.select %eq3A_821, %add3A_824, %broadcast_in_dim3A_826 : vector<128x512xi1>, vector<128x512xi32>
    %reduce_min3A_828 = arith.constant dense<2147483647> : vector<512xi32>
    %reduce_min3A_829 = vector.multi_reduction <minsi>, %select_n3A_827, %reduce_min3A_828 [0] : vector<128x512xi32> to vector<512xi32>
    %broadcast_in_dim3A_830 = vector.shape_cast %reduce_min3A_829 : vector<512xi32> to vector<1x512xi32>
    %slice3A_831 = vector.extract_strided_slice %add3A_20 {offsets = [3840, 0], sizes = [128, 512], strides = [1, 1]} : vector<4096x512xf32> to vector<128x512xf32>
    %add3A_832 = arith.constant 3840 : i32
    %add3A_833 = vector.broadcast %add3A_832 : i32 to vector<128x512xi32>
    %add3A_834 = arith.addi %iota3A_25, %add3A_833 : vector<128x512xi32>
    %mul3A_835 = arith.constant 512 : i32
    %mul3A_836 = arith.muli %arg1, %mul3A_835 : i32
    %add3A_837 = vector.broadcast %mul3A_836 : i32 to vector<1x512xi32>
    %add3A_838 = arith.addi %iota3A, %add3A_837 : vector<1x512xi32>
    %eq3A_839 = vector.broadcast %add3A_838 : vector<1x512xi32> to vector<128x512xi32>
    %eq3A_840 = arith.cmpi eq, %add3A_834, %eq3A_839 : vector<128x512xi32>
    %jit3A_841 = arith.constant 0x7F800000 : f32
    %broadcast_in_dim3A_842 = vector.broadcast %jit3A_841 : f32 to vector<128x512xf32>
    %select_n3A_843 = arith.select %eq3A_840, %broadcast_in_dim3A_842, %slice3A_831 : vector<128x512xi1>, vector<128x512xf32>
    %reduce_min3A_844 = arith.constant dense<0x7F800000> : vector<512xf32>
    %reduce_min3A_845 = vector.multi_reduction <minimumf>, %select_n3A_843, %reduce_min3A_844 [0] : vector<128x512xf32> to vector<512xf32>
    %broadcast_in_dim3A_846 = vector.shape_cast %reduce_min3A_845 : vector<512xf32> to vector<1x512xf32>
    %eq3A_847 = vector.broadcast %broadcast_in_dim3A_846 : vector<1x512xf32> to vector<128x512xf32>
    %eq3A_848 = arith.cmpf oeq, %select_n3A_843, %eq3A_847 : vector<128x512xf32>
    %add3A_849 = arith.constant 3840 : i32
    %add3A_850 = vector.broadcast %add3A_849 : i32 to vector<128x512xi32>
    %add3A_851 = arith.addi %iota3A_25, %add3A_850 : vector<128x512xi32>
    %jit3A_852 = arith.constant 4096 : i32
    %broadcast_in_dim3A_853 = vector.broadcast %jit3A_852 : i32 to vector<128x512xi32>
    %select_n3A_854 = arith.select %eq3A_848, %add3A_851, %broadcast_in_dim3A_853 : vector<128x512xi1>, vector<128x512xi32>
    %reduce_min3A_855 = arith.constant dense<2147483647> : vector<512xi32>
    %reduce_min3A_856 = vector.multi_reduction <minsi>, %select_n3A_854, %reduce_min3A_855 [0] : vector<128x512xi32> to vector<512xi32>
    %broadcast_in_dim3A_857 = vector.shape_cast %reduce_min3A_856 : vector<512xi32> to vector<1x512xi32>
    %slice3A_858 = vector.extract_strided_slice %add3A_20 {offsets = [3968, 0], sizes = [128, 512], strides = [1, 1]} : vector<4096x512xf32> to vector<128x512xf32>
    %add3A_859 = arith.constant 3968 : i32
    %add3A_860 = vector.broadcast %add3A_859 : i32 to vector<128x512xi32>
    %add3A_861 = arith.addi %iota3A_25, %add3A_860 : vector<128x512xi32>
    %mul3A_862 = arith.constant 512 : i32
    %mul3A_863 = arith.muli %arg1, %mul3A_862 : i32
    %add3A_864 = vector.broadcast %mul3A_863 : i32 to vector<1x512xi32>
    %add3A_865 = arith.addi %iota3A, %add3A_864 : vector<1x512xi32>
    %eq3A_866 = vector.broadcast %add3A_865 : vector<1x512xi32> to vector<128x512xi32>
    %eq3A_867 = arith.cmpi eq, %add3A_861, %eq3A_866 : vector<128x512xi32>
    %jit3A_868 = arith.constant 0x7F800000 : f32
    %broadcast_in_dim3A_869 = vector.broadcast %jit3A_868 : f32 to vector<128x512xf32>
    %select_n3A_870 = arith.select %eq3A_867, %broadcast_in_dim3A_869, %slice3A_858 : vector<128x512xi1>, vector<128x512xf32>
    %reduce_min3A_871 = arith.constant dense<0x7F800000> : vector<512xf32>
    %reduce_min3A_872 = vector.multi_reduction <minimumf>, %select_n3A_870, %reduce_min3A_871 [0] : vector<128x512xf32> to vector<512xf32>
    %broadcast_in_dim3A_873 = vector.shape_cast %reduce_min3A_872 : vector<512xf32> to vector<1x512xf32>
    %eq3A_874 = vector.broadcast %broadcast_in_dim3A_873 : vector<1x512xf32> to vector<128x512xf32>
    %eq3A_875 = arith.cmpf oeq, %select_n3A_870, %eq3A_874 : vector<128x512xf32>
    %add3A_876 = arith.constant 3968 : i32
    %add3A_877 = vector.broadcast %add3A_876 : i32 to vector<128x512xi32>
    %add3A_878 = arith.addi %iota3A_25, %add3A_877 : vector<128x512xi32>
    %jit3A_879 = arith.constant 4096 : i32
    %broadcast_in_dim3A_880 = vector.broadcast %jit3A_879 : i32 to vector<128x512xi32>
    %select_n3A_881 = arith.select %eq3A_875, %add3A_878, %broadcast_in_dim3A_880 : vector<128x512xi1>, vector<128x512xi32>
    %reduce_min3A_882 = arith.constant dense<2147483647> : vector<512xi32>
    %reduce_min3A_883 = vector.multi_reduction <minsi>, %select_n3A_881, %reduce_min3A_882 [0] : vector<128x512xi32> to vector<512xi32>
    %broadcast_in_dim3A_884 = vector.shape_cast %reduce_min3A_883 : vector<512xi32> to vector<1x512xi32>
    %concatenate3A = tpu.concatenate %broadcast_in_dim3A_36, %broadcast_in_dim3A_63, %broadcast_in_dim3A_90, %broadcast_in_dim3A_117, %broadcast_in_dim3A_144, %broadcast_in_dim3A_171, %broadcast_in_dim3A_198, %broadcast_in_dim3A_225, %broadcast_in_dim3A_252, %broadcast_in_dim3A_279, %broadcast_in_dim3A_306, %broadcast_in_dim3A_333, %broadcast_in_dim3A_360, %broadcast_in_dim3A_387, %broadcast_in_dim3A_414, %broadcast_in_dim3A_441, %broadcast_in_dim3A_468, %broadcast_in_dim3A_495, %broadcast_in_dim3A_522, %broadcast_in_dim3A_549, %broadcast_in_dim3A_576, %broadcast_in_dim3A_603, %broadcast_in_dim3A_630, %broadcast_in_dim3A_657, %broadcast_in_dim3A_684, %broadcast_in_dim3A_711, %broadcast_in_dim3A_738, %broadcast_in_dim3A_765, %broadcast_in_dim3A_792, %broadcast_in_dim3A_819, %broadcast_in_dim3A_846, %broadcast_in_dim3A_873 in 0 : vector<1x512xf32>, vector<1x512xf32>, vector<1x512xf32>, vector<1x512xf32>, vector<1x512xf32>, vector<1x512xf32>, vector<1x512xf32>, vector<1x512xf32>, vector<1x512xf32>, vector<1x512xf32>, vector<1x512xf32>, vector<1x512xf32>, vector<1x512xf32>, vector<1x512xf32>, vector<1x512xf32>, vector<1x512xf32>, vector<1x512xf32>, vector<1x512xf32>, vector<1x512xf32>, vector<1x512xf32>, vector<1x512xf32>, vector<1x512xf32>, vector<1x512xf32>, vector<1x512xf32>, vector<1x512xf32>, vector<1x512xf32>, vector<1x512xf32>, vector<1x512xf32>, vector<1x512xf32>, vector<1x512xf32>, vector<1x512xf32>, vector<1x512xf32> -> vector<32x512xf32>
    %concatenate3A_885 = tpu.concatenate %broadcast_in_dim3A_47, %broadcast_in_dim3A_74, %broadcast_in_dim3A_101, %broadcast_in_dim3A_128, %broadcast_in_dim3A_155, %broadcast_in_dim3A_182, %broadcast_in_dim3A_209, %broadcast_in_dim3A_236, %broadcast_in_dim3A_263, %broadcast_in_dim3A_290, %broadcast_in_dim3A_317, %broadcast_in_dim3A_344, %broadcast_in_dim3A_371, %broadcast_in_dim3A_398, %broadcast_in_dim3A_425, %broadcast_in_dim3A_452, %broadcast_in_dim3A_479, %broadcast_in_dim3A_506, %broadcast_in_dim3A_533, %broadcast_in_dim3A_560, %broadcast_in_dim3A_587, %broadcast_in_dim3A_614, %broadcast_in_dim3A_641, %broadcast_in_dim3A_668, %broadcast_in_dim3A_695, %broadcast_in_dim3A_722, %broadcast_in_dim3A_749, %broadcast_in_dim3A_776, %broadcast_in_dim3A_803, %broadcast_in_dim3A_830, %broadcast_in_dim3A_857, %broadcast_in_dim3A_884 in 0 : vector<1x512xi32>, vector<1x512xi32>, vector<1x512xi32>, vector<1x512xi32>, vector<1x512xi32>, vector<1x512xi32>, vector<1x512xi32>, vector<1x512xi32>, vector<1x512xi32>, vector<1x512xi32>, vector<1x512xi32>, vector<1x512xi32>, vector<1x512xi32>, vector<1x512xi32>, vector<1x512xi32>, vector<1x512xi32>, vector<1x512xi32>, vector<1x512xi32>, vector<1x512xi32>, vector<1x512xi32>, vector<1x512xi32>, vector<1x512xi32>, vector<1x512xi32>, vector<1x512xi32>, vector<1x512xi32>, vector<1x512xi32>, vector<1x512xi32>, vector<1x512xi32>, vector<1x512xi32>, vector<1x512xi32>, vector<1x512xi32>, vector<1x512xi32> -> vector<32x512xi32>
    %scan3A = arith.constant 0 : i32
    %scan3A_886 = arith.constant 16 : i32
    %scan3A_887 = arith.addi %scan3A, %scan3A_886 : i32
    %scan3A_888 = arith.constant 1 : i32
    %scan3A_889:3 = scf.for %scan3A_900 = %scan3A to %scan3A_887 step %scan3A_888 iter_args(%scan3A_901 = %concatenate3A, %scan3A_902 = %concatenate3A_885, %scan3A_903 = %broadcast_in_dim3A_23) -> (vector<32x512xf32>, vector<32x512xi32>, vector<16x512xi32>)  : i32 {
      %reduce_min3A_904 = arith.constant dense<0x7F800000> : vector<512xf32>
      %reduce_min3A_905 = vector.multi_reduction <minimumf>, %scan3A_901, %reduce_min3A_904 [0] : vector<32x512xf32> to vector<512xf32>
      %broadcast_in_dim3A_906 = vector.shape_cast %reduce_min3A_905 : vector<512xf32> to vector<1x512xf32>
      %eq3A_907 = vector.broadcast %broadcast_in_dim3A_906 : vector<1x512xf32> to vector<32x512xf32>
      %eq3A_908 = arith.cmpf oeq, %scan3A_901, %eq3A_907 : vector<32x512xf32>
      %jit3A_909 = arith.constant 4096 : i32
      %broadcast_in_dim3A_910 = vector.broadcast %jit3A_909 : i32 to vector<32x512xi32>
      %select_n3A_911 = arith.select %eq3A_908, %scan3A_902, %broadcast_in_dim3A_910 : vector<32x512xi1>, vector<32x512xi32>
      %reduce_min3A_912 = arith.constant dense<2147483647> : vector<512xi32>
      %reduce_min3A_913 = vector.multi_reduction <minsi>, %select_n3A_911, %reduce_min3A_912 [0] : vector<32x512xi32> to vector<512xi32>
      %broadcast_in_dim3A_914 = vector.shape_cast %reduce_min3A_913 : vector<512xi32> to vector<1x512xi32>
      %eq3A_915 = vector.broadcast %scan3A_900 : i32 to vector<16x512xi32>
      %eq3A_916 = arith.cmpi eq, %iota3A_21, %eq3A_915 : vector<16x512xi32>
      %broadcast_in_dim3A_917 = vector.shape_cast %broadcast_in_dim3A_914 : vector<1x512xi32> to vector<1x512xi32>
      %broadcast_in_dim3A_918 = vector.broadcast %broadcast_in_dim3A_917 : vector<1x512xi32> to vector<16x512xi32>
      %select_n3A_919 = arith.select %eq3A_916, %broadcast_in_dim3A_918, %scan3A_903 : vector<16x512xi1>, vector<16x512xi32>
      %shift_right_logical3A = arith.constant 7 : i32
      %shift_right_logical3A_920 = vector.broadcast %shift_right_logical3A : i32 to vector<1x512xi32>
      %shift_right_logical3A_921 = arith.shrui %broadcast_in_dim3A_914, %shift_right_logical3A_920 : vector<1x512xi32>
      %slice3A_922 = vector.extract_strided_slice %add3A_20 {offsets = [0, 0], sizes = [128, 512], strides = [1, 1]} : vector<4096x512xf32> to vector<128x512xf32>
      %slice3A_923 = vector.extract_strided_slice %add3A_20 {offsets = [128, 0], sizes = [128, 512], strides = [1, 1]} : vector<4096x512xf32> to vector<128x512xf32>
      %slice3A_924 = vector.extract_strided_slice %add3A_20 {offsets = [256, 0], sizes = [128, 512], strides = [1, 1]} : vector<4096x512xf32> to vector<128x512xf32>
      %slice3A_925 = vector.extract_strided_slice %add3A_20 {offsets = [384, 0], sizes = [128, 512], strides = [1, 1]} : vector<4096x512xf32> to vector<128x512xf32>
      %slice3A_926 = vector.extract_strided_slice %add3A_20 {offsets = [512, 0], sizes = [128, 512], strides = [1, 1]} : vector<4096x512xf32> to vector<128x512xf32>
      %slice3A_927 = vector.extract_strided_slice %add3A_20 {offsets = [640, 0], sizes = [128, 512], strides = [1, 1]} : vector<4096x512xf32> to vector<128x512xf32>
      %slice3A_928 = vector.extract_strided_slice %add3A_20 {offsets = [768, 0], sizes = [128, 512], strides = [1, 1]} : vector<4096x512xf32> to vector<128x512xf32>
      %slice3A_929 = vector.extract_strided_slice %add3A_20 {offsets = [896, 0], sizes = [128, 512], strides = [1, 1]} : vector<4096x512xf32> to vector<128x512xf32>
      %slice3A_930 = vector.extract_strided_slice %add3A_20 {offsets = [1024, 0], sizes = [128, 512], strides = [1, 1]} : vector<4096x512xf32> to vector<128x512xf32>
      %slice3A_931 = vector.extract_strided_slice %add3A_20 {offsets = [1152, 0], sizes = [128, 512], strides = [1, 1]} : vector<4096x512xf32> to vector<128x512xf32>
      %slice3A_932 = vector.extract_strided_slice %add3A_20 {offsets = [1280, 0], sizes = [128, 512], strides = [1, 1]} : vector<4096x512xf32> to vector<128x512xf32>
      %slice3A_933 = vector.extract_strided_slice %add3A_20 {offsets = [1408, 0], sizes = [128, 512], strides = [1, 1]} : vector<4096x512xf32> to vector<128x512xf32>
      %slice3A_934 = vector.extract_strided_slice %add3A_20 {offsets = [1536, 0], sizes = [128, 512], strides = [1, 1]} : vector<4096x512xf32> to vector<128x512xf32>
      %slice3A_935 = vector.extract_strided_slice %add3A_20 {offsets = [1664, 0], sizes = [128, 512], strides = [1, 1]} : vector<4096x512xf32> to vector<128x512xf32>
      %slice3A_936 = vector.extract_strided_slice %add3A_20 {offsets = [1792, 0], sizes = [128, 512], strides = [1, 1]} : vector<4096x512xf32> to vector<128x512xf32>
      %slice3A_937 = vector.extract_strided_slice %add3A_20 {offsets = [1920, 0], sizes = [128, 512], strides = [1, 1]} : vector<4096x512xf32> to vector<128x512xf32>
      %slice3A_938 = vector.extract_strided_slice %add3A_20 {offsets = [2048, 0], sizes = [128, 512], strides = [1, 1]} : vector<4096x512xf32> to vector<128x512xf32>
      %slice3A_939 = vector.extract_strided_slice %add3A_20 {offsets = [2176, 0], sizes = [128, 512], strides = [1, 1]} : vector<4096x512xf32> to vector<128x512xf32>
      %slice3A_940 = vector.extract_strided_slice %add3A_20 {offsets = [2304, 0], sizes = [128, 512], strides = [1, 1]} : vector<4096x512xf32> to vector<128x512xf32>
      %slice3A_941 = vector.extract_strided_slice %add3A_20 {offsets = [2432, 0], sizes = [128, 512], strides = [1, 1]} : vector<4096x512xf32> to vector<128x512xf32>
      %slice3A_942 = vector.extract_strided_slice %add3A_20 {offsets = [2560, 0], sizes = [128, 512], strides = [1, 1]} : vector<4096x512xf32> to vector<128x512xf32>
      %slice3A_943 = vector.extract_strided_slice %add3A_20 {offsets = [2688, 0], sizes = [128, 512], strides = [1, 1]} : vector<4096x512xf32> to vector<128x512xf32>
      %slice3A_944 = vector.extract_strided_slice %add3A_20 {offsets = [2816, 0], sizes = [128, 512], strides = [1, 1]} : vector<4096x512xf32> to vector<128x512xf32>
      %slice3A_945 = vector.extract_strided_slice %add3A_20 {offsets = [2944, 0], sizes = [128, 512], strides = [1, 1]} : vector<4096x512xf32> to vector<128x512xf32>
      %slice3A_946 = vector.extract_strided_slice %add3A_20 {offsets = [3072, 0], sizes = [128, 512], strides = [1, 1]} : vector<4096x512xf32> to vector<128x512xf32>
      %slice3A_947 = vector.extract_strided_slice %add3A_20 {offsets = [3200, 0], sizes = [128, 512], strides = [1, 1]} : vector<4096x512xf32> to vector<128x512xf32>
      %slice3A_948 = vector.extract_strided_slice %add3A_20 {offsets = [3328, 0], sizes = [128, 512], strides = [1, 1]} : vector<4096x512xf32> to vector<128x512xf32>
      %slice3A_949 = vector.extract_strided_slice %add3A_20 {offsets = [3456, 0], sizes = [128, 512], strides = [1, 1]} : vector<4096x512xf32> to vector<128x512xf32>
      %slice3A_950 = vector.extract_strided_slice %add3A_20 {offsets = [3584, 0], sizes = [128, 512], strides = [1, 1]} : vector<4096x512xf32> to vector<128x512xf32>
      %slice3A_951 = vector.extract_strided_slice %add3A_20 {offsets = [3712, 0], sizes = [128, 512], strides = [1, 1]} : vector<4096x512xf32> to vector<128x512xf32>
      %slice3A_952 = vector.extract_strided_slice %add3A_20 {offsets = [3840, 0], sizes = [128, 512], strides = [1, 1]} : vector<4096x512xf32> to vector<128x512xf32>
      %slice3A_953 = vector.extract_strided_slice %add3A_20 {offsets = [3968, 0], sizes = [128, 512], strides = [1, 1]} : vector<4096x512xf32> to vector<128x512xf32>
      %shift_right_logical3A_954 = arith.constant 0 : i32
      %shift_right_logical3A_955 = vector.broadcast %shift_right_logical3A_954 : i32 to vector<1x512xi32>
      %shift_right_logical3A_956 = arith.shrui %shift_right_logical3A_921, %shift_right_logical3A_955 : vector<1x512xi32>
      %and3A = arith.constant 1 : i32
      %and3A_957 = vector.broadcast %and3A : i32 to vector<1x512xi32>
      %and3A_958 = arith.andi %shift_right_logical3A_956, %and3A_957 : vector<1x512xi32>
      %eq3A_959 = arith.constant 1 : i32
      %eq3A_960 = vector.broadcast %eq3A_959 : i32 to vector<1x512xi32>
      %eq3A_961 = arith.cmpi eq, %and3A_958, %eq3A_960 : vector<1x512xi32>
      %broadcast_in_dim3A_962 = vector.shape_cast %eq3A_961 : vector<1x512xi1> to vector<1x512xi1>
      %broadcast_in_dim3A_963 = vector.broadcast %broadcast_in_dim3A_962 : vector<1x512xi1> to vector<128x512xi1>
      %select_n3A_964 = arith.select %broadcast_in_dim3A_963, %slice3A_923, %slice3A_922 : vector<128x512xi1>, vector<128x512xf32>
      %eq3A_965 = arith.constant 1 : i32
      %eq3A_966 = vector.broadcast %eq3A_965 : i32 to vector<1x512xi32>
      %eq3A_967 = arith.cmpi eq, %and3A_958, %eq3A_966 : vector<1x512xi32>
      %broadcast_in_dim3A_968 = vector.shape_cast %eq3A_967 : vector<1x512xi1> to vector<1x512xi1>
      %broadcast_in_dim3A_969 = vector.broadcast %broadcast_in_dim3A_968 : vector<1x512xi1> to vector<128x512xi1>
      %select_n3A_970 = arith.select %broadcast_in_dim3A_969, %slice3A_925, %slice3A_924 : vector<128x512xi1>, vector<128x512xf32>
      %eq3A_971 = arith.constant 1 : i32
      %eq3A_972 = vector.broadcast %eq3A_971 : i32 to vector<1x512xi32>
      %eq3A_973 = arith.cmpi eq, %and3A_958, %eq3A_972 : vector<1x512xi32>
      %broadcast_in_dim3A_974 = vector.shape_cast %eq3A_973 : vector<1x512xi1> to vector<1x512xi1>
      %broadcast_in_dim3A_975 = vector.broadcast %broadcast_in_dim3A_974 : vector<1x512xi1> to vector<128x512xi1>
      %select_n3A_976 = arith.select %broadcast_in_dim3A_975, %slice3A_927, %slice3A_926 : vector<128x512xi1>, vector<128x512xf32>
      %eq3A_977 = arith.constant 1 : i32
      %eq3A_978 = vector.broadcast %eq3A_977 : i32 to vector<1x512xi32>
      %eq3A_979 = arith.cmpi eq, %and3A_958, %eq3A_978 : vector<1x512xi32>
      %broadcast_in_dim3A_980 = vector.shape_cast %eq3A_979 : vector<1x512xi1> to vector<1x512xi1>
      %broadcast_in_dim3A_981 = vector.broadcast %broadcast_in_dim3A_980 : vector<1x512xi1> to vector<128x512xi1>
      %select_n3A_982 = arith.select %broadcast_in_dim3A_981, %slice3A_929, %slice3A_928 : vector<128x512xi1>, vector<128x512xf32>
      %eq3A_983 = arith.constant 1 : i32
      %eq3A_984 = vector.broadcast %eq3A_983 : i32 to vector<1x512xi32>
      %eq3A_985 = arith.cmpi eq, %and3A_958, %eq3A_984 : vector<1x512xi32>
      %broadcast_in_dim3A_986 = vector.shape_cast %eq3A_985 : vector<1x512xi1> to vector<1x512xi1>
      %broadcast_in_dim3A_987 = vector.broadcast %broadcast_in_dim3A_986 : vector<1x512xi1> to vector<128x512xi1>
      %select_n3A_988 = arith.select %broadcast_in_dim3A_987, %slice3A_931, %slice3A_930 : vector<128x512xi1>, vector<128x512xf32>
      %eq3A_989 = arith.constant 1 : i32
      %eq3A_990 = vector.broadcast %eq3A_989 : i32 to vector<1x512xi32>
      %eq3A_991 = arith.cmpi eq, %and3A_958, %eq3A_990 : vector<1x512xi32>
      %broadcast_in_dim3A_992 = vector.shape_cast %eq3A_991 : vector<1x512xi1> to vector<1x512xi1>
      %broadcast_in_dim3A_993 = vector.broadcast %broadcast_in_dim3A_992 : vector<1x512xi1> to vector<128x512xi1>
      %select_n3A_994 = arith.select %broadcast_in_dim3A_993, %slice3A_933, %slice3A_932 : vector<128x512xi1>, vector<128x512xf32>
      %eq3A_995 = arith.constant 1 : i32
      %eq3A_996 = vector.broadcast %eq3A_995 : i32 to vector<1x512xi32>
      %eq3A_997 = arith.cmpi eq, %and3A_958, %eq3A_996 : vector<1x512xi32>
      %broadcast_in_dim3A_998 = vector.shape_cast %eq3A_997 : vector<1x512xi1> to vector<1x512xi1>
      %broadcast_in_dim3A_999 = vector.broadcast %broadcast_in_dim3A_998 : vector<1x512xi1> to vector<128x512xi1>
      %select_n3A_1000 = arith.select %broadcast_in_dim3A_999, %slice3A_935, %slice3A_934 : vector<128x512xi1>, vector<128x512xf32>
      %eq3A_1001 = arith.constant 1 : i32
      %eq3A_1002 = vector.broadcast %eq3A_1001 : i32 to vector<1x512xi32>
      %eq3A_1003 = arith.cmpi eq, %and3A_958, %eq3A_1002 : vector<1x512xi32>
      %broadcast_in_dim3A_1004 = vector.shape_cast %eq3A_1003 : vector<1x512xi1> to vector<1x512xi1>
      %broadcast_in_dim3A_1005 = vector.broadcast %broadcast_in_dim3A_1004 : vector<1x512xi1> to vector<128x512xi1>
      %select_n3A_1006 = arith.select %broadcast_in_dim3A_1005, %slice3A_937, %slice3A_936 : vector<128x512xi1>, vector<128x512xf32>
      %eq3A_1007 = arith.constant 1 : i32
      %eq3A_1008 = vector.broadcast %eq3A_1007 : i32 to vector<1x512xi32>
      %eq3A_1009 = arith.cmpi eq, %and3A_958, %eq3A_1008 : vector<1x512xi32>
      %broadcast_in_dim3A_1010 = vector.shape_cast %eq3A_1009 : vector<1x512xi1> to vector<1x512xi1>
      %broadcast_in_dim3A_1011 = vector.broadcast %broadcast_in_dim3A_1010 : vector<1x512xi1> to vector<128x512xi1>
      %select_n3A_1012 = arith.select %broadcast_in_dim3A_1011, %slice3A_939, %slice3A_938 : vector<128x512xi1>, vector<128x512xf32>
      %eq3A_1013 = arith.constant 1 : i32
      %eq3A_1014 = vector.broadcast %eq3A_1013 : i32 to vector<1x512xi32>
      %eq3A_1015 = arith.cmpi eq, %and3A_958, %eq3A_1014 : vector<1x512xi32>
      %broadcast_in_dim3A_1016 = vector.shape_cast %eq3A_1015 : vector<1x512xi1> to vector<1x512xi1>
      %broadcast_in_dim3A_1017 = vector.broadcast %broadcast_in_dim3A_1016 : vector<1x512xi1> to vector<128x512xi1>
      %select_n3A_1018 = arith.select %broadcast_in_dim3A_1017, %slice3A_941, %slice3A_940 : vector<128x512xi1>, vector<128x512xf32>
      %eq3A_1019 = arith.constant 1 : i32
      %eq3A_1020 = vector.broadcast %eq3A_1019 : i32 to vector<1x512xi32>
      %eq3A_1021 = arith.cmpi eq, %and3A_958, %eq3A_1020 : vector<1x512xi32>
      %broadcast_in_dim3A_1022 = vector.shape_cast %eq3A_1021 : vector<1x512xi1> to vector<1x512xi1>
      %broadcast_in_dim3A_1023 = vector.broadcast %broadcast_in_dim3A_1022 : vector<1x512xi1> to vector<128x512xi1>
      %select_n3A_1024 = arith.select %broadcast_in_dim3A_1023, %slice3A_943, %slice3A_942 : vector<128x512xi1>, vector<128x512xf32>
      %eq3A_1025 = arith.constant 1 : i32
      %eq3A_1026 = vector.broadcast %eq3A_1025 : i32 to vector<1x512xi32>
      %eq3A_1027 = arith.cmpi eq, %and3A_958, %eq3A_1026 : vector<1x512xi32>
      %broadcast_in_dim3A_1028 = vector.shape_cast %eq3A_1027 : vector<1x512xi1> to vector<1x512xi1>
      %broadcast_in_dim3A_1029 = vector.broadcast %broadcast_in_dim3A_1028 : vector<1x512xi1> to vector<128x512xi1>
      %select_n3A_1030 = arith.select %broadcast_in_dim3A_1029, %slice3A_945, %slice3A_944 : vector<128x512xi1>, vector<128x512xf32>
      %eq3A_1031 = arith.constant 1 : i32
      %eq3A_1032 = vector.broadcast %eq3A_1031 : i32 to vector<1x512xi32>
      %eq3A_1033 = arith.cmpi eq, %and3A_958, %eq3A_1032 : vector<1x512xi32>
      %broadcast_in_dim3A_1034 = vector.shape_cast %eq3A_1033 : vector<1x512xi1> to vector<1x512xi1>
      %broadcast_in_dim3A_1035 = vector.broadcast %broadcast_in_dim3A_1034 : vector<1x512xi1> to vector<128x512xi1>
      %select_n3A_1036 = arith.select %broadcast_in_dim3A_1035, %slice3A_947, %slice3A_946 : vector<128x512xi1>, vector<128x512xf32>
      %eq3A_1037 = arith.constant 1 : i32
      %eq3A_1038 = vector.broadcast %eq3A_1037 : i32 to vector<1x512xi32>
      %eq3A_1039 = arith.cmpi eq, %and3A_958, %eq3A_1038 : vector<1x512xi32>
      %broadcast_in_dim3A_1040 = vector.shape_cast %eq3A_1039 : vector<1x512xi1> to vector<1x512xi1>
      %broadcast_in_dim3A_1041 = vector.broadcast %broadcast_in_dim3A_1040 : vector<1x512xi1> to vector<128x512xi1>
      %select_n3A_1042 = arith.select %broadcast_in_dim3A_1041, %slice3A_949, %slice3A_948 : vector<128x512xi1>, vector<128x512xf32>
      %eq3A_1043 = arith.constant 1 : i32
      %eq3A_1044 = vector.broadcast %eq3A_1043 : i32 to vector<1x512xi32>
      %eq3A_1045 = arith.cmpi eq, %and3A_958, %eq3A_1044 : vector<1x512xi32>
      %broadcast_in_dim3A_1046 = vector.shape_cast %eq3A_1045 : vector<1x512xi1> to vector<1x512xi1>
      %broadcast_in_dim3A_1047 = vector.broadcast %broadcast_in_dim3A_1046 : vector<1x512xi1> to vector<128x512xi1>
      %select_n3A_1048 = arith.select %broadcast_in_dim3A_1047, %slice3A_951, %slice3A_950 : vector<128x512xi1>, vector<128x512xf32>
      %eq3A_1049 = arith.constant 1 : i32
      %eq3A_1050 = vector.broadcast %eq3A_1049 : i32 to vector<1x512xi32>
      %eq3A_1051 = arith.cmpi eq, %and3A_958, %eq3A_1050 : vector<1x512xi32>
      %broadcast_in_dim3A_1052 = vector.shape_cast %eq3A_1051 : vector<1x512xi1> to vector<1x512xi1>
      %broadcast_in_dim3A_1053 = vector.broadcast %broadcast_in_dim3A_1052 : vector<1x512xi1> to vector<128x512xi1>
      %select_n3A_1054 = arith.select %broadcast_in_dim3A_1053, %slice3A_953, %slice3A_952 : vector<128x512xi1>, vector<128x512xf32>
      %shift_right_logical3A_1055 = arith.constant 1 : i32
      %shift_right_logical3A_1056 = vector.broadcast %shift_right_logical3A_1055 : i32 to vector<1x512xi32>
      %shift_right_logical3A_1057 = arith.shrui %shift_right_logical3A_921, %shift_right_logical3A_1056 : vector<1x512xi32>
      %and3A_1058 = arith.constant 1 : i32
      %and3A_1059 = vector.broadcast %and3A_1058 : i32 to vector<1x512xi32>
      %and3A_1060 = arith.andi %shift_right_logical3A_1057, %and3A_1059 : vector<1x512xi32>
      %eq3A_1061 = arith.constant 1 : i32
      %eq3A_1062 = vector.broadcast %eq3A_1061 : i32 to vector<1x512xi32>
      %eq3A_1063 = arith.cmpi eq, %and3A_1060, %eq3A_1062 : vector<1x512xi32>
      %broadcast_in_dim3A_1064 = vector.shape_cast %eq3A_1063 : vector<1x512xi1> to vector<1x512xi1>
      %broadcast_in_dim3A_1065 = vector.broadcast %broadcast_in_dim3A_1064 : vector<1x512xi1> to vector<128x512xi1>
      %select_n3A_1066 = arith.select %broadcast_in_dim3A_1065, %select_n3A_970, %select_n3A_964 : vector<128x512xi1>, vector<128x512xf32>
      %eq3A_1067 = arith.constant 1 : i32
      %eq3A_1068 = vector.broadcast %eq3A_1067 : i32 to vector<1x512xi32>
      %eq3A_1069 = arith.cmpi eq, %and3A_1060, %eq3A_1068 : vector<1x512xi32>
      %broadcast_in_dim3A_1070 = vector.shape_cast %eq3A_1069 : vector<1x512xi1> to vector<1x512xi1>
      %broadcast_in_dim3A_1071 = vector.broadcast %broadcast_in_dim3A_1070 : vector<1x512xi1> to vector<128x512xi1>
      %select_n3A_1072 = arith.select %broadcast_in_dim3A_1071, %select_n3A_982, %select_n3A_976 : vector<128x512xi1>, vector<128x512xf32>
      %eq3A_1073 = arith.constant 1 : i32
      %eq3A_1074 = vector.broadcast %eq3A_1073 : i32 to vector<1x512xi32>
      %eq3A_1075 = arith.cmpi eq, %and3A_1060, %eq3A_1074 : vector<1x512xi32>
      %broadcast_in_dim3A_1076 = vector.shape_cast %eq3A_1075 : vector<1x512xi1> to vector<1x512xi1>
      %broadcast_in_dim3A_1077 = vector.broadcast %broadcast_in_dim3A_1076 : vector<1x512xi1> to vector<128x512xi1>
      %select_n3A_1078 = arith.select %broadcast_in_dim3A_1077, %select_n3A_994, %select_n3A_988 : vector<128x512xi1>, vector<128x512xf32>
      %eq3A_1079 = arith.constant 1 : i32
      %eq3A_1080 = vector.broadcast %eq3A_1079 : i32 to vector<1x512xi32>
      %eq3A_1081 = arith.cmpi eq, %and3A_1060, %eq3A_1080 : vector<1x512xi32>
      %broadcast_in_dim3A_1082 = vector.shape_cast %eq3A_1081 : vector<1x512xi1> to vector<1x512xi1>
      %broadcast_in_dim3A_1083 = vector.broadcast %broadcast_in_dim3A_1082 : vector<1x512xi1> to vector<128x512xi1>
      %select_n3A_1084 = arith.select %broadcast_in_dim3A_1083, %select_n3A_1006, %select_n3A_1000 : vector<128x512xi1>, vector<128x512xf32>
      %eq3A_1085 = arith.constant 1 : i32
      %eq3A_1086 = vector.broadcast %eq3A_1085 : i32 to vector<1x512xi32>
      %eq3A_1087 = arith.cmpi eq, %and3A_1060, %eq3A_1086 : vector<1x512xi32>
      %broadcast_in_dim3A_1088 = vector.shape_cast %eq3A_1087 : vector<1x512xi1> to vector<1x512xi1>
      %broadcast_in_dim3A_1089 = vector.broadcast %broadcast_in_dim3A_1088 : vector<1x512xi1> to vector<128x512xi1>
      %select_n3A_1090 = arith.select %broadcast_in_dim3A_1089, %select_n3A_1018, %select_n3A_1012 : vector<128x512xi1>, vector<128x512xf32>
      %eq3A_1091 = arith.constant 1 : i32
      %eq3A_1092 = vector.broadcast %eq3A_1091 : i32 to vector<1x512xi32>
      %eq3A_1093 = arith.cmpi eq, %and3A_1060, %eq3A_1092 : vector<1x512xi32>
      %broadcast_in_dim3A_1094 = vector.shape_cast %eq3A_1093 : vector<1x512xi1> to vector<1x512xi1>
      %broadcast_in_dim3A_1095 = vector.broadcast %broadcast_in_dim3A_1094 : vector<1x512xi1> to vector<128x512xi1>
      %select_n3A_1096 = arith.select %broadcast_in_dim3A_1095, %select_n3A_1030, %select_n3A_1024 : vector<128x512xi1>, vector<128x512xf32>
      %eq3A_1097 = arith.constant 1 : i32
      %eq3A_1098 = vector.broadcast %eq3A_1097 : i32 to vector<1x512xi32>
      %eq3A_1099 = arith.cmpi eq, %and3A_1060, %eq3A_1098 : vector<1x512xi32>
      %broadcast_in_dim3A_1100 = vector.shape_cast %eq3A_1099 : vector<1x512xi1> to vector<1x512xi1>
      %broadcast_in_dim3A_1101 = vector.broadcast %broadcast_in_dim3A_1100 : vector<1x512xi1> to vector<128x512xi1>
      %select_n3A_1102 = arith.select %broadcast_in_dim3A_1101, %select_n3A_1042, %select_n3A_1036 : vector<128x512xi1>, vector<128x512xf32>
      %eq3A_1103 = arith.constant 1 : i32
      %eq3A_1104 = vector.broadcast %eq3A_1103 : i32 to vector<1x512xi32>
      %eq3A_1105 = arith.cmpi eq, %and3A_1060, %eq3A_1104 : vector<1x512xi32>
      %broadcast_in_dim3A_1106 = vector.shape_cast %eq3A_1105 : vector<1x512xi1> to vector<1x512xi1>
      %broadcast_in_dim3A_1107 = vector.broadcast %broadcast_in_dim3A_1106 : vector<1x512xi1> to vector<128x512xi1>
      %select_n3A_1108 = arith.select %broadcast_in_dim3A_1107, %select_n3A_1054, %select_n3A_1048 : vector<128x512xi1>, vector<128x512xf32>
      %shift_right_logical3A_1109 = arith.constant 2 : i32
      %shift_right_logical3A_1110 = vector.broadcast %shift_right_logical3A_1109 : i32 to vector<1x512xi32>
      %shift_right_logical3A_1111 = arith.shrui %shift_right_logical3A_921, %shift_right_logical3A_1110 : vector<1x512xi32>
      %and3A_1112 = arith.constant 1 : i32
      %and3A_1113 = vector.broadcast %and3A_1112 : i32 to vector<1x512xi32>
      %and3A_1114 = arith.andi %shift_right_logical3A_1111, %and3A_1113 : vector<1x512xi32>
      %eq3A_1115 = arith.constant 1 : i32
      %eq3A_1116 = vector.broadcast %eq3A_1115 : i32 to vector<1x512xi32>
      %eq3A_1117 = arith.cmpi eq, %and3A_1114, %eq3A_1116 : vector<1x512xi32>
      %broadcast_in_dim3A_1118 = vector.shape_cast %eq3A_1117 : vector<1x512xi1> to vector<1x512xi1>
      %broadcast_in_dim3A_1119 = vector.broadcast %broadcast_in_dim3A_1118 : vector<1x512xi1> to vector<128x512xi1>
      %select_n3A_1120 = arith.select %broadcast_in_dim3A_1119, %select_n3A_1072, %select_n3A_1066 : vector<128x512xi1>, vector<128x512xf32>
      %eq3A_1121 = arith.constant 1 : i32
      %eq3A_1122 = vector.broadcast %eq3A_1121 : i32 to vector<1x512xi32>
      %eq3A_1123 = arith.cmpi eq, %and3A_1114, %eq3A_1122 : vector<1x512xi32>
      %broadcast_in_dim3A_1124 = vector.shape_cast %eq3A_1123 : vector<1x512xi1> to vector<1x512xi1>
      %broadcast_in_dim3A_1125 = vector.broadcast %broadcast_in_dim3A_1124 : vector<1x512xi1> to vector<128x512xi1>
      %select_n3A_1126 = arith.select %broadcast_in_dim3A_1125, %select_n3A_1084, %select_n3A_1078 : vector<128x512xi1>, vector<128x512xf32>
      %eq3A_1127 = arith.constant 1 : i32
      %eq3A_1128 = vector.broadcast %eq3A_1127 : i32 to vector<1x512xi32>
      %eq3A_1129 = arith.cmpi eq, %and3A_1114, %eq3A_1128 : vector<1x512xi32>
      %broadcast_in_dim3A_1130 = vector.shape_cast %eq3A_1129 : vector<1x512xi1> to vector<1x512xi1>
      %broadcast_in_dim3A_1131 = vector.broadcast %broadcast_in_dim3A_1130 : vector<1x512xi1> to vector<128x512xi1>
      %select_n3A_1132 = arith.select %broadcast_in_dim3A_1131, %select_n3A_1096, %select_n3A_1090 : vector<128x512xi1>, vector<128x512xf32>
      %eq3A_1133 = arith.constant 1 : i32
      %eq3A_1134 = vector.broadcast %eq3A_1133 : i32 to vector<1x512xi32>
      %eq3A_1135 = arith.cmpi eq, %and3A_1114, %eq3A_1134 : vector<1x512xi32>
      %broadcast_in_dim3A_1136 = vector.shape_cast %eq3A_1135 : vector<1x512xi1> to vector<1x512xi1>
      %broadcast_in_dim3A_1137 = vector.broadcast %broadcast_in_dim3A_1136 : vector<1x512xi1> to vector<128x512xi1>
      %select_n3A_1138 = arith.select %broadcast_in_dim3A_1137, %select_n3A_1108, %select_n3A_1102 : vector<128x512xi1>, vector<128x512xf32>
      %shift_right_logical3A_1139 = arith.constant 3 : i32
      %shift_right_logical3A_1140 = vector.broadcast %shift_right_logical3A_1139 : i32 to vector<1x512xi32>
      %shift_right_logical3A_1141 = arith.shrui %shift_right_logical3A_921, %shift_right_logical3A_1140 : vector<1x512xi32>
      %and3A_1142 = arith.constant 1 : i32
      %and3A_1143 = vector.broadcast %and3A_1142 : i32 to vector<1x512xi32>
      %and3A_1144 = arith.andi %shift_right_logical3A_1141, %and3A_1143 : vector<1x512xi32>
      %eq3A_1145 = arith.constant 1 : i32
      %eq3A_1146 = vector.broadcast %eq3A_1145 : i32 to vector<1x512xi32>
      %eq3A_1147 = arith.cmpi eq, %and3A_1144, %eq3A_1146 : vector<1x512xi32>
      %broadcast_in_dim3A_1148 = vector.shape_cast %eq3A_1147 : vector<1x512xi1> to vector<1x512xi1>
      %broadcast_in_dim3A_1149 = vector.broadcast %broadcast_in_dim3A_1148 : vector<1x512xi1> to vector<128x512xi1>
      %select_n3A_1150 = arith.select %broadcast_in_dim3A_1149, %select_n3A_1126, %select_n3A_1120 : vector<128x512xi1>, vector<128x512xf32>
      %eq3A_1151 = arith.constant 1 : i32
      %eq3A_1152 = vector.broadcast %eq3A_1151 : i32 to vector<1x512xi32>
      %eq3A_1153 = arith.cmpi eq, %and3A_1144, %eq3A_1152 : vector<1x512xi32>
      %broadcast_in_dim3A_1154 = vector.shape_cast %eq3A_1153 : vector<1x512xi1> to vector<1x512xi1>
      %broadcast_in_dim3A_1155 = vector.broadcast %broadcast_in_dim3A_1154 : vector<1x512xi1> to vector<128x512xi1>
      %select_n3A_1156 = arith.select %broadcast_in_dim3A_1155, %select_n3A_1138, %select_n3A_1132 : vector<128x512xi1>, vector<128x512xf32>
      %shift_right_logical3A_1157 = arith.constant 4 : i32
      %shift_right_logical3A_1158 = vector.broadcast %shift_right_logical3A_1157 : i32 to vector<1x512xi32>
      %shift_right_logical3A_1159 = arith.shrui %shift_right_logical3A_921, %shift_right_logical3A_1158 : vector<1x512xi32>
      %and3A_1160 = arith.constant 1 : i32
      %and3A_1161 = vector.broadcast %and3A_1160 : i32 to vector<1x512xi32>
      %and3A_1162 = arith.andi %shift_right_logical3A_1159, %and3A_1161 : vector<1x512xi32>
      %eq3A_1163 = arith.constant 1 : i32
      %eq3A_1164 = vector.broadcast %eq3A_1163 : i32 to vector<1x512xi32>
      %eq3A_1165 = arith.cmpi eq, %and3A_1162, %eq3A_1164 : vector<1x512xi32>
      %broadcast_in_dim3A_1166 = vector.shape_cast %eq3A_1165 : vector<1x512xi1> to vector<1x512xi1>
      %broadcast_in_dim3A_1167 = vector.broadcast %broadcast_in_dim3A_1166 : vector<1x512xi1> to vector<128x512xi1>
      %select_n3A_1168 = arith.select %broadcast_in_dim3A_1167, %select_n3A_1156, %select_n3A_1150 : vector<128x512xi1>, vector<128x512xf32>
      %shift_left3A = arith.constant 7 : i32
      %shift_left3A_1169 = vector.broadcast %shift_left3A : i32 to vector<1x512xi32>
      %shift_left3A_1170 = arith.shli %shift_right_logical3A_921, %shift_left3A_1169 : vector<1x512xi32>
      %add3A_1171 = vector.broadcast %shift_left3A_1170 : vector<1x512xi32> to vector<128x512xi32>
      %add3A_1172 = arith.addi %iota3A_25, %add3A_1171 : vector<128x512xi32>
      %gt3A = vector.broadcast %broadcast_in_dim3A_906 : vector<1x512xf32> to vector<128x512xf32>
      %gt3A_1173 = arith.cmpf ogt, %select_n3A_1168, %gt3A : vector<128x512xf32>
      %eq3A_1174 = vector.broadcast %broadcast_in_dim3A_906 : vector<1x512xf32> to vector<128x512xf32>
      %eq3A_1175 = arith.cmpf oeq, %select_n3A_1168, %eq3A_1174 : vector<128x512xf32>
      %gt3A_1176 = vector.broadcast %broadcast_in_dim3A_914 : vector<1x512xi32> to vector<128x512xi32>
      %gt3A_1177 = arith.cmpi sgt, %add3A_1172, %gt3A_1176 : vector<128x512xi32>
      %and3A_1178 = arith.andi %eq3A_1175, %gt3A_1177 : vector<128x512xi1>
      %or3A = arith.ori %gt3A_1173, %and3A_1178 : vector<128x512xi1>
      %jit3A_1179 = arith.constant 0x7F800000 : f32
      %broadcast_in_dim3A_1180 = vector.broadcast %jit3A_1179 : f32 to vector<128x512xf32>
      %select_n3A_1181 = arith.select %or3A, %select_n3A_1168, %broadcast_in_dim3A_1180 : vector<128x512xi1>, vector<128x512xf32>
      %reduce_min3A_1182 = arith.constant dense<0x7F800000> : vector<512xf32>
      %reduce_min3A_1183 = vector.multi_reduction <minimumf>, %select_n3A_1181, %reduce_min3A_1182 [0] : vector<128x512xf32> to vector<512xf32>
      %broadcast_in_dim3A_1184 = vector.shape_cast %reduce_min3A_1183 : vector<512xf32> to vector<1x512xf32>
      %eq3A_1185 = vector.broadcast %broadcast_in_dim3A_1184 : vector<1x512xf32> to vector<128x512xf32>
      %eq3A_1186 = arith.cmpf oeq, %select_n3A_1181, %eq3A_1185 : vector<128x512xf32>
      %jit3A_1187 = arith.constant 4096 : i32
      %broadcast_in_dim3A_1188 = vector.broadcast %jit3A_1187 : i32 to vector<128x512xi32>
      %select_n3A_1189 = arith.select %eq3A_1186, %add3A_1172, %broadcast_in_dim3A_1188 : vector<128x512xi1>, vector<128x512xi32>
      %reduce_min3A_1190 = arith.constant dense<2147483647> : vector<512xi32>
      %reduce_min3A_1191 = vector.multi_reduction <minsi>, %select_n3A_1189, %reduce_min3A_1190 [0] : vector<128x512xi32> to vector<512xi32>
      %broadcast_in_dim3A_1192 = vector.shape_cast %reduce_min3A_1191 : vector<512xi32> to vector<1x512xi32>
      %eq3A_1193 = vector.broadcast %shift_right_logical3A_921 : vector<1x512xi32> to vector<32x512xi32>
      %eq3A_1194 = arith.cmpi eq, %iota3A_24, %eq3A_1193 : vector<32x512xi32>
      %broadcast_in_dim3A_1195 = vector.shape_cast %broadcast_in_dim3A_1184 : vector<1x512xf32> to vector<1x512xf32>
      %broadcast_in_dim3A_1196 = vector.broadcast %broadcast_in_dim3A_1195 : vector<1x512xf32> to vector<32x512xf32>
      %select_n3A_1197 = arith.select %eq3A_1194, %broadcast_in_dim3A_1196, %scan3A_901 : vector<32x512xi1>, vector<32x512xf32>
      %eq3A_1198 = vector.broadcast %shift_right_logical3A_921 : vector<1x512xi32> to vector<32x512xi32>
      %eq3A_1199 = arith.cmpi eq, %iota3A_24, %eq3A_1198 : vector<32x512xi32>
      %broadcast_in_dim3A_1200 = vector.shape_cast %broadcast_in_dim3A_1192 : vector<1x512xi32> to vector<1x512xi32>
      %broadcast_in_dim3A_1201 = vector.broadcast %broadcast_in_dim3A_1200 : vector<1x512xi32> to vector<32x512xi32>
      %select_n3A_1202 = arith.select %eq3A_1199, %broadcast_in_dim3A_1201, %scan3A_902 : vector<32x512xi1>, vector<32x512xi32>
      scf.yield %select_n3A_1197, %select_n3A_1202, %select_n3A_919 : vector<32x512xf32>, vector<32x512xi32>, vector<16x512xi32>
    }
    %scan3A_890 = arith.constant 16 : i32
    %mul3A_891 = arith.constant 4096 : i32
    %mul3A_892 = arith.muli %arg0, %mul3A_891 : i32
    %add3A_893 = vector.broadcast %mul3A_892 : i32 to vector<16x512xi32>
    %add3A_894 = arith.addi %scan3A_889#2, %add3A_893 : vector<16x512xi32>
    %swap3A = arith.constant 0 : index
    %swap3A_895 = arith.constant 0 : index
    %swap3A_896 = arith.constant 0 : index
    %swap3A_897 = vector.load %arg4[%swap3A, %swap3A_895, %swap3A_896] : memref<1x16x512xi32, #tpu.memory_space<vmem>>, vector<1x16x512xi32>
    %swap3A_898 = vector.shape_cast %swap3A_897 : vector<1x16x512xi32> to vector<16x512xi32>
    %swap3A_899 = vector.shape_cast %add3A_894 : vector<16x512xi32> to vector<1x16x512xi32>
    tpu.vector_store %arg4[%swap3A, %swap3A_895, %swap3A_896], %swap3A_899 {strides = array<i32>} : memref<1x16x512xi32, #tpu.memory_space<vmem>>, vector<1x16x512xi32>,
    return
  }
  func.func @transform_0(%arg0: i32, %arg1: i32) -> (i32, i32, i32) {
    %c0_i32 = arith.constant 0 : i32
    %c0_i32_0 = arith.constant 0 : i32
    %c0_i32_1 = arith.constant 0 : i32
    return %arg0, %c0_i32, %c0_i32_0 : i32, i32, i32
  }
  func.func @transform_1(%arg0: i32, %arg1: i32) -> (i32, i32, i32) {
    %c0_i32 = arith.constant 0 : i32
    %c0_i32_0 = arith.constant 0 : i32
    return %arg0, %c0_i32, %arg1 : i32, i32, i32
  }
  func.func @transform_2(%arg0: i32, %arg1: i32) -> (i32, i32, i32) {
    %c0_i32 = arith.constant 0 : i32
    %c0_i32_0 = arith.constant 0 : i32
    return %arg0, %c0_i32, %arg1 : i32, i32, i32
  }
}

module attributes {stable_mosaic.version = 14 : i64} {
  func.func @_pool_body(%arg0: i32, %arg1: i32, %arg2: memref<1x16x1024x128xf32, #tpu.memory_space<vmem>>, %arg3: memref<1x1x64xf32, #tpu.memory_space<vmem>>) attributes {dimension_semantics = [#tpu.dimension_semantics<parallel>, #tpu.dimension_semantics<arbitrary>], iteration_bounds = array<i64: 4, 4>, scalar_prefetch = 0 : i64, scratch_operands = 0 : i64, tpu.core_type = #tpu.core_type<tc>, window_params = [{transform_indices = @transform_0, window_bounds = array<i64: 1, 16, 1024, 128>}, {transform_indices = @transform_1, window_bounds = array<i64: 1, 1, 64>}]} {
    %get3A = arith.constant 0 : index
    %get3A_0 = arith.constant 0 : index
    %get3A_1 = arith.constant 0 : index
    %get3A_2 = arith.constant 0 : index
    %get3A_3 = vector.load %arg2[%get3A, %get3A_0, %get3A_1, %get3A_2] : memref<1x16x1024x128xf32, #tpu.memory_space<vmem>>, vector<1x1x1024x128xf32>
    %get3A_4 = vector.shape_cast %get3A_3 : vector<1x1x1024x128xf32> to vector<1024x128xf32>
    %slice3A = vector.extract_strided_slice %get3A_4 {offsets = [0, 0], sizes = [1024, 64], strides = [1, 1]} : vector<1024x128xf32> to vector<1024x64xf32>
    %get3A_5 = arith.constant 0 : index
    %get3A_6 = arith.constant 1 : index
    %get3A_7 = arith.constant 0 : index
    %get3A_8 = arith.constant 0 : index
    %get3A_9 = vector.load %arg2[%get3A_5, %get3A_6, %get3A_7, %get3A_8] : memref<1x16x1024x128xf32, #tpu.memory_space<vmem>>, vector<1x1x1024x128xf32>
    %get3A_10 = vector.shape_cast %get3A_9 : vector<1x1x1024x128xf32> to vector<1024x128xf32>
    %slice3A_11 = vector.extract_strided_slice %get3A_10 {offsets = [0, 0], sizes = [1024, 64], strides = [1, 1]} : vector<1024x128xf32> to vector<1024x64xf32>
    %max3A = arith.maximumf %slice3A, %slice3A_11 : vector<1024x64xf32>
    %get3A_12 = arith.constant 0 : index
    %get3A_13 = arith.constant 2 : index
    %get3A_14 = arith.constant 0 : index
    %get3A_15 = arith.constant 0 : index
    %get3A_16 = vector.load %arg2[%get3A_12, %get3A_13, %get3A_14, %get3A_15] : memref<1x16x1024x128xf32, #tpu.memory_space<vmem>>, vector<1x1x1024x128xf32>
    %get3A_17 = vector.shape_cast %get3A_16 : vector<1x1x1024x128xf32> to vector<1024x128xf32>
    %slice3A_18 = vector.extract_strided_slice %get3A_17 {offsets = [0, 0], sizes = [1024, 64], strides = [1, 1]} : vector<1024x128xf32> to vector<1024x64xf32>
    %max3A_19 = arith.maximumf %max3A, %slice3A_18 : vector<1024x64xf32>
    %get3A_20 = arith.constant 0 : index
    %get3A_21 = arith.constant 3 : index
    %get3A_22 = arith.constant 0 : index
    %get3A_23 = arith.constant 0 : index
    %get3A_24 = vector.load %arg2[%get3A_20, %get3A_21, %get3A_22, %get3A_23] : memref<1x16x1024x128xf32, #tpu.memory_space<vmem>>, vector<1x1x1024x128xf32>
    %get3A_25 = vector.shape_cast %get3A_24 : vector<1x1x1024x128xf32> to vector<1024x128xf32>
    %slice3A_26 = vector.extract_strided_slice %get3A_25 {offsets = [0, 0], sizes = [1024, 64], strides = [1, 1]} : vector<1024x128xf32> to vector<1024x64xf32>
    %max3A_27 = arith.maximumf %max3A_19, %slice3A_26 : vector<1024x64xf32>
    %get3A_28 = arith.constant 0 : index
    %get3A_29 = arith.constant 4 : index
    %get3A_30 = arith.constant 0 : index
    %get3A_31 = arith.constant 0 : index
    %get3A_32 = vector.load %arg2[%get3A_28, %get3A_29, %get3A_30, %get3A_31] : memref<1x16x1024x128xf32, #tpu.memory_space<vmem>>, vector<1x1x1024x128xf32>
    %get3A_33 = vector.shape_cast %get3A_32 : vector<1x1x1024x128xf32> to vector<1024x128xf32>
    %slice3A_34 = vector.extract_strided_slice %get3A_33 {offsets = [0, 0], sizes = [1024, 64], strides = [1, 1]} : vector<1024x128xf32> to vector<1024x64xf32>
    %max3A_35 = arith.maximumf %max3A_27, %slice3A_34 : vector<1024x64xf32>
    %get3A_36 = arith.constant 0 : index
    %get3A_37 = arith.constant 5 : index
    %get3A_38 = arith.constant 0 : index
    %get3A_39 = arith.constant 0 : index
    %get3A_40 = vector.load %arg2[%get3A_36, %get3A_37, %get3A_38, %get3A_39] : memref<1x16x1024x128xf32, #tpu.memory_space<vmem>>, vector<1x1x1024x128xf32>
    %get3A_41 = vector.shape_cast %get3A_40 : vector<1x1x1024x128xf32> to vector<1024x128xf32>
    %slice3A_42 = vector.extract_strided_slice %get3A_41 {offsets = [0, 0], sizes = [1024, 64], strides = [1, 1]} : vector<1024x128xf32> to vector<1024x64xf32>
    %max3A_43 = arith.maximumf %max3A_35, %slice3A_42 : vector<1024x64xf32>
    %get3A_44 = arith.constant 0 : index
    %get3A_45 = arith.constant 6 : index
    %get3A_46 = arith.constant 0 : index
    %get3A_47 = arith.constant 0 : index
    %get3A_48 = vector.load %arg2[%get3A_44, %get3A_45, %get3A_46, %get3A_47] : memref<1x16x1024x128xf32, #tpu.memory_space<vmem>>, vector<1x1x1024x128xf32>
    %get3A_49 = vector.shape_cast %get3A_48 : vector<1x1x1024x128xf32> to vector<1024x128xf32>
    %slice3A_50 = vector.extract_strided_slice %get3A_49 {offsets = [0, 0], sizes = [1024, 64], strides = [1, 1]} : vector<1024x128xf32> to vector<1024x64xf32>
    %max3A_51 = arith.maximumf %max3A_43, %slice3A_50 : vector<1024x64xf32>
    %get3A_52 = arith.constant 0 : index
    %get3A_53 = arith.constant 7 : index
    %get3A_54 = arith.constant 0 : index
    %get3A_55 = arith.constant 0 : index
    %get3A_56 = vector.load %arg2[%get3A_52, %get3A_53, %get3A_54, %get3A_55] : memref<1x16x1024x128xf32, #tpu.memory_space<vmem>>, vector<1x1x1024x128xf32>
    %get3A_57 = vector.shape_cast %get3A_56 : vector<1x1x1024x128xf32> to vector<1024x128xf32>
    %slice3A_58 = vector.extract_strided_slice %get3A_57 {offsets = [0, 0], sizes = [1024, 64], strides = [1, 1]} : vector<1024x128xf32> to vector<1024x64xf32>
    %max3A_59 = arith.maximumf %max3A_51, %slice3A_58 : vector<1024x64xf32>
    %get3A_60 = arith.constant 0 : index
    %get3A_61 = arith.constant 8 : index
    %get3A_62 = arith.constant 0 : index
    %get3A_63 = arith.constant 0 : index
    %get3A_64 = vector.load %arg2[%get3A_60, %get3A_61, %get3A_62, %get3A_63] : memref<1x16x1024x128xf32, #tpu.memory_space<vmem>>, vector<1x1x1024x128xf32>
    %get3A_65 = vector.shape_cast %get3A_64 : vector<1x1x1024x128xf32> to vector<1024x128xf32>
    %slice3A_66 = vector.extract_strided_slice %get3A_65 {offsets = [0, 0], sizes = [1024, 64], strides = [1, 1]} : vector<1024x128xf32> to vector<1024x64xf32>
    %max3A_67 = arith.maximumf %max3A_59, %slice3A_66 : vector<1024x64xf32>
    %get3A_68 = arith.constant 0 : index
    %get3A_69 = arith.constant 9 : index
    %get3A_70 = arith.constant 0 : index
    %get3A_71 = arith.constant 0 : index
    %get3A_72 = vector.load %arg2[%get3A_68, %get3A_69, %get3A_70, %get3A_71] : memref<1x16x1024x128xf32, #tpu.memory_space<vmem>>, vector<1x1x1024x128xf32>
    %get3A_73 = vector.shape_cast %get3A_72 : vector<1x1x1024x128xf32> to vector<1024x128xf32>
    %slice3A_74 = vector.extract_strided_slice %get3A_73 {offsets = [0, 0], sizes = [1024, 64], strides = [1, 1]} : vector<1024x128xf32> to vector<1024x64xf32>
    %max3A_75 = arith.maximumf %max3A_67, %slice3A_74 : vector<1024x64xf32>
    %get3A_76 = arith.constant 0 : index
    %get3A_77 = arith.constant 10 : index
    %get3A_78 = arith.constant 0 : index
    %get3A_79 = arith.constant 0 : index
    %get3A_80 = vector.load %arg2[%get3A_76, %get3A_77, %get3A_78, %get3A_79] : memref<1x16x1024x128xf32, #tpu.memory_space<vmem>>, vector<1x1x1024x128xf32>
    %get3A_81 = vector.shape_cast %get3A_80 : vector<1x1x1024x128xf32> to vector<1024x128xf32>
    %slice3A_82 = vector.extract_strided_slice %get3A_81 {offsets = [0, 0], sizes = [1024, 64], strides = [1, 1]} : vector<1024x128xf32> to vector<1024x64xf32>
    %max3A_83 = arith.maximumf %max3A_75, %slice3A_82 : vector<1024x64xf32>
    %get3A_84 = arith.constant 0 : index
    %get3A_85 = arith.constant 11 : index
    %get3A_86 = arith.constant 0 : index
    %get3A_87 = arith.constant 0 : index
    %get3A_88 = vector.load %arg2[%get3A_84, %get3A_85, %get3A_86, %get3A_87] : memref<1x16x1024x128xf32, #tpu.memory_space<vmem>>, vector<1x1x1024x128xf32>
    %get3A_89 = vector.shape_cast %get3A_88 : vector<1x1x1024x128xf32> to vector<1024x128xf32>
    %slice3A_90 = vector.extract_strided_slice %get3A_89 {offsets = [0, 0], sizes = [1024, 64], strides = [1, 1]} : vector<1024x128xf32> to vector<1024x64xf32>
    %max3A_91 = arith.maximumf %max3A_83, %slice3A_90 : vector<1024x64xf32>
    %get3A_92 = arith.constant 0 : index
    %get3A_93 = arith.constant 12 : index
    %get3A_94 = arith.constant 0 : index
    %get3A_95 = arith.constant 0 : index
    %get3A_96 = vector.load %arg2[%get3A_92, %get3A_93, %get3A_94, %get3A_95] : memref<1x16x1024x128xf32, #tpu.memory_space<vmem>>, vector<1x1x1024x128xf32>
    %get3A_97 = vector.shape_cast %get3A_96 : vector<1x1x1024x128xf32> to vector<1024x128xf32>
    %slice3A_98 = vector.extract_strided_slice %get3A_97 {offsets = [0, 0], sizes = [1024, 64], strides = [1, 1]} : vector<1024x128xf32> to vector<1024x64xf32>
    %max3A_99 = arith.maximumf %max3A_91, %slice3A_98 : vector<1024x64xf32>
    %get3A_100 = arith.constant 0 : index
    %get3A_101 = arith.constant 13 : index
    %get3A_102 = arith.constant 0 : index
    %get3A_103 = arith.constant 0 : index
    %get3A_104 = vector.load %arg2[%get3A_100, %get3A_101, %get3A_102, %get3A_103] : memref<1x16x1024x128xf32, #tpu.memory_space<vmem>>, vector<1x1x1024x128xf32>
    %get3A_105 = vector.shape_cast %get3A_104 : vector<1x1x1024x128xf32> to vector<1024x128xf32>
    %slice3A_106 = vector.extract_strided_slice %get3A_105 {offsets = [0, 0], sizes = [1024, 64], strides = [1, 1]} : vector<1024x128xf32> to vector<1024x64xf32>
    %max3A_107 = arith.maximumf %max3A_99, %slice3A_106 : vector<1024x64xf32>
    %get3A_108 = arith.constant 0 : index
    %get3A_109 = arith.constant 14 : index
    %get3A_110 = arith.constant 0 : index
    %get3A_111 = arith.constant 0 : index
    %get3A_112 = vector.load %arg2[%get3A_108, %get3A_109, %get3A_110, %get3A_111] : memref<1x16x1024x128xf32, #tpu.memory_space<vmem>>, vector<1x1x1024x128xf32>
    %get3A_113 = vector.shape_cast %get3A_112 : vector<1x1x1024x128xf32> to vector<1024x128xf32>
    %slice3A_114 = vector.extract_strided_slice %get3A_113 {offsets = [0, 0], sizes = [1024, 64], strides = [1, 1]} : vector<1024x128xf32> to vector<1024x64xf32>
    %max3A_115 = arith.maximumf %max3A_107, %slice3A_114 : vector<1024x64xf32>
    %get3A_116 = arith.constant 0 : index
    %get3A_117 = arith.constant 15 : index
    %get3A_118 = arith.constant 0 : index
    %get3A_119 = arith.constant 0 : index
    %get3A_120 = vector.load %arg2[%get3A_116, %get3A_117, %get3A_118, %get3A_119] : memref<1x16x1024x128xf32, #tpu.memory_space<vmem>>, vector<1x1x1024x128xf32>
    %get3A_121 = vector.shape_cast %get3A_120 : vector<1x1x1024x128xf32> to vector<1024x128xf32>
    %slice3A_122 = vector.extract_strided_slice %get3A_121 {offsets = [0, 0], sizes = [1024, 64], strides = [1, 1]} : vector<1024x128xf32> to vector<1024x64xf32>
    %max3A_123 = arith.maximumf %max3A_115, %slice3A_122 : vector<1024x64xf32>
    %reduce_sum3A = arith.constant dense<0.000000e+00> : vector<64xf32>
    %reduce_sum3A_124 = vector.multi_reduction <add>, %max3A_123, %reduce_sum3A [0] : vector<1024x64xf32> to vector<64xf32>
    %broadcast_in_dim3A = vector.shape_cast %reduce_sum3A_124 : vector<64xf32> to vector<1x64xf32>
    %eq3A = arith.constant 0 : i32
    %eq3A_125 = arith.cmpi eq, %arg1, %eq3A : i32
    %convert_element_type3A = arith.extui %eq3A_125 : i1 to i32
    %cond3A = arith.constant 0 : i32
    %cond3A_126 = arith.cmpi ne, %convert_element_type3A, %cond3A : i32
    scf.if %cond3A_126 {
      %swap3A = arith.constant 0 : index
      %swap3A_131 = arith.constant 0 : index
      %swap3A_132 = arith.constant 0 : index
      %swap3A_133 = vector.load %arg3[%swap3A, %swap3A_131, %swap3A_132] : memref<1x1x64xf32, #tpu.memory_space<vmem>>, vector<1x1x64xf32>
      %swap3A_134 = vector.shape_cast %swap3A_133 : vector<1x1x64xf32> to vector<1x64xf32>
      %swap3A_135 = vector.shape_cast %broadcast_in_dim3A : vector<1x64xf32> to vector<1x1x64xf32>
      tpu.vector_store %arg3[%swap3A, %swap3A_131, %swap3A_132], %swap3A_135 {strides = array<i32>} : memref<1x1x64xf32, #tpu.memory_space<vmem>>, vector<1x1x64xf32>,
    } else {
    }
    %ne3A = arith.constant 0 : i32
    %ne3A_127 = arith.cmpi ne, %arg1, %ne3A : i32
    %convert_element_type3A_128 = arith.extui %ne3A_127 : i1 to i32
    %cond3A_129 = arith.constant 0 : i32
    %cond3A_130 = arith.cmpi ne, %convert_element_type3A_128, %cond3A_129 : i32
    scf.if %cond3A_130 {
      %get3A_131 = arith.constant 0 : index
      %get3A_132 = arith.constant 0 : index
      %get3A_133 = arith.constant 0 : index
      %get3A_134 = vector.load %arg3[%get3A_131, %get3A_132, %get3A_133] : memref<1x1x64xf32, #tpu.memory_space<vmem>>, vector<1x1x64xf32>
      %get3A_135 = vector.shape_cast %get3A_134 : vector<1x1x64xf32> to vector<1x64xf32>
      %add3A = arith.addf %get3A_135, %broadcast_in_dim3A : vector<1x64xf32>
      %swap3A = arith.constant 0 : index
      %swap3A_136 = arith.constant 0 : index
      %swap3A_137 = arith.constant 0 : index
      %swap3A_138 = vector.load %arg3[%swap3A, %swap3A_136, %swap3A_137] : memref<1x1x64xf32, #tpu.memory_space<vmem>>, vector<1x1x64xf32>
      %swap3A_139 = vector.shape_cast %swap3A_138 : vector<1x1x64xf32> to vector<1x64xf32>
      %swap3A_140 = vector.shape_cast %add3A : vector<1x64xf32> to vector<1x1x64xf32>
      tpu.vector_store %arg3[%swap3A, %swap3A_136, %swap3A_137], %swap3A_140 {strides = array<i32>} : memref<1x1x64xf32, #tpu.memory_space<vmem>>, vector<1x1x64xf32>,
    } else {
    }
    return
  }
  func.func @transform_0(%arg0: i32, %arg1: i32) -> (i32, i32, i32, i32) {
    %c0_i32 = arith.constant 0 : i32
    %c0_i32_0 = arith.constant 0 : i32
    %c0_i32_1 = arith.constant 0 : i32
    return %arg0, %c0_i32, %arg1, %c0_i32_0 : i32, i32, i32, i32
  }
  func.func @transform_1(%arg0: i32, %arg1: i32) -> (i32, i32, i32) {
    %c0_i32 = arith.constant 0 : i32
    %c0_i32_0 = arith.constant 0 : i32
    %c0_i32_1 = arith.constant 0 : i32
    return %arg0, %c0_i32, %c0_i32_0 : i32, i32, i32
  }
}

module attributes {stable_mosaic.version = 14 : i64} {
  func.func @_finish_body(%arg0: i32, %arg1: memref<1x1x64xf32, #tpu.memory_space<vmem>>, %arg2: memref<1x4096x128xf32, #tpu.memory_space<vmem>>, %arg3: memref<1x4096x64xf32, #tpu.memory_space<vmem>>, %arg4: memref<128x64xf32, #tpu.memory_space<vmem>>, %arg5: memref<1x4096x64xf32, #tpu.memory_space<vmem>>) attributes {dimension_semantics = [#tpu.dimension_semantics<parallel>], iteration_bounds = array<i64: 4>, scalar_prefetch = 0 : i64, scratch_operands = 0 : i64, tpu.core_type = #tpu.core_type<tc>, window_params = [{transform_indices = @transform_0, window_bounds = array<i64: 1, 1, 64>}, {transform_indices = @transform_1, window_bounds = array<i64: 1, 4096, 128>}, {transform_indices = @transform_2, window_bounds = array<i64: 1, 4096, 64>}, {pipeline_mode = #tpu.pipeline_mode<synchronous>, transform_indices = @transform_3, window_bounds = array<i64: 128, 64>}, {transform_indices = @transform_4, window_bounds = array<i64: 1, 4096, 64>}]} {
    %get3A = arith.constant 0 : index
    %get3A_0 = arith.constant 0 : index
    %get3A_1 = arith.constant 0 : index
    %get3A_2 = vector.load %arg1[%get3A, %get3A_0, %get3A_1] : memref<1x1x64xf32, #tpu.memory_space<vmem>>, vector<1x1x64xf32>
    %get3A_3 = vector.shape_cast %get3A_2 : vector<1x1x64xf32> to vector<1x64xf32>
    %mul3A = arith.constant 2.44140625E-4 : f32
    %mul3A_4 = vector.broadcast %mul3A : f32 to vector<1x64xf32>
    %mul3A_5 = arith.mulf %get3A_3, %mul3A_4 : vector<1x64xf32>
    %get3A_6 = arith.constant 0 : index
    %get3A_7 = arith.constant 0 : index
    %get3A_8 = arith.constant 0 : index
    %get3A_9 = vector.load %arg2[%get3A_6, %get3A_7, %get3A_8] : memref<1x4096x128xf32, #tpu.memory_space<vmem>>, vector<1x4096x128xf32>
    %get3A_10 = vector.shape_cast %get3A_9 : vector<1x4096x128xf32> to vector<4096x128xf32>
    %slice3A = vector.extract_strided_slice %get3A_10 {offsets = [0, 0], sizes = [4096, 64], strides = [1, 1]} : vector<4096x128xf32> to vector<4096x64xf32>
    %get3A_11 = arith.constant 0 : index
    %get3A_12 = arith.constant 0 : index
    %get3A_13 = vector.load %arg4[%get3A_11, %get3A_12] : memref<128x64xf32, #tpu.memory_space<vmem>>, vector<64x64xf32>
    %get3A_14 = arith.constant 64 : index
    %get3A_15 = arith.constant 0 : index
    %get3A_16 = vector.load %arg4[%get3A_14, %get3A_15] : memref<128x64xf32, #tpu.memory_space<vmem>>, vector<64x64xf32>
    %dot_general3A = arith.constant dense<0.000000e+00> : vector<4096x64xf32>
    %dot_general3A_17 = tpu.matmul %slice3A, %get3A_13, %dot_general3A {dimension_numbers = #tpu.dot_dimension_numbers<[1], [0], [0], [1], [0, 0, 1, 1], [], []>, transpose_lhs_hint = false} : vector<4096x64xf32>, vector<64x64xf32>, vector<4096x64xf32> -> vector<4096x64xf32>
    %dot_general3A_18 = arith.constant dense<0.000000e+00> : vector<1x64xf32>
    %dot_general3A_19 = tpu.matmul %mul3A_5, %get3A_16, %dot_general3A_18 {dimension_numbers = #tpu.dot_dimension_numbers<[1], [0], [0], [1], [0, 0, 1, 1], [], []>, transpose_lhs_hint = false} : vector<1x64xf32>, vector<64x64xf32>, vector<1x64xf32> -> vector<1x64xf32>
    %add3A = vector.broadcast %dot_general3A_19 : vector<1x64xf32> to vector<4096x64xf32>
    %add3A_20 = arith.addf %dot_general3A_17, %add3A : vector<4096x64xf32>
    %add3A_21 = arith.addf %add3A_20, %slice3A : vector<4096x64xf32>
    %get3A_22 = arith.constant 0 : index
    %get3A_23 = arith.constant 0 : index
    %get3A_24 = arith.constant 0 : index
    %get3A_25 = vector.load %arg3[%get3A_22, %get3A_23, %get3A_24] : memref<1x4096x64xf32, #tpu.memory_space<vmem>>, vector<1x4096x64xf32>
    %get3A_26 = vector.shape_cast %get3A_25 : vector<1x4096x64xf32> to vector<4096x64xf32>
    %add3A_27 = arith.addf %add3A_21, %get3A_26 : vector<4096x64xf32>
    %swap3A = arith.constant 0 : index
    %swap3A_28 = arith.constant 0 : index
    %swap3A_29 = arith.constant 0 : index
    %swap3A_30 = vector.load %arg5[%swap3A, %swap3A_28, %swap3A_29] : memref<1x4096x64xf32, #tpu.memory_space<vmem>>, vector<1x4096x64xf32>
    %swap3A_31 = vector.shape_cast %swap3A_30 : vector<1x4096x64xf32> to vector<4096x64xf32>
    %swap3A_32 = vector.shape_cast %add3A_27 : vector<4096x64xf32> to vector<1x4096x64xf32>
    tpu.vector_store %arg5[%swap3A, %swap3A_28, %swap3A_29], %swap3A_32 {strides = array<i32>} : memref<1x4096x64xf32, #tpu.memory_space<vmem>>, vector<1x4096x64xf32>,
    return
  }
  func.func @transform_0(%arg0: i32) -> (i32, i32, i32) {
    %c0_i32 = arith.constant 0 : i32
    %c0_i32_0 = arith.constant 0 : i32
    %c0_i32_1 = arith.constant 0 : i32
    return %arg0, %c0_i32, %c0_i32_0 : i32, i32, i32
  }
  func.func @transform_1(%arg0: i32) -> (i32, i32, i32) {
    %c0_i32 = arith.constant 0 : i32
    %c0_i32_0 = arith.constant 0 : i32
    %c0_i32_1 = arith.constant 0 : i32
    return %arg0, %c0_i32, %c0_i32_0 : i32, i32, i32
  }
  func.func @transform_2(%arg0: i32) -> (i32, i32, i32) {
    %c0_i32 = arith.constant 0 : i32
    %c0_i32_0 = arith.constant 0 : i32
    %c0_i32_1 = arith.constant 0 : i32
    return %arg0, %c0_i32, %c0_i32_0 : i32, i32, i32
  }
  func.func @transform_3(%arg0: i32) -> (i32, i32) {
    %c0_i32 = arith.constant 0 : i32
    %c0_i32_0 = arith.constant 0 : i32
    %c0_i32_1 = arith.constant 0 : i32
    return %c0_i32, %c0_i32_0 : i32, i32
  }
  func.func @transform_4(%arg0: i32) -> (i32, i32, i32) {
    %c0_i32 = arith.constant 0 : i32
    %c0_i32_0 = arith.constant 0 : i32
    %c0_i32_1 = arith.constant 0 : i32
    return %arg0, %c0_i32, %c0_i32_0 : i32, i32, i32
  }
}

</mosaic_0001>

<sc_bundles>
// kernel: kernel.12.cloned.1.call-start
scs
__scs_entry_jumppad:
0x0: {  	(pc) =	sbr.rel $0x88, $3  }
0x1: {  	(tag) =	ssettag $0x0;
	lr =	simm.s32 $0x1  }
0x2: {  	[smem:$0x3F99] =	sst lr;
	_ =	strace $0xD0000000  }
0x3: {  	_ = 	snop  }
0x4: {  	_ = 	snop  }
0x5: {  	_ = 	snop  }
0x6: {  	_ = 	snop  }
0x7: {  	_ = 	snop  }
__scs_overlays_trampoline_lowered:
0x8: {  	[smem:$0x3FA8] =	sst s0  }
0x9: {  	[smem:$0x3FA9] =	sst s1  }
0xa: {  	[smem:$0x3FAA] =	sst s2  }
0xb: {  	[smem:$0x3FAB] =	sst s3  }
0xc: {  	[smem:$0x3FAC] =	sst s4  }
0xd: {  	[smem:$0x3FAD] =	sst s5  }
0xe: {  	[smem:$0x3FAE] =	sst s6  }
0xf: {  	[smem:$0x3FAF] =	sst s7  }
0x10: {  	[smem:$0x3FB0] =	sst s8  }
0x11: {  	[smem:$0x3FB1] =	sst s9;
	s0 =	simm.s32 @!p0 $0x0  }
0x12: {  	s1 =	sld [smem:$0x3F97];
	s0 =	simm.s32 @p0 $0x1  }
0x13: {  	[smem:$0x3FB2] =	sst s0;
	s0 =	simm.s32 @!p1 $0x0  }
0x14: {  	s2 =	sld [smem:$0x3F96];
	s0 =	simm.s32 @p1 $0x1  }
0x15: {  	[smem:$0x3FB3] =	sst s0;
	s0 =	simm.s32 @!p2 $0x0  }
0x16: {  	s3 =	sld [smem:$0x3FDB];
	s0 =	simm.s32 @p2 $0x1  }
0x17: {  	s4 =	simm.s32 $0x1BF5;
	[smem:$0x3FB5] =	sst s0  }
0x18: {  	s0 =	sld [smem:$0x3F98];
	_ =	swait.ge [sflag:s4], $0x0  }
0x19: {  	s7 =	sld [smem:$0x3F99]  }
0x1a: {  	s8 =	sadd.s32 $0xFFFFE003, lr  }
0x1b: {  	s9 =	sadd.s32 $0xFFFFFEF7, lr;
	s5 =	simm.s32 $0xFFFFFFFF;
	p2 =	slt.u32 s8, $0xFFFFF086  }
0x1c: {  	p1 =	slt.u32 s9, $0xF7A;
	s5 =	simm.s32 @!p2 $0x0  }
0x1d: {  	s5 =	simm.s32 @p1 $0x1;
	p0 =	seq.s32 s7, s2  }
0x1e: {  	s7 =	smul.u32 @!p0 $0xF7A, s2;
	p2 =	seq.s32 @!p0 s5, $0x0  }
0x1f: {  	s9 =	smul.u32 $0xF7A, s1;
	s8 =	simm.s32 @!p0 $0x1BF5;
	p2 =	por !p2, p0  }
0x20: {  	[sflag:s8] =	ssyncset.s32 @!p0 $0xFFFFF086;
	s6 =	sadd.s32 @!p0 s3, s7;
	s7 =	simm.s32 @!p0 $0x108  }
0x21: {  	s3 =	sadd.s32 s3, s9;
	s6 =	sadd.s32 @!p0 $0x88, s6;
	s7 =	simm.s32 @p2 $0x1082  }
0x22: {  	[simem:s7], [sflag:s8] =	dma.local @!p0 [hbm:s6], $0xF7A  }
0x23: {  	s9 =	sor.u32 $0xD0000000, s2;
	s6 =	simm.s32 $0x108;
	_ =	swait.ge @!p0 [sflag:s8], $0x0  }
0x24: {  	s3 =	sadd.s32 $0x88, s3;
	s6 =	simm.s32 @!p1 $0x1082;
	[sflag:s4] =	ssyncset.s32 $0xFFFFF086  }
0x25: {  	[simem:s6], [sflag:s4] =	dma.local [hbm:s3], $0xF7A  }
0x26: {  	[smem:$0x3F99] =	sst s1;
	(tag) =	ssettag s2;
	_ =	strace s9  }
0x27: {  	s1 =	sld [smem:$0x3FA9]  }
0x28: {  	s2 =	sld [smem:$0x3FAA]  }
0x29: {  	s4 =	sld [smem:$0x3FAC]  }
0x2a: {  	p0 =	seq.s32 s5, $0x0;
	s5 =	sld [smem:$0x3FAD]  }
0x2b: {  	s6 =	sld [smem:$0x3FAE]  }
0x2c: {  	s7 =	sld [smem:$0x3FAF]  }
0x2d: {  	s3 =	simm.s32 $0x108;
	s8 =	sld [smem:$0x3FB0]  }
0x2e: {  	s3 =	simm.s32 @!p0 $0x1082;
	s9 =	sld [smem:$0x3FB1]  }
0x2f: {  	lr =	sadd.s32 s0, s3;
	s0 =	sld [smem:$0x3FA8]  }
0x30: {  	s3 =	sld [smem:$0x3FAB]  }
0x31: {  	[smem:$0x3FB4] =	sst s10  }
0x32: {  	s10 =	sld [smem:$0x3FB2];
	_ =	sdelay $0x3  }
0x33: {  	p0 =	seq.s32 s10, $0x1;
	s10 =	sld [smem:$0x3FB4];
	_ =	sdelay $0x3  }
0x34: {  	[smem:$0x3FB4] =	sst s10  }
0x35: {  	s10 =	sld [smem:$0x3FB3];
	_ =	sdelay $0x3  }
0x36: {  	p1 =	seq.s32 s10, $0x1;
	s10 =	sld [smem:$0x3FB4];
	_ =	sdelay $0x3  }
0x37: {  	[smem:$0x3FB4] =	sst s10  }
0x38: {  	s10 =	sld [smem:$0x3FB5]  }
0x39: {  	_ = 	snop;
	(pc) =	sbr.ind lr, $3  }
0x3a: {  	_ = 	snop  }
0x3b: {  	_ = 	snop  }
0x3c: {  	p2 =	seq.s32 s10, $0x1;
	s10 =	sld [smem:$0x3FB4]  }
0x3d: {  	_ =	shalt  }
0x3e: {  	_ =	shalt  }
0x3f: {  	_ =	shalt  }
0x40: {  	_ =	shalt  }
0x41: {  	_ =	shalt  }
0x42: {  	_ =	shalt  }
0x43: {  	_ =	shalt  }
0x44: {  	_ =	shalt  }
0x45: {  	_ =	shalt  }
0x46: {  	_ =	shalt  }
0x47: {  	_ =	shalt  }
0x48: {  	_ =	shalt  }
0x49: {  	_ =	shalt  }
0x4a: {  	_ =	shalt  }
0x4b: {  	_ =	shalt  }
0x4c: {  	_ =	shalt  }
0x4d: {  	_ =	shalt  }
0x4e: {  	_ =	shalt  }
0x4f: {  	_ =	shalt  }
0x50: {  	_ =	shalt  }
0x51: {  	_ =	shalt  }
0x52: {  	_ =	shalt  }
0x53: {  	_ =	shalt  }
0x54: {  	_ =	shalt  }
0x55: {  	_ =	shalt  }
0x56: {  	_ =	shalt  }
0x57: {  	_ =	shalt  }
0x58: {  	_ =	shalt  }
0x59: {  	_ =	shalt  }
0x5a: {  	_ =	shalt  }
0x5b: {  	_ =	shalt  }
0x5c: {  	_ =	shalt  }
0x5d: {  	_ =	shalt  }
0x5e: {  	_ =	shalt  }
0x5f: {  	_ =	shalt  }
0x60: {  	_ =	shalt  }
0x61: {  	_ =	shalt  }
0x62: {  	_ =	shalt  }
0x63: {  	_ =	shalt  }
0x64: {  	_ =	shalt  }
0x65: {  	_ =	shalt  }
0x66: {  	_ =	shalt  }
0x67: {  	_ =	shalt  }
0x68: {  	_ =	shalt  }
0x69: {  	_ =	shalt  }
0x6a: {  	_ =	shalt  }
0x6b: {  	_ =	shalt  }
0x6c: {  	_ =	shalt  }
0x6d: {  	_ =	shalt  }
0x6e: {  	_ =	shalt  }
0x6f: {  	_ =	shalt  }
0x70: {  	_ =	shalt  }
0x71: {  	_ =	shalt  }
0x72: {  	_ =	shalt  }
0x73: {  	_ =	shalt  }
0x74: {  	_ =	shalt  }
0x75: {  	_ =	shalt  }
0x76: {  	_ =	shalt  }
0x77: {  	_ =	shalt  }
0x78: {  	_ =	shalt  }
0x79: {  	_ =	shalt  }
0x7a: {  	_ =	shalt  }
0x7b: {  	_ =	shalt  }
0x7c: {  	_ =	shalt  }
0x7d: {  	_ =	shalt  }
0x7e: {  	_ =	shalt  }
0x7f: {  	_ =	shalt  }
0x80: {  	_ =	shalt  }
0x81: {  	_ =	shalt  }
0x82: {  	_ =	shalt  }
0x83: {  	_ =	shalt  }
0x84: {  	_ =	shalt  }
0x85: {  	_ =	shalt  }
0x86: {  	_ =	shalt  }
0x87: {  	_ =	shalt  }
.Lfunc_end0:
.L_simem_size_0:
called_computation.1_lowered:
.L_overlay_start_0:
0x88: {  	s2 =	sld [smem:$0x3FD9]  }
0x89: {  	s3 =	sld [smem:$0x3FFE];
	_ =	sdelay $0x1  }
0x8a: {  	s1 =	srdreg.scid  }
0x8b: {  	s0 =	sand.u32 $0x1, s1  }
0x8c: {  	s16 =	sshll.u32 s0, $0xA;
	s2 =	sadd.s32 s3, s2  }
0x8d: {  	s2 =	sadd.s32 s2, s16  }
0x8e: {  	[smem:$0x3FC0] =	sst s2  }
0x8f: {  	_ = 	snop  }
0x90: {  	(tm) =	ssettm $0x1  }
0x91: {  	s17 =	sld [smem:$0x3FFB];
	_ =	sdelay $0x3  }
0x92: {  	_ =	strace s17  }
0x93: {  	s2 =	sld [smem:$0x3FFC];
	_ =	sdelay $0x3  }
0x94: {  	_ =	strace s2  }
0x95: {  	s2 =	sld [smem:$0x3FFD];
	_ =	sdelay $0x3  }
0x96: {  	_ =	strace s2  }
0x97: {  	_ =	strace $0x8FFFFFFF  }
0x98: {  	s18 =	sld [smem:$0x3FDB];
	_ =	sdelay $0x1  }
0x99: {  	s19 =	simm.s32 $_scs_section_size  }
0x9a: {  	s4 =	simm.s32 $_size__tile_overlayer_lowered;
	s5 =	simm.s32 $_tile_overlayer_lowered  }
0x9b: {  	s22 =	simm.s32 $0x1BFF;
	s21 =	sshll.u32 s5, $0x1;
	s2 =	sadd.s32 s19, s18  }
0x9c: {  	s6 =	simm.s32 $0x0;
	s20 =	sshll.u32 s4, $0x1;
	s4 =	sadd.s32 s21, s2  }
0x9d: {  	[timem:s6], [sflag:s22] =	dma.local [hbm:s4], s20  }
0x9e: {  	_ =	swait.ge [sflag:s22], s20  }
0x9f: {  	s3 =	ssub.s32 $0x0, s20;
	[sflag:s22] =	ssyncset.done $0x0  }
0xa0: {  	[sflag:s22] =	ssyncadd.s32 s3;
	_ =	sdelay $0x1  }
0xa1: {  	s23 =	simm.s32 $0x1B8B  }
0xa2: {  	_ =	swait.ge [sflag:s23], $0x1  }
0xa3: {  	[sflag:s23] =	ssyncset.done $0x0  }
0xa4: {  	s25 =	simm.s32 $0x1B8E;
	s24 =	sld [smem:$0x3FFE];
	[sflag:s23] =	ssyncadd.s32 $0xFFFFFFFF  }
0xa5: {  	s26 =	simm.s32 $execute0_lowered;
	[smem:$0x3FD2] =	sst s25  }
0xa6: {  	s4 =	sshll.u32 s26, $0x1;
	_ =	strace $0x80000049;
	[dreg:$0x1] =	wrdreg $0xFFFFFFFF  }
0xa7: {  	s28 =	simm.s32 $_size_execute0_lowered;
	s2 =	sadd.s32 s2, s4;
	[dreg:$0x0] =	wrdreg $0x0  }
0xa8: {  	s4 =	sshll.u32 s28, $0x1;
	[dreg:$0x2] =	wrdreg s2  }
0xa9: {  	[dreg:$0x3] =	wrdreg s4  }
0xaa: {  	[dreg:$0x4] =	wrdreg $0xC0  }
0xab: {  	_ =	task [dreg:s6], $0x5FFFF  }
0xac: {  	[dreg:$0x1] =	wrdreg $0xFFFFFFFF  }
0xad: {  	[dreg:$0x0] =	wrdreg $0x60  }
0xae: {  	[dreg:$0x2] =	wrdreg s24  }
0xaf: {  	[dreg:$0x3] =	wrdreg $0x9  }
0xb0: {  	_ =	task.clear_ibuf [dreg:s6], $0x4FFFF;
	_ =	strace $0x90000049  }
0xb1: {  	s29 =	simm.s32 $0x9;
	_ =	strace $0x8000004B  }
0xb2: {  	_ =	swait.ge [sflag:s29], $0x1  }
0xb3: {  	[sflag:s29] =	ssyncadd.s32 $0xFFFFFFFF  }
0xb4: {  	_ =	strace $0x9000004B  }
0xb5: {  	_ =	sfence  }
0xb6: {  	s30 =	sld [smem:$0x0];
	_ =	sdelay $0x2  }
0xb7: {  	s31 =	sshll.u32 s1, $0xD;
	s1 =	sshrl.u32 s1, $0x2  }
0xb8: {  	s3 =	sand.u32 $0x4000, s31;
	s1 =	sadd.s32 s1, s30  }
0xb9: {  	s0 =	sor.u32 s3, s0;
	s1 =	sshll.u32 s1, $0x11  }
0xba: {  	s0 =	sor.u32 s1, s0  }
0xbb: {  	s0 =	sadd.s32 $0x8F2B, s0  }
0xbc: {  	[sflag:s0] =	ssyncadd.remote.s32 $0x1  }
0xbd: {  	_ =	sfence.sel $0xFFFF  }
0xbe: {  	[dreg:$0x0] =	wrdreg $0xFFFFFFFF;
	(pc) =	sbr.abs _section_cstart, $3  }
0xbf: {  	[dreg:$0x1] =	wrdreg $0xFFFFFFFF  }
0xc0: {  	_ =	task.clear_ibuf [dreg:s6], $0x2FFFF;
	_ =	strace $0x9FFFFFFF  }
0xc1: {  	(tm) =	ssettm $0x7FFFFFFF  }
tec
execute0_lowered:
.L_overlay_start_1:
0x0: {  	(tag) =	ssettag $0x1  }
0x1: {  	s4 =	rddreg [dreg:$0x0]  }
0x2: {  	s0 =	rddreg [dreg:$0x1];
	s2 =	simm.s32 $0x0;
	s3 =	srdreg.scid  }
0x3: {  	s1 =	stileid.u32;
	s10 =	simm.s32 $0x0;
	[smem:$0x7FF] =	sst s2  }
0x4: {  	s5 =	sand.u32 $0x1, s3;
	s6 =	sshll.u32 s1, $0xE;
	s3 =	sadd.s32 $0x2400, s4  }
0x5: {  	s8 =	sshll.u32 s1, $0x12;
	_ =	strace $0x8000004A;
	s7 =	sshll.u32 s5, $0xD  }
0x6: {  	s31 =	ssub.s32 $0x2, s5;
	s8 =	sadd.s32 s8, s4;
	s5 =	sshll.u32 s5, $0x11  }
0x7: {  	s6 =	sor.u32 s7, s6;
	s9 =	sshrl.u32 s31, $0x1;
	s5 =	sadd.s32 s5, s8  }
0x8: {  	s8 =	simm.s32 $0x200;
	s6 =	sshrl.u32 s6, $0x3;
	s7 =	ssub.s32 s31, s9  }
0x9: {  	s5 =	sadd.s32 $0xC4400, s5;
	s9 =	simm.s32 $0x1;
	s6 =	sadd.s32 s6, s4  }
0xa: {  	s4 =	smax.u32 s7, $0x1;
	s7 =	simm.s32 $0x2;
	s6 =	sadd.s32 $0x44400, s6  }
.LBB2_1:
0xb: {  	s11 =	sadd.s32 $0x0, s6  }
0xc: {  	[tilespmem:s2], [sflag:$0x2] =	stream.linear.gather [hbm4b:s11+s2], $0x200, $0x38;
	[tilespmem:$0x10200] =	vst v63  }
0xd: {  	_ =	swait.ge [sflag:s7], $0x200  }
0xe: {  	[sflag:s7] =	ssyncset.done $0x0  }
0xf: {  	[sflag:s7] =	ssyncadd.s32 $0xFFFFFE00  }
0x10: {  	[tilespmem:s8], [sflag:$0x1] =	stream.indirect.gather [hbm4b:s3+s8], $0x80, s2, s8, $0xb8;
	[tilespmem:$0x10200] =	vst v63  }
0x11: {  	_ =	swait.ge [sflag:s9], $0x10000  }
0x12: {  	[sflag:s9] =	ssyncset.done $0x0  }
0x13: {  	[sflag:s9] =	ssyncadd.s32 $0xFFFF0000  }
0x14: {  	[hbm4b:s5+s2] =	stream.linear.scatter [tilespmem:s8], [sflag:$0x2], $0x10000, $0x38;
	[tilespmem:$0x10200] =	vst v63  }
0x15: {  	s12 =	simm.s32 $0x40;
	_ =	swait.ge [sflag:s7], $0x10000  }
0x16: {  	s13 =	simm.s32 $0x80;
	s11 =	sadd.s32 $0x2000, s5;
	[sflag:s7] =	ssyncset.done $0x0  }
.LBB2_2:
0x17: {  	s14 =	sadd.s32 s12, s6  }
0x18: {  	[sflag:s7] =	ssyncadd.s32 $0xFFFF0000;
	s12 =	smov.u32 s13;
	s15 =	sadd.s32 $0x40, s13  }
0x19: {  	[tilespmem:s2], [sflag:$0x2] =	stream.linear.gather [hbm4b:s14+s2], $0x200, $0x38;
	[tilespmem:$0x10200] =	vst v63  }
0x1a: {  	p0 =	sne.s32 s13, $0x3C0;
	_ =	swait.ge [sflag:s7], $0x200  }
0x1b: {  	[sflag:s7] =	ssyncset.done $0x0  }
0x1c: {  	[sflag:s7] =	ssyncadd.s32 $0xFFFFFE00  }
0x1d: {  	[tilespmem:s8], [sflag:$0x1] =	stream.indirect.gather [hbm4b:s3+s8], $0x80, s2, s8, $0xb8;
	[tilespmem:$0x10200] =	vst v63  }
0x1e: {  	_ =	swait.ge [sflag:s9], $0x10000  }
.Ltmp0:
0x1f: {  	[sflag:s9] =	ssyncset.done $0x0;
	(pc) =	sbr.rel @p0 .LBB2_2-.Ltmp0, $4  }
0x20: {  	[sflag:s9] =	ssyncadd.s32 $0xFFFF0000  }
0x21: {  	[hbm4b:s11+s2] =	stream.linear.scatter [tilespmem:s8], [sflag:$0x2], $0x10000, $0x38;
	[tilespmem:$0x10200] =	vst v63  }
0x22: {  	_ =	swait.ge [sflag:s7], $0x10000  }
0x23: {  	s13 =	smov.u32 s15;
	s11 =	sadd.s32 $0x2000, s11;
	[sflag:s7] =	ssyncset.done $0x0  }
0x24: {  	s12 =	sadd.s32 s12, s6;
	[sflag:s7] =	ssyncadd.s32 $0xFFFF0000  }
0x25: {  	[tilespmem:s2], [sflag:$0x2] =	stream.linear.gather [hbm4b:s12+s2], $0x200, $0x38;
	[tilespmem:$0x10200] =	vst v63  }
0x26: {  	_ =	swait.ge [sflag:s7], $0x200  }
0x27: {  	[sflag:s7] =	ssyncset.done $0x0  }
0x28: {  	[sflag:s7] =	ssyncadd.s32 $0xFFFFFE00  }
0x29: {  	[tilespmem:s8], [sflag:$0x1] =	stream.indirect.gather [hbm4b:s3+s8], $0x80, s2, s8, $0xb8;
	[tilespmem:$0x10200] =	vst v63  }
0x2a: {  	s10 =	sadd.s32 $0x1, s10;
	_ =	swait.ge [sflag:s9], $0x10000  }
0x2b: {  	p0 =	sne.s32 s10, s4;
	[sflag:s9] =	ssyncset.done $0x0  }
.Ltmp1:
0x2c: {  	[sflag:s9] =	ssyncadd.s32 $0xFFFF0000;
	(pc) =	sbr.rel @p0 .LBB2_1-.Ltmp1, $4  }
0x2d: {  	[hbm4b:s11+s2] =	stream.linear.scatter [tilespmem:s8], [sflag:$0x2], $0x10000, $0x38;
	[tilespmem:$0x10200] =	vst v63  }
0x2e: {  	_ =	swait.ge [sflag:s7], $0x10000  }
0x2f: {  	[sflag:s7] =	ssyncset.done $0x0  }
0x30: {  	[sflag:s7] =	ssyncadd.s32 $0xFFFF0000  }
0x31: {  	_ =	sfence.sel $0x180000  }
0x32: {  	[bflag:$0x0] =	sbarrier.arrive $0xFFFF  }
0x33: {  	p0 =	sne.s32 s1, $0x0;
	_ =	strace $0x9000004A  }
0x34: {  	s0 =	sadd.s32 @!p0 $0x100000, s0;
	[bflag:$0x2] =	sbarrier.arrive $0xFFFF  }
0x35: {  	[sflag:s0] =	ssyncadd.tile.s32 @!p0 $0x1;
	_ =	shalt  }
.Lfunc_end2:
_tile_overlayer_lowered:
.L_overlay_start_2:
0x36: {  	(tag) =	ssettag $0x2  }
0x37: {  	s0 =	rddreg [dreg:$0x0];
	s2 =	stileid.u32  }
0x38: {  	s1 =	rddreg [dreg:$0x1];
	p0 =	sne.s32 s2, $0x0  }
0x39: {  	s3 =	rddreg [dreg:$0x2];
	[bflag:$0x3] =	sbarrier.arrive $0xFFFF;
	s2 =	simm.s32 @!p0 $0x1C02  }
0x3a: {  	[timem:s3], [sflag:s2] =	dma.local @!p0 [hbm:s0], s1  }
0x3b: {  	s0 =	simm.s32 @!p0 $0x2  }
0x3c: {  	_ =	swait.ge @!p0 [sflag:s0], s1  }
0x3d: {  	s1 =	ssub.s32 @!p0 $0x0, s1;
	[sflag:s0] =	ssyncset.done @!p0 $0x0  }
0x3e: {  	[sflag:s0] =	ssyncadd.s32 @!p0 s1  }
0x3f: {  	[bflag:$0x3] =	sbarrier.arrive $0xFFFF  }
0x40: {  	_ =	shalt  }

// kernel: kernel.9.cloned.1.call-start
scs
__scs_entry_jumppad:
0x0: {  	(pc) =	sbr.rel $0x88, $3  }
0x1: {  	(tag) =	ssettag $0x0;
	lr =	simm.s32 $0x1  }
0x2: {  	[smem:$0x3F99] =	sst lr;
	_ =	strace $0xD0000000  }
0x3: {  	_ = 	snop  }
0x4: {  	_ = 	snop  }
0x5: {  	_ = 	snop  }
0x6: {  	_ = 	snop  }
0x7: {  	_ = 	snop  }
__scs_overlays_trampoline_lowered:
0x8: {  	[smem:$0x3FA8] =	sst s0  }
0x9: {  	[smem:$0x3FA9] =	sst s1  }
0xa: {  	[smem:$0x3FAA] =	sst s2  }
0xb: {  	[smem:$0x3FAB] =	sst s3  }
0xc: {  	[smem:$0x3FAC] =	sst s4  }
0xd: {  	[smem:$0x3FAD] =	sst s5  }
0xe: {  	[smem:$0x3FAE] =	sst s6  }
0xf: {  	[smem:$0x3FAF] =	sst s7  }
0x10: {  	[smem:$0x3FB0] =	sst s8  }
0x11: {  	[smem:$0x3FB1] =	sst s9;
	s0 =	simm.s32 @!p0 $0x0  }
0x12: {  	s1 =	sld [smem:$0x3F97];
	s0 =	simm.s32 @p0 $0x1  }
0x13: {  	[smem:$0x3FB2] =	sst s0;
	s0 =	simm.s32 @!p1 $0x0  }
0x14: {  	s2 =	sld [smem:$0x3F96];
	s0 =	simm.s32 @p1 $0x1  }
0x15: {  	[smem:$0x3FB3] =	sst s0;
	s0 =	simm.s32 @!p2 $0x0  }
0x16: {  	s3 =	sld [smem:$0x3FDB];
	s0 =	simm.s32 @p2 $0x1  }
0x17: {  	s4 =	simm.s32 $0x1BF5;
	[smem:$0x3FB5] =	sst s0  }
0x18: {  	s0 =	sld [smem:$0x3F98];
	_ =	swait.ge [sflag:s4], $0x0  }
0x19: {  	s7 =	sld [smem:$0x3F99]  }
0x1a: {  	s8 =	sadd.s32 $0xFFFFE003, lr  }
0x1b: {  	s9 =	sadd.s32 $0xFFFFFEF7, lr;
	s5 =	simm.s32 $0xFFFFFFFF;
	p2 =	slt.u32 s8, $0xFFFFF086  }
0x1c: {  	p1 =	slt.u32 s9, $0xF7A;
	s5 =	simm.s32 @!p2 $0x0  }
0x1d: {  	s5 =	simm.s32 @p1 $0x1;
	p0 =	seq.s32 s7, s2  }
0x1e: {  	s7 =	smul.u32 @!p0 $0xF7A, s2;
	p2 =	seq.s32 @!p0 s5, $0x0  }
0x1f: {  	s9 =	smul.u32 $0xF7A, s1;
	s8 =	simm.s32 @!p0 $0x1BF5;
	p2 =	por !p2, p0  }
0x20: {  	[sflag:s8] =	ssyncset.s32 @!p0 $0xFFFFF086;
	s6 =	sadd.s32 @!p0 s3, s7;
	s7 =	simm.s32 @!p0 $0x108  }
0x21: {  	s3 =	sadd.s32 s3, s9;
	s6 =	sadd.s32 @!p0 $0x88, s6;
	s7 =	simm.s32 @p2 $0x1082  }
0x22: {  	[simem:s7], [sflag:s8] =	dma.local @!p0 [hbm:s6], $0xF7A  }
0x23: {  	s9 =	sor.u32 $0xD0000000, s2;
	s6 =	simm.s32 $0x108;
	_ =	swait.ge @!p0 [sflag:s8], $0x0  }
0x24: {  	s3 =	sadd.s32 $0x88, s3;
	s6 =	simm.s32 @!p1 $0x1082;
	[sflag:s4] =	ssyncset.s32 $0xFFFFF086  }
0x25: {  	[simem:s6], [sflag:s4] =	dma.local [hbm:s3], $0xF7A  }
0x26: {  	[smem:$0x3F99] =	sst s1;
	(tag) =	ssettag s2;
	_ =	strace s9  }
0x27: {  	s1 =	sld [smem:$0x3FA9]  }
0x28: {  	s2 =	sld [smem:$0x3FAA]  }
0x29: {  	s4 =	sld [smem:$0x3FAC]  }
0x2a: {  	p0 =	seq.s32 s5, $0x0;
	s5 =	sld [smem:$0x3FAD]  }
0x2b: {  	s6 =	sld [smem:$0x3FAE]  }
0x2c: {  	s7 =	sld [smem:$0x3FAF]  }
0x2d: {  	s3 =	simm.s32 $0x108;
	s8 =	sld [smem:$0x3FB0]  }
0x2e: {  	s3 =	simm.s32 @!p0 $0x1082;
	s9 =	sld [smem:$0x3FB1]  }
0x2f: {  	lr =	sadd.s32 s0, s3;
	s0 =	sld [smem:$0x3FA8]  }
0x30: {  	s3 =	sld [smem:$0x3FAB]  }
0x31: {  	[smem:$0x3FB4] =	sst s10  }
0x32: {  	s10 =	sld [smem:$0x3FB2];
	_ =	sdelay $0x3  }
0x33: {  	p0 =	seq.s32 s10, $0x1;
	s10 =	sld [smem:$0x3FB4];
	_ =	sdelay $0x3  }
0x34: {  	[smem:$0x3FB4] =	sst s10  }
0x35: {  	s10 =	sld [smem:$0x3FB3];
	_ =	sdelay $0x3  }
0x36: {  	p1 =	seq.s32 s10, $0x1;
	s10 =	sld [smem:$0x3FB4];
	_ =	sdelay $0x3  }
0x37: {  	[smem:$0x3FB4] =	sst s10  }
0x38: {  	s10 =	sld [smem:$0x3FB5]  }
0x39: {  	_ = 	snop;
	(pc) =	sbr.ind lr, $3  }
0x3a: {  	_ = 	snop  }
0x3b: {  	_ = 	snop  }
0x3c: {  	p2 =	seq.s32 s10, $0x1;
	s10 =	sld [smem:$0x3FB4]  }
0x3d: {  	_ =	shalt  }
0x3e: {  	_ =	shalt  }
0x3f: {  	_ =	shalt  }
0x40: {  	_ =	shalt  }
0x41: {  	_ =	shalt  }
0x42: {  	_ =	shalt  }
0x43: {  	_ =	shalt  }
0x44: {  	_ =	shalt  }
0x45: {  	_ =	shalt  }
0x46: {  	_ =	shalt  }
0x47: {  	_ =	shalt  }
0x48: {  	_ =	shalt  }
0x49: {  	_ =	shalt  }
0x4a: {  	_ =	shalt  }
0x4b: {  	_ =	shalt  }
0x4c: {  	_ =	shalt  }
0x4d: {  	_ =	shalt  }
0x4e: {  	_ =	shalt  }
0x4f: {  	_ =	shalt  }
0x50: {  	_ =	shalt  }
0x51: {  	_ =	shalt  }
0x52: {  	_ =	shalt  }
0x53: {  	_ =	shalt  }
0x54: {  	_ =	shalt  }
0x55: {  	_ =	shalt  }
0x56: {  	_ =	shalt  }
0x57: {  	_ =	shalt  }
0x58: {  	_ =	shalt  }
0x59: {  	_ =	shalt  }
0x5a: {  	_ =	shalt  }
0x5b: {  	_ =	shalt  }
0x5c: {  	_ =	shalt  }
0x5d: {  	_ =	shalt  }
0x5e: {  	_ =	shalt  }
0x5f: {  	_ =	shalt  }
0x60: {  	_ =	shalt  }
0x61: {  	_ =	shalt  }
0x62: {  	_ =	shalt  }
0x63: {  	_ =	shalt  }
0x64: {  	_ =	shalt  }
0x65: {  	_ =	shalt  }
0x66: {  	_ =	shalt  }
0x67: {  	_ =	shalt  }
0x68: {  	_ =	shalt  }
0x69: {  	_ =	shalt  }
0x6a: {  	_ =	shalt  }
0x6b: {  	_ =	shalt  }
0x6c: {  	_ =	shalt  }
0x6d: {  	_ =	shalt  }
0x6e: {  	_ =	shalt  }
0x6f: {  	_ =	shalt  }
0x70: {  	_ =	shalt  }
0x71: {  	_ =	shalt  }
0x72: {  	_ =	shalt  }
0x73: {  	_ =	shalt  }
0x74: {  	_ =	shalt  }
0x75: {  	_ =	shalt  }
0x76: {  	_ =	shalt  }
0x77: {  	_ =	shalt  }
0x78: {  	_ =	shalt  }
0x79: {  	_ =	shalt  }
0x7a: {  	_ =	shalt  }
0x7b: {  	_ =	shalt  }
0x7c: {  	_ =	shalt  }
0x7d: {  	_ =	shalt  }
0x7e: {  	_ =	shalt  }
0x7f: {  	_ =	shalt  }
0x80: {  	_ =	shalt  }
0x81: {  	_ =	shalt  }
0x82: {  	_ =	shalt  }
0x83: {  	_ =	shalt  }
0x84: {  	_ =	shalt  }
0x85: {  	_ =	shalt  }
0x86: {  	_ =	shalt  }
0x87: {  	_ =	shalt  }
.Lfunc_end0:
.L_simem_size_0:
called_computation_lowered:
.L_overlay_start_0:
0x88: {  	s2 =	sld [smem:$0x3FD9]  }
0x89: {  	s3 =	sld [smem:$0x3FFE];
	_ =	sdelay $0x1  }
0x8a: {  	s1 =	srdreg.scid  }
0x8b: {  	s0 =	sand.u32 $0x1, s1  }
0x8c: {  	s17 =	sshll.u32 s0, $0xA;
	s2 =	sadd.s32 s3, s2  }
0x8d: {  	s2 =	sadd.s32 s2, s17  }
0x8e: {  	[smem:$0x3FC0] =	sst s2  }
0x8f: {  	_ = 	snop  }
0x90: {  	s2 =	sld [smem:$0x3FD0];
	(tm) =	ssettm $0x1  }
0x91: {  	s18 =	sld [smem:$0x3FFB];
	_ =	sdelay $0x3  }
0x92: {  	_ =	strace s18  }
0x93: {  	s3 =	sld [smem:$0x3FFC];
	_ =	sdelay $0x3  }
0x94: {  	_ =	strace s3  }
0x95: {  	s3 =	sld [smem:$0x3FFD];
	_ =	sdelay $0x3  }
0x96: {  	_ =	strace s3  }
0x97: {  	_ =	strace $0x8FFFFFFF  }
0x98: {  	s19 =	sld [smem:$0x3FDB];
	_ =	sdelay $0x1  }
0x99: {  	s4 =	simm.s32 $_scs_section_size  }
0x9a: {  	s5 =	simm.s32 $_size__tile_overlayer_lowered;
	s6 =	simm.s32 $_tile_overlayer_lowered  }
0x9b: {  	s22 =	simm.s32 $0x1BFF;
	s21 =	sshll.u32 s6, $0x1;
	s3 =	sadd.s32 s4, s19  }
0x9c: {  	s7 =	simm.s32 $0x0;
	s20 =	sshll.u32 s5, $0x1;
	s5 =	sadd.s32 s21, s3  }
0x9d: {  	[timem:s7], [sflag:s22] =	dma.local [hbm:s5], s20  }
0x9e: {  	_ =	swait.ge [sflag:s22], s20  }
0x9f: {  	s4 =	ssub.s32 $0x0, s20;
	[sflag:s22] =	ssyncset.done $0x0  }
0xa0: {  	[sflag:s22] =	ssyncadd.s32 s4;
	_ =	sdelay $0x1  }
0xa1: {  	s23 =	simm.s32 $0x1B8B  }
0xa2: {  	_ =	swait.ge [sflag:s23], $0x1  }
0xa3: {  	[sflag:s23] =	ssyncset.done $0x0  }
0xa4: {  	s25 =	simm.s32 $0x1B8E;
	s24 =	sld [smem:$0x3FFE];
	[sflag:s23] =	ssyncadd.s32 $0xFFFFFFFF  }
0xa5: {  	s26 =	simm.s32 $execute0_lowered;
	[smem:$0x3FD2] =	sst s25  }
0xa6: {  	s5 =	sshll.u32 s26, $0x1;
	_ =	strace $0x80000046;
	[dreg:$0x1] =	wrdreg $0xFFFFFFFF  }
0xa7: {  	s28 =	simm.s32 $_size_execute0_lowered;
	s3 =	sadd.s32 s3, s5;
	[dreg:$0x0] =	wrdreg $0x0  }
0xa8: {  	s5 =	sshll.u32 s28, $0x1;
	[dreg:$0x2] =	wrdreg s3  }
0xa9: {  	[dreg:$0x3] =	wrdreg s5  }
0xaa: {  	[dreg:$0x4] =	wrdreg $0xC0  }
0xab: {  	_ =	task [dreg:s7], $0x5FFFF  }
0xac: {  	[dreg:$0x1] =	wrdreg $0xFFFFFFFF  }
0xad: {  	[dreg:$0x0] =	wrdreg $0x60  }
0xae: {  	[dreg:$0x2] =	wrdreg s24  }
0xaf: {  	[dreg:$0x3] =	wrdreg s2  }
0xb0: {  	[dreg:$0x4] =	wrdreg $0x9  }
0xb1: {  	_ =	task.clear_ibuf [dreg:s7], $0x5FFFF;
	_ =	strace $0x90000046  }
0xb2: {  	s29 =	simm.s32 $0x9;
	_ =	strace $0x80000048  }
0xb3: {  	_ =	swait.ge [sflag:s29], $0x1  }
0xb4: {  	[sflag:s29] =	ssyncadd.s32 $0xFFFFFFFF  }
0xb5: {  	_ =	strace $0x90000048  }
0xb6: {  	_ =	sfence  }
0xb7: {  	s30 =	sld [smem:$0x0];
	_ =	sdelay $0x2  }
0xb8: {  	s31 =	sshll.u32 s1, $0xD;
	s1 =	sshrl.u32 s1, $0x2  }
0xb9: {  	s3 =	sand.u32 $0x4000, s31;
	s1 =	sadd.s32 s1, s30  }
0xba: {  	s0 =	sor.u32 s3, s0;
	s1 =	sshll.u32 s1, $0x11  }
0xbb: {  	s0 =	sor.u32 s1, s0  }
0xbc: {  	s0 =	sadd.s32 $0x8F2B, s0  }
0xbd: {  	[sflag:s0] =	ssyncadd.remote.s32 $0x1  }
0xbe: {  	_ =	sfence.sel $0xFFFF  }
0xbf: {  	[dreg:$0x0] =	wrdreg $0xFFFFFFFF;
	(pc) =	sbr.abs _section_cstart, $3  }
0xc0: {  	[dreg:$0x1] =	wrdreg $0xFFFFFFFF  }
0xc1: {  	_ =	task.clear_ibuf [dreg:s7], $0x2FFFF;
	_ =	strace $0x9FFFFFFF  }
0xc2: {  	(tm) =	ssettm $0x7FFFFFFF  }
0xc3: {  	_ =	shalt  }
tec
execute0_lowered:
.L_overlay_start_1:
0x0: {  	(tag) =	ssettag $0x1  }
0x1: {  	s4 =	rddreg [dreg:$0x0]  }
0x2: {  	s6 =	rddreg [dreg:$0x1]  }
0x3: {  	s0 =	rddreg [dreg:$0x2];
	s2 =	simm.s32 $0x0;
	s1 =	stileid.u32  }
0x4: {  	s3 =	srdreg.scid;
	[smem:$0x7FF] =	sst s2  }
0x5: {  	s5 =	sshll.u32 s1, $0x12;
	s7 =	sand.u32 $0x1, s3;
	s3 =	sadd.s32 $0x4400, s4  }
0x6: {  	s9 =	sshll.u32 s1, $0xE;
	_ =	strace $0x80000047;
	s5 =	sadd.s32 s5, s4  }
0x7: {  	s29 =	ssub.s32 $0x2, s7;
	s10 =	sshll.u32 s7, $0xD;
	s7 =	sshll.u32 s7, $0x11  }
0x8: {  	s8 =	sshrl.u32 s29, $0x1;
	s30 =	sor.u32 s10, s9;
	s5 =	sadd.s32 s7, s5  }
0x9: {  	s7 =	simm.s32 $0x2;
	s9 =	simm.s32 $0x1;
	s10 =	simm.s32 $0x0  }
0xa: {  	s4 =	ssub.s32 s29, s8;
	s31 =	sshrl.u32 s30, $0x3;
	s5 =	sadd.s32 $0x104400, s5  }
0xb: {  	s8 =	simm.s32 $0x200;
	s4 =	smax.u32 s4, $0x1;
	s6 =	sadd.s32 s31, s6  }
.LBB2_1:
0xc: {  	s11 =	sadd.s32 $0x0, s6  }
0xd: {  	[tilespmem:s2], [sflag:$0x2] =	stream.linear.gather [hbm4b:s11+s2], $0x200, $0x38;
	[tilespmem:$0x10200] =	vst v63  }
0xe: {  	_ =	swait.ge [sflag:s7], $0x200  }
0xf: {  	[sflag:s7] =	ssyncset.done $0x0  }
0x10: {  	[sflag:s7] =	ssyncadd.s32 $0xFFFFFE00  }
0x11: {  	[tilespmem:s8], [sflag:$0x1] =	stream.indirect.gather [hbm4b:s3+s8], $0x80, s2, s8, $0xb8;
	[tilespmem:$0x10200] =	vst v63  }
0x12: {  	_ =	swait.ge [sflag:s9], $0x10000  }
0x13: {  	[sflag:s9] =	ssyncset.done $0x0  }
0x14: {  	[sflag:s9] =	ssyncadd.s32 $0xFFFF0000  }
0x15: {  	[hbm4b:s5+s2] =	stream.linear.scatter [tilespmem:s8], [sflag:$0x2], $0x10000, $0x38;
	[tilespmem:$0x10200] =	vst v63  }
0x16: {  	s12 =	simm.s32 $0x40;
	_ =	swait.ge [sflag:s7], $0x10000  }
0x17: {  	s13 =	simm.s32 $0x80;
	s11 =	sadd.s32 $0x2000, s5;
	[sflag:s7] =	ssyncset.done $0x0  }
.LBB2_2:
0x18: {  	s14 =	sadd.s32 s12, s6  }
0x19: {  	[sflag:s7] =	ssyncadd.s32 $0xFFFF0000;
	s12 =	smov.u32 s13;
	s15 =	sadd.s32 $0x40, s13  }
0x1a: {  	[tilespmem:s2], [sflag:$0x2] =	stream.linear.gather [hbm4b:s14+s2], $0x200, $0x38;
	[tilespmem:$0x10200] =	vst v63  }
0x1b: {  	p0 =	sne.s32 s13, $0x3C0;
	_ =	swait.ge [sflag:s7], $0x200  }
0x1c: {  	[sflag:s7] =	ssyncset.done $0x0  }
0x1d: {  	[sflag:s7] =	ssyncadd.s32 $0xFFFFFE00  }
0x1e: {  	[tilespmem:s8], [sflag:$0x1] =	stream.indirect.gather [hbm4b:s3+s8], $0x80, s2, s8, $0xb8;
	[tilespmem:$0x10200] =	vst v63  }
0x1f: {  	_ =	swait.ge [sflag:s9], $0x10000  }
.Ltmp0:
0x20: {  	[sflag:s9] =	ssyncset.done $0x0;
	(pc) =	sbr.rel @p0 .LBB2_2-.Ltmp0, $4  }
0x21: {  	[sflag:s9] =	ssyncadd.s32 $0xFFFF0000  }
0x22: {  	[hbm4b:s11+s2] =	stream.linear.scatter [tilespmem:s8], [sflag:$0x2], $0x10000, $0x38;
	[tilespmem:$0x10200] =	vst v63  }
0x23: {  	_ =	swait.ge [sflag:s7], $0x10000  }
0x24: {  	s13 =	smov.u32 s15;
	s11 =	sadd.s32 $0x2000, s11;
	[sflag:s7] =	ssyncset.done $0x0  }
0x25: {  	s12 =	sadd.s32 s12, s6;
	[sflag:s7] =	ssyncadd.s32 $0xFFFF0000  }
0x26: {  	[tilespmem:s2], [sflag:$0x2] =	stream.linear.gather [hbm4b:s12+s2], $0x200, $0x38;
	[tilespmem:$0x10200] =	vst v63  }
0x27: {  	_ =	swait.ge [sflag:s7], $0x200  }
0x28: {  	[sflag:s7] =	ssyncset.done $0x0  }
0x29: {  	[sflag:s7] =	ssyncadd.s32 $0xFFFFFE00  }
0x2a: {  	[tilespmem:s8], [sflag:$0x1] =	stream.indirect.gather [hbm4b:s3+s8], $0x80, s2, s8, $0xb8;
	[tilespmem:$0x10200] =	vst v63  }
0x2b: {  	s10 =	sadd.s32 $0x1, s10;
	_ =	swait.ge [sflag:s9], $0x10000  }
0x2c: {  	p0 =	sne.s32 s10, s4;
	[sflag:s9] =	ssyncset.done $0x0  }
.Ltmp1:
0x2d: {  	[sflag:s9] =	ssyncadd.s32 $0xFFFF0000;
	(pc) =	sbr.rel @p0 .LBB2_1-.Ltmp1, $4  }
0x2e: {  	[hbm4b:s11+s2] =	stream.linear.scatter [tilespmem:s8], [sflag:$0x2], $0x10000, $0x38;
	[tilespmem:$0x10200] =	vst v63  }
0x2f: {  	_ =	swait.ge [sflag:s7], $0x10000  }
0x30: {  	[sflag:s7] =	ssyncset.done $0x0  }
0x31: {  	[sflag:s7] =	ssyncadd.s32 $0xFFFF0000  }
0x32: {  	_ =	sfence.sel $0x180000  }
0x33: {  	[bflag:$0x0] =	sbarrier.arrive $0xFFFF  }
0x34: {  	p0 =	sne.s32 s1, $0x0;
	_ =	strace $0x90000047  }
0x35: {  	s0 =	sadd.s32 @!p0 $0x100000, s0;
	[bflag:$0x2] =	sbarrier.arrive $0xFFFF  }
0x36: {  	[sflag:s0] =	ssyncadd.tile.s32 @!p0 $0x1;
	_ =	shalt  }
.Lfunc_end2:
_tile_overlayer_lowered:
.L_overlay_start_2:
0x37: {  	(tag) =	ssettag $0x2  }
0x38: {  	s0 =	rddreg [dreg:$0x0];
	s2 =	stileid.u32  }
0x39: {  	s1 =	rddreg [dreg:$0x1];
	p0 =	sne.s32 s2, $0x0  }
0x3a: {  	s3 =	rddreg [dreg:$0x2];
	[bflag:$0x3] =	sbarrier.arrive $0xFFFF;
	s2 =	simm.s32 @!p0 $0x1C02  }
0x3b: {  	[timem:s3], [sflag:s2] =	dma.local @!p0 [hbm:s0], s1  }
0x3c: {  	s0 =	simm.s32 @!p0 $0x2  }
0x3d: {  	_ =	swait.ge @!p0 [sflag:s0], s1  }
0x3e: {  	s1 =	ssub.s32 @!p0 $0x0, s1;
	[sflag:s0] =	ssyncset.done @!p0 $0x0  }
0x3f: {  	[sflag:s0] =	ssyncadd.s32 @!p0 s1  }
0x40: {  	[bflag:$0x3] =	sbarrier.arrive $0xFFFF  }
0x41: {  	_ =	shalt  }

</sc_bundles>
